<compile_context>
chip_gen: v7x
topology: tpu7x:2x2x1
jax: 0.10.2.dev20260603
libtpu: 0.0.44.dev20260713+nightly
codegen_flags: <defaults>
</compile_context>

<pallas_src>
import jax
import jax.numpy as jnp
from jax import lax
from jax.experimental import pallas as pl
from jax.experimental.pallas import tpu as pltpu
from jax.experimental.pallas import tpu_sc as plsc

N = 10000
C = 128
E = 320000
NUM_ITERS = 10
ALPHA = 0.1

NC = 2
NS = 16
NW = NC * NS

CHUNK = 128
EDGES_PER_TILE = E // NW
NCHUNK = -(-EDGES_PER_TILE // CHUNK)
CAP = NCHUNK * CHUNK
N_PAD = ((N + NS * 128 - 1) // (NS * 128)) * (NS * 128)
ROWS_PER_TILE = N_PAD // NS
DUMP = N


def _sc_scatter_body(src_slab, dst_slab, est, out, acc, sem_a):
    def inner(src_v, dst_v, buf_a):
        _sc_scatter_inner(src_slab, dst_slab, est, out, acc,
                          sem_a, src_v, dst_v, buf_a)

    pl.run_scoped(
        inner,
        pltpu.VMEM((NCHUNK, CHUNK), jnp.int32),
        pltpu.VMEM((NCHUNK, CHUNK), jnp.int32),
        pltpu.VMEM((CHUNK, C), jnp.float32),
    )


def _sc_scatter_inner(src_slab, dst_slab, est, out, acc,
                      sem_a, src_v, dst_v, buf_a):
    c = lax.axis_index("c")
    s = lax.axis_index("s")
    wid = c * NS + s

    pltpu.sync_copy(src_slab.at[wid], src_v)
    pltpu.sync_copy(dst_slab.at[wid], dst_v)

    zero16 = jnp.zeros((16,), jnp.float32)

    def zrow(r, _):
        for k in range(C // 16):
            buf_a[r, pl.ds(k * 16, 16)] = zero16
        return 0

    lax.fori_loop(0, CHUNK, zrow, 0)
    base = s * ROWS_PER_TILE

    def zcopy(k, _):
        pltpu.sync_copy(buf_a, acc.at[pl.ds(base + k * CHUNK, CHUNK)])
        return 0

    lax.fori_loop(0, ROWS_PER_TILE // CHUNK, zcopy, 0)
    plsc.subcore_barrier()

    def body(j, _):
        cp = pltpu.async_copy(est.at[src_v.at[j]], buf_a, sem_a)
        cp.wait()
        pltpu.sync_copy(buf_a, acc.at[dst_v.at[j]], add=True)
        return 0

    lax.fori_loop(0, NCHUNK, body, 0)
    plsc.subcore_barrier()

    def fcopy(k, _):
        pltpu.sync_copy(acc.at[pl.ds(base + k * CHUNK, CHUNK)],
                        out.at[c, pl.ds(base + k * CHUNK, CHUNK)])
        return 0

    lax.fori_loop(0, ROWS_PER_TILE // CHUNK, fcopy, 0)


_sc_scatter = pl.kernel(
    _sc_scatter_body,
    out_type=jax.ShapeDtypeStruct((NC, N_PAD, C), jnp.float32),
    mesh=plsc.VectorSubcoreMesh(core_axis_name="c", subcore_axis_name="s"),
    scratch_types=[
        pltpu.VMEM_SHARED((N_PAD, C), jnp.float32),
        pltpu.SemaphoreType.DMA,
    ],
    compiler_params=pltpu.CompilerParams(use_tc_tiling_on_sc=True),
)


ROW_BLK = 1000


def _tc_fuse_body(s_ref, d_ref, w_ref, init_ref, out_ref):
    w = w_ref[...]
    w_max = jnp.max(w, axis=1, keepdims=True)
    e = jnp.exp(w - w_max)
    p = e / jnp.sum(e, axis=1, keepdims=True)

    sagg = s_ref[0] + s_ref[1]
    deg = d_ref[0] + d_ref[1]
    norm = 1.0 / jnp.maximum(deg, 1.0)
    prop = jnp.dot(sagg, p, preferred_element_type=jnp.float32)
    out_ref[...] = (1.0 - ALPHA) * norm * prop + ALPHA * init_ref[...]


_tc_fuse = pl.pallas_call(
    _tc_fuse_body,
    grid=(N // ROW_BLK,),
    in_specs=[
        pl.BlockSpec((NC, ROW_BLK, C), lambda i: (0, i, 0)),
        pl.BlockSpec((NC, ROW_BLK, C), lambda i: (0, i, 0)),
        pl.BlockSpec((C, C), lambda i: (0, 0)),
        pl.BlockSpec((ROW_BLK, C), lambda i: (i, 0)),
    ],
    out_specs=pl.BlockSpec((ROW_BLK, C), lambda i: (i, 0)),
    out_shape=jax.ShapeDtypeStruct((N, C), jnp.float32),
)


def kernel(edge_index, estimates, W):
    src = edge_index[0].astype(jnp.int32)
    dst = edge_index[1].astype(jnp.int32)

    pad = CAP - EDGES_PER_TILE
    src_slab = jnp.concatenate(
        [src.reshape(NW, EDGES_PER_TILE),
         jnp.zeros((NW, pad), jnp.int32)], axis=1).reshape(NW, NCHUNK, CHUNK)
    dst_slab = jnp.concatenate(
        [dst.reshape(NW, EDGES_PER_TILE),
         jnp.full((NW, pad), DUMP, jnp.int32)], axis=1).reshape(NW, NCHUNK, CHUNK)

    ones_tbl = jnp.ones((N, C), jnp.float32)

    deg_p = _sc_scatter(src_slab, dst_slab, ones_tbl)

    est = estimates
    for _ in range(NUM_ITERS):
        s_p = _sc_scatter(src_slab, dst_slab, est)
        est = _tc_fuse(s_p, deg_p, W, estimates)
    return est

# --- scband reference (transcript-rebuilt; emitter-appended) ---
"""Pipeline reference for scband-compatible-propagation-model-7602092114165 (READ-ONLY COPY).

The authoritative reference and input builder live on the scoring server;
editing this copy changes nothing except your own understanding.
"""

import jax, jax.numpy as jnp
import numpy as np

NUM_ITERS = 10
ALPHA = 0.1
N = 10000
C = 128
E = 320000


def setup_inputs(seed: int = 0) -> dict:
    key = jax.random.key(seed)
    k1, k2, k3 = jax.random.split(key, 3)
    estimates = jax.random.normal(k1, (N, C), dtype=jnp.float32)
    edge_index = jax.random.randint(k2, (2, E), 0, N, dtype=jnp.int32)
    # Learned parameter of StochasticMatrix (num_classes x num_classes)
    W = jax.random.normal(k3, (C, C), dtype=jnp.float32) * 0.1
    return {"edge_index": edge_index, "estimates": estimates, "W": W}


def reference(edge_index, estimates, W):
    src = edge_index[0]
    dst = edge_index[1]
    # DGL copy_u/sum: messages flow src -> dst, normalized by in-degree of dst
    deg = jnp.bincount(dst, length=N).astype(jnp.float32)
    deg = jnp.maximum(deg, 1.0)
    norm = (1.0 / deg)[:, None]
    # StochasticMatrix with side='right' -> softmax over dim=1 (rows sum to 1)
    P = jax.nn.softmax(W, axis=1)
    est_init = estimates
    est = estimates
    for _ in range(NUM_ITERS):
        est = est @ P
        msgs = jnp.take(est, src, axis=0)
        agg = jax.ops.segment_sum(msgs, dst, num_segments=N) * norm
        est = (1.0 - ALPHA) * agg + ALPHA * est_init
    return est

if __name__ == "__main__":
    import jax
    _d = setup_inputs()
    print(jax.jit(kernel)(*tuple(_d.values())))

</pallas_src>

<mosaic_0001>
#map = affine_map<(d0, d1) -> (0, 0, 0)>
#map1 = affine_map<(d0, d1) -> (0, 0)>
module attributes {stable_mosaic.version = 14 : i64} {
  func.func @_sc_scatter_body(%arg0: i32, %arg1: i32, %arg2: memref<32x79x128xi32, #tpu.memory_space<hbm>>, %arg3: memref<32x79x128xi32, #tpu.memory_space<hbm>>, %arg4: memref<10000x128xf32, #tpu.memory_space<hbm>>, %arg5: memref<2x10240x128xf32, #tpu.memory_space<hbm>>, %arg6: memref<10240x128xf32, #tpu.memory_space<vmem_shared>>, %arg7: memref<!tpu.dma_semaphore, #tpu.memory_space<semaphore_mem>>) attributes {dimension_semantics = [#tpu.dimension_semantics<core_parallel>, #tpu.dimension_semantics<subcore_parallel>], iteration_bounds = array<i64: 2, 16>, scalar_prefetch = 0 : i64, scratch_operands = 2 : i64, tpu.core_type = #tpu.core_type<sc_vector_subcore>, window_params = [{transform_indices = #map}, {transform_indices = #map}, {transform_indices = #map1}, {transform_indices = #map}]} {
    "tpu.region"() ({
      %run_scoped3A = memref.alloca() : memref<79x128xi32, #tpu.memory_space<vmem>>
      %run_scoped3A_0 = memref.alloca() : memref<79x128xi32, #tpu.memory_space<vmem>>
      %run_scoped3A_1 = memref.alloca() : memref<128x128xf32, #tpu.memory_space<vmem>>
      %mul3A = arith.constant 16 : i32
      %mul3A_2 = arith.muli %arg0, %mul3A : i32
      %add3A = arith.addi %mul3A_2, %arg1 : i32
      "tpu.region"() ({
        %run_scoped3A_34 = tpu.sem_alloc : memref<!tpu.dma_semaphore, #tpu.memory_space<semaphore_mem>>
        %dma_start3A = arith.constant 0 : i32
        %dma_start3A_35 = arith.constant 0 : i32
        %dma_start3A_36 = tpu.memref_slice %arg2[%add3A, %dma_start3A, %dma_start3A_35] : memref<32x79x128xi32, #tpu.memory_space<hbm>> -> memref<1x79x128xi32, #tpu.memory_space<hbm>>
        %dma_start3A_37 = tpu.memref_squeeze %dma_start3A_36 : memref<1x79x128xi32, #tpu.memory_space<hbm>> -> memref<79x128xi32, #tpu.memory_space<hbm>>
        %dma_start3A_38 = arith.constant 0 : i32
        %dma_start3A_39 = arith.constant 0 : i32
        %dma_start3A_40 = tpu.memref_slice %arg2[%add3A, %dma_start3A_38, %dma_start3A_39] : memref<32x79x128xi32, #tpu.memory_space<hbm>> -> memref<1x79x128xi32, #tpu.memory_space<hbm>>
        %dma_start3A_41 = tpu.memref_squeeze %dma_start3A_40 : memref<1x79x128xi32, #tpu.memory_space<hbm>> -> memref<79x128xi32, #tpu.memory_space<hbm>>
        tpu.enqueue_dma source(%dma_start3A_41 : memref<79x128xi32, #tpu.memory_space<hbm>>) target(%run_scoped3A : memref<79x128xi32, #tpu.memory_space<vmem>>) target_semaphore(%run_scoped3A_34 : memref<!tpu.dma_semaphore, #tpu.memory_space<semaphore_mem>>)
        %dma_wait3A = arith.constant 0 : i32
        %dma_wait3A_42 = arith.constant 0 : i32
        %dma_wait3A_43 = tpu.memref_slice %arg2[%add3A, %dma_wait3A, %dma_wait3A_42] : memref<32x79x128xi32, #tpu.memory_space<hbm>> -> memref<1x79x128xi32, #tpu.memory_space<hbm>>
        %dma_wait3A_44 = tpu.memref_squeeze %dma_wait3A_43 : memref<1x79x128xi32, #tpu.memory_space<hbm>> -> memref<79x128xi32, #tpu.memory_space<hbm>>
        %dma_wait3A_45 = arith.constant 0 : i32
        %dma_wait3A_46 = arith.constant 0 : i32
        %dma_wait3A_47 = tpu.memref_slice %arg2[%add3A, %dma_wait3A_45, %dma_wait3A_46] : memref<32x79x128xi32, #tpu.memory_space<hbm>> -> memref<1x79x128xi32, #tpu.memory_space<hbm>>
        %dma_wait3A_48 = tpu.memref_squeeze %dma_wait3A_47 : memref<1x79x128xi32, #tpu.memory_space<hbm>> -> memref<79x128xi32, #tpu.memory_space<hbm>>
        tpu.wait_dma2 semaphore(%run_scoped3A_34 : memref<!tpu.dma_semaphore, #tpu.memory_space<semaphore_mem>>) src(%dma_wait3A_48 : memref<79x128xi32, #tpu.memory_space<hbm>>) dst(%run_scoped3A : memref<79x128xi32, #tpu.memory_space<vmem>>)
        tpu.yield
      }) : () -> ()
      "tpu.region"() ({
        %run_scoped3A_34 = tpu.sem_alloc : memref<!tpu.dma_semaphore, #tpu.memory_space<semaphore_mem>>
        %dma_start3A = arith.constant 0 : i32
        %dma_start3A_35 = arith.constant 0 : i32
        %dma_start3A_36 = tpu.memref_slice %arg3[%add3A, %dma_start3A, %dma_start3A_35] : memref<32x79x128xi32, #tpu.memory_space<hbm>> -> memref<1x79x128xi32, #tpu.memory_space<hbm>>
        %dma_start3A_37 = tpu.memref_squeeze %dma_start3A_36 : memref<1x79x128xi32, #tpu.memory_space<hbm>> -> memref<79x128xi32, #tpu.memory_space<hbm>>
        %dma_start3A_38 = arith.constant 0 : i32
        %dma_start3A_39 = arith.constant 0 : i32
        %dma_start3A_40 = tpu.memref_slice %arg3[%add3A, %dma_start3A_38, %dma_start3A_39] : memref<32x79x128xi32, #tpu.memory_space<hbm>> -> memref<1x79x128xi32, #tpu.memory_space<hbm>>
        %dma_start3A_41 = tpu.memref_squeeze %dma_start3A_40 : memref<1x79x128xi32, #tpu.memory_space<hbm>> -> memref<79x128xi32, #tpu.memory_space<hbm>>
        tpu.enqueue_dma source(%dma_start3A_41 : memref<79x128xi32, #tpu.memory_space<hbm>>) target(%run_scoped3A_0 : memref<79x128xi32, #tpu.memory_space<vmem>>) target_semaphore(%run_scoped3A_34 : memref<!tpu.dma_semaphore, #tpu.memory_space<semaphore_mem>>)
        %dma_wait3A = arith.constant 0 : i32
        %dma_wait3A_42 = arith.constant 0 : i32
        %dma_wait3A_43 = tpu.memref_slice %arg3[%add3A, %dma_wait3A, %dma_wait3A_42] : memref<32x79x128xi32, #tpu.memory_space<hbm>> -> memref<1x79x128xi32, #tpu.memory_space<hbm>>
        %dma_wait3A_44 = tpu.memref_squeeze %dma_wait3A_43 : memref<1x79x128xi32, #tpu.memory_space<hbm>> -> memref<79x128xi32, #tpu.memory_space<hbm>>
        %dma_wait3A_45 = arith.constant 0 : i32
        %dma_wait3A_46 = arith.constant 0 : i32
        %dma_wait3A_47 = tpu.memref_slice %arg3[%add3A, %dma_wait3A_45, %dma_wait3A_46] : memref<32x79x128xi32, #tpu.memory_space<hbm>> -> memref<1x79x128xi32, #tpu.memory_space<hbm>>
        %dma_wait3A_48 = tpu.memref_squeeze %dma_wait3A_47 : memref<1x79x128xi32, #tpu.memory_space<hbm>> -> memref<79x128xi32, #tpu.memory_space<hbm>>
        tpu.wait_dma2 semaphore(%run_scoped3A_34 : memref<!tpu.dma_semaphore, #tpu.memory_space<semaphore_mem>>) src(%dma_wait3A_48 : memref<79x128xi32, #tpu.memory_space<hbm>>) dst(%run_scoped3A_0 : memref<79x128xi32, #tpu.memory_space<vmem>>)
        tpu.yield
      }) : () -> ()
      %broadcast_in_dim3A = arith.constant 0.000000e+00 : f32
      %broadcast_in_dim3A_3 = vector.broadcast %broadcast_in_dim3A : f32 to vector<16xf32>
      %scan3A = arith.constant 0 : i32
      %scan3A_4 = arith.constant 0 : i32
      %scan3A_5 = arith.constant 128 : i32
      %scan3A_6 = arith.addi %scan3A_4, %scan3A_5 : i32
      %scan3A_7 = arith.constant 1 : i32
      %scan3A_8 = scf.for %scan3A_34 = %scan3A_4 to %scan3A_6 step %scan3A_7 iter_args(%scan3A_35 = %scan3A) -> (i32)  : i32 {
        %swap3A = arith.index_cast %scan3A_34 : i32 to index
        %swap3A_36 = arith.constant 0 : index
        %swap3A_37 = tpu.vector_load %run_scoped3A_1[%swap3A, %swap3A_36] {strides = array<i32>} : memref<128x128xf32, #tpu.memory_space<vmem>>, vector<1x16xf32>,
        %swap3A_38 = vector.shape_cast %swap3A_37 : vector<1x16xf32> to vector<16xf32>
        %swap3A_39 = vector.shape_cast %broadcast_in_dim3A_3 : vector<16xf32> to vector<1x16xf32>
        tpu.vector_store %run_scoped3A_1[%swap3A, %swap3A_36], %swap3A_39 {strides = array<i32>} : memref<128x128xf32, #tpu.memory_space<vmem>>, vector<1x16xf32>,
        %swap3A_40 = arith.index_cast %scan3A_34 : i32 to index
        %swap3A_41 = arith.constant 16 : index
        %swap3A_42 = tpu.vector_load %run_scoped3A_1[%swap3A_40, %swap3A_41] {strides = array<i32>} : memref<128x128xf32, #tpu.memory_space<vmem>>, vector<1x16xf32>,
        %swap3A_43 = vector.shape_cast %swap3A_42 : vector<1x16xf32> to vector<16xf32>
        %swap3A_44 = vector.shape_cast %broadcast_in_dim3A_3 : vector<16xf32> to vector<1x16xf32>
        tpu.vector_store %run_scoped3A_1[%swap3A_40, %swap3A_41], %swap3A_44 {strides = array<i32>} : memref<128x128xf32, #tpu.memory_space<vmem>>, vector<1x16xf32>,
        %swap3A_45 = arith.index_cast %scan3A_34 : i32 to index
        %swap3A_46 = arith.constant 32 : index
        %swap3A_47 = tpu.vector_load %run_scoped3A_1[%swap3A_45, %swap3A_46] {strides = array<i32>} : memref<128x128xf32, #tpu.memory_space<vmem>>, vector<1x16xf32>,
        %swap3A_48 = vector.shape_cast %swap3A_47 : vector<1x16xf32> to vector<16xf32>
        %swap3A_49 = vector.shape_cast %broadcast_in_dim3A_3 : vector<16xf32> to vector<1x16xf32>
        tpu.vector_store %run_scoped3A_1[%swap3A_45, %swap3A_46], %swap3A_49 {strides = array<i32>} : memref<128x128xf32, #tpu.memory_space<vmem>>, vector<1x16xf32>,
        %swap3A_50 = arith.index_cast %scan3A_34 : i32 to index
        %swap3A_51 = arith.constant 48 : index
        %swap3A_52 = tpu.vector_load %run_scoped3A_1[%swap3A_50, %swap3A_51] {strides = array<i32>} : memref<128x128xf32, #tpu.memory_space<vmem>>, vector<1x16xf32>,
        %swap3A_53 = vector.shape_cast %swap3A_52 : vector<1x16xf32> to vector<16xf32>
        %swap3A_54 = vector.shape_cast %broadcast_in_dim3A_3 : vector<16xf32> to vector<1x16xf32>
        tpu.vector_store %run_scoped3A_1[%swap3A_50, %swap3A_51], %swap3A_54 {strides = array<i32>} : memref<128x128xf32, #tpu.memory_space<vmem>>, vector<1x16xf32>,
        %swap3A_55 = arith.index_cast %scan3A_34 : i32 to index
        %swap3A_56 = arith.constant 64 : index
        %swap3A_57 = tpu.vector_load %run_scoped3A_1[%swap3A_55, %swap3A_56] {strides = array<i32>} : memref<128x128xf32, #tpu.memory_space<vmem>>, vector<1x16xf32>,
        %swap3A_58 = vector.shape_cast %swap3A_57 : vector<1x16xf32> to vector<16xf32>
        %swap3A_59 = vector.shape_cast %broadcast_in_dim3A_3 : vector<16xf32> to vector<1x16xf32>
        tpu.vector_store %run_scoped3A_1[%swap3A_55, %swap3A_56], %swap3A_59 {strides = array<i32>} : memref<128x128xf32, #tpu.memory_space<vmem>>, vector<1x16xf32>,
        %swap3A_60 = arith.index_cast %scan3A_34 : i32 to index
        %swap3A_61 = arith.constant 80 : index
        %swap3A_62 = tpu.vector_load %run_scoped3A_1[%swap3A_60, %swap3A_61] {strides = array<i32>} : memref<128x128xf32, #tpu.memory_space<vmem>>, vector<1x16xf32>,
        %swap3A_63 = vector.shape_cast %swap3A_62 : vector<1x16xf32> to vector<16xf32>
        %swap3A_64 = vector.shape_cast %broadcast_in_dim3A_3 : vector<16xf32> to vector<1x16xf32>
        tpu.vector_store %run_scoped3A_1[%swap3A_60, %swap3A_61], %swap3A_64 {strides = array<i32>} : memref<128x128xf32, #tpu.memory_space<vmem>>, vector<1x16xf32>,
        %swap3A_65 = arith.index_cast %scan3A_34 : i32 to index
        %swap3A_66 = arith.constant 96 : index
        %swap3A_67 = tpu.vector_load %run_scoped3A_1[%swap3A_65, %swap3A_66] {strides = array<i32>} : memref<128x128xf32, #tpu.memory_space<vmem>>, vector<1x16xf32>,
        %swap3A_68 = vector.shape_cast %swap3A_67 : vector<1x16xf32> to vector<16xf32>
        %swap3A_69 = vector.shape_cast %broadcast_in_dim3A_3 : vector<16xf32> to vector<1x16xf32>
        tpu.vector_store %run_scoped3A_1[%swap3A_65, %swap3A_66], %swap3A_69 {strides = array<i32>} : memref<128x128xf32, #tpu.memory_space<vmem>>, vector<1x16xf32>,
        %swap3A_70 = arith.index_cast %scan3A_34 : i32 to index
        %swap3A_71 = arith.constant 112 : index
        %swap3A_72 = tpu.vector_load %run_scoped3A_1[%swap3A_70, %swap3A_71] {strides = array<i32>} : memref<128x128xf32, #tpu.memory_space<vmem>>, vector<1x16xf32>,
        %swap3A_73 = vector.shape_cast %swap3A_72 : vector<1x16xf32> to vector<16xf32>
        %swap3A_74 = vector.shape_cast %broadcast_in_dim3A_3 : vector<16xf32> to vector<1x16xf32>
        tpu.vector_store %run_scoped3A_1[%swap3A_70, %swap3A_71], %swap3A_74 {strides = array<i32>} : memref<128x128xf32, #tpu.memory_space<vmem>>, vector<1x16xf32>,
        %scan3A_75 = arith.constant 0 : i32
        scf.yield %scan3A_75 : i32
      }
      %scan3A_9 = arith.constant 128 : i32
      %mul3A_10 = arith.constant 640 : i32
      %mul3A_11 = arith.muli %arg1, %mul3A_10 : i32
      %scan3A_12 = arith.constant 0 : i32
      %scan3A_13 = arith.constant 0 : i32
      %scan3A_14 = arith.constant 5 : i32
      %scan3A_15 = arith.addi %scan3A_13, %scan3A_14 : i32
      %scan3A_16 = arith.constant 1 : i32
      %scan3A_17 = scf.for %scan3A_34 = %scan3A_13 to %scan3A_15 step %scan3A_16 iter_args(%scan3A_35 = %scan3A_12) -> (i32)  : i32 {
        %mul3A_36 = arith.constant 128 : i32
        %mul3A_37 = arith.muli %scan3A_34, %mul3A_36 : i32
        %add3A_38 = arith.addi %mul3A_11, %mul3A_37 : i32
        "tpu.region"() ({
          %run_scoped3A_40 = tpu.sem_alloc : memref<!tpu.dma_semaphore, #tpu.memory_space<semaphore_mem>>
          %dma_start3A = arith.constant 0 : i32
          %dma_start3A_41 = tpu.memref_slice %arg6[%add3A_38, %dma_start3A] : memref<10240x128xf32, #tpu.memory_space<vmem_shared>> -> memref<128x128xf32, #tpu.memory_space<vmem_shared>>
          %dma_start3A_42 = arith.constant 0 : i32
          %dma_start3A_43 = tpu.memref_slice %arg6[%add3A_38, %dma_start3A_42] : memref<10240x128xf32, #tpu.memory_space<vmem_shared>> -> memref<128x128xf32, #tpu.memory_space<vmem_shared>>
          tpu.enqueue_dma source(%run_scoped3A_1 : memref<128x128xf32, #tpu.memory_space<vmem>>) target(%dma_start3A_43 : memref<128x128xf32, #tpu.memory_space<vmem_shared>>) target_semaphore(%run_scoped3A_40 : memref<!tpu.dma_semaphore, #tpu.memory_space<semaphore_mem>>)
          %dma_wait3A = arith.constant 0 : i32
          %dma_wait3A_44 = tpu.memref_slice %arg6[%add3A_38, %dma_wait3A] : memref<10240x128xf32, #tpu.memory_space<vmem_shared>> -> memref<128x128xf32, #tpu.memory_space<vmem_shared>>
          %dma_wait3A_45 = arith.constant 0 : i32
          %dma_wait3A_46 = tpu.memref_slice %arg6[%add3A_38, %dma_wait3A_45] : memref<10240x128xf32, #tpu.memory_space<vmem_shared>> -> memref<128x128xf32, #tpu.memory_space<vmem_shared>>
          tpu.wait_dma2 semaphore(%run_scoped3A_40 : memref<!tpu.dma_semaphore, #tpu.memory_space<semaphore_mem>>) src(%run_scoped3A_1 : memref<128x128xf32, #tpu.memory_space<vmem>>) dst(%dma_wait3A_46 : memref<128x128xf32, #tpu.memory_space<vmem_shared>>)
          tpu.yield
        }) : () -> ()
        %scan3A_39 = arith.constant 0 : i32
        scf.yield %scan3A_39 : i32
      }
      %scan3A_18 = arith.constant 5 : i32
      %barrier3A = arith.constant 0 : index
      tpu.barrier barrier_id(%barrier3A)
      %scan3A_19 = arith.constant 0 : i32
      %scan3A_20 = arith.constant 0 : i32
      %scan3A_21 = arith.constant 79 : i32
      %scan3A_22 = arith.addi %scan3A_20, %scan3A_21 : i32
      %scan3A_23 = arith.constant 1 : i32
      %scan3A_24 = scf.for %scan3A_34 = %scan3A_20 to %scan3A_22 step %scan3A_23 iter_args(%scan3A_35 = %scan3A_19) -> (i32)  : i32 {
        %dma_start3A = arith.constant 0 : i32
        %dma_start3A_36 = tpu.memref_slice %run_scoped3A[%scan3A_34, %dma_start3A] : memref<79x128xi32, #tpu.memory_space<vmem>> -> memref<1x128xi32, #tpu.memory_space<vmem>>
        %dma_start3A_37 = tpu.memref_squeeze %dma_start3A_36 : memref<1x128xi32, #tpu.memory_space<vmem>> -> memref<128xi32, #tpu.memory_space<vmem>>
        %dma_start3A_38 = arith.constant 0 : i32
        %dma_start3A_39 = arith.constant 0 : i32
        %dma_start3A_40 = tpu.memref_slice %arg4[%dma_start3A_38, %dma_start3A_39] : memref<10000x128xf32, #tpu.memory_space<hbm>> -> memref<10000x128xf32, #tpu.memory_space<hbm>>
        tpu.enqueue_indirect_dma source(%dma_start3A_40 : memref<10000x128xf32, #tpu.memory_space<hbm>>) target(%run_scoped3A_1 : memref<128x128xf32, #tpu.memory_space<vmem>>) offsets(%dma_start3A_37 : memref<128xi32, #tpu.memory_space<vmem>>) semaphore(%arg7 : memref<!tpu.dma_semaphore, #tpu.memory_space<semaphore_mem>>)
        %dma_wait3A = arith.constant 0 : i32
        %dma_wait3A_41 = tpu.memref_slice %run_scoped3A[%scan3A_34, %dma_wait3A] : memref<79x128xi32, #tpu.memory_space<vmem>> -> memref<1x128xi32, #tpu.memory_space<vmem>>
        %dma_wait3A_42 = tpu.memref_squeeze %dma_wait3A_41 : memref<1x128xi32, #tpu.memory_space<vmem>> -> memref<128xi32, #tpu.memory_space<vmem>>
        %dma_wait3A_43 = arith.constant 0 : i32
        %dma_wait3A_44 = arith.constant 0 : i32
        %dma_wait3A_45 = tpu.memref_slice %arg4[%dma_wait3A_43, %dma_wait3A_44] : memref<10000x128xf32, #tpu.memory_space<hbm>> -> memref<10000x128xf32, #tpu.memory_space<hbm>>
        tpu.wait_indirect_dma semaphore(%arg7 : memref<!tpu.dma_semaphore, #tpu.memory_space<semaphore_mem>>) src(%dma_wait3A_45 : memref<10000x128xf32, #tpu.memory_space<hbm>>) dst(%run_scoped3A_1 : memref<128x128xf32, #tpu.memory_space<vmem>>)
        "tpu.region"() ({
          %run_scoped3A_47 = tpu.sem_alloc : memref<!tpu.dma_semaphore, #tpu.memory_space<semaphore_mem>>
          %dma_start3A_48 = arith.constant 0 : i32
          %dma_start3A_49 = tpu.memref_slice %run_scoped3A_0[%scan3A_34, %dma_start3A_48] : memref<79x128xi32, #tpu.memory_space<vmem>> -> memref<1x128xi32, #tpu.memory_space<vmem>>
          %dma_start3A_50 = tpu.memref_squeeze %dma_start3A_49 : memref<1x128xi32, #tpu.memory_space<vmem>> -> memref<128xi32, #tpu.memory_space<vmem>>
          %dma_start3A_51 = arith.constant 0 : i32
          %dma_start3A_52 = arith.constant 0 : i32
          %dma_start3A_53 = tpu.memref_slice %arg6[%dma_start3A_51, %dma_start3A_52] : memref<10240x128xf32, #tpu.memory_space<vmem_shared>> -> memref<10240x128xf32, #tpu.memory_space<vmem_shared>>
          tpu.enqueue_indirect_dma source(%run_scoped3A_1 : memref<128x128xf32, #tpu.memory_space<vmem>>) target(%dma_start3A_53 : memref<10240x128xf32, #tpu.memory_space<vmem_shared>>) offsets(%dma_start3A_50 : memref<128xi32, #tpu.memory_space<vmem>>) semaphore(%run_scoped3A_47 : memref<!tpu.dma_semaphore, #tpu.memory_space<semaphore_mem>>) {add = true}
          %dma_wait3A_54 = arith.constant 0 : i32
          %dma_wait3A_55 = tpu.memref_slice %run_scoped3A_0[%scan3A_34, %dma_wait3A_54] : memref<79x128xi32, #tpu.memory_space<vmem>> -> memref<1x128xi32, #tpu.memory_space<vmem>>
          %dma_wait3A_56 = tpu.memref_squeeze %dma_wait3A_55 : memref<1x128xi32, #tpu.memory_space<vmem>> -> memref<128xi32, #tpu.memory_space<vmem>>
          %dma_wait3A_57 = arith.constant 0 : i32
          %dma_wait3A_58 = arith.constant 0 : i32
          %dma_wait3A_59 = tpu.memref_slice %arg6[%dma_wait3A_57, %dma_wait3A_58] : memref<10240x128xf32, #tpu.memory_space<vmem_shared>> -> memref<10240x128xf32, #tpu.memory_space<vmem_shared>>
          tpu.wait_indirect_dma semaphore(%run_scoped3A_47 : memref<!tpu.dma_semaphore, #tpu.memory_space<semaphore_mem>>) src(%run_scoped3A_1 : memref<128x128xf32, #tpu.memory_space<vmem>>) dst(%dma_wait3A_59 : memref<10240x128xf32, #tpu.memory_space<vmem_shared>>)
          tpu.yield
        }) : () -> ()
        %scan3A_46 = arith.constant 0 : i32
        scf.yield %scan3A_46 : i32
      }
      %scan3A_25 = arith.constant 79 : i32
      %barrier3A_26 = arith.constant 0 : index
      tpu.barrier barrier_id(%barrier3A_26)
      %scan3A_27 = arith.constant 0 : i32
      %scan3A_28 = arith.constant 0 : i32
      %scan3A_29 = arith.constant 5 : i32
      %scan3A_30 = arith.addi %scan3A_28, %scan3A_29 : i32
      %scan3A_31 = arith.constant 1 : i32
      %scan3A_32 = scf.for %scan3A_34 = %scan3A_28 to %scan3A_30 step %scan3A_31 iter_args(%scan3A_35 = %scan3A_27) -> (i32)  : i32 {
        %mul3A_36 = arith.constant 128 : i32
        %mul3A_37 = arith.muli %scan3A_34, %mul3A_36 : i32
        %add3A_38 = arith.addi %mul3A_11, %mul3A_37 : i32
        %mul3A_39 = arith.constant 128 : i32
        %mul3A_40 = arith.muli %scan3A_34, %mul3A_39 : i32
        %add3A_41 = arith.addi %mul3A_11, %mul3A_40 : i32
        "tpu.region"() ({
          %run_scoped3A_43 = tpu.sem_alloc : memref<!tpu.dma_semaphore, #tpu.memory_space<semaphore_mem>>
          %dma_start3A = arith.constant 0 : i32
          %dma_start3A_44 = tpu.memref_slice %arg5[%arg0, %add3A_41, %dma_start3A] : memref<2x10240x128xf32, #tpu.memory_space<hbm>> -> memref<1x128x128xf32, #tpu.memory_space<hbm>>
          %dma_start3A_45 = tpu.memref_squeeze %dma_start3A_44 : memref<1x128x128xf32, #tpu.memory_space<hbm>> -> memref<128x128xf32, #tpu.memory_space<hbm>>
          %dma_start3A_46 = arith.constant 0 : i32
          %dma_start3A_47 = tpu.memref_slice %arg6[%add3A_38, %dma_start3A_46] : memref<10240x128xf32, #tpu.memory_space<vmem_shared>> -> memref<128x128xf32, #tpu.memory_space<vmem_shared>>
          tpu.enqueue_dma source(%dma_start3A_47 : memref<128x128xf32, #tpu.memory_space<vmem_shared>>) target(%dma_start3A_45 : memref<128x128xf32, #tpu.memory_space<hbm>>) target_semaphore(%run_scoped3A_43 : memref<!tpu.dma_semaphore, #tpu.memory_space<semaphore_mem>>)
          %dma_wait3A = arith.constant 0 : i32
          %dma_wait3A_48 = tpu.memref_slice %arg5[%arg0, %add3A_41, %dma_wait3A] : memref<2x10240x128xf32, #tpu.memory_space<hbm>> -> memref<1x128x128xf32, #tpu.memory_space<hbm>>
          %dma_wait3A_49 = tpu.memref_squeeze %dma_wait3A_48 : memref<1x128x128xf32, #tpu.memory_space<hbm>> -> memref<128x128xf32, #tpu.memory_space<hbm>>
          %dma_wait3A_50 = arith.constant 0 : i32
          %dma_wait3A_51 = tpu.memref_slice %arg6[%add3A_38, %dma_wait3A_50] : memref<10240x128xf32, #tpu.memory_space<vmem_shared>> -> memref<128x128xf32, #tpu.memory_space<vmem_shared>>
          tpu.wait_dma2 semaphore(%run_scoped3A_43 : memref<!tpu.dma_semaphore, #tpu.memory_space<semaphore_mem>>) src(%dma_wait3A_51 : memref<128x128xf32, #tpu.memory_space<vmem_shared>>) dst(%dma_wait3A_49 : memref<128x128xf32, #tpu.memory_space<hbm>>)
          tpu.yield
        }) : () -> ()
        %scan3A_42 = arith.constant 0 : i32
        scf.yield %scan3A_42 : i32
      }
      %scan3A_33 = arith.constant 5 : i32
      tpu.yield
    }) : () -> ()
    return
  }
}

#map = affine_map<(d0, d1) -> (0, 0, 0)>
#map1 = affine_map<(d0, d1) -> (0, 0)>
module attributes {stable_mosaic.version = 14 : i64} {
  func.func @_sc_scatter_body(%arg0: i32, %arg1: i32, %arg2: memref<32x79x128xi32, #tpu.memory_space<hbm>>, %arg3: memref<32x79x128xi32, #tpu.memory_space<hbm>>, %arg4: memref<10000x128xf32, #tpu.memory_space<hbm>>, %arg5: memref<2x10240x128xf32, #tpu.memory_space<hbm>>, %arg6: memref<10240x128xf32, #tpu.memory_space<vmem_shared>>, %arg7: memref<!tpu.dma_semaphore, #tpu.memory_space<semaphore_mem>>) attributes {dimension_semantics = [#tpu.dimension_semantics<core_parallel>, #tpu.dimension_semantics<subcore_parallel>], iteration_bounds = array<i64: 2, 16>, scalar_prefetch = 0 : i64, scratch_operands = 2 : i64, tpu.core_type = #tpu.core_type<sc_vector_subcore>, window_params = [{transform_indices = #map}, {transform_indices = #map}, {transform_indices = #map1}, {transform_indices = #map}]} {
    "tpu.region"() ({
      %run_scoped3A = memref.alloca() : memref<79x128xi32, #tpu.memory_space<vmem>>
      %run_scoped3A_0 = memref.alloca() : memref<79x128xi32, #tpu.memory_space<vmem>>
      %run_scoped3A_1 = memref.alloca() : memref<128x128xf32, #tpu.memory_space<vmem>>
      %mul3A = arith.constant 16 : i32
      %mul3A_2 = arith.muli %arg0, %mul3A : i32
      %add3A = arith.addi %mul3A_2, %arg1 : i32
      "tpu.region"() ({
        %run_scoped3A_34 = tpu.sem_alloc : memref<!tpu.dma_semaphore, #tpu.memory_space<semaphore_mem>>
        %dma_start3A = arith.constant 0 : i32
        %dma_start3A_35 = arith.constant 0 : i32
        %dma_start3A_36 = tpu.memref_slice %arg2[%add3A, %dma_start3A, %dma_start3A_35] : memref<32x79x128xi32, #tpu.memory_space<hbm>> -> memref<1x79x128xi32, #tpu.memory_space<hbm>>
        %dma_start3A_37 = tpu.memref_squeeze %dma_start3A_36 : memref<1x79x128xi32, #tpu.memory_space<hbm>> -> memref<79x128xi32, #tpu.memory_space<hbm>>
        %dma_start3A_38 = arith.constant 0 : i32
        %dma_start3A_39 = arith.constant 0 : i32
        %dma_start3A_40 = tpu.memref_slice %arg2[%add3A, %dma_start3A_38, %dma_start3A_39] : memref<32x79x128xi32, #tpu.memory_space<hbm>> -> memref<1x79x128xi32, #tpu.memory_space<hbm>>
        %dma_start3A_41 = tpu.memref_squeeze %dma_start3A_40 : memref<1x79x128xi32, #tpu.memory_space<hbm>> -> memref<79x128xi32, #tpu.memory_space<hbm>>
        tpu.enqueue_dma source(%dma_start3A_41 : memref<79x128xi32, #tpu.memory_space<hbm>>) target(%run_scoped3A : memref<79x128xi32, #tpu.memory_space<vmem>>) target_semaphore(%run_scoped3A_34 : memref<!tpu.dma_semaphore, #tpu.memory_space<semaphore_mem>>)
        %dma_wait3A = arith.constant 0 : i32
        %dma_wait3A_42 = arith.constant 0 : i32
        %dma_wait3A_43 = tpu.memref_slice %arg2[%add3A, %dma_wait3A, %dma_wait3A_42] : memref<32x79x128xi32, #tpu.memory_space<hbm>> -> memref<1x79x128xi32, #tpu.memory_space<hbm>>
        %dma_wait3A_44 = tpu.memref_squeeze %dma_wait3A_43 : memref<1x79x128xi32, #tpu.memory_space<hbm>> -> memref<79x128xi32, #tpu.memory_space<hbm>>
        %dma_wait3A_45 = arith.constant 0 : i32
        %dma_wait3A_46 = arith.constant 0 : i32
        %dma_wait3A_47 = tpu.memref_slice %arg2[%add3A, %dma_wait3A_45, %dma_wait3A_46] : memref<32x79x128xi32, #tpu.memory_space<hbm>> -> memref<1x79x128xi32, #tpu.memory_space<hbm>>
        %dma_wait3A_48 = tpu.memref_squeeze %dma_wait3A_47 : memref<1x79x128xi32, #tpu.memory_space<hbm>> -> memref<79x128xi32, #tpu.memory_space<hbm>>
        tpu.wait_dma2 semaphore(%run_scoped3A_34 : memref<!tpu.dma_semaphore, #tpu.memory_space<semaphore_mem>>) src(%dma_wait3A_48 : memref<79x128xi32, #tpu.memory_space<hbm>>) dst(%run_scoped3A : memref<79x128xi32, #tpu.memory_space<vmem>>)
        tpu.yield
      }) : () -> ()
      "tpu.region"() ({
        %run_scoped3A_34 = tpu.sem_alloc : memref<!tpu.dma_semaphore, #tpu.memory_space<semaphore_mem>>
        %dma_start3A = arith.constant 0 : i32
        %dma_start3A_35 = arith.constant 0 : i32
        %dma_start3A_36 = tpu.memref_slice %arg3[%add3A, %dma_start3A, %dma_start3A_35] : memref<32x79x128xi32, #tpu.memory_space<hbm>> -> memref<1x79x128xi32, #tpu.memory_space<hbm>>
        %dma_start3A_37 = tpu.memref_squeeze %dma_start3A_36 : memref<1x79x128xi32, #tpu.memory_space<hbm>> -> memref<79x128xi32, #tpu.memory_space<hbm>>
        %dma_start3A_38 = arith.constant 0 : i32
        %dma_start3A_39 = arith.constant 0 : i32
        %dma_start3A_40 = tpu.memref_slice %arg3[%add3A, %dma_start3A_38, %dma_start3A_39] : memref<32x79x128xi32, #tpu.memory_space<hbm>> -> memref<1x79x128xi32, #tpu.memory_space<hbm>>
        %dma_start3A_41 = tpu.memref_squeeze %dma_start3A_40 : memref<1x79x128xi32, #tpu.memory_space<hbm>> -> memref<79x128xi32, #tpu.memory_space<hbm>>
        tpu.enqueue_dma source(%dma_start3A_41 : memref<79x128xi32, #tpu.memory_space<hbm>>) target(%run_scoped3A_0 : memref<79x128xi32, #tpu.memory_space<vmem>>) target_semaphore(%run_scoped3A_34 : memref<!tpu.dma_semaphore, #tpu.memory_space<semaphore_mem>>)
        %dma_wait3A = arith.constant 0 : i32
        %dma_wait3A_42 = arith.constant 0 : i32
        %dma_wait3A_43 = tpu.memref_slice %arg3[%add3A, %dma_wait3A, %dma_wait3A_42] : memref<32x79x128xi32, #tpu.memory_space<hbm>> -> memref<1x79x128xi32, #tpu.memory_space<hbm>>
        %dma_wait3A_44 = tpu.memref_squeeze %dma_wait3A_43 : memref<1x79x128xi32, #tpu.memory_space<hbm>> -> memref<79x128xi32, #tpu.memory_space<hbm>>
        %dma_wait3A_45 = arith.constant 0 : i32
        %dma_wait3A_46 = arith.constant 0 : i32
        %dma_wait3A_47 = tpu.memref_slice %arg3[%add3A, %dma_wait3A_45, %dma_wait3A_46] : memref<32x79x128xi32, #tpu.memory_space<hbm>> -> memref<1x79x128xi32, #tpu.memory_space<hbm>>
        %dma_wait3A_48 = tpu.memref_squeeze %dma_wait3A_47 : memref<1x79x128xi32, #tpu.memory_space<hbm>> -> memref<79x128xi32, #tpu.memory_space<hbm>>
        tpu.wait_dma2 semaphore(%run_scoped3A_34 : memref<!tpu.dma_semaphore, #tpu.memory_space<semaphore_mem>>) src(%dma_wait3A_48 : memref<79x128xi32, #tpu.memory_space<hbm>>) dst(%run_scoped3A_0 : memref<79x128xi32, #tpu.memory_space<vmem>>)
        tpu.yield
      }) : () -> ()
      %broadcast_in_dim3A = arith.constant 0.000000e+00 : f32
      %broadcast_in_dim3A_3 = vector.broadcast %broadcast_in_dim3A : f32 to vector<16xf32>
      %scan3A = arith.constant 0 : i32
      %scan3A_4 = arith.constant 0 : i32
      %scan3A_5 = arith.constant 128 : i32
      %scan3A_6 = arith.addi %scan3A_4, %scan3A_5 : i32
      %scan3A_7 = arith.constant 1 : i32
      %scan3A_8 = scf.for %scan3A_34 = %scan3A_4 to %scan3A_6 step %scan3A_7 iter_args(%scan3A_35 = %scan3A) -> (i32)  : i32 {
        %swap3A = arith.index_cast %scan3A_34 : i32 to index
        %swap3A_36 = arith.constant 0 : index
        %swap3A_37 = tpu.vector_load %run_scoped3A_1[%swap3A, %swap3A_36] {strides = array<i32>} : memref<128x128xf32, #tpu.memory_space<vmem>>, vector<1x16xf32>,
        %swap3A_38 = vector.shape_cast %swap3A_37 : vector<1x16xf32> to vector<16xf32>
        %swap3A_39 = vector.shape_cast %broadcast_in_dim3A_3 : vector<16xf32> to vector<1x16xf32>
        tpu.vector_store %run_scoped3A_1[%swap3A, %swap3A_36], %swap3A_39 {strides = array<i32>} : memref<128x128xf32, #tpu.memory_space<vmem>>, vector<1x16xf32>,
        %swap3A_40 = arith.index_cast %scan3A_34 : i32 to index
        %swap3A_41 = arith.constant 16 : index
        %swap3A_42 = tpu.vector_load %run_scoped3A_1[%swap3A_40, %swap3A_41] {strides = array<i32>} : memref<128x128xf32, #tpu.memory_space<vmem>>, vector<1x16xf32>,
        %swap3A_43 = vector.shape_cast %swap3A_42 : vector<1x16xf32> to vector<16xf32>
        %swap3A_44 = vector.shape_cast %broadcast_in_dim3A_3 : vector<16xf32> to vector<1x16xf32>
        tpu.vector_store %run_scoped3A_1[%swap3A_40, %swap3A_41], %swap3A_44 {strides = array<i32>} : memref<128x128xf32, #tpu.memory_space<vmem>>, vector<1x16xf32>,
        %swap3A_45 = arith.index_cast %scan3A_34 : i32 to index
        %swap3A_46 = arith.constant 32 : index
        %swap3A_47 = tpu.vector_load %run_scoped3A_1[%swap3A_45, %swap3A_46] {strides = array<i32>} : memref<128x128xf32, #tpu.memory_space<vmem>>, vector<1x16xf32>,
        %swap3A_48 = vector.shape_cast %swap3A_47 : vector<1x16xf32> to vector<16xf32>
        %swap3A_49 = vector.shape_cast %broadcast_in_dim3A_3 : vector<16xf32> to vector<1x16xf32>
        tpu.vector_store %run_scoped3A_1[%swap3A_45, %swap3A_46], %swap3A_49 {strides = array<i32>} : memref<128x128xf32, #tpu.memory_space<vmem>>, vector<1x16xf32>,
        %swap3A_50 = arith.index_cast %scan3A_34 : i32 to index
        %swap3A_51 = arith.constant 48 : index
        %swap3A_52 = tpu.vector_load %run_scoped3A_1[%swap3A_50, %swap3A_51] {strides = array<i32>} : memref<128x128xf32, #tpu.memory_space<vmem>>, vector<1x16xf32>,
        %swap3A_53 = vector.shape_cast %swap3A_52 : vector<1x16xf32> to vector<16xf32>
        %swap3A_54 = vector.shape_cast %broadcast_in_dim3A_3 : vector<16xf32> to vector<1x16xf32>
        tpu.vector_store %run_scoped3A_1[%swap3A_50, %swap3A_51], %swap3A_54 {strides = array<i32>} : memref<128x128xf32, #tpu.memory_space<vmem>>, vector<1x16xf32>,
        %swap3A_55 = arith.index_cast %scan3A_34 : i32 to index
        %swap3A_56 = arith.constant 64 : index
        %swap3A_57 = tpu.vector_load %run_scoped3A_1[%swap3A_55, %swap3A_56] {strides = array<i32>} : memref<128x128xf32, #tpu.memory_space<vmem>>, vector<1x16xf32>,
        %swap3A_58 = vector.shape_cast %swap3A_57 : vector<1x16xf32> to vector<16xf32>
        %swap3A_59 = vector.shape_cast %broadcast_in_dim3A_3 : vector<16xf32> to vector<1x16xf32>
        tpu.vector_store %run_scoped3A_1[%swap3A_55, %swap3A_56], %swap3A_59 {strides = array<i32>} : memref<128x128xf32, #tpu.memory_space<vmem>>, vector<1x16xf32>,
        %swap3A_60 = arith.index_cast %scan3A_34 : i32 to index
        %swap3A_61 = arith.constant 80 : index
        %swap3A_62 = tpu.vector_load %run_scoped3A_1[%swap3A_60, %swap3A_61] {strides = array<i32>} : memref<128x128xf32, #tpu.memory_space<vmem>>, vector<1x16xf32>,
        %swap3A_63 = vector.shape_cast %swap3A_62 : vector<1x16xf32> to vector<16xf32>
        %swap3A_64 = vector.shape_cast %broadcast_in_dim3A_3 : vector<16xf32> to vector<1x16xf32>
        tpu.vector_store %run_scoped3A_1[%swap3A_60, %swap3A_61], %swap3A_64 {strides = array<i32>} : memref<128x128xf32, #tpu.memory_space<vmem>>, vector<1x16xf32>,
        %swap3A_65 = arith.index_cast %scan3A_34 : i32 to index
        %swap3A_66 = arith.constant 96 : index
        %swap3A_67 = tpu.vector_load %run_scoped3A_1[%swap3A_65, %swap3A_66] {strides = array<i32>} : memref<128x128xf32, #tpu.memory_space<vmem>>, vector<1x16xf32>,
        %swap3A_68 = vector.shape_cast %swap3A_67 : vector<1x16xf32> to vector<16xf32>
        %swap3A_69 = vector.shape_cast %broadcast_in_dim3A_3 : vector<16xf32> to vector<1x16xf32>
        tpu.vector_store %run_scoped3A_1[%swap3A_65, %swap3A_66], %swap3A_69 {strides = array<i32>} : memref<128x128xf32, #tpu.memory_space<vmem>>, vector<1x16xf32>,
        %swap3A_70 = arith.index_cast %scan3A_34 : i32 to index
        %swap3A_71 = arith.constant 112 : index
        %swap3A_72 = tpu.vector_load %run_scoped3A_1[%swap3A_70, %swap3A_71] {strides = array<i32>} : memref<128x128xf32, #tpu.memory_space<vmem>>, vector<1x16xf32>,
        %swap3A_73 = vector.shape_cast %swap3A_72 : vector<1x16xf32> to vector<16xf32>
        %swap3A_74 = vector.shape_cast %broadcast_in_dim3A_3 : vector<16xf32> to vector<1x16xf32>
        tpu.vector_store %run_scoped3A_1[%swap3A_70, %swap3A_71], %swap3A_74 {strides = array<i32>} : memref<128x128xf32, #tpu.memory_space<vmem>>, vector<1x16xf32>,
        %scan3A_75 = arith.constant 0 : i32
        scf.yield %scan3A_75 : i32
      }
      %scan3A_9 = arith.constant 128 : i32
      %mul3A_10 = arith.constant 640 : i32
      %mul3A_11 = arith.muli %arg1, %mul3A_10 : i32
      %scan3A_12 = arith.constant 0 : i32
      %scan3A_13 = arith.constant 0 : i32
      %scan3A_14 = arith.constant 5 : i32
      %scan3A_15 = arith.addi %scan3A_13, %scan3A_14 : i32
      %scan3A_16 = arith.constant 1 : i32
      %scan3A_17 = scf.for %scan3A_34 = %scan3A_13 to %scan3A_15 step %scan3A_16 iter_args(%scan3A_35 = %scan3A_12) -> (i32)  : i32 {
        %mul3A_36 = arith.constant 128 : i32
        %mul3A_37 = arith.muli %scan3A_34, %mul3A_36 : i32
        %add3A_38 = arith.addi %mul3A_11, %mul3A_37 : i32
        "tpu.region"() ({
          %run_scoped3A_40 = tpu.sem_alloc : memref<!tpu.dma_semaphore, #tpu.memory_space<semaphore_mem>>
          %dma_start3A = arith.constant 0 : i32
          %dma_start3A_41 = tpu.memref_slice %arg6[%add3A_38, %dma_start3A] : memref<10240x128xf32, #tpu.memory_space<vmem_shared>> -> memref<128x128xf32, #tpu.memory_space<vmem_shared>>
          %dma_start3A_42 = arith.constant 0 : i32
          %dma_start3A_43 = tpu.memref_slice %arg6[%add3A_38, %dma_start3A_42] : memref<10240x128xf32, #tpu.memory_space<vmem_shared>> -> memref<128x128xf32, #tpu.memory_space<vmem_shared>>
          tpu.enqueue_dma source(%run_scoped3A_1 : memref<128x128xf32, #tpu.memory_space<vmem>>) target(%dma_start3A_43 : memref<128x128xf32, #tpu.memory_space<vmem_shared>>) target_semaphore(%run_scoped3A_40 : memref<!tpu.dma_semaphore, #tpu.memory_space<semaphore_mem>>)
          %dma_wait3A = arith.constant 0 : i32
          %dma_wait3A_44 = tpu.memref_slice %arg6[%add3A_38, %dma_wait3A] : memref<10240x128xf32, #tpu.memory_space<vmem_shared>> -> memref<128x128xf32, #tpu.memory_space<vmem_shared>>
          %dma_wait3A_45 = arith.constant 0 : i32
          %dma_wait3A_46 = tpu.memref_slice %arg6[%add3A_38, %dma_wait3A_45] : memref<10240x128xf32, #tpu.memory_space<vmem_shared>> -> memref<128x128xf32, #tpu.memory_space<vmem_shared>>
          tpu.wait_dma2 semaphore(%run_scoped3A_40 : memref<!tpu.dma_semaphore, #tpu.memory_space<semaphore_mem>>) src(%run_scoped3A_1 : memref<128x128xf32, #tpu.memory_space<vmem>>) dst(%dma_wait3A_46 : memref<128x128xf32, #tpu.memory_space<vmem_shared>>)
          tpu.yield
        }) : () -> ()
        %scan3A_39 = arith.constant 0 : i32
        scf.yield %scan3A_39 : i32
      }
      %scan3A_18 = arith.constant 5 : i32
      %barrier3A = arith.constant 0 : index
      tpu.barrier barrier_id(%barrier3A)
      %scan3A_19 = arith.constant 0 : i32
      %scan3A_20 = arith.constant 0 : i32
      %scan3A_21 = arith.constant 79 : i32
      %scan3A_22 = arith.addi %scan3A_20, %scan3A_21 : i32
      %scan3A_23 = arith.constant 1 : i32
      %scan3A_24 = scf.for %scan3A_34 = %scan3A_20 to %scan3A_22 step %scan3A_23 iter_args(%scan3A_35 = %scan3A_19) -> (i32)  : i32 {
        %dma_start3A = arith.constant 0 : i32
        %dma_start3A_36 = tpu.memref_slice %run_scoped3A[%scan3A_34, %dma_start3A] : memref<79x128xi32, #tpu.memory_space<vmem>> -> memref<1x128xi32, #tpu.memory_space<vmem>>
        %dma_start3A_37 = tpu.memref_squeeze %dma_start3A_36 : memref<1x128xi32, #tpu.memory_space<vmem>> -> memref<128xi32, #tpu.memory_space<vmem>>
        %dma_start3A_38 = arith.constant 0 : i32
        %dma_start3A_39 = arith.constant 0 : i32
        %dma_start3A_40 = tpu.memref_slice %arg4[%dma_start3A_38, %dma_start3A_39] : memref<10000x128xf32, #tpu.memory_space<hbm>> -> memref<10000x128xf32, #tpu.memory_space<hbm>>
        tpu.enqueue_indirect_dma source(%dma_start3A_40 : memref<10000x128xf32, #tpu.memory_space<hbm>>) target(%run_scoped3A_1 : memref<128x128xf32, #tpu.memory_space<vmem>>) offsets(%dma_start3A_37 : memref<128xi32, #tpu.memory_space<vmem>>) semaphore(%arg7 : memref<!tpu.dma_semaphore, #tpu.memory_space<semaphore_mem>>)
        %dma_wait3A = arith.constant 0 : i32
        %dma_wait3A_41 = tpu.memref_slice %run_scoped3A[%scan3A_34, %dma_wait3A] : memref<79x128xi32, #tpu.memory_space<vmem>> -> memref<1x128xi32, #tpu.memory_space<vmem>>
        %dma_wait3A_42 = tpu.memref_squeeze %dma_wait3A_41 : memref<1x128xi32, #tpu.memory_space<vmem>> -> memref<128xi32, #tpu.memory_space<vmem>>
        %dma_wait3A_43 = arith.constant 0 : i32
        %dma_wait3A_44 = arith.constant 0 : i32
        %dma_wait3A_45 = tpu.memref_slice %arg4[%dma_wait3A_43, %dma_wait3A_44] : memref<10000x128xf32, #tpu.memory_space<hbm>> -> memref<10000x128xf32, #tpu.memory_space<hbm>>
        tpu.wait_indirect_dma semaphore(%arg7 : memref<!tpu.dma_semaphore, #tpu.memory_space<semaphore_mem>>) src(%dma_wait3A_45 : memref<10000x128xf32, #tpu.memory_space<hbm>>) dst(%run_scoped3A_1 : memref<128x128xf32, #tpu.memory_space<vmem>>)
        "tpu.region"() ({
          %run_scoped3A_47 = tpu.sem_alloc : memref<!tpu.dma_semaphore, #tpu.memory_space<semaphore_mem>>
          %dma_start3A_48 = arith.constant 0 : i32
          %dma_start3A_49 = tpu.memref_slice %run_scoped3A_0[%scan3A_34, %dma_start3A_48] : memref<79x128xi32, #tpu.memory_space<vmem>> -> memref<1x128xi32, #tpu.memory_space<vmem>>
          %dma_start3A_50 = tpu.memref_squeeze %dma_start3A_49 : memref<1x128xi32, #tpu.memory_space<vmem>> -> memref<128xi32, #tpu.memory_space<vmem>>
          %dma_start3A_51 = arith.constant 0 : i32
          %dma_start3A_52 = arith.constant 0 : i32
          %dma_start3A_53 = tpu.memref_slice %arg6[%dma_start3A_51, %dma_start3A_52] : memref<10240x128xf32, #tpu.memory_space<vmem_shared>> -> memref<10240x128xf32, #tpu.memory_space<vmem_shared>>
          tpu.enqueue_indirect_dma source(%run_scoped3A_1 : memref<128x128xf32, #tpu.memory_space<vmem>>) target(%dma_start3A_53 : memref<10240x128xf32, #tpu.memory_space<vmem_shared>>) offsets(%dma_start3A_50 : memref<128xi32, #tpu.memory_space<vmem>>) semaphore(%run_scoped3A_47 : memref<!tpu.dma_semaphore, #tpu.memory_space<semaphore_mem>>) {add = true}
          %dma_wait3A_54 = arith.constant 0 : i32
          %dma_wait3A_55 = tpu.memref_slice %run_scoped3A_0[%scan3A_34, %dma_wait3A_54] : memref<79x128xi32, #tpu.memory_space<vmem>> -> memref<1x128xi32, #tpu.memory_space<vmem>>
          %dma_wait3A_56 = tpu.memref_squeeze %dma_wait3A_55 : memref<1x128xi32, #tpu.memory_space<vmem>> -> memref<128xi32, #tpu.memory_space<vmem>>
          %dma_wait3A_57 = arith.constant 0 : i32
          %dma_wait3A_58 = arith.constant 0 : i32
          %dma_wait3A_59 = tpu.memref_slice %arg6[%dma_wait3A_57, %dma_wait3A_58] : memref<10240x128xf32, #tpu.memory_space<vmem_shared>> -> memref<10240x128xf32, #tpu.memory_space<vmem_shared>>
          tpu.wait_indirect_dma semaphore(%run_scoped3A_47 : memref<!tpu.dma_semaphore, #tpu.memory_space<semaphore_mem>>) src(%run_scoped3A_1 : memref<128x128xf32, #tpu.memory_space<vmem>>) dst(%dma_wait3A_59 : memref<10240x128xf32, #tpu.memory_space<vmem_shared>>)
          tpu.yield
        }) : () -> ()
        %scan3A_46 = arith.constant 0 : i32
        scf.yield %scan3A_46 : i32
      }
      %scan3A_25 = arith.constant 79 : i32
      %barrier3A_26 = arith.constant 0 : index
      tpu.barrier barrier_id(%barrier3A_26)
      %scan3A_27 = arith.constant 0 : i32
      %scan3A_28 = arith.constant 0 : i32
      %scan3A_29 = arith.constant 5 : i32
      %scan3A_30 = arith.addi %scan3A_28, %scan3A_29 : i32
      %scan3A_31 = arith.constant 1 : i32
      %scan3A_32 = scf.for %scan3A_34 = %scan3A_28 to %scan3A_30 step %scan3A_31 iter_args(%scan3A_35 = %scan3A_27) -> (i32)  : i32 {
        %mul3A_36 = arith.constant 128 : i32
        %mul3A_37 = arith.muli %scan3A_34, %mul3A_36 : i32
        %add3A_38 = arith.addi %mul3A_11, %mul3A_37 : i32
        %mul3A_39 = arith.constant 128 : i32
        %mul3A_40 = arith.muli %scan3A_34, %mul3A_39 : i32
        %add3A_41 = arith.addi %mul3A_11, %mul3A_40 : i32
        "tpu.region"() ({
          %run_scoped3A_43 = tpu.sem_alloc : memref<!tpu.dma_semaphore, #tpu.memory_space<semaphore_mem>>
          %dma_start3A = arith.constant 0 : i32
          %dma_start3A_44 = tpu.memref_slice %arg5[%arg0, %add3A_41, %dma_start3A] : memref<2x10240x128xf32, #tpu.memory_space<hbm>> -> memref<1x128x128xf32, #tpu.memory_space<hbm>>
          %dma_start3A_45 = tpu.memref_squeeze %dma_start3A_44 : memref<1x128x128xf32, #tpu.memory_space<hbm>> -> memref<128x128xf32, #tpu.memory_space<hbm>>
          %dma_start3A_46 = arith.constant 0 : i32
          %dma_start3A_47 = tpu.memref_slice %arg6[%add3A_38, %dma_start3A_46] : memref<10240x128xf32, #tpu.memory_space<vmem_shared>> -> memref<128x128xf32, #tpu.memory_space<vmem_shared>>
          tpu.enqueue_dma source(%dma_start3A_47 : memref<128x128xf32, #tpu.memory_space<vmem_shared>>) target(%dma_start3A_45 : memref<128x128xf32, #tpu.memory_space<hbm>>) target_semaphore(%run_scoped3A_43 : memref<!tpu.dma_semaphore, #tpu.memory_space<semaphore_mem>>)
          %dma_wait3A = arith.constant 0 : i32
          %dma_wait3A_48 = tpu.memref_slice %arg5[%arg0, %add3A_41, %dma_wait3A] : memref<2x10240x128xf32, #tpu.memory_space<hbm>> -> memref<1x128x128xf32, #tpu.memory_space<hbm>>
          %dma_wait3A_49 = tpu.memref_squeeze %dma_wait3A_48 : memref<1x128x128xf32, #tpu.memory_space<hbm>> -> memref<128x128xf32, #tpu.memory_space<hbm>>
          %dma_wait3A_50 = arith.constant 0 : i32
          %dma_wait3A_51 = tpu.memref_slice %arg6[%add3A_38, %dma_wait3A_50] : memref<10240x128xf32, #tpu.memory_space<vmem_shared>> -> memref<128x128xf32, #tpu.memory_space<vmem_shared>>
          tpu.wait_dma2 semaphore(%run_scoped3A_43 : memref<!tpu.dma_semaphore, #tpu.memory_space<semaphore_mem>>) src(%dma_wait3A_51 : memref<128x128xf32, #tpu.memory_space<vmem_shared>>) dst(%dma_wait3A_49 : memref<128x128xf32, #tpu.memory_space<hbm>>)
          tpu.yield
        }) : () -> ()
        %scan3A_42 = arith.constant 0 : i32
        scf.yield %scan3A_42 : i32
      }
      %scan3A_33 = arith.constant 5 : i32
      tpu.yield
    }) : () -> ()
    return
  }
}

#map = affine_map<(d0, d1) -> (0, 0, 0)>
#map1 = affine_map<(d0, d1) -> (0, 0)>
module attributes {stable_mosaic.version = 14 : i64} {
  func.func @_sc_scatter_body(%arg0: i32, %arg1: i32, %arg2: memref<32x79x128xi32, #tpu.memory_space<hbm>>, %arg3: memref<32x79x128xi32, #tpu.memory_space<hbm>>, %arg4: memref<10000x128xf32, #tpu.memory_space<hbm>>, %arg5: memref<2x10240x128xf32, #tpu.memory_space<hbm>>, %arg6: memref<10240x128xf32, #tpu.memory_space<vmem_shared>>, %arg7: memref<!tpu.dma_semaphore, #tpu.memory_space<semaphore_mem>>) attributes {dimension_semantics = [#tpu.dimension_semantics<core_parallel>, #tpu.dimension_semantics<subcore_parallel>], iteration_bounds = array<i64: 2, 16>, scalar_prefetch = 0 : i64, scratch_operands = 2 : i64, tpu.core_type = #tpu.core_type<sc_vector_subcore>, window_params = [{transform_indices = #map}, {transform_indices = #map}, {transform_indices = #map1}, {transform_indices = #map}]} {
    "tpu.region"() ({
      %run_scoped3A = memref.alloca() : memref<79x128xi32, #tpu.memory_space<vmem>>
      %run_scoped3A_0 = memref.alloca() : memref<79x128xi32, #tpu.memory_space<vmem>>
      %run_scoped3A_1 = memref.alloca() : memref<128x128xf32, #tpu.memory_space<vmem>>
      %mul3A = arith.constant 16 : i32
      %mul3A_2 = arith.muli %arg0, %mul3A : i32
      %add3A = arith.addi %mul3A_2, %arg1 : i32
      "tpu.region"() ({
        %run_scoped3A_34 = tpu.sem_alloc : memref<!tpu.dma_semaphore, #tpu.memory_space<semaphore_mem>>
        %dma_start3A = arith.constant 0 : i32
        %dma_start3A_35 = arith.constant 0 : i32
        %dma_start3A_36 = tpu.memref_slice %arg2[%add3A, %dma_start3A, %dma_start3A_35] : memref<32x79x128xi32, #tpu.memory_space<hbm>> -> memref<1x79x128xi32, #tpu.memory_space<hbm>>
        %dma_start3A_37 = tpu.memref_squeeze %dma_start3A_36 : memref<1x79x128xi32, #tpu.memory_space<hbm>> -> memref<79x128xi32, #tpu.memory_space<hbm>>
        %dma_start3A_38 = arith.constant 0 : i32
        %dma_start3A_39 = arith.constant 0 : i32
        %dma_start3A_40 = tpu.memref_slice %arg2[%add3A, %dma_start3A_38, %dma_start3A_39] : memref<32x79x128xi32, #tpu.memory_space<hbm>> -> memref<1x79x128xi32, #tpu.memory_space<hbm>>
        %dma_start3A_41 = tpu.memref_squeeze %dma_start3A_40 : memref<1x79x128xi32, #tpu.memory_space<hbm>> -> memref<79x128xi32, #tpu.memory_space<hbm>>
        tpu.enqueue_dma source(%dma_start3A_41 : memref<79x128xi32, #tpu.memory_space<hbm>>) target(%run_scoped3A : memref<79x128xi32, #tpu.memory_space<vmem>>) target_semaphore(%run_scoped3A_34 : memref<!tpu.dma_semaphore, #tpu.memory_space<semaphore_mem>>)
        %dma_wait3A = arith.constant 0 : i32
        %dma_wait3A_42 = arith.constant 0 : i32
        %dma_wait3A_43 = tpu.memref_slice %arg2[%add3A, %dma_wait3A, %dma_wait3A_42] : memref<32x79x128xi32, #tpu.memory_space<hbm>> -> memref<1x79x128xi32, #tpu.memory_space<hbm>>
        %dma_wait3A_44 = tpu.memref_squeeze %dma_wait3A_43 : memref<1x79x128xi32, #tpu.memory_space<hbm>> -> memref<79x128xi32, #tpu.memory_space<hbm>>
        %dma_wait3A_45 = arith.constant 0 : i32
        %dma_wait3A_46 = arith.constant 0 : i32
        %dma_wait3A_47 = tpu.memref_slice %arg2[%add3A, %dma_wait3A_45, %dma_wait3A_46] : memref<32x79x128xi32, #tpu.memory_space<hbm>> -> memref<1x79x128xi32, #tpu.memory_space<hbm>>
        %dma_wait3A_48 = tpu.memref_squeeze %dma_wait3A_47 : memref<1x79x128xi32, #tpu.memory_space<hbm>> -> memref<79x128xi32, #tpu.memory_space<hbm>>
        tpu.wait_dma2 semaphore(%run_scoped3A_34 : memref<!tpu.dma_semaphore, #tpu.memory_space<semaphore_mem>>) src(%dma_wait3A_48 : memref<79x128xi32, #tpu.memory_space<hbm>>) dst(%run_scoped3A : memref<79x128xi32, #tpu.memory_space<vmem>>)
        tpu.yield
      }) : () -> ()
      "tpu.region"() ({
        %run_scoped3A_34 = tpu.sem_alloc : memref<!tpu.dma_semaphore, #tpu.memory_space<semaphore_mem>>
        %dma_start3A = arith.constant 0 : i32
        %dma_start3A_35 = arith.constant 0 : i32
        %dma_start3A_36 = tpu.memref_slice %arg3[%add3A, %dma_start3A, %dma_start3A_35] : memref<32x79x128xi32, #tpu.memory_space<hbm>> -> memref<1x79x128xi32, #tpu.memory_space<hbm>>
        %dma_start3A_37 = tpu.memref_squeeze %dma_start3A_36 : memref<1x79x128xi32, #tpu.memory_space<hbm>> -> memref<79x128xi32, #tpu.memory_space<hbm>>
        %dma_start3A_38 = arith.constant 0 : i32
        %dma_start3A_39 = arith.constant 0 : i32
        %dma_start3A_40 = tpu.memref_slice %arg3[%add3A, %dma_start3A_38, %dma_start3A_39] : memref<32x79x128xi32, #tpu.memory_space<hbm>> -> memref<1x79x128xi32, #tpu.memory_space<hbm>>
        %dma_start3A_41 = tpu.memref_squeeze %dma_start3A_40 : memref<1x79x128xi32, #tpu.memory_space<hbm>> -> memref<79x128xi32, #tpu.memory_space<hbm>>
        tpu.enqueue_dma source(%dma_start3A_41 : memref<79x128xi32, #tpu.memory_space<hbm>>) target(%run_scoped3A_0 : memref<79x128xi32, #tpu.memory_space<vmem>>) target_semaphore(%run_scoped3A_34 : memref<!tpu.dma_semaphore, #tpu.memory_space<semaphore_mem>>)
        %dma_wait3A = arith.constant 0 : i32
        %dma_wait3A_42 = arith.constant 0 : i32
        %dma_wait3A_43 = tpu.memref_slice %arg3[%add3A, %dma_wait3A, %dma_wait3A_42] : memref<32x79x128xi32, #tpu.memory_space<hbm>> -> memref<1x79x128xi32, #tpu.memory_space<hbm>>
        %dma_wait3A_44 = tpu.memref_squeeze %dma_wait3A_43 : memref<1x79x128xi32, #tpu.memory_space<hbm>> -> memref<79x128xi32, #tpu.memory_space<hbm>>
        %dma_wait3A_45 = arith.constant 0 : i32
        %dma_wait3A_46 = arith.constant 0 : i32
        %dma_wait3A_47 = tpu.memref_slice %arg3[%add3A, %dma_wait3A_45, %dma_wait3A_46] : memref<32x79x128xi32, #tpu.memory_space<hbm>> -> memref<1x79x128xi32, #tpu.memory_space<hbm>>
        %dma_wait3A_48 = tpu.memref_squeeze %dma_wait3A_47 : memref<1x79x128xi32, #tpu.memory_space<hbm>> -> memref<79x128xi32, #tpu.memory_space<hbm>>
        tpu.wait_dma2 semaphore(%run_scoped3A_34 : memref<!tpu.dma_semaphore, #tpu.memory_space<semaphore_mem>>) src(%dma_wait3A_48 : memref<79x128xi32, #tpu.memory_space<hbm>>) dst(%run_scoped3A_0 : memref<79x128xi32, #tpu.memory_space<vmem>>)
        tpu.yield
      }) : () -> ()
      %broadcast_in_dim3A = arith.constant 0.000000e+00 : f32
      %broadcast_in_dim3A_3 = vector.broadcast %broadcast_in_dim3A : f32 to vector<16xf32>
      %scan3A = arith.constant 0 : i32
      %scan3A_4 = arith.constant 0 : i32
      %scan3A_5 = arith.constant 128 : i32
      %scan3A_6 = arith.addi %scan3A_4, %scan3A_5 : i32
      %scan3A_7 = arith.constant 1 : i32
      %scan3A_8 = scf.for %scan3A_34 = %scan3A_4 to %scan3A_6 step %scan3A_7 iter_args(%scan3A_35 = %scan3A) -> (i32)  : i32 {
        %swap3A = arith.index_cast %scan3A_34 : i32 to index
        %swap3A_36 = arith.constant 0 : index
        %swap3A_37 = tpu.vector_load %run_scoped3A_1[%swap3A, %swap3A_36] {strides = array<i32>} : memref<128x128xf32, #tpu.memory_space<vmem>>, vector<1x16xf32>,
        %swap3A_38 = vector.shape_cast %swap3A_37 : vector<1x16xf32> to vector<16xf32>
        %swap3A_39 = vector.shape_cast %broadcast_in_dim3A_3 : vector<16xf32> to vector<1x16xf32>
        tpu.vector_store %run_scoped3A_1[%swap3A, %swap3A_36], %swap3A_39 {strides = array<i32>} : memref<128x128xf32, #tpu.memory_space<vmem>>, vector<1x16xf32>,
        %swap3A_40 = arith.index_cast %scan3A_34 : i32 to index
        %swap3A_41 = arith.constant 16 : index
        %swap3A_42 = tpu.vector_load %run_scoped3A_1[%swap3A_40, %swap3A_41] {strides = array<i32>} : memref<128x128xf32, #tpu.memory_space<vmem>>, vector<1x16xf32>,
        %swap3A_43 = vector.shape_cast %swap3A_42 : vector<1x16xf32> to vector<16xf32>
        %swap3A_44 = vector.shape_cast %broadcast_in_dim3A_3 : vector<16xf32> to vector<1x16xf32>
        tpu.vector_store %run_scoped3A_1[%swap3A_40, %swap3A_41], %swap3A_44 {strides = array<i32>} : memref<128x128xf32, #tpu.memory_space<vmem>>, vector<1x16xf32>,
        %swap3A_45 = arith.index_cast %scan3A_34 : i32 to index
        %swap3A_46 = arith.constant 32 : index
        %swap3A_47 = tpu.vector_load %run_scoped3A_1[%swap3A_45, %swap3A_46] {strides = array<i32>} : memref<128x128xf32, #tpu.memory_space<vmem>>, vector<1x16xf32>,
        %swap3A_48 = vector.shape_cast %swap3A_47 : vector<1x16xf32> to vector<16xf32>
        %swap3A_49 = vector.shape_cast %broadcast_in_dim3A_3 : vector<16xf32> to vector<1x16xf32>
        tpu.vector_store %run_scoped3A_1[%swap3A_45, %swap3A_46], %swap3A_49 {strides = array<i32>} : memref<128x128xf32, #tpu.memory_space<vmem>>, vector<1x16xf32>,
        %swap3A_50 = arith.index_cast %scan3A_34 : i32 to index
        %swap3A_51 = arith.constant 48 : index
        %swap3A_52 = tpu.vector_load %run_scoped3A_1[%swap3A_50, %swap3A_51] {strides = array<i32>} : memref<128x128xf32, #tpu.memory_space<vmem>>, vector<1x16xf32>,
        %swap3A_53 = vector.shape_cast %swap3A_52 : vector<1x16xf32> to vector<16xf32>
        %swap3A_54 = vector.shape_cast %broadcast_in_dim3A_3 : vector<16xf32> to vector<1x16xf32>
        tpu.vector_store %run_scoped3A_1[%swap3A_50, %swap3A_51], %swap3A_54 {strides = array<i32>} : memref<128x128xf32, #tpu.memory_space<vmem>>, vector<1x16xf32>,
        %swap3A_55 = arith.index_cast %scan3A_34 : i32 to index
        %swap3A_56 = arith.constant 64 : index
        %swap3A_57 = tpu.vector_load %run_scoped3A_1[%swap3A_55, %swap3A_56] {strides = array<i32>} : memref<128x128xf32, #tpu.memory_space<vmem>>, vector<1x16xf32>,
        %swap3A_58 = vector.shape_cast %swap3A_57 : vector<1x16xf32> to vector<16xf32>
        %swap3A_59 = vector.shape_cast %broadcast_in_dim3A_3 : vector<16xf32> to vector<1x16xf32>
        tpu.vector_store %run_scoped3A_1[%swap3A_55, %swap3A_56], %swap3A_59 {strides = array<i32>} : memref<128x128xf32, #tpu.memory_space<vmem>>, vector<1x16xf32>,
        %swap3A_60 = arith.index_cast %scan3A_34 : i32 to index
        %swap3A_61 = arith.constant 80 : index
        %swap3A_62 = tpu.vector_load %run_scoped3A_1[%swap3A_60, %swap3A_61] {strides = array<i32>} : memref<128x128xf32, #tpu.memory_space<vmem>>, vector<1x16xf32>,
        %swap3A_63 = vector.shape_cast %swap3A_62 : vector<1x16xf32> to vector<16xf32>
        %swap3A_64 = vector.shape_cast %broadcast_in_dim3A_3 : vector<16xf32> to vector<1x16xf32>
        tpu.vector_store %run_scoped3A_1[%swap3A_60, %swap3A_61], %swap3A_64 {strides = array<i32>} : memref<128x128xf32, #tpu.memory_space<vmem>>, vector<1x16xf32>,
        %swap3A_65 = arith.index_cast %scan3A_34 : i32 to index
        %swap3A_66 = arith.constant 96 : index
        %swap3A_67 = tpu.vector_load %run_scoped3A_1[%swap3A_65, %swap3A_66] {strides = array<i32>} : memref<128x128xf32, #tpu.memory_space<vmem>>, vector<1x16xf32>,
        %swap3A_68 = vector.shape_cast %swap3A_67 : vector<1x16xf32> to vector<16xf32>
        %swap3A_69 = vector.shape_cast %broadcast_in_dim3A_3 : vector<16xf32> to vector<1x16xf32>
        tpu.vector_store %run_scoped3A_1[%swap3A_65, %swap3A_66], %swap3A_69 {strides = array<i32>} : memref<128x128xf32, #tpu.memory_space<vmem>>, vector<1x16xf32>,
        %swap3A_70 = arith.index_cast %scan3A_34 : i32 to index
        %swap3A_71 = arith.constant 112 : index
        %swap3A_72 = tpu.vector_load %run_scoped3A_1[%swap3A_70, %swap3A_71] {strides = array<i32>} : memref<128x128xf32, #tpu.memory_space<vmem>>, vector<1x16xf32>,
        %swap3A_73 = vector.shape_cast %swap3A_72 : vector<1x16xf32> to vector<16xf32>
        %swap3A_74 = vector.shape_cast %broadcast_in_dim3A_3 : vector<16xf32> to vector<1x16xf32>
        tpu.vector_store %run_scoped3A_1[%swap3A_70, %swap3A_71], %swap3A_74 {strides = array<i32>} : memref<128x128xf32, #tpu.memory_space<vmem>>, vector<1x16xf32>,
        %scan3A_75 = arith.constant 0 : i32
        scf.yield %scan3A_75 : i32
      }
      %scan3A_9 = arith.constant 128 : i32
      %mul3A_10 = arith.constant 640 : i32
      %mul3A_11 = arith.muli %arg1, %mul3A_10 : i32
      %scan3A_12 = arith.constant 0 : i32
      %scan3A_13 = arith.constant 0 : i32
      %scan3A_14 = arith.constant 5 : i32
      %scan3A_15 = arith.addi %scan3A_13, %scan3A_14 : i32
      %scan3A_16 = arith.constant 1 : i32
      %scan3A_17 = scf.for %scan3A_34 = %scan3A_13 to %scan3A_15 step %scan3A_16 iter_args(%scan3A_35 = %scan3A_12) -> (i32)  : i32 {
        %mul3A_36 = arith.constant 128 : i32
        %mul3A_37 = arith.muli %scan3A_34, %mul3A_36 : i32
        %add3A_38 = arith.addi %mul3A_11, %mul3A_37 : i32
        "tpu.region"() ({
          %run_scoped3A_40 = tpu.sem_alloc : memref<!tpu.dma_semaphore, #tpu.memory_space<semaphore_mem>>
          %dma_start3A = arith.constant 0 : i32
          %dma_start3A_41 = tpu.memref_slice %arg6[%add3A_38, %dma_start3A] : memref<10240x128xf32, #tpu.memory_space<vmem_shared>> -> memref<128x128xf32, #tpu.memory_space<vmem_shared>>
          %dma_start3A_42 = arith.constant 0 : i32
          %dma_start3A_43 = tpu.memref_slice %arg6[%add3A_38, %dma_start3A_42] : memref<10240x128xf32, #tpu.memory_space<vmem_shared>> -> memref<128x128xf32, #tpu.memory_space<vmem_shared>>
          tpu.enqueue_dma source(%run_scoped3A_1 : memref<128x128xf32, #tpu.memory_space<vmem>>) target(%dma_start3A_43 : memref<128x128xf32, #tpu.memory_space<vmem_shared>>) target_semaphore(%run_scoped3A_40 : memref<!tpu.dma_semaphore, #tpu.memory_space<semaphore_mem>>)
          %dma_wait3A = arith.constant 0 : i32
          %dma_wait3A_44 = tpu.memref_slice %arg6[%add3A_38, %dma_wait3A] : memref<10240x128xf32, #tpu.memory_space<vmem_shared>> -> memref<128x128xf32, #tpu.memory_space<vmem_shared>>
          %dma_wait3A_45 = arith.constant 0 : i32
          %dma_wait3A_46 = tpu.memref_slice %arg6[%add3A_38, %dma_wait3A_45] : memref<10240x128xf32, #tpu.memory_space<vmem_shared>> -> memref<128x128xf32, #tpu.memory_space<vmem_shared>>
          tpu.wait_dma2 semaphore(%run_scoped3A_40 : memref<!tpu.dma_semaphore, #tpu.memory_space<semaphore_mem>>) src(%run_scoped3A_1 : memref<128x128xf32, #tpu.memory_space<vmem>>) dst(%dma_wait3A_46 : memref<128x128xf32, #tpu.memory_space<vmem_shared>>)
          tpu.yield
        }) : () -> ()
        %scan3A_39 = arith.constant 0 : i32
        scf.yield %scan3A_39 : i32
      }
      %scan3A_18 = arith.constant 5 : i32
      %barrier3A = arith.constant 0 : index
      tpu.barrier barrier_id(%barrier3A)
      %scan3A_19 = arith.constant 0 : i32
      %scan3A_20 = arith.constant 0 : i32
      %scan3A_21 = arith.constant 79 : i32
      %scan3A_22 = arith.addi %scan3A_20, %scan3A_21 : i32
      %scan3A_23 = arith.constant 1 : i32
      %scan3A_24 = scf.for %scan3A_34 = %scan3A_20 to %scan3A_22 step %scan3A_23 iter_args(%scan3A_35 = %scan3A_19) -> (i32)  : i32 {
        %dma_start3A = arith.constant 0 : i32
        %dma_start3A_36 = tpu.memref_slice %run_scoped3A[%scan3A_34, %dma_start3A] : memref<79x128xi32, #tpu.memory_space<vmem>> -> memref<1x128xi32, #tpu.memory_space<vmem>>
        %dma_start3A_37 = tpu.memref_squeeze %dma_start3A_36 : memref<1x128xi32, #tpu.memory_space<vmem>> -> memref<128xi32, #tpu.memory_space<vmem>>
        %dma_start3A_38 = arith.constant 0 : i32
        %dma_start3A_39 = arith.constant 0 : i32
        %dma_start3A_40 = tpu.memref_slice %arg4[%dma_start3A_38, %dma_start3A_39] : memref<10000x128xf32, #tpu.memory_space<hbm>> -> memref<10000x128xf32, #tpu.memory_space<hbm>>
        tpu.enqueue_indirect_dma source(%dma_start3A_40 : memref<10000x128xf32, #tpu.memory_space<hbm>>) target(%run_scoped3A_1 : memref<128x128xf32, #tpu.memory_space<vmem>>) offsets(%dma_start3A_37 : memref<128xi32, #tpu.memory_space<vmem>>) semaphore(%arg7 : memref<!tpu.dma_semaphore, #tpu.memory_space<semaphore_mem>>)
        %dma_wait3A = arith.constant 0 : i32
        %dma_wait3A_41 = tpu.memref_slice %run_scoped3A[%scan3A_34, %dma_wait3A] : memref<79x128xi32, #tpu.memory_space<vmem>> -> memref<1x128xi32, #tpu.memory_space<vmem>>
        %dma_wait3A_42 = tpu.memref_squeeze %dma_wait3A_41 : memref<1x128xi32, #tpu.memory_space<vmem>> -> memref<128xi32, #tpu.memory_space<vmem>>
        %dma_wait3A_43 = arith.constant 0 : i32
        %dma_wait3A_44 = arith.constant 0 : i32
        %dma_wait3A_45 = tpu.memref_slice %arg4[%dma_wait3A_43, %dma_wait3A_44] : memref<10000x128xf32, #tpu.memory_space<hbm>> -> memref<10000x128xf32, #tpu.memory_space<hbm>>
        tpu.wait_indirect_dma semaphore(%arg7 : memref<!tpu.dma_semaphore, #tpu.memory_space<semaphore_mem>>) src(%dma_wait3A_45 : memref<10000x128xf32, #tpu.memory_space<hbm>>) dst(%run_scoped3A_1 : memref<128x128xf32, #tpu.memory_space<vmem>>)
        "tpu.region"() ({
          %run_scoped3A_47 = tpu.sem_alloc : memref<!tpu.dma_semaphore, #tpu.memory_space<semaphore_mem>>
          %dma_start3A_48 = arith.constant 0 : i32
          %dma_start3A_49 = tpu.memref_slice %run_scoped3A_0[%scan3A_34, %dma_start3A_48] : memref<79x128xi32, #tpu.memory_space<vmem>> -> memref<1x128xi32, #tpu.memory_space<vmem>>
          %dma_start3A_50 = tpu.memref_squeeze %dma_start3A_49 : memref<1x128xi32, #tpu.memory_space<vmem>> -> memref<128xi32, #tpu.memory_space<vmem>>
          %dma_start3A_51 = arith.constant 0 : i32
          %dma_start3A_52 = arith.constant 0 : i32
          %dma_start3A_53 = tpu.memref_slice %arg6[%dma_start3A_51, %dma_start3A_52] : memref<10240x128xf32, #tpu.memory_space<vmem_shared>> -> memref<10240x128xf32, #tpu.memory_space<vmem_shared>>
          tpu.enqueue_indirect_dma source(%run_scoped3A_1 : memref<128x128xf32, #tpu.memory_space<vmem>>) target(%dma_start3A_53 : memref<10240x128xf32, #tpu.memory_space<vmem_shared>>) offsets(%dma_start3A_50 : memref<128xi32, #tpu.memory_space<vmem>>) semaphore(%run_scoped3A_47 : memref<!tpu.dma_semaphore, #tpu.memory_space<semaphore_mem>>) {add = true}
          %dma_wait3A_54 = arith.constant 0 : i32
          %dma_wait3A_55 = tpu.memref_slice %run_scoped3A_0[%scan3A_34, %dma_wait3A_54] : memref<79x128xi32, #tpu.memory_space<vmem>> -> memref<1x128xi32, #tpu.memory_space<vmem>>
          %dma_wait3A_56 = tpu.memref_squeeze %dma_wait3A_55 : memref<1x128xi32, #tpu.memory_space<vmem>> -> memref<128xi32, #tpu.memory_space<vmem>>
          %dma_wait3A_57 = arith.constant 0 : i32
          %dma_wait3A_58 = arith.constant 0 : i32
          %dma_wait3A_59 = tpu.memref_slice %arg6[%dma_wait3A_57, %dma_wait3A_58] : memref<10240x128xf32, #tpu.memory_space<vmem_shared>> -> memref<10240x128xf32, #tpu.memory_space<vmem_shared>>
          tpu.wait_indirect_dma semaphore(%run_scoped3A_47 : memref<!tpu.dma_semaphore, #tpu.memory_space<semaphore_mem>>) src(%run_scoped3A_1 : memref<128x128xf32, #tpu.memory_space<vmem>>) dst(%dma_wait3A_59 : memref<10240x128xf32, #tpu.memory_space<vmem_shared>>)
          tpu.yield
        }) : () -> ()
        %scan3A_46 = arith.constant 0 : i32
        scf.yield %scan3A_46 : i32
      }
      %scan3A_25 = arith.constant 79 : i32
      %barrier3A_26 = arith.constant 0 : index
      tpu.barrier barrier_id(%barrier3A_26)
      %scan3A_27 = arith.constant 0 : i32
      %scan3A_28 = arith.constant 0 : i32
      %scan3A_29 = arith.constant 5 : i32
      %scan3A_30 = arith.addi %scan3A_28, %scan3A_29 : i32
      %scan3A_31 = arith.constant 1 : i32
      %scan3A_32 = scf.for %scan3A_34 = %scan3A_28 to %scan3A_30 step %scan3A_31 iter_args(%scan3A_35 = %scan3A_27) -> (i32)  : i32 {
        %mul3A_36 = arith.constant 128 : i32
        %mul3A_37 = arith.muli %scan3A_34, %mul3A_36 : i32
        %add3A_38 = arith.addi %mul3A_11, %mul3A_37 : i32
        %mul3A_39 = arith.constant 128 : i32
        %mul3A_40 = arith.muli %scan3A_34, %mul3A_39 : i32
        %add3A_41 = arith.addi %mul3A_11, %mul3A_40 : i32
        "tpu.region"() ({
          %run_scoped3A_43 = tpu.sem_alloc : memref<!tpu.dma_semaphore, #tpu.memory_space<semaphore_mem>>
          %dma_start3A = arith.constant 0 : i32
          %dma_start3A_44 = tpu.memref_slice %arg5[%arg0, %add3A_41, %dma_start3A] : memref<2x10240x128xf32, #tpu.memory_space<hbm>> -> memref<1x128x128xf32, #tpu.memory_space<hbm>>
          %dma_start3A_45 = tpu.memref_squeeze %dma_start3A_44 : memref<1x128x128xf32, #tpu.memory_space<hbm>> -> memref<128x128xf32, #tpu.memory_space<hbm>>
          %dma_start3A_46 = arith.constant 0 : i32
          %dma_start3A_47 = tpu.memref_slice %arg6[%add3A_38, %dma_start3A_46] : memref<10240x128xf32, #tpu.memory_space<vmem_shared>> -> memref<128x128xf32, #tpu.memory_space<vmem_shared>>
          tpu.enqueue_dma source(%dma_start3A_47 : memref<128x128xf32, #tpu.memory_space<vmem_shared>>) target(%dma_start3A_45 : memref<128x128xf32, #tpu.memory_space<hbm>>) target_semaphore(%run_scoped3A_43 : memref<!tpu.dma_semaphore, #tpu.memory_space<semaphore_mem>>)
          %dma_wait3A = arith.constant 0 : i32
          %dma_wait3A_48 = tpu.memref_slice %arg5[%arg0, %add3A_41, %dma_wait3A] : memref<2x10240x128xf32, #tpu.memory_space<hbm>> -> memref<1x128x128xf32, #tpu.memory_space<hbm>>
          %dma_wait3A_49 = tpu.memref_squeeze %dma_wait3A_48 : memref<1x128x128xf32, #tpu.memory_space<hbm>> -> memref<128x128xf32, #tpu.memory_space<hbm>>
          %dma_wait3A_50 = arith.constant 0 : i32
          %dma_wait3A_51 = tpu.memref_slice %arg6[%add3A_38, %dma_wait3A_50] : memref<10240x128xf32, #tpu.memory_space<vmem_shared>> -> memref<128x128xf32, #tpu.memory_space<vmem_shared>>
          tpu.wait_dma2 semaphore(%run_scoped3A_43 : memref<!tpu.dma_semaphore, #tpu.memory_space<semaphore_mem>>) src(%dma_wait3A_51 : memref<128x128xf32, #tpu.memory_space<vmem_shared>>) dst(%dma_wait3A_49 : memref<128x128xf32, #tpu.memory_space<hbm>>)
          tpu.yield
        }) : () -> ()
        %scan3A_42 = arith.constant 0 : i32
        scf.yield %scan3A_42 : i32
      }
      %scan3A_33 = arith.constant 5 : i32
      tpu.yield
    }) : () -> ()
    return
  }
}

#map = affine_map<(d0, d1) -> (0, 0, 0)>
#map1 = affine_map<(d0, d1) -> (0, 0)>
module attributes {stable_mosaic.version = 14 : i64} {
  func.func @_sc_scatter_body(%arg0: i32, %arg1: i32, %arg2: memref<32x79x128xi32, #tpu.memory_space<hbm>>, %arg3: memref<32x79x128xi32, #tpu.memory_space<hbm>>, %arg4: memref<10000x128xf32, #tpu.memory_space<hbm>>, %arg5: memref<2x10240x128xf32, #tpu.memory_space<hbm>>, %arg6: memref<10240x128xf32, #tpu.memory_space<vmem_shared>>, %arg7: memref<!tpu.dma_semaphore, #tpu.memory_space<semaphore_mem>>) attributes {dimension_semantics = [#tpu.dimension_semantics<core_parallel>, #tpu.dimension_semantics<subcore_parallel>], iteration_bounds = array<i64: 2, 16>, scalar_prefetch = 0 : i64, scratch_operands = 2 : i64, tpu.core_type = #tpu.core_type<sc_vector_subcore>, window_params = [{transform_indices = #map}, {transform_indices = #map}, {transform_indices = #map1}, {transform_indices = #map}]} {
    "tpu.region"() ({
      %run_scoped3A = memref.alloca() : memref<79x128xi32, #tpu.memory_space<vmem>>
      %run_scoped3A_0 = memref.alloca() : memref<79x128xi32, #tpu.memory_space<vmem>>
      %run_scoped3A_1 = memref.alloca() : memref<128x128xf32, #tpu.memory_space<vmem>>
      %mul3A = arith.constant 16 : i32
      %mul3A_2 = arith.muli %arg0, %mul3A : i32
      %add3A = arith.addi %mul3A_2, %arg1 : i32
      "tpu.region"() ({
        %run_scoped3A_34 = tpu.sem_alloc : memref<!tpu.dma_semaphore, #tpu.memory_space<semaphore_mem>>
        %dma_start3A = arith.constant 0 : i32
        %dma_start3A_35 = arith.constant 0 : i32
        %dma_start3A_36 = tpu.memref_slice %arg2[%add3A, %dma_start3A, %dma_start3A_35] : memref<32x79x128xi32, #tpu.memory_space<hbm>> -> memref<1x79x128xi32, #tpu.memory_space<hbm>>
        %dma_start3A_37 = tpu.memref_squeeze %dma_start3A_36 : memref<1x79x128xi32, #tpu.memory_space<hbm>> -> memref<79x128xi32, #tpu.memory_space<hbm>>
        %dma_start3A_38 = arith.constant 0 : i32
        %dma_start3A_39 = arith.constant 0 : i32
        %dma_start3A_40 = tpu.memref_slice %arg2[%add3A, %dma_start3A_38, %dma_start3A_39] : memref<32x79x128xi32, #tpu.memory_space<hbm>> -> memref<1x79x128xi32, #tpu.memory_space<hbm>>
        %dma_start3A_41 = tpu.memref_squeeze %dma_start3A_40 : memref<1x79x128xi32, #tpu.memory_space<hbm>> -> memref<79x128xi32, #tpu.memory_space<hbm>>
        tpu.enqueue_dma source(%dma_start3A_41 : memref<79x128xi32, #tpu.memory_space<hbm>>) target(%run_scoped3A : memref<79x128xi32, #tpu.memory_space<vmem>>) target_semaphore(%run_scoped3A_34 : memref<!tpu.dma_semaphore, #tpu.memory_space<semaphore_mem>>)
        %dma_wait3A = arith.constant 0 : i32
        %dma_wait3A_42 = arith.constant 0 : i32
        %dma_wait3A_43 = tpu.memref_slice %arg2[%add3A, %dma_wait3A, %dma_wait3A_42] : memref<32x79x128xi32, #tpu.memory_space<hbm>> -> memref<1x79x128xi32, #tpu.memory_space<hbm>>
        %dma_wait3A_44 = tpu.memref_squeeze %dma_wait3A_43 : memref<1x79x128xi32, #tpu.memory_space<hbm>> -> memref<79x128xi32, #tpu.memory_space<hbm>>
        %dma_wait3A_45 = arith.constant 0 : i32
        %dma_wait3A_46 = arith.constant 0 : i32
        %dma_wait3A_47 = tpu.memref_slice %arg2[%add3A, %dma_wait3A_45, %dma_wait3A_46] : memref<32x79x128xi32, #tpu.memory_space<hbm>> -> memref<1x79x128xi32, #tpu.memory_space<hbm>>
        %dma_wait3A_48 = tpu.memref_squeeze %dma_wait3A_47 : memref<1x79x128xi32, #tpu.memory_space<hbm>> -> memref<79x128xi32, #tpu.memory_space<hbm>>
        tpu.wait_dma2 semaphore(%run_scoped3A_34 : memref<!tpu.dma_semaphore, #tpu.memory_space<semaphore_mem>>) src(%dma_wait3A_48 : memref<79x128xi32, #tpu.memory_space<hbm>>) dst(%run_scoped3A : memref<79x128xi32, #tpu.memory_space<vmem>>)
        tpu.yield
      }) : () -> ()
      "tpu.region"() ({
        %run_scoped3A_34 = tpu.sem_alloc : memref<!tpu.dma_semaphore, #tpu.memory_space<semaphore_mem>>
        %dma_start3A = arith.constant 0 : i32
        %dma_start3A_35 = arith.constant 0 : i32
        %dma_start3A_36 = tpu.memref_slice %arg3[%add3A, %dma_start3A, %dma_start3A_35] : memref<32x79x128xi32, #tpu.memory_space<hbm>> -> memref<1x79x128xi32, #tpu.memory_space<hbm>>
        %dma_start3A_37 = tpu.memref_squeeze %dma_start3A_36 : memref<1x79x128xi32, #tpu.memory_space<hbm>> -> memref<79x128xi32, #tpu.memory_space<hbm>>
        %dma_start3A_38 = arith.constant 0 : i32
        %dma_start3A_39 = arith.constant 0 : i32
        %dma_start3A_40 = tpu.memref_slice %arg3[%add3A, %dma_start3A_38, %dma_start3A_39] : memref<32x79x128xi32, #tpu.memory_space<hbm>> -> memref<1x79x128xi32, #tpu.memory_space<hbm>>
        %dma_start3A_41 = tpu.memref_squeeze %dma_start3A_40 : memref<1x79x128xi32, #tpu.memory_space<hbm>> -> memref<79x128xi32, #tpu.memory_space<hbm>>
        tpu.enqueue_dma source(%dma_start3A_41 : memref<79x128xi32, #tpu.memory_space<hbm>>) target(%run_scoped3A_0 : memref<79x128xi32, #tpu.memory_space<vmem>>) target_semaphore(%run_scoped3A_34 : memref<!tpu.dma_semaphore, #tpu.memory_space<semaphore_mem>>)
        %dma_wait3A = arith.constant 0 : i32
        %dma_wait3A_42 = arith.constant 0 : i32
        %dma_wait3A_43 = tpu.memref_slice %arg3[%add3A, %dma_wait3A, %dma_wait3A_42] : memref<32x79x128xi32, #tpu.memory_space<hbm>> -> memref<1x79x128xi32, #tpu.memory_space<hbm>>
        %dma_wait3A_44 = tpu.memref_squeeze %dma_wait3A_43 : memref<1x79x128xi32, #tpu.memory_space<hbm>> -> memref<79x128xi32, #tpu.memory_space<hbm>>
        %dma_wait3A_45 = arith.constant 0 : i32
        %dma_wait3A_46 = arith.constant 0 : i32
        %dma_wait3A_47 = tpu.memref_slice %arg3[%add3A, %dma_wait3A_45, %dma_wait3A_46] : memref<32x79x128xi32, #tpu.memory_space<hbm>> -> memref<1x79x128xi32, #tpu.memory_space<hbm>>
        %dma_wait3A_48 = tpu.memref_squeeze %dma_wait3A_47 : memref<1x79x128xi32, #tpu.memory_space<hbm>> -> memref<79x128xi32, #tpu.memory_space<hbm>>
        tpu.wait_dma2 semaphore(%run_scoped3A_34 : memref<!tpu.dma_semaphore, #tpu.memory_space<semaphore_mem>>) src(%dma_wait3A_48 : memref<79x128xi32, #tpu.memory_space<hbm>>) dst(%run_scoped3A_0 : memref<79x128xi32, #tpu.memory_space<vmem>>)
        tpu.yield
      }) : () -> ()
      %broadcast_in_dim3A = arith.constant 0.000000e+00 : f32
      %broadcast_in_dim3A_3 = vector.broadcast %broadcast_in_dim3A : f32 to vector<16xf32>
      %scan3A = arith.constant 0 : i32
      %scan3A_4 = arith.constant 0 : i32
      %scan3A_5 = arith.constant 128 : i32
      %scan3A_6 = arith.addi %scan3A_4, %scan3A_5 : i32
      %scan3A_7 = arith.constant 1 : i32
      %scan3A_8 = scf.for %scan3A_34 = %scan3A_4 to %scan3A_6 step %scan3A_7 iter_args(%scan3A_35 = %scan3A) -> (i32)  : i32 {
        %swap3A = arith.index_cast %scan3A_34 : i32 to index
        %swap3A_36 = arith.constant 0 : index
        %swap3A_37 = tpu.vector_load %run_scoped3A_1[%swap3A, %swap3A_36] {strides = array<i32>} : memref<128x128xf32, #tpu.memory_space<vmem>>, vector<1x16xf32>,
        %swap3A_38 = vector.shape_cast %swap3A_37 : vector<1x16xf32> to vector<16xf32>
        %swap3A_39 = vector.shape_cast %broadcast_in_dim3A_3 : vector<16xf32> to vector<1x16xf32>
        tpu.vector_store %run_scoped3A_1[%swap3A, %swap3A_36], %swap3A_39 {strides = array<i32>} : memref<128x128xf32, #tpu.memory_space<vmem>>, vector<1x16xf32>,
        %swap3A_40 = arith.index_cast %scan3A_34 : i32 to index
        %swap3A_41 = arith.constant 16 : index
        %swap3A_42 = tpu.vector_load %run_scoped3A_1[%swap3A_40, %swap3A_41] {strides = array<i32>} : memref<128x128xf32, #tpu.memory_space<vmem>>, vector<1x16xf32>,
        %swap3A_43 = vector.shape_cast %swap3A_42 : vector<1x16xf32> to vector<16xf32>
        %swap3A_44 = vector.shape_cast %broadcast_in_dim3A_3 : vector<16xf32> to vector<1x16xf32>
        tpu.vector_store %run_scoped3A_1[%swap3A_40, %swap3A_41], %swap3A_44 {strides = array<i32>} : memref<128x128xf32, #tpu.memory_space<vmem>>, vector<1x16xf32>,
        %swap3A_45 = arith.index_cast %scan3A_34 : i32 to index
        %swap3A_46 = arith.constant 32 : index
        %swap3A_47 = tpu.vector_load %run_scoped3A_1[%swap3A_45, %swap3A_46] {strides = array<i32>} : memref<128x128xf32, #tpu.memory_space<vmem>>, vector<1x16xf32>,
        %swap3A_48 = vector.shape_cast %swap3A_47 : vector<1x16xf32> to vector<16xf32>
        %swap3A_49 = vector.shape_cast %broadcast_in_dim3A_3 : vector<16xf32> to vector<1x16xf32>
        tpu.vector_store %run_scoped3A_1[%swap3A_45, %swap3A_46], %swap3A_49 {strides = array<i32>} : memref<128x128xf32, #tpu.memory_space<vmem>>, vector<1x16xf32>,
        %swap3A_50 = arith.index_cast %scan3A_34 : i32 to index
        %swap3A_51 = arith.constant 48 : index
        %swap3A_52 = tpu.vector_load %run_scoped3A_1[%swap3A_50, %swap3A_51] {strides = array<i32>} : memref<128x128xf32, #tpu.memory_space<vmem>>, vector<1x16xf32>,
        %swap3A_53 = vector.shape_cast %swap3A_52 : vector<1x16xf32> to vector<16xf32>
        %swap3A_54 = vector.shape_cast %broadcast_in_dim3A_3 : vector<16xf32> to vector<1x16xf32>
        tpu.vector_store %run_scoped3A_1[%swap3A_50, %swap3A_51], %swap3A_54 {strides = array<i32>} : memref<128x128xf32, #tpu.memory_space<vmem>>, vector<1x16xf32>,
        %swap3A_55 = arith.index_cast %scan3A_34 : i32 to index
        %swap3A_56 = arith.constant 64 : index
        %swap3A_57 = tpu.vector_load %run_scoped3A_1[%swap3A_55, %swap3A_56] {strides = array<i32>} : memref<128x128xf32, #tpu.memory_space<vmem>>, vector<1x16xf32>,
        %swap3A_58 = vector.shape_cast %swap3A_57 : vector<1x16xf32> to vector<16xf32>
        %swap3A_59 = vector.shape_cast %broadcast_in_dim3A_3 : vector<16xf32> to vector<1x16xf32>
        tpu.vector_store %run_scoped3A_1[%swap3A_55, %swap3A_56], %swap3A_59 {strides = array<i32>} : memref<128x128xf32, #tpu.memory_space<vmem>>, vector<1x16xf32>,
        %swap3A_60 = arith.index_cast %scan3A_34 : i32 to index
        %swap3A_61 = arith.constant 80 : index
        %swap3A_62 = tpu.vector_load %run_scoped3A_1[%swap3A_60, %swap3A_61] {strides = array<i32>} : memref<128x128xf32, #tpu.memory_space<vmem>>, vector<1x16xf32>,
        %swap3A_63 = vector.shape_cast %swap3A_62 : vector<1x16xf32> to vector<16xf32>
        %swap3A_64 = vector.shape_cast %broadcast_in_dim3A_3 : vector<16xf32> to vector<1x16xf32>
        tpu.vector_store %run_scoped3A_1[%swap3A_60, %swap3A_61], %swap3A_64 {strides = array<i32>} : memref<128x128xf32, #tpu.memory_space<vmem>>, vector<1x16xf32>,
        %swap3A_65 = arith.index_cast %scan3A_34 : i32 to index
        %swap3A_66 = arith.constant 96 : index
        %swap3A_67 = tpu.vector_load %run_scoped3A_1[%swap3A_65, %swap3A_66] {strides = array<i32>} : memref<128x128xf32, #tpu.memory_space<vmem>>, vector<1x16xf32>,
        %swap3A_68 = vector.shape_cast %swap3A_67 : vector<1x16xf32> to vector<16xf32>
        %swap3A_69 = vector.shape_cast %broadcast_in_dim3A_3 : vector<16xf32> to vector<1x16xf32>
        tpu.vector_store %run_scoped3A_1[%swap3A_65, %swap3A_66], %swap3A_69 {strides = array<i32>} : memref<128x128xf32, #tpu.memory_space<vmem>>, vector<1x16xf32>,
        %swap3A_70 = arith.index_cast %scan3A_34 : i32 to index
        %swap3A_71 = arith.constant 112 : index
        %swap3A_72 = tpu.vector_load %run_scoped3A_1[%swap3A_70, %swap3A_71] {strides = array<i32>} : memref<128x128xf32, #tpu.memory_space<vmem>>, vector<1x16xf32>,
        %swap3A_73 = vector.shape_cast %swap3A_72 : vector<1x16xf32> to vector<16xf32>
        %swap3A_74 = vector.shape_cast %broadcast_in_dim3A_3 : vector<16xf32> to vector<1x16xf32>
        tpu.vector_store %run_scoped3A_1[%swap3A_70, %swap3A_71], %swap3A_74 {strides = array<i32>} : memref<128x128xf32, #tpu.memory_space<vmem>>, vector<1x16xf32>,
        %scan3A_75 = arith.constant 0 : i32
        scf.yield %scan3A_75 : i32
      }
      %scan3A_9 = arith.constant 128 : i32
      %mul3A_10 = arith.constant 640 : i32
      %mul3A_11 = arith.muli %arg1, %mul3A_10 : i32
      %scan3A_12 = arith.constant 0 : i32
      %scan3A_13 = arith.constant 0 : i32
      %scan3A_14 = arith.constant 5 : i32
      %scan3A_15 = arith.addi %scan3A_13, %scan3A_14 : i32
      %scan3A_16 = arith.constant 1 : i32
      %scan3A_17 = scf.for %scan3A_34 = %scan3A_13 to %scan3A_15 step %scan3A_16 iter_args(%scan3A_35 = %scan3A_12) -> (i32)  : i32 {
        %mul3A_36 = arith.constant 128 : i32
        %mul3A_37 = arith.muli %scan3A_34, %mul3A_36 : i32
        %add3A_38 = arith.addi %mul3A_11, %mul3A_37 : i32
        "tpu.region"() ({
          %run_scoped3A_40 = tpu.sem_alloc : memref<!tpu.dma_semaphore, #tpu.memory_space<semaphore_mem>>
          %dma_start3A = arith.constant 0 : i32
          %dma_start3A_41 = tpu.memref_slice %arg6[%add3A_38, %dma_start3A] : memref<10240x128xf32, #tpu.memory_space<vmem_shared>> -> memref<128x128xf32, #tpu.memory_space<vmem_shared>>
          %dma_start3A_42 = arith.constant 0 : i32
          %dma_start3A_43 = tpu.memref_slice %arg6[%add3A_38, %dma_start3A_42] : memref<10240x128xf32, #tpu.memory_space<vmem_shared>> -> memref<128x128xf32, #tpu.memory_space<vmem_shared>>
          tpu.enqueue_dma source(%run_scoped3A_1 : memref<128x128xf32, #tpu.memory_space<vmem>>) target(%dma_start3A_43 : memref<128x128xf32, #tpu.memory_space<vmem_shared>>) target_semaphore(%run_scoped3A_40 : memref<!tpu.dma_semaphore, #tpu.memory_space<semaphore_mem>>)
          %dma_wait3A = arith.constant 0 : i32
          %dma_wait3A_44 = tpu.memref_slice %arg6[%add3A_38, %dma_wait3A] : memref<10240x128xf32, #tpu.memory_space<vmem_shared>> -> memref<128x128xf32, #tpu.memory_space<vmem_shared>>
          %dma_wait3A_45 = arith.constant 0 : i32
          %dma_wait3A_46 = tpu.memref_slice %arg6[%add3A_38, %dma_wait3A_45] : memref<10240x128xf32, #tpu.memory_space<vmem_shared>> -> memref<128x128xf32, #tpu.memory_space<vmem_shared>>
          tpu.wait_dma2 semaphore(%run_scoped3A_40 : memref<!tpu.dma_semaphore, #tpu.memory_space<semaphore_mem>>) src(%run_scoped3A_1 : memref<128x128xf32, #tpu.memory_space<vmem>>) dst(%dma_wait3A_46 : memref<128x128xf32, #tpu.memory_space<vmem_shared>>)
          tpu.yield
        }) : () -> ()
        %scan3A_39 = arith.constant 0 : i32
        scf.yield %scan3A_39 : i32
      }
      %scan3A_18 = arith.constant 5 : i32
      %barrier3A = arith.constant 0 : index
      tpu.barrier barrier_id(%barrier3A)
      %scan3A_19 = arith.constant 0 : i32
      %scan3A_20 = arith.constant 0 : i32
      %scan3A_21 = arith.constant 79 : i32
      %scan3A_22 = arith.addi %scan3A_20, %scan3A_21 : i32
      %scan3A_23 = arith.constant 1 : i32
      %scan3A_24 = scf.for %scan3A_34 = %scan3A_20 to %scan3A_22 step %scan3A_23 iter_args(%scan3A_35 = %scan3A_19) -> (i32)  : i32 {
        %dma_start3A = arith.constant 0 : i32
        %dma_start3A_36 = tpu.memref_slice %run_scoped3A[%scan3A_34, %dma_start3A] : memref<79x128xi32, #tpu.memory_space<vmem>> -> memref<1x128xi32, #tpu.memory_space<vmem>>
        %dma_start3A_37 = tpu.memref_squeeze %dma_start3A_36 : memref<1x128xi32, #tpu.memory_space<vmem>> -> memref<128xi32, #tpu.memory_space<vmem>>
        %dma_start3A_38 = arith.constant 0 : i32
        %dma_start3A_39 = arith.constant 0 : i32
        %dma_start3A_40 = tpu.memref_slice %arg4[%dma_start3A_38, %dma_start3A_39] : memref<10000x128xf32, #tpu.memory_space<hbm>> -> memref<10000x128xf32, #tpu.memory_space<hbm>>
        tpu.enqueue_indirect_dma source(%dma_start3A_40 : memref<10000x128xf32, #tpu.memory_space<hbm>>) target(%run_scoped3A_1 : memref<128x128xf32, #tpu.memory_space<vmem>>) offsets(%dma_start3A_37 : memref<128xi32, #tpu.memory_space<vmem>>) semaphore(%arg7 : memref<!tpu.dma_semaphore, #tpu.memory_space<semaphore_mem>>)
        %dma_wait3A = arith.constant 0 : i32
        %dma_wait3A_41 = tpu.memref_slice %run_scoped3A[%scan3A_34, %dma_wait3A] : memref<79x128xi32, #tpu.memory_space<vmem>> -> memref<1x128xi32, #tpu.memory_space<vmem>>
        %dma_wait3A_42 = tpu.memref_squeeze %dma_wait3A_41 : memref<1x128xi32, #tpu.memory_space<vmem>> -> memref<128xi32, #tpu.memory_space<vmem>>
        %dma_wait3A_43 = arith.constant 0 : i32
        %dma_wait3A_44 = arith.constant 0 : i32
        %dma_wait3A_45 = tpu.memref_slice %arg4[%dma_wait3A_43, %dma_wait3A_44] : memref<10000x128xf32, #tpu.memory_space<hbm>> -> memref<10000x128xf32, #tpu.memory_space<hbm>>
        tpu.wait_indirect_dma semaphore(%arg7 : memref<!tpu.dma_semaphore, #tpu.memory_space<semaphore_mem>>) src(%dma_wait3A_45 : memref<10000x128xf32, #tpu.memory_space<hbm>>) dst(%run_scoped3A_1 : memref<128x128xf32, #tpu.memory_space<vmem>>)
        "tpu.region"() ({
          %run_scoped3A_47 = tpu.sem_alloc : memref<!tpu.dma_semaphore, #tpu.memory_space<semaphore_mem>>
          %dma_start3A_48 = arith.constant 0 : i32
          %dma_start3A_49 = tpu.memref_slice %run_scoped3A_0[%scan3A_34, %dma_start3A_48] : memref<79x128xi32, #tpu.memory_space<vmem>> -> memref<1x128xi32, #tpu.memory_space<vmem>>
          %dma_start3A_50 = tpu.memref_squeeze %dma_start3A_49 : memref<1x128xi32, #tpu.memory_space<vmem>> -> memref<128xi32, #tpu.memory_space<vmem>>
          %dma_start3A_51 = arith.constant 0 : i32
          %dma_start3A_52 = arith.constant 0 : i32
          %dma_start3A_53 = tpu.memref_slice %arg6[%dma_start3A_51, %dma_start3A_52] : memref<10240x128xf32, #tpu.memory_space<vmem_shared>> -> memref<10240x128xf32, #tpu.memory_space<vmem_shared>>
          tpu.enqueue_indirect_dma source(%run_scoped3A_1 : memref<128x128xf32, #tpu.memory_space<vmem>>) target(%dma_start3A_53 : memref<10240x128xf32, #tpu.memory_space<vmem_shared>>) offsets(%dma_start3A_50 : memref<128xi32, #tpu.memory_space<vmem>>) semaphore(%run_scoped3A_47 : memref<!tpu.dma_semaphore, #tpu.memory_space<semaphore_mem>>) {add = true}
          %dma_wait3A_54 = arith.constant 0 : i32
          %dma_wait3A_55 = tpu.memref_slice %run_scoped3A_0[%scan3A_34, %dma_wait3A_54] : memref<79x128xi32, #tpu.memory_space<vmem>> -> memref<1x128xi32, #tpu.memory_space<vmem>>
          %dma_wait3A_56 = tpu.memref_squeeze %dma_wait3A_55 : memref<1x128xi32, #tpu.memory_space<vmem>> -> memref<128xi32, #tpu.memory_space<vmem>>
          %dma_wait3A_57 = arith.constant 0 : i32
          %dma_wait3A_58 = arith.constant 0 : i32
          %dma_wait3A_59 = tpu.memref_slice %arg6[%dma_wait3A_57, %dma_wait3A_58] : memref<10240x128xf32, #tpu.memory_space<vmem_shared>> -> memref<10240x128xf32, #tpu.memory_space<vmem_shared>>
          tpu.wait_indirect_dma semaphore(%run_scoped3A_47 : memref<!tpu.dma_semaphore, #tpu.memory_space<semaphore_mem>>) src(%run_scoped3A_1 : memref<128x128xf32, #tpu.memory_space<vmem>>) dst(%dma_wait3A_59 : memref<10240x128xf32, #tpu.memory_space<vmem_shared>>)
          tpu.yield
        }) : () -> ()
        %scan3A_46 = arith.constant 0 : i32
        scf.yield %scan3A_46 : i32
      }
      %scan3A_25 = arith.constant 79 : i32
      %barrier3A_26 = arith.constant 0 : index
      tpu.barrier barrier_id(%barrier3A_26)
      %scan3A_27 = arith.constant 0 : i32
      %scan3A_28 = arith.constant 0 : i32
      %scan3A_29 = arith.constant 5 : i32
      %scan3A_30 = arith.addi %scan3A_28, %scan3A_29 : i32
      %scan3A_31 = arith.constant 1 : i32
      %scan3A_32 = scf.for %scan3A_34 = %scan3A_28 to %scan3A_30 step %scan3A_31 iter_args(%scan3A_35 = %scan3A_27) -> (i32)  : i32 {
        %mul3A_36 = arith.constant 128 : i32
        %mul3A_37 = arith.muli %scan3A_34, %mul3A_36 : i32
        %add3A_38 = arith.addi %mul3A_11, %mul3A_37 : i32
        %mul3A_39 = arith.constant 128 : i32
        %mul3A_40 = arith.muli %scan3A_34, %mul3A_39 : i32
        %add3A_41 = arith.addi %mul3A_11, %mul3A_40 : i32
        "tpu.region"() ({
          %run_scoped3A_43 = tpu.sem_alloc : memref<!tpu.dma_semaphore, #tpu.memory_space<semaphore_mem>>
          %dma_start3A = arith.constant 0 : i32
          %dma_start3A_44 = tpu.memref_slice %arg5[%arg0, %add3A_41, %dma_start3A] : memref<2x10240x128xf32, #tpu.memory_space<hbm>> -> memref<1x128x128xf32, #tpu.memory_space<hbm>>
          %dma_start3A_45 = tpu.memref_squeeze %dma_start3A_44 : memref<1x128x128xf32, #tpu.memory_space<hbm>> -> memref<128x128xf32, #tpu.memory_space<hbm>>
          %dma_start3A_46 = arith.constant 0 : i32
          %dma_start3A_47 = tpu.memref_slice %arg6[%add3A_38, %dma_start3A_46] : memref<10240x128xf32, #tpu.memory_space<vmem_shared>> -> memref<128x128xf32, #tpu.memory_space<vmem_shared>>
          tpu.enqueue_dma source(%dma_start3A_47 : memref<128x128xf32, #tpu.memory_space<vmem_shared>>) target(%dma_start3A_45 : memref<128x128xf32, #tpu.memory_space<hbm>>) target_semaphore(%run_scoped3A_43 : memref<!tpu.dma_semaphore, #tpu.memory_space<semaphore_mem>>)
          %dma_wait3A = arith.constant 0 : i32
          %dma_wait3A_48 = tpu.memref_slice %arg5[%arg0, %add3A_41, %dma_wait3A] : memref<2x10240x128xf32, #tpu.memory_space<hbm>> -> memref<1x128x128xf32, #tpu.memory_space<hbm>>
          %dma_wait3A_49 = tpu.memref_squeeze %dma_wait3A_48 : memref<1x128x128xf32, #tpu.memory_space<hbm>> -> memref<128x128xf32, #tpu.memory_space<hbm>>
          %dma_wait3A_50 = arith.constant 0 : i32
          %dma_wait3A_51 = tpu.memref_slice %arg6[%add3A_38, %dma_wait3A_50] : memref<10240x128xf32, #tpu.memory_space<vmem_shared>> -> memref<128x128xf32, #tpu.memory_space<vmem_shared>>
          tpu.wait_dma2 semaphore(%run_scoped3A_43 : memref<!tpu.dma_semaphore, #tpu.memory_space<semaphore_mem>>) src(%dma_wait3A_51 : memref<128x128xf32, #tpu.memory_space<vmem_shared>>) dst(%dma_wait3A_49 : memref<128x128xf32, #tpu.memory_space<hbm>>)
          tpu.yield
        }) : () -> ()
        %scan3A_42 = arith.constant 0 : i32
        scf.yield %scan3A_42 : i32
      }
      %scan3A_33 = arith.constant 5 : i32
      tpu.yield
    }) : () -> ()
    return
  }
}

#map = affine_map<(d0, d1) -> (0, 0, 0)>
#map1 = affine_map<(d0, d1) -> (0, 0)>
module attributes {stable_mosaic.version = 14 : i64} {
  func.func @_sc_scatter_body(%arg0: i32, %arg1: i32, %arg2: memref<32x79x128xi32, #tpu.memory_space<hbm>>, %arg3: memref<32x79x128xi32, #tpu.memory_space<hbm>>, %arg4: memref<10000x128xf32, #tpu.memory_space<hbm>>, %arg5: memref<2x10240x128xf32, #tpu.memory_space<hbm>>, %arg6: memref<10240x128xf32, #tpu.memory_space<vmem_shared>>, %arg7: memref<!tpu.dma_semaphore, #tpu.memory_space<semaphore_mem>>) attributes {dimension_semantics = [#tpu.dimension_semantics<core_parallel>, #tpu.dimension_semantics<subcore_parallel>], iteration_bounds = array<i64: 2, 16>, scalar_prefetch = 0 : i64, scratch_operands = 2 : i64, tpu.core_type = #tpu.core_type<sc_vector_subcore>, window_params = [{transform_indices = #map}, {transform_indices = #map}, {transform_indices = #map1}, {transform_indices = #map}]} {
    "tpu.region"() ({
      %run_scoped3A = memref.alloca() : memref<79x128xi32, #tpu.memory_space<vmem>>
      %run_scoped3A_0 = memref.alloca() : memref<79x128xi32, #tpu.memory_space<vmem>>
      %run_scoped3A_1 = memref.alloca() : memref<128x128xf32, #tpu.memory_space<vmem>>
      %mul3A = arith.constant 16 : i32
      %mul3A_2 = arith.muli %arg0, %mul3A : i32
      %add3A = arith.addi %mul3A_2, %arg1 : i32
      "tpu.region"() ({
        %run_scoped3A_34 = tpu.sem_alloc : memref<!tpu.dma_semaphore, #tpu.memory_space<semaphore_mem>>
        %dma_start3A = arith.constant 0 : i32
        %dma_start3A_35 = arith.constant 0 : i32
        %dma_start3A_36 = tpu.memref_slice %arg2[%add3A, %dma_start3A, %dma_start3A_35] : memref<32x79x128xi32, #tpu.memory_space<hbm>> -> memref<1x79x128xi32, #tpu.memory_space<hbm>>
        %dma_start3A_37 = tpu.memref_squeeze %dma_start3A_36 : memref<1x79x128xi32, #tpu.memory_space<hbm>> -> memref<79x128xi32, #tpu.memory_space<hbm>>
        %dma_start3A_38 = arith.constant 0 : i32
        %dma_start3A_39 = arith.constant 0 : i32
        %dma_start3A_40 = tpu.memref_slice %arg2[%add3A, %dma_start3A_38, %dma_start3A_39] : memref<32x79x128xi32, #tpu.memory_space<hbm>> -> memref<1x79x128xi32, #tpu.memory_space<hbm>>
        %dma_start3A_41 = tpu.memref_squeeze %dma_start3A_40 : memref<1x79x128xi32, #tpu.memory_space<hbm>> -> memref<79x128xi32, #tpu.memory_space<hbm>>
        tpu.enqueue_dma source(%dma_start3A_41 : memref<79x128xi32, #tpu.memory_space<hbm>>) target(%run_scoped3A : memref<79x128xi32, #tpu.memory_space<vmem>>) target_semaphore(%run_scoped3A_34 : memref<!tpu.dma_semaphore, #tpu.memory_space<semaphore_mem>>)
        %dma_wait3A = arith.constant 0 : i32
        %dma_wait3A_42 = arith.constant 0 : i32
        %dma_wait3A_43 = tpu.memref_slice %arg2[%add3A, %dma_wait3A, %dma_wait3A_42] : memref<32x79x128xi32, #tpu.memory_space<hbm>> -> memref<1x79x128xi32, #tpu.memory_space<hbm>>
        %dma_wait3A_44 = tpu.memref_squeeze %dma_wait3A_43 : memref<1x79x128xi32, #tpu.memory_space<hbm>> -> memref<79x128xi32, #tpu.memory_space<hbm>>
        %dma_wait3A_45 = arith.constant 0 : i32
        %dma_wait3A_46 = arith.constant 0 : i32
        %dma_wait3A_47 = tpu.memref_slice %arg2[%add3A, %dma_wait3A_45, %dma_wait3A_46] : memref<32x79x128xi32, #tpu.memory_space<hbm>> -> memref<1x79x128xi32, #tpu.memory_space<hbm>>
        %dma_wait3A_48 = tpu.memref_squeeze %dma_wait3A_47 : memref<1x79x128xi32, #tpu.memory_space<hbm>> -> memref<79x128xi32, #tpu.memory_space<hbm>>
        tpu.wait_dma2 semaphore(%run_scoped3A_34 : memref<!tpu.dma_semaphore, #tpu.memory_space<semaphore_mem>>) src(%dma_wait3A_48 : memref<79x128xi32, #tpu.memory_space<hbm>>) dst(%run_scoped3A : memref<79x128xi32, #tpu.memory_space<vmem>>)
        tpu.yield
      }) : () -> ()
      "tpu.region"() ({
        %run_scoped3A_34 = tpu.sem_alloc : memref<!tpu.dma_semaphore, #tpu.memory_space<semaphore_mem>>
        %dma_start3A = arith.constant 0 : i32
        %dma_start3A_35 = arith.constant 0 : i32
        %dma_start3A_36 = tpu.memref_slice %arg3[%add3A, %dma_start3A, %dma_start3A_35] : memref<32x79x128xi32, #tpu.memory_space<hbm>> -> memref<1x79x128xi32, #tpu.memory_space<hbm>>
        %dma_start3A_37 = tpu.memref_squeeze %dma_start3A_36 : memref<1x79x128xi32, #tpu.memory_space<hbm>> -> memref<79x128xi32, #tpu.memory_space<hbm>>
        %dma_start3A_38 = arith.constant 0 : i32
        %dma_start3A_39 = arith.constant 0 : i32
        %dma_start3A_40 = tpu.memref_slice %arg3[%add3A, %dma_start3A_38, %dma_start3A_39] : memref<32x79x128xi32, #tpu.memory_space<hbm>> -> memref<1x79x128xi32, #tpu.memory_space<hbm>>
        %dma_start3A_41 = tpu.memref_squeeze %dma_start3A_40 : memref<1x79x128xi32, #tpu.memory_space<hbm>> -> memref<79x128xi32, #tpu.memory_space<hbm>>
        tpu.enqueue_dma source(%dma_start3A_41 : memref<79x128xi32, #tpu.memory_space<hbm>>) target(%run_scoped3A_0 : memref<79x128xi32, #tpu.memory_space<vmem>>) target_semaphore(%run_scoped3A_34 : memref<!tpu.dma_semaphore, #tpu.memory_space<semaphore_mem>>)
        %dma_wait3A = arith.constant 0 : i32
        %dma_wait3A_42 = arith.constant 0 : i32
        %dma_wait3A_43 = tpu.memref_slice %arg3[%add3A, %dma_wait3A, %dma_wait3A_42] : memref<32x79x128xi32, #tpu.memory_space<hbm>> -> memref<1x79x128xi32, #tpu.memory_space<hbm>>
        %dma_wait3A_44 = tpu.memref_squeeze %dma_wait3A_43 : memref<1x79x128xi32, #tpu.memory_space<hbm>> -> memref<79x128xi32, #tpu.memory_space<hbm>>
        %dma_wait3A_45 = arith.constant 0 : i32
        %dma_wait3A_46 = arith.constant 0 : i32
        %dma_wait3A_47 = tpu.memref_slice %arg3[%add3A, %dma_wait3A_45, %dma_wait3A_46] : memref<32x79x128xi32, #tpu.memory_space<hbm>> -> memref<1x79x128xi32, #tpu.memory_space<hbm>>
        %dma_wait3A_48 = tpu.memref_squeeze %dma_wait3A_47 : memref<1x79x128xi32, #tpu.memory_space<hbm>> -> memref<79x128xi32, #tpu.memory_space<hbm>>
        tpu.wait_dma2 semaphore(%run_scoped3A_34 : memref<!tpu.dma_semaphore, #tpu.memory_space<semaphore_mem>>) src(%dma_wait3A_48 : memref<79x128xi32, #tpu.memory_space<hbm>>) dst(%run_scoped3A_0 : memref<79x128xi32, #tpu.memory_space<vmem>>)
        tpu.yield
      }) : () -> ()
      %broadcast_in_dim3A = arith.constant 0.000000e+00 : f32
      %broadcast_in_dim3A_3 = vector.broadcast %broadcast_in_dim3A : f32 to vector<16xf32>
      %scan3A = arith.constant 0 : i32
      %scan3A_4 = arith.constant 0 : i32
      %scan3A_5 = arith.constant 128 : i32
      %scan3A_6 = arith.addi %scan3A_4, %scan3A_5 : i32
      %scan3A_7 = arith.constant 1 : i32
      %scan3A_8 = scf.for %scan3A_34 = %scan3A_4 to %scan3A_6 step %scan3A_7 iter_args(%scan3A_35 = %scan3A) -> (i32)  : i32 {
        %swap3A = arith.index_cast %scan3A_34 : i32 to index
        %swap3A_36 = arith.constant 0 : index
        %swap3A_37 = tpu.vector_load %run_scoped3A_1[%swap3A, %swap3A_36] {strides = array<i32>} : memref<128x128xf32, #tpu.memory_space<vmem>>, vector<1x16xf32>,
        %swap3A_38 = vector.shape_cast %swap3A_37 : vector<1x16xf32> to vector<16xf32>
        %swap3A_39 = vector.shape_cast %broadcast_in_dim3A_3 : vector<16xf32> to vector<1x16xf32>
        tpu.vector_store %run_scoped3A_1[%swap3A, %swap3A_36], %swap3A_39 {strides = array<i32>} : memref<128x128xf32, #tpu.memory_space<vmem>>, vector<1x16xf32>,
        %swap3A_40 = arith.index_cast %scan3A_34 : i32 to index
        %swap3A_41 = arith.constant 16 : index
        %swap3A_42 = tpu.vector_load %run_scoped3A_1[%swap3A_40, %swap3A_41] {strides = array<i32>} : memref<128x128xf32, #tpu.memory_space<vmem>>, vector<1x16xf32>,
        %swap3A_43 = vector.shape_cast %swap3A_42 : vector<1x16xf32> to vector<16xf32>
        %swap3A_44 = vector.shape_cast %broadcast_in_dim3A_3 : vector<16xf32> to vector<1x16xf32>
        tpu.vector_store %run_scoped3A_1[%swap3A_40, %swap3A_41], %swap3A_44 {strides = array<i32>} : memref<128x128xf32, #tpu.memory_space<vmem>>, vector<1x16xf32>,
        %swap3A_45 = arith.index_cast %scan3A_34 : i32 to index
        %swap3A_46 = arith.constant 32 : index
        %swap3A_47 = tpu.vector_load %run_scoped3A_1[%swap3A_45, %swap3A_46] {strides = array<i32>} : memref<128x128xf32, #tpu.memory_space<vmem>>, vector<1x16xf32>,
        %swap3A_48 = vector.shape_cast %swap3A_47 : vector<1x16xf32> to vector<16xf32>
        %swap3A_49 = vector.shape_cast %broadcast_in_dim3A_3 : vector<16xf32> to vector<1x16xf32>
        tpu.vector_store %run_scoped3A_1[%swap3A_45, %swap3A_46], %swap3A_49 {strides = array<i32>} : memref<128x128xf32, #tpu.memory_space<vmem>>, vector<1x16xf32>,
        %swap3A_50 = arith.index_cast %scan3A_34 : i32 to index
        %swap3A_51 = arith.constant 48 : index
        %swap3A_52 = tpu.vector_load %run_scoped3A_1[%swap3A_50, %swap3A_51] {strides = array<i32>} : memref<128x128xf32, #tpu.memory_space<vmem>>, vector<1x16xf32>,
        %swap3A_53 = vector.shape_cast %swap3A_52 : vector<1x16xf32> to vector<16xf32>
        %swap3A_54 = vector.shape_cast %broadcast_in_dim3A_3 : vector<16xf32> to vector<1x16xf32>
        tpu.vector_store %run_scoped3A_1[%swap3A_50, %swap3A_51], %swap3A_54 {strides = array<i32>} : memref<128x128xf32, #tpu.memory_space<vmem>>, vector<1x16xf32>,
        %swap3A_55 = arith.index_cast %scan3A_34 : i32 to index
        %swap3A_56 = arith.constant 64 : index
        %swap3A_57 = tpu.vector_load %run_scoped3A_1[%swap3A_55, %swap3A_56] {strides = array<i32>} : memref<128x128xf32, #tpu.memory_space<vmem>>, vector<1x16xf32>,
        %swap3A_58 = vector.shape_cast %swap3A_57 : vector<1x16xf32> to vector<16xf32>
        %swap3A_59 = vector.shape_cast %broadcast_in_dim3A_3 : vector<16xf32> to vector<1x16xf32>
        tpu.vector_store %run_scoped3A_1[%swap3A_55, %swap3A_56], %swap3A_59 {strides = array<i32>} : memref<128x128xf32, #tpu.memory_space<vmem>>, vector<1x16xf32>,
        %swap3A_60 = arith.index_cast %scan3A_34 : i32 to index
        %swap3A_61 = arith.constant 80 : index
        %swap3A_62 = tpu.vector_load %run_scoped3A_1[%swap3A_60, %swap3A_61] {strides = array<i32>} : memref<128x128xf32, #tpu.memory_space<vmem>>, vector<1x16xf32>,
        %swap3A_63 = vector.shape_cast %swap3A_62 : vector<1x16xf32> to vector<16xf32>
        %swap3A_64 = vector.shape_cast %broadcast_in_dim3A_3 : vector<16xf32> to vector<1x16xf32>
        tpu.vector_store %run_scoped3A_1[%swap3A_60, %swap3A_61], %swap3A_64 {strides = array<i32>} : memref<128x128xf32, #tpu.memory_space<vmem>>, vector<1x16xf32>,
        %swap3A_65 = arith.index_cast %scan3A_34 : i32 to index
        %swap3A_66 = arith.constant 96 : index
        %swap3A_67 = tpu.vector_load %run_scoped3A_1[%swap3A_65, %swap3A_66] {strides = array<i32>} : memref<128x128xf32, #tpu.memory_space<vmem>>, vector<1x16xf32>,
        %swap3A_68 = vector.shape_cast %swap3A_67 : vector<1x16xf32> to vector<16xf32>
        %swap3A_69 = vector.shape_cast %broadcast_in_dim3A_3 : vector<16xf32> to vector<1x16xf32>
        tpu.vector_store %run_scoped3A_1[%swap3A_65, %swap3A_66], %swap3A_69 {strides = array<i32>} : memref<128x128xf32, #tpu.memory_space<vmem>>, vector<1x16xf32>,
        %swap3A_70 = arith.index_cast %scan3A_34 : i32 to index
        %swap3A_71 = arith.constant 112 : index
        %swap3A_72 = tpu.vector_load %run_scoped3A_1[%swap3A_70, %swap3A_71] {strides = array<i32>} : memref<128x128xf32, #tpu.memory_space<vmem>>, vector<1x16xf32>,
        %swap3A_73 = vector.shape_cast %swap3A_72 : vector<1x16xf32> to vector<16xf32>
        %swap3A_74 = vector.shape_cast %broadcast_in_dim3A_3 : vector<16xf32> to vector<1x16xf32>
        tpu.vector_store %run_scoped3A_1[%swap3A_70, %swap3A_71], %swap3A_74 {strides = array<i32>} : memref<128x128xf32, #tpu.memory_space<vmem>>, vector<1x16xf32>,
        %scan3A_75 = arith.constant 0 : i32
        scf.yield %scan3A_75 : i32
      }
      %scan3A_9 = arith.constant 128 : i32
      %mul3A_10 = arith.constant 640 : i32
      %mul3A_11 = arith.muli %arg1, %mul3A_10 : i32
      %scan3A_12 = arith.constant 0 : i32
      %scan3A_13 = arith.constant 0 : i32
      %scan3A_14 = arith.constant 5 : i32
      %scan3A_15 = arith.addi %scan3A_13, %scan3A_14 : i32
      %scan3A_16 = arith.constant 1 : i32
      %scan3A_17 = scf.for %scan3A_34 = %scan3A_13 to %scan3A_15 step %scan3A_16 iter_args(%scan3A_35 = %scan3A_12) -> (i32)  : i32 {
        %mul3A_36 = arith.constant 128 : i32
        %mul3A_37 = arith.muli %scan3A_34, %mul3A_36 : i32
        %add3A_38 = arith.addi %mul3A_11, %mul3A_37 : i32
        "tpu.region"() ({
          %run_scoped3A_40 = tpu.sem_alloc : memref<!tpu.dma_semaphore, #tpu.memory_space<semaphore_mem>>
          %dma_start3A = arith.constant 0 : i32
          %dma_start3A_41 = tpu.memref_slice %arg6[%add3A_38, %dma_start3A] : memref<10240x128xf32, #tpu.memory_space<vmem_shared>> -> memref<128x128xf32, #tpu.memory_space<vmem_shared>>
          %dma_start3A_42 = arith.constant 0 : i32
          %dma_start3A_43 = tpu.memref_slice %arg6[%add3A_38, %dma_start3A_42] : memref<10240x128xf32, #tpu.memory_space<vmem_shared>> -> memref<128x128xf32, #tpu.memory_space<vmem_shared>>
          tpu.enqueue_dma source(%run_scoped3A_1 : memref<128x128xf32, #tpu.memory_space<vmem>>) target(%dma_start3A_43 : memref<128x128xf32, #tpu.memory_space<vmem_shared>>) target_semaphore(%run_scoped3A_40 : memref<!tpu.dma_semaphore, #tpu.memory_space<semaphore_mem>>)
          %dma_wait3A = arith.constant 0 : i32
          %dma_wait3A_44 = tpu.memref_slice %arg6[%add3A_38, %dma_wait3A] : memref<10240x128xf32, #tpu.memory_space<vmem_shared>> -> memref<128x128xf32, #tpu.memory_space<vmem_shared>>
          %dma_wait3A_45 = arith.constant 0 : i32
          %dma_wait3A_46 = tpu.memref_slice %arg6[%add3A_38, %dma_wait3A_45] : memref<10240x128xf32, #tpu.memory_space<vmem_shared>> -> memref<128x128xf32, #tpu.memory_space<vmem_shared>>
          tpu.wait_dma2 semaphore(%run_scoped3A_40 : memref<!tpu.dma_semaphore, #tpu.memory_space<semaphore_mem>>) src(%run_scoped3A_1 : memref<128x128xf32, #tpu.memory_space<vmem>>) dst(%dma_wait3A_46 : memref<128x128xf32, #tpu.memory_space<vmem_shared>>)
          tpu.yield
        }) : () -> ()
        %scan3A_39 = arith.constant 0 : i32
        scf.yield %scan3A_39 : i32
      }
      %scan3A_18 = arith.constant 5 : i32
      %barrier3A = arith.constant 0 : index
      tpu.barrier barrier_id(%barrier3A)
      %scan3A_19 = arith.constant 0 : i32
      %scan3A_20 = arith.constant 0 : i32
      %scan3A_21 = arith.constant 79 : i32
      %scan3A_22 = arith.addi %scan3A_20, %scan3A_21 : i32
      %scan3A_23 = arith.constant 1 : i32
      %scan3A_24 = scf.for %scan3A_34 = %scan3A_20 to %scan3A_22 step %scan3A_23 iter_args(%scan3A_35 = %scan3A_19) -> (i32)  : i32 {
        %dma_start3A = arith.constant 0 : i32
        %dma_start3A_36 = tpu.memref_slice %run_scoped3A[%scan3A_34, %dma_start3A] : memref<79x128xi32, #tpu.memory_space<vmem>> -> memref<1x128xi32, #tpu.memory_space<vmem>>
        %dma_start3A_37 = tpu.memref_squeeze %dma_start3A_36 : memref<1x128xi32, #tpu.memory_space<vmem>> -> memref<128xi32, #tpu.memory_space<vmem>>
        %dma_start3A_38 = arith.constant 0 : i32
        %dma_start3A_39 = arith.constant 0 : i32
        %dma_start3A_40 = tpu.memref_slice %arg4[%dma_start3A_38, %dma_start3A_39] : memref<10000x128xf32, #tpu.memory_space<hbm>> -> memref<10000x128xf32, #tpu.memory_space<hbm>>
        tpu.enqueue_indirect_dma source(%dma_start3A_40 : memref<10000x128xf32, #tpu.memory_space<hbm>>) target(%run_scoped3A_1 : memref<128x128xf32, #tpu.memory_space<vmem>>) offsets(%dma_start3A_37 : memref<128xi32, #tpu.memory_space<vmem>>) semaphore(%arg7 : memref<!tpu.dma_semaphore, #tpu.memory_space<semaphore_mem>>)
        %dma_wait3A = arith.constant 0 : i32
        %dma_wait3A_41 = tpu.memref_slice %run_scoped3A[%scan3A_34, %dma_wait3A] : memref<79x128xi32, #tpu.memory_space<vmem>> -> memref<1x128xi32, #tpu.memory_space<vmem>>
        %dma_wait3A_42 = tpu.memref_squeeze %dma_wait3A_41 : memref<1x128xi32, #tpu.memory_space<vmem>> -> memref<128xi32, #tpu.memory_space<vmem>>
        %dma_wait3A_43 = arith.constant 0 : i32
        %dma_wait3A_44 = arith.constant 0 : i32
        %dma_wait3A_45 = tpu.memref_slice %arg4[%dma_wait3A_43, %dma_wait3A_44] : memref<10000x128xf32, #tpu.memory_space<hbm>> -> memref<10000x128xf32, #tpu.memory_space<hbm>>
        tpu.wait_indirect_dma semaphore(%arg7 : memref<!tpu.dma_semaphore, #tpu.memory_space<semaphore_mem>>) src(%dma_wait3A_45 : memref<10000x128xf32, #tpu.memory_space<hbm>>) dst(%run_scoped3A_1 : memref<128x128xf32, #tpu.memory_space<vmem>>)
        "tpu.region"() ({
          %run_scoped3A_47 = tpu.sem_alloc : memref<!tpu.dma_semaphore, #tpu.memory_space<semaphore_mem>>
          %dma_start3A_48 = arith.constant 0 : i32
          %dma_start3A_49 = tpu.memref_slice %run_scoped3A_0[%scan3A_34, %dma_start3A_48] : memref<79x128xi32, #tpu.memory_space<vmem>> -> memref<1x128xi32, #tpu.memory_space<vmem>>
          %dma_start3A_50 = tpu.memref_squeeze %dma_start3A_49 : memref<1x128xi32, #tpu.memory_space<vmem>> -> memref<128xi32, #tpu.memory_space<vmem>>
          %dma_start3A_51 = arith.constant 0 : i32
          %dma_start3A_52 = arith.constant 0 : i32
          %dma_start3A_53 = tpu.memref_slice %arg6[%dma_start3A_51, %dma_start3A_52] : memref<10240x128xf32, #tpu.memory_space<vmem_shared>> -> memref<10240x128xf32, #tpu.memory_space<vmem_shared>>
          tpu.enqueue_indirect_dma source(%run_scoped3A_1 : memref<128x128xf32, #tpu.memory_space<vmem>>) target(%dma_start3A_53 : memref<10240x128xf32, #tpu.memory_space<vmem_shared>>) offsets(%dma_start3A_50 : memref<128xi32, #tpu.memory_space<vmem>>) semaphore(%run_scoped3A_47 : memref<!tpu.dma_semaphore, #tpu.memory_space<semaphore_mem>>) {add = true}
          %dma_wait3A_54 = arith.constant 0 : i32
          %dma_wait3A_55 = tpu.memref_slice %run_scoped3A_0[%scan3A_34, %dma_wait3A_54] : memref<79x128xi32, #tpu.memory_space<vmem>> -> memref<1x128xi32, #tpu.memory_space<vmem>>
          %dma_wait3A_56 = tpu.memref_squeeze %dma_wait3A_55 : memref<1x128xi32, #tpu.memory_space<vmem>> -> memref<128xi32, #tpu.memory_space<vmem>>
          %dma_wait3A_57 = arith.constant 0 : i32
          %dma_wait3A_58 = arith.constant 0 : i32
          %dma_wait3A_59 = tpu.memref_slice %arg6[%dma_wait3A_57, %dma_wait3A_58] : memref<10240x128xf32, #tpu.memory_space<vmem_shared>> -> memref<10240x128xf32, #tpu.memory_space<vmem_shared>>
          tpu.wait_indirect_dma semaphore(%run_scoped3A_47 : memref<!tpu.dma_semaphore, #tpu.memory_space<semaphore_mem>>) src(%run_scoped3A_1 : memref<128x128xf32, #tpu.memory_space<vmem>>) dst(%dma_wait3A_59 : memref<10240x128xf32, #tpu.memory_space<vmem_shared>>)
          tpu.yield
        }) : () -> ()
        %scan3A_46 = arith.constant 0 : i32
        scf.yield %scan3A_46 : i32
      }
      %scan3A_25 = arith.constant 79 : i32
      %barrier3A_26 = arith.constant 0 : index
      tpu.barrier barrier_id(%barrier3A_26)
      %scan3A_27 = arith.constant 0 : i32
      %scan3A_28 = arith.constant 0 : i32
      %scan3A_29 = arith.constant 5 : i32
      %scan3A_30 = arith.addi %scan3A_28, %scan3A_29 : i32
      %scan3A_31 = arith.constant 1 : i32
      %scan3A_32 = scf.for %scan3A_34 = %scan3A_28 to %scan3A_30 step %scan3A_31 iter_args(%scan3A_35 = %scan3A_27) -> (i32)  : i32 {
        %mul3A_36 = arith.constant 128 : i32
        %mul3A_37 = arith.muli %scan3A_34, %mul3A_36 : i32
        %add3A_38 = arith.addi %mul3A_11, %mul3A_37 : i32
        %mul3A_39 = arith.constant 128 : i32
        %mul3A_40 = arith.muli %scan3A_34, %mul3A_39 : i32
        %add3A_41 = arith.addi %mul3A_11, %mul3A_40 : i32
        "tpu.region"() ({
          %run_scoped3A_43 = tpu.sem_alloc : memref<!tpu.dma_semaphore, #tpu.memory_space<semaphore_mem>>
          %dma_start3A = arith.constant 0 : i32
          %dma_start3A_44 = tpu.memref_slice %arg5[%arg0, %add3A_41, %dma_start3A] : memref<2x10240x128xf32, #tpu.memory_space<hbm>> -> memref<1x128x128xf32, #tpu.memory_space<hbm>>
          %dma_start3A_45 = tpu.memref_squeeze %dma_start3A_44 : memref<1x128x128xf32, #tpu.memory_space<hbm>> -> memref<128x128xf32, #tpu.memory_space<hbm>>
          %dma_start3A_46 = arith.constant 0 : i32
          %dma_start3A_47 = tpu.memref_slice %arg6[%add3A_38, %dma_start3A_46] : memref<10240x128xf32, #tpu.memory_space<vmem_shared>> -> memref<128x128xf32, #tpu.memory_space<vmem_shared>>
          tpu.enqueue_dma source(%dma_start3A_47 : memref<128x128xf32, #tpu.memory_space<vmem_shared>>) target(%dma_start3A_45 : memref<128x128xf32, #tpu.memory_space<hbm>>) target_semaphore(%run_scoped3A_43 : memref<!tpu.dma_semaphore, #tpu.memory_space<semaphore_mem>>)
          %dma_wait3A = arith.constant 0 : i32
          %dma_wait3A_48 = tpu.memref_slice %arg5[%arg0, %add3A_41, %dma_wait3A] : memref<2x10240x128xf32, #tpu.memory_space<hbm>> -> memref<1x128x128xf32, #tpu.memory_space<hbm>>
          %dma_wait3A_49 = tpu.memref_squeeze %dma_wait3A_48 : memref<1x128x128xf32, #tpu.memory_space<hbm>> -> memref<128x128xf32, #tpu.memory_space<hbm>>
          %dma_wait3A_50 = arith.constant 0 : i32
          %dma_wait3A_51 = tpu.memref_slice %arg6[%add3A_38, %dma_wait3A_50] : memref<10240x128xf32, #tpu.memory_space<vmem_shared>> -> memref<128x128xf32, #tpu.memory_space<vmem_shared>>
          tpu.wait_dma2 semaphore(%run_scoped3A_43 : memref<!tpu.dma_semaphore, #tpu.memory_space<semaphore_mem>>) src(%dma_wait3A_51 : memref<128x128xf32, #tpu.memory_space<vmem_shared>>) dst(%dma_wait3A_49 : memref<128x128xf32, #tpu.memory_space<hbm>>)
          tpu.yield
        }) : () -> ()
        %scan3A_42 = arith.constant 0 : i32
        scf.yield %scan3A_42 : i32
      }
      %scan3A_33 = arith.constant 5 : i32
      tpu.yield
    }) : () -> ()
    return
  }
}

#map = affine_map<(d0, d1) -> (0, 0, 0)>
#map1 = affine_map<(d0, d1) -> (0, 0)>
module attributes {stable_mosaic.version = 14 : i64} {
  func.func @_sc_scatter_body(%arg0: i32, %arg1: i32, %arg2: memref<32x79x128xi32, #tpu.memory_space<hbm>>, %arg3: memref<32x79x128xi32, #tpu.memory_space<hbm>>, %arg4: memref<10000x128xf32, #tpu.memory_space<hbm>>, %arg5: memref<2x10240x128xf32, #tpu.memory_space<hbm>>, %arg6: memref<10240x128xf32, #tpu.memory_space<vmem_shared>>, %arg7: memref<!tpu.dma_semaphore, #tpu.memory_space<semaphore_mem>>) attributes {dimension_semantics = [#tpu.dimension_semantics<core_parallel>, #tpu.dimension_semantics<subcore_parallel>], iteration_bounds = array<i64: 2, 16>, scalar_prefetch = 0 : i64, scratch_operands = 2 : i64, tpu.core_type = #tpu.core_type<sc_vector_subcore>, window_params = [{transform_indices = #map}, {transform_indices = #map}, {transform_indices = #map1}, {transform_indices = #map}]} {
    "tpu.region"() ({
      %run_scoped3A = memref.alloca() : memref<79x128xi32, #tpu.memory_space<vmem>>
      %run_scoped3A_0 = memref.alloca() : memref<79x128xi32, #tpu.memory_space<vmem>>
      %run_scoped3A_1 = memref.alloca() : memref<128x128xf32, #tpu.memory_space<vmem>>
      %mul3A = arith.constant 16 : i32
      %mul3A_2 = arith.muli %arg0, %mul3A : i32
      %add3A = arith.addi %mul3A_2, %arg1 : i32
      "tpu.region"() ({
        %run_scoped3A_34 = tpu.sem_alloc : memref<!tpu.dma_semaphore, #tpu.memory_space<semaphore_mem>>
        %dma_start3A = arith.constant 0 : i32
        %dma_start3A_35 = arith.constant 0 : i32
        %dma_start3A_36 = tpu.memref_slice %arg2[%add3A, %dma_start3A, %dma_start3A_35] : memref<32x79x128xi32, #tpu.memory_space<hbm>> -> memref<1x79x128xi32, #tpu.memory_space<hbm>>
        %dma_start3A_37 = tpu.memref_squeeze %dma_start3A_36 : memref<1x79x128xi32, #tpu.memory_space<hbm>> -> memref<79x128xi32, #tpu.memory_space<hbm>>
        %dma_start3A_38 = arith.constant 0 : i32
        %dma_start3A_39 = arith.constant 0 : i32
        %dma_start3A_40 = tpu.memref_slice %arg2[%add3A, %dma_start3A_38, %dma_start3A_39] : memref<32x79x128xi32, #tpu.memory_space<hbm>> -> memref<1x79x128xi32, #tpu.memory_space<hbm>>
        %dma_start3A_41 = tpu.memref_squeeze %dma_start3A_40 : memref<1x79x128xi32, #tpu.memory_space<hbm>> -> memref<79x128xi32, #tpu.memory_space<hbm>>
        tpu.enqueue_dma source(%dma_start3A_41 : memref<79x128xi32, #tpu.memory_space<hbm>>) target(%run_scoped3A : memref<79x128xi32, #tpu.memory_space<vmem>>) target_semaphore(%run_scoped3A_34 : memref<!tpu.dma_semaphore, #tpu.memory_space<semaphore_mem>>)
        %dma_wait3A = arith.constant 0 : i32
        %dma_wait3A_42 = arith.constant 0 : i32
        %dma_wait3A_43 = tpu.memref_slice %arg2[%add3A, %dma_wait3A, %dma_wait3A_42] : memref<32x79x128xi32, #tpu.memory_space<hbm>> -> memref<1x79x128xi32, #tpu.memory_space<hbm>>
        %dma_wait3A_44 = tpu.memref_squeeze %dma_wait3A_43 : memref<1x79x128xi32, #tpu.memory_space<hbm>> -> memref<79x128xi32, #tpu.memory_space<hbm>>
        %dma_wait3A_45 = arith.constant 0 : i32
        %dma_wait3A_46 = arith.constant 0 : i32
        %dma_wait3A_47 = tpu.memref_slice %arg2[%add3A, %dma_wait3A_45, %dma_wait3A_46] : memref<32x79x128xi32, #tpu.memory_space<hbm>> -> memref<1x79x128xi32, #tpu.memory_space<hbm>>
        %dma_wait3A_48 = tpu.memref_squeeze %dma_wait3A_47 : memref<1x79x128xi32, #tpu.memory_space<hbm>> -> memref<79x128xi32, #tpu.memory_space<hbm>>
        tpu.wait_dma2 semaphore(%run_scoped3A_34 : memref<!tpu.dma_semaphore, #tpu.memory_space<semaphore_mem>>) src(%dma_wait3A_48 : memref<79x128xi32, #tpu.memory_space<hbm>>) dst(%run_scoped3A : memref<79x128xi32, #tpu.memory_space<vmem>>)
        tpu.yield
      }) : () -> ()
      "tpu.region"() ({
        %run_scoped3A_34 = tpu.sem_alloc : memref<!tpu.dma_semaphore, #tpu.memory_space<semaphore_mem>>
        %dma_start3A = arith.constant 0 : i32
        %dma_start3A_35 = arith.constant 0 : i32
        %dma_start3A_36 = tpu.memref_slice %arg3[%add3A, %dma_start3A, %dma_start3A_35] : memref<32x79x128xi32, #tpu.memory_space<hbm>> -> memref<1x79x128xi32, #tpu.memory_space<hbm>>
        %dma_start3A_37 = tpu.memref_squeeze %dma_start3A_36 : memref<1x79x128xi32, #tpu.memory_space<hbm>> -> memref<79x128xi32, #tpu.memory_space<hbm>>
        %dma_start3A_38 = arith.constant 0 : i32
        %dma_start3A_39 = arith.constant 0 : i32
        %dma_start3A_40 = tpu.memref_slice %arg3[%add3A, %dma_start3A_38, %dma_start3A_39] : memref<32x79x128xi32, #tpu.memory_space<hbm>> -> memref<1x79x128xi32, #tpu.memory_space<hbm>>
        %dma_start3A_41 = tpu.memref_squeeze %dma_start3A_40 : memref<1x79x128xi32, #tpu.memory_space<hbm>> -> memref<79x128xi32, #tpu.memory_space<hbm>>
        tpu.enqueue_dma source(%dma_start3A_41 : memref<79x128xi32, #tpu.memory_space<hbm>>) target(%run_scoped3A_0 : memref<79x128xi32, #tpu.memory_space<vmem>>) target_semaphore(%run_scoped3A_34 : memref<!tpu.dma_semaphore, #tpu.memory_space<semaphore_mem>>)
        %dma_wait3A = arith.constant 0 : i32
        %dma_wait3A_42 = arith.constant 0 : i32
        %dma_wait3A_43 = tpu.memref_slice %arg3[%add3A, %dma_wait3A, %dma_wait3A_42] : memref<32x79x128xi32, #tpu.memory_space<hbm>> -> memref<1x79x128xi32, #tpu.memory_space<hbm>>
        %dma_wait3A_44 = tpu.memref_squeeze %dma_wait3A_43 : memref<1x79x128xi32, #tpu.memory_space<hbm>> -> memref<79x128xi32, #tpu.memory_space<hbm>>
        %dma_wait3A_45 = arith.constant 0 : i32
        %dma_wait3A_46 = arith.constant 0 : i32
        %dma_wait3A_47 = tpu.memref_slice %arg3[%add3A, %dma_wait3A_45, %dma_wait3A_46] : memref<32x79x128xi32, #tpu.memory_space<hbm>> -> memref<1x79x128xi32, #tpu.memory_space<hbm>>
        %dma_wait3A_48 = tpu.memref_squeeze %dma_wait3A_47 : memref<1x79x128xi32, #tpu.memory_space<hbm>> -> memref<79x128xi32, #tpu.memory_space<hbm>>
        tpu.wait_dma2 semaphore(%run_scoped3A_34 : memref<!tpu.dma_semaphore, #tpu.memory_space<semaphore_mem>>) src(%dma_wait3A_48 : memref<79x128xi32, #tpu.memory_space<hbm>>) dst(%run_scoped3A_0 : memref<79x128xi32, #tpu.memory_space<vmem>>)
        tpu.yield
      }) : () -> ()
      %broadcast_in_dim3A = arith.constant 0.000000e+00 : f32
      %broadcast_in_dim3A_3 = vector.broadcast %broadcast_in_dim3A : f32 to vector<16xf32>
      %scan3A = arith.constant 0 : i32
      %scan3A_4 = arith.constant 0 : i32
      %scan3A_5 = arith.constant 128 : i32
      %scan3A_6 = arith.addi %scan3A_4, %scan3A_5 : i32
      %scan3A_7 = arith.constant 1 : i32
      %scan3A_8 = scf.for %scan3A_34 = %scan3A_4 to %scan3A_6 step %scan3A_7 iter_args(%scan3A_35 = %scan3A) -> (i32)  : i32 {
        %swap3A = arith.index_cast %scan3A_34 : i32 to index
        %swap3A_36 = arith.constant 0 : index
        %swap3A_37 = tpu.vector_load %run_scoped3A_1[%swap3A, %swap3A_36] {strides = array<i32>} : memref<128x128xf32, #tpu.memory_space<vmem>>, vector<1x16xf32>,
        %swap3A_38 = vector.shape_cast %swap3A_37 : vector<1x16xf32> to vector<16xf32>
        %swap3A_39 = vector.shape_cast %broadcast_in_dim3A_3 : vector<16xf32> to vector<1x16xf32>
        tpu.vector_store %run_scoped3A_1[%swap3A, %swap3A_36], %swap3A_39 {strides = array<i32>} : memref<128x128xf32, #tpu.memory_space<vmem>>, vector<1x16xf32>,
        %swap3A_40 = arith.index_cast %scan3A_34 : i32 to index
        %swap3A_41 = arith.constant 16 : index
        %swap3A_42 = tpu.vector_load %run_scoped3A_1[%swap3A_40, %swap3A_41] {strides = array<i32>} : memref<128x128xf32, #tpu.memory_space<vmem>>, vector<1x16xf32>,
        %swap3A_43 = vector.shape_cast %swap3A_42 : vector<1x16xf32> to vector<16xf32>
        %swap3A_44 = vector.shape_cast %broadcast_in_dim3A_3 : vector<16xf32> to vector<1x16xf32>
        tpu.vector_store %run_scoped3A_1[%swap3A_40, %swap3A_41], %swap3A_44 {strides = array<i32>} : memref<128x128xf32, #tpu.memory_space<vmem>>, vector<1x16xf32>,
        %swap3A_45 = arith.index_cast %scan3A_34 : i32 to index
        %swap3A_46 = arith.constant 32 : index
        %swap3A_47 = tpu.vector_load %run_scoped3A_1[%swap3A_45, %swap3A_46] {strides = array<i32>} : memref<128x128xf32, #tpu.memory_space<vmem>>, vector<1x16xf32>,
        %swap3A_48 = vector.shape_cast %swap3A_47 : vector<1x16xf32> to vector<16xf32>
        %swap3A_49 = vector.shape_cast %broadcast_in_dim3A_3 : vector<16xf32> to vector<1x16xf32>
        tpu.vector_store %run_scoped3A_1[%swap3A_45, %swap3A_46], %swap3A_49 {strides = array<i32>} : memref<128x128xf32, #tpu.memory_space<vmem>>, vector<1x16xf32>,
        %swap3A_50 = arith.index_cast %scan3A_34 : i32 to index
        %swap3A_51 = arith.constant 48 : index
        %swap3A_52 = tpu.vector_load %run_scoped3A_1[%swap3A_50, %swap3A_51] {strides = array<i32>} : memref<128x128xf32, #tpu.memory_space<vmem>>, vector<1x16xf32>,
        %swap3A_53 = vector.shape_cast %swap3A_52 : vector<1x16xf32> to vector<16xf32>
        %swap3A_54 = vector.shape_cast %broadcast_in_dim3A_3 : vector<16xf32> to vector<1x16xf32>
        tpu.vector_store %run_scoped3A_1[%swap3A_50, %swap3A_51], %swap3A_54 {strides = array<i32>} : memref<128x128xf32, #tpu.memory_space<vmem>>, vector<1x16xf32>,
        %swap3A_55 = arith.index_cast %scan3A_34 : i32 to index
        %swap3A_56 = arith.constant 64 : index
        %swap3A_57 = tpu.vector_load %run_scoped3A_1[%swap3A_55, %swap3A_56] {strides = array<i32>} : memref<128x128xf32, #tpu.memory_space<vmem>>, vector<1x16xf32>,
        %swap3A_58 = vector.shape_cast %swap3A_57 : vector<1x16xf32> to vector<16xf32>
        %swap3A_59 = vector.shape_cast %broadcast_in_dim3A_3 : vector<16xf32> to vector<1x16xf32>
        tpu.vector_store %run_scoped3A_1[%swap3A_55, %swap3A_56], %swap3A_59 {strides = array<i32>} : memref<128x128xf32, #tpu.memory_space<vmem>>, vector<1x16xf32>,
        %swap3A_60 = arith.index_cast %scan3A_34 : i32 to index
        %swap3A_61 = arith.constant 80 : index
        %swap3A_62 = tpu.vector_load %run_scoped3A_1[%swap3A_60, %swap3A_61] {strides = array<i32>} : memref<128x128xf32, #tpu.memory_space<vmem>>, vector<1x16xf32>,
        %swap3A_63 = vector.shape_cast %swap3A_62 : vector<1x16xf32> to vector<16xf32>
        %swap3A_64 = vector.shape_cast %broadcast_in_dim3A_3 : vector<16xf32> to vector<1x16xf32>
        tpu.vector_store %run_scoped3A_1[%swap3A_60, %swap3A_61], %swap3A_64 {strides = array<i32>} : memref<128x128xf32, #tpu.memory_space<vmem>>, vector<1x16xf32>,
        %swap3A_65 = arith.index_cast %scan3A_34 : i32 to index
        %swap3A_66 = arith.constant 96 : index
        %swap3A_67 = tpu.vector_load %run_scoped3A_1[%swap3A_65, %swap3A_66] {strides = array<i32>} : memref<128x128xf32, #tpu.memory_space<vmem>>, vector<1x16xf32>,
        %swap3A_68 = vector.shape_cast %swap3A_67 : vector<1x16xf32> to vector<16xf32>
        %swap3A_69 = vector.shape_cast %broadcast_in_dim3A_3 : vector<16xf32> to vector<1x16xf32>
        tpu.vector_store %run_scoped3A_1[%swap3A_65, %swap3A_66], %swap3A_69 {strides = array<i32>} : memref<128x128xf32, #tpu.memory_space<vmem>>, vector<1x16xf32>,
        %swap3A_70 = arith.index_cast %scan3A_34 : i32 to index
        %swap3A_71 = arith.constant 112 : index
        %swap3A_72 = tpu.vector_load %run_scoped3A_1[%swap3A_70, %swap3A_71] {strides = array<i32>} : memref<128x128xf32, #tpu.memory_space<vmem>>, vector<1x16xf32>,
        %swap3A_73 = vector.shape_cast %swap3A_72 : vector<1x16xf32> to vector<16xf32>
        %swap3A_74 = vector.shape_cast %broadcast_in_dim3A_3 : vector<16xf32> to vector<1x16xf32>
        tpu.vector_store %run_scoped3A_1[%swap3A_70, %swap3A_71], %swap3A_74 {strides = array<i32>} : memref<128x128xf32, #tpu.memory_space<vmem>>, vector<1x16xf32>,
        %scan3A_75 = arith.constant 0 : i32
        scf.yield %scan3A_75 : i32
      }
      %scan3A_9 = arith.constant 128 : i32
      %mul3A_10 = arith.constant 640 : i32
      %mul3A_11 = arith.muli %arg1, %mul3A_10 : i32
      %scan3A_12 = arith.constant 0 : i32
      %scan3A_13 = arith.constant 0 : i32
      %scan3A_14 = arith.constant 5 : i32
      %scan3A_15 = arith.addi %scan3A_13, %scan3A_14 : i32
      %scan3A_16 = arith.constant 1 : i32
      %scan3A_17 = scf.for %scan3A_34 = %scan3A_13 to %scan3A_15 step %scan3A_16 iter_args(%scan3A_35 = %scan3A_12) -> (i32)  : i32 {
        %mul3A_36 = arith.constant 128 : i32
        %mul3A_37 = arith.muli %scan3A_34, %mul3A_36 : i32
        %add3A_38 = arith.addi %mul3A_11, %mul3A_37 : i32
        "tpu.region"() ({
          %run_scoped3A_40 = tpu.sem_alloc : memref<!tpu.dma_semaphore, #tpu.memory_space<semaphore_mem>>
          %dma_start3A = arith.constant 0 : i32
          %dma_start3A_41 = tpu.memref_slice %arg6[%add3A_38, %dma_start3A] : memref<10240x128xf32, #tpu.memory_space<vmem_shared>> -> memref<128x128xf32, #tpu.memory_space<vmem_shared>>
          %dma_start3A_42 = arith.constant 0 : i32
          %dma_start3A_43 = tpu.memref_slice %arg6[%add3A_38, %dma_start3A_42] : memref<10240x128xf32, #tpu.memory_space<vmem_shared>> -> memref<128x128xf32, #tpu.memory_space<vmem_shared>>
          tpu.enqueue_dma source(%run_scoped3A_1 : memref<128x128xf32, #tpu.memory_space<vmem>>) target(%dma_start3A_43 : memref<128x128xf32, #tpu.memory_space<vmem_shared>>) target_semaphore(%run_scoped3A_40 : memref<!tpu.dma_semaphore, #tpu.memory_space<semaphore_mem>>)
          %dma_wait3A = arith.constant 0 : i32
          %dma_wait3A_44 = tpu.memref_slice %arg6[%add3A_38, %dma_wait3A] : memref<10240x128xf32, #tpu.memory_space<vmem_shared>> -> memref<128x128xf32, #tpu.memory_space<vmem_shared>>
          %dma_wait3A_45 = arith.constant 0 : i32
          %dma_wait3A_46 = tpu.memref_slice %arg6[%add3A_38, %dma_wait3A_45] : memref<10240x128xf32, #tpu.memory_space<vmem_shared>> -> memref<128x128xf32, #tpu.memory_space<vmem_shared>>
          tpu.wait_dma2 semaphore(%run_scoped3A_40 : memref<!tpu.dma_semaphore, #tpu.memory_space<semaphore_mem>>) src(%run_scoped3A_1 : memref<128x128xf32, #tpu.memory_space<vmem>>) dst(%dma_wait3A_46 : memref<128x128xf32, #tpu.memory_space<vmem_shared>>)
          tpu.yield
        }) : () -> ()
        %scan3A_39 = arith.constant 0 : i32
        scf.yield %scan3A_39 : i32
      }
      %scan3A_18 = arith.constant 5 : i32
      %barrier3A = arith.constant 0 : index
      tpu.barrier barrier_id(%barrier3A)
      %scan3A_19 = arith.constant 0 : i32
      %scan3A_20 = arith.constant 0 : i32
      %scan3A_21 = arith.constant 79 : i32
      %scan3A_22 = arith.addi %scan3A_20, %scan3A_21 : i32
      %scan3A_23 = arith.constant 1 : i32
      %scan3A_24 = scf.for %scan3A_34 = %scan3A_20 to %scan3A_22 step %scan3A_23 iter_args(%scan3A_35 = %scan3A_19) -> (i32)  : i32 {
        %dma_start3A = arith.constant 0 : i32
        %dma_start3A_36 = tpu.memref_slice %run_scoped3A[%scan3A_34, %dma_start3A] : memref<79x128xi32, #tpu.memory_space<vmem>> -> memref<1x128xi32, #tpu.memory_space<vmem>>
        %dma_start3A_37 = tpu.memref_squeeze %dma_start3A_36 : memref<1x128xi32, #tpu.memory_space<vmem>> -> memref<128xi32, #tpu.memory_space<vmem>>
        %dma_start3A_38 = arith.constant 0 : i32
        %dma_start3A_39 = arith.constant 0 : i32
        %dma_start3A_40 = tpu.memref_slice %arg4[%dma_start3A_38, %dma_start3A_39] : memref<10000x128xf32, #tpu.memory_space<hbm>> -> memref<10000x128xf32, #tpu.memory_space<hbm>>
        tpu.enqueue_indirect_dma source(%dma_start3A_40 : memref<10000x128xf32, #tpu.memory_space<hbm>>) target(%run_scoped3A_1 : memref<128x128xf32, #tpu.memory_space<vmem>>) offsets(%dma_start3A_37 : memref<128xi32, #tpu.memory_space<vmem>>) semaphore(%arg7 : memref<!tpu.dma_semaphore, #tpu.memory_space<semaphore_mem>>)
        %dma_wait3A = arith.constant 0 : i32
        %dma_wait3A_41 = tpu.memref_slice %run_scoped3A[%scan3A_34, %dma_wait3A] : memref<79x128xi32, #tpu.memory_space<vmem>> -> memref<1x128xi32, #tpu.memory_space<vmem>>
        %dma_wait3A_42 = tpu.memref_squeeze %dma_wait3A_41 : memref<1x128xi32, #tpu.memory_space<vmem>> -> memref<128xi32, #tpu.memory_space<vmem>>
        %dma_wait3A_43 = arith.constant 0 : i32
        %dma_wait3A_44 = arith.constant 0 : i32
        %dma_wait3A_45 = tpu.memref_slice %arg4[%dma_wait3A_43, %dma_wait3A_44] : memref<10000x128xf32, #tpu.memory_space<hbm>> -> memref<10000x128xf32, #tpu.memory_space<hbm>>
        tpu.wait_indirect_dma semaphore(%arg7 : memref<!tpu.dma_semaphore, #tpu.memory_space<semaphore_mem>>) src(%dma_wait3A_45 : memref<10000x128xf32, #tpu.memory_space<hbm>>) dst(%run_scoped3A_1 : memref<128x128xf32, #tpu.memory_space<vmem>>)
        "tpu.region"() ({
          %run_scoped3A_47 = tpu.sem_alloc : memref<!tpu.dma_semaphore, #tpu.memory_space<semaphore_mem>>
          %dma_start3A_48 = arith.constant 0 : i32
          %dma_start3A_49 = tpu.memref_slice %run_scoped3A_0[%scan3A_34, %dma_start3A_48] : memref<79x128xi32, #tpu.memory_space<vmem>> -> memref<1x128xi32, #tpu.memory_space<vmem>>
          %dma_start3A_50 = tpu.memref_squeeze %dma_start3A_49 : memref<1x128xi32, #tpu.memory_space<vmem>> -> memref<128xi32, #tpu.memory_space<vmem>>
          %dma_start3A_51 = arith.constant 0 : i32
          %dma_start3A_52 = arith.constant 0 : i32
          %dma_start3A_53 = tpu.memref_slice %arg6[%dma_start3A_51, %dma_start3A_52] : memref<10240x128xf32, #tpu.memory_space<vmem_shared>> -> memref<10240x128xf32, #tpu.memory_space<vmem_shared>>
          tpu.enqueue_indirect_dma source(%run_scoped3A_1 : memref<128x128xf32, #tpu.memory_space<vmem>>) target(%dma_start3A_53 : memref<10240x128xf32, #tpu.memory_space<vmem_shared>>) offsets(%dma_start3A_50 : memref<128xi32, #tpu.memory_space<vmem>>) semaphore(%run_scoped3A_47 : memref<!tpu.dma_semaphore, #tpu.memory_space<semaphore_mem>>) {add = true}
          %dma_wait3A_54 = arith.constant 0 : i32
          %dma_wait3A_55 = tpu.memref_slice %run_scoped3A_0[%scan3A_34, %dma_wait3A_54] : memref<79x128xi32, #tpu.memory_space<vmem>> -> memref<1x128xi32, #tpu.memory_space<vmem>>
          %dma_wait3A_56 = tpu.memref_squeeze %dma_wait3A_55 : memref<1x128xi32, #tpu.memory_space<vmem>> -> memref<128xi32, #tpu.memory_space<vmem>>
          %dma_wait3A_57 = arith.constant 0 : i32
          %dma_wait3A_58 = arith.constant 0 : i32
          %dma_wait3A_59 = tpu.memref_slice %arg6[%dma_wait3A_57, %dma_wait3A_58] : memref<10240x128xf32, #tpu.memory_space<vmem_shared>> -> memref<10240x128xf32, #tpu.memory_space<vmem_shared>>
          tpu.wait_indirect_dma semaphore(%run_scoped3A_47 : memref<!tpu.dma_semaphore, #tpu.memory_space<semaphore_mem>>) src(%run_scoped3A_1 : memref<128x128xf32, #tpu.memory_space<vmem>>) dst(%dma_wait3A_59 : memref<10240x128xf32, #tpu.memory_space<vmem_shared>>)
          tpu.yield
        }) : () -> ()
        %scan3A_46 = arith.constant 0 : i32
        scf.yield %scan3A_46 : i32
      }
      %scan3A_25 = arith.constant 79 : i32
      %barrier3A_26 = arith.constant 0 : index
      tpu.barrier barrier_id(%barrier3A_26)
      %scan3A_27 = arith.constant 0 : i32
      %scan3A_28 = arith.constant 0 : i32
      %scan3A_29 = arith.constant 5 : i32
      %scan3A_30 = arith.addi %scan3A_28, %scan3A_29 : i32
      %scan3A_31 = arith.constant 1 : i32
      %scan3A_32 = scf.for %scan3A_34 = %scan3A_28 to %scan3A_30 step %scan3A_31 iter_args(%scan3A_35 = %scan3A_27) -> (i32)  : i32 {
        %mul3A_36 = arith.constant 128 : i32
        %mul3A_37 = arith.muli %scan3A_34, %mul3A_36 : i32
        %add3A_38 = arith.addi %mul3A_11, %mul3A_37 : i32
        %mul3A_39 = arith.constant 128 : i32
        %mul3A_40 = arith.muli %scan3A_34, %mul3A_39 : i32
        %add3A_41 = arith.addi %mul3A_11, %mul3A_40 : i32
        "tpu.region"() ({
          %run_scoped3A_43 = tpu.sem_alloc : memref<!tpu.dma_semaphore, #tpu.memory_space<semaphore_mem>>
          %dma_start3A = arith.constant 0 : i32
          %dma_start3A_44 = tpu.memref_slice %arg5[%arg0, %add3A_41, %dma_start3A] : memref<2x10240x128xf32, #tpu.memory_space<hbm>> -> memref<1x128x128xf32, #tpu.memory_space<hbm>>
          %dma_start3A_45 = tpu.memref_squeeze %dma_start3A_44 : memref<1x128x128xf32, #tpu.memory_space<hbm>> -> memref<128x128xf32, #tpu.memory_space<hbm>>
          %dma_start3A_46 = arith.constant 0 : i32
          %dma_start3A_47 = tpu.memref_slice %arg6[%add3A_38, %dma_start3A_46] : memref<10240x128xf32, #tpu.memory_space<vmem_shared>> -> memref<128x128xf32, #tpu.memory_space<vmem_shared>>
          tpu.enqueue_dma source(%dma_start3A_47 : memref<128x128xf32, #tpu.memory_space<vmem_shared>>) target(%dma_start3A_45 : memref<128x128xf32, #tpu.memory_space<hbm>>) target_semaphore(%run_scoped3A_43 : memref<!tpu.dma_semaphore, #tpu.memory_space<semaphore_mem>>)
          %dma_wait3A = arith.constant 0 : i32
          %dma_wait3A_48 = tpu.memref_slice %arg5[%arg0, %add3A_41, %dma_wait3A] : memref<2x10240x128xf32, #tpu.memory_space<hbm>> -> memref<1x128x128xf32, #tpu.memory_space<hbm>>
          %dma_wait3A_49 = tpu.memref_squeeze %dma_wait3A_48 : memref<1x128x128xf32, #tpu.memory_space<hbm>> -> memref<128x128xf32, #tpu.memory_space<hbm>>
          %dma_wait3A_50 = arith.constant 0 : i32
          %dma_wait3A_51 = tpu.memref_slice %arg6[%add3A_38, %dma_wait3A_50] : memref<10240x128xf32, #tpu.memory_space<vmem_shared>> -> memref<128x128xf32, #tpu.memory_space<vmem_shared>>
          tpu.wait_dma2 semaphore(%run_scoped3A_43 : memref<!tpu.dma_semaphore, #tpu.memory_space<semaphore_mem>>) src(%dma_wait3A_51 : memref<128x128xf32, #tpu.memory_space<vmem_shared>>) dst(%dma_wait3A_49 : memref<128x128xf32, #tpu.memory_space<hbm>>)
          tpu.yield
        }) : () -> ()
        %scan3A_42 = arith.constant 0 : i32
        scf.yield %scan3A_42 : i32
      }
      %scan3A_33 = arith.constant 5 : i32
      tpu.yield
    }) : () -> ()
    return
  }
}

#map = affine_map<(d0, d1) -> (0, 0, 0)>
#map1 = affine_map<(d0, d1) -> (0, 0)>
module attributes {stable_mosaic.version = 14 : i64} {
  func.func @_sc_scatter_body(%arg0: i32, %arg1: i32, %arg2: memref<32x79x128xi32, #tpu.memory_space<hbm>>, %arg3: memref<32x79x128xi32, #tpu.memory_space<hbm>>, %arg4: memref<10000x128xf32, #tpu.memory_space<hbm>>, %arg5: memref<2x10240x128xf32, #tpu.memory_space<hbm>>, %arg6: memref<10240x128xf32, #tpu.memory_space<vmem_shared>>, %arg7: memref<!tpu.dma_semaphore, #tpu.memory_space<semaphore_mem>>) attributes {dimension_semantics = [#tpu.dimension_semantics<core_parallel>, #tpu.dimension_semantics<subcore_parallel>], iteration_bounds = array<i64: 2, 16>, scalar_prefetch = 0 : i64, scratch_operands = 2 : i64, tpu.core_type = #tpu.core_type<sc_vector_subcore>, window_params = [{transform_indices = #map}, {transform_indices = #map}, {transform_indices = #map1}, {transform_indices = #map}]} {
    "tpu.region"() ({
      %run_scoped3A = memref.alloca() : memref<79x128xi32, #tpu.memory_space<vmem>>
      %run_scoped3A_0 = memref.alloca() : memref<79x128xi32, #tpu.memory_space<vmem>>
      %run_scoped3A_1 = memref.alloca() : memref<128x128xf32, #tpu.memory_space<vmem>>
      %mul3A = arith.constant 16 : i32
      %mul3A_2 = arith.muli %arg0, %mul3A : i32
      %add3A = arith.addi %mul3A_2, %arg1 : i32
      "tpu.region"() ({
        %run_scoped3A_34 = tpu.sem_alloc : memref<!tpu.dma_semaphore, #tpu.memory_space<semaphore_mem>>
        %dma_start3A = arith.constant 0 : i32
        %dma_start3A_35 = arith.constant 0 : i32
        %dma_start3A_36 = tpu.memref_slice %arg2[%add3A, %dma_start3A, %dma_start3A_35] : memref<32x79x128xi32, #tpu.memory_space<hbm>> -> memref<1x79x128xi32, #tpu.memory_space<hbm>>
        %dma_start3A_37 = tpu.memref_squeeze %dma_start3A_36 : memref<1x79x128xi32, #tpu.memory_space<hbm>> -> memref<79x128xi32, #tpu.memory_space<hbm>>
        %dma_start3A_38 = arith.constant 0 : i32
        %dma_start3A_39 = arith.constant 0 : i32
        %dma_start3A_40 = tpu.memref_slice %arg2[%add3A, %dma_start3A_38, %dma_start3A_39] : memref<32x79x128xi32, #tpu.memory_space<hbm>> -> memref<1x79x128xi32, #tpu.memory_space<hbm>>
        %dma_start3A_41 = tpu.memref_squeeze %dma_start3A_40 : memref<1x79x128xi32, #tpu.memory_space<hbm>> -> memref<79x128xi32, #tpu.memory_space<hbm>>
        tpu.enqueue_dma source(%dma_start3A_41 : memref<79x128xi32, #tpu.memory_space<hbm>>) target(%run_scoped3A : memref<79x128xi32, #tpu.memory_space<vmem>>) target_semaphore(%run_scoped3A_34 : memref<!tpu.dma_semaphore, #tpu.memory_space<semaphore_mem>>)
        %dma_wait3A = arith.constant 0 : i32
        %dma_wait3A_42 = arith.constant 0 : i32
        %dma_wait3A_43 = tpu.memref_slice %arg2[%add3A, %dma_wait3A, %dma_wait3A_42] : memref<32x79x128xi32, #tpu.memory_space<hbm>> -> memref<1x79x128xi32, #tpu.memory_space<hbm>>
        %dma_wait3A_44 = tpu.memref_squeeze %dma_wait3A_43 : memref<1x79x128xi32, #tpu.memory_space<hbm>> -> memref<79x128xi32, #tpu.memory_space<hbm>>
        %dma_wait3A_45 = arith.constant 0 : i32
        %dma_wait3A_46 = arith.constant 0 : i32
        %dma_wait3A_47 = tpu.memref_slice %arg2[%add3A, %dma_wait3A_45, %dma_wait3A_46] : memref<32x79x128xi32, #tpu.memory_space<hbm>> -> memref<1x79x128xi32, #tpu.memory_space<hbm>>
        %dma_wait3A_48 = tpu.memref_squeeze %dma_wait3A_47 : memref<1x79x128xi32, #tpu.memory_space<hbm>> -> memref<79x128xi32, #tpu.memory_space<hbm>>
        tpu.wait_dma2 semaphore(%run_scoped3A_34 : memref<!tpu.dma_semaphore, #tpu.memory_space<semaphore_mem>>) src(%dma_wait3A_48 : memref<79x128xi32, #tpu.memory_space<hbm>>) dst(%run_scoped3A : memref<79x128xi32, #tpu.memory_space<vmem>>)
        tpu.yield
      }) : () -> ()
      "tpu.region"() ({
        %run_scoped3A_34 = tpu.sem_alloc : memref<!tpu.dma_semaphore, #tpu.memory_space<semaphore_mem>>
        %dma_start3A = arith.constant 0 : i32
        %dma_start3A_35 = arith.constant 0 : i32
        %dma_start3A_36 = tpu.memref_slice %arg3[%add3A, %dma_start3A, %dma_start3A_35] : memref<32x79x128xi32, #tpu.memory_space<hbm>> -> memref<1x79x128xi32, #tpu.memory_space<hbm>>
        %dma_start3A_37 = tpu.memref_squeeze %dma_start3A_36 : memref<1x79x128xi32, #tpu.memory_space<hbm>> -> memref<79x128xi32, #tpu.memory_space<hbm>>
        %dma_start3A_38 = arith.constant 0 : i32
        %dma_start3A_39 = arith.constant 0 : i32
        %dma_start3A_40 = tpu.memref_slice %arg3[%add3A, %dma_start3A_38, %dma_start3A_39] : memref<32x79x128xi32, #tpu.memory_space<hbm>> -> memref<1x79x128xi32, #tpu.memory_space<hbm>>
        %dma_start3A_41 = tpu.memref_squeeze %dma_start3A_40 : memref<1x79x128xi32, #tpu.memory_space<hbm>> -> memref<79x128xi32, #tpu.memory_space<hbm>>
        tpu.enqueue_dma source(%dma_start3A_41 : memref<79x128xi32, #tpu.memory_space<hbm>>) target(%run_scoped3A_0 : memref<79x128xi32, #tpu.memory_space<vmem>>) target_semaphore(%run_scoped3A_34 : memref<!tpu.dma_semaphore, #tpu.memory_space<semaphore_mem>>)
        %dma_wait3A = arith.constant 0 : i32
        %dma_wait3A_42 = arith.constant 0 : i32
        %dma_wait3A_43 = tpu.memref_slice %arg3[%add3A, %dma_wait3A, %dma_wait3A_42] : memref<32x79x128xi32, #tpu.memory_space<hbm>> -> memref<1x79x128xi32, #tpu.memory_space<hbm>>
        %dma_wait3A_44 = tpu.memref_squeeze %dma_wait3A_43 : memref<1x79x128xi32, #tpu.memory_space<hbm>> -> memref<79x128xi32, #tpu.memory_space<hbm>>
        %dma_wait3A_45 = arith.constant 0 : i32
        %dma_wait3A_46 = arith.constant 0 : i32
        %dma_wait3A_47 = tpu.memref_slice %arg3[%add3A, %dma_wait3A_45, %dma_wait3A_46] : memref<32x79x128xi32, #tpu.memory_space<hbm>> -> memref<1x79x128xi32, #tpu.memory_space<hbm>>
        %dma_wait3A_48 = tpu.memref_squeeze %dma_wait3A_47 : memref<1x79x128xi32, #tpu.memory_space<hbm>> -> memref<79x128xi32, #tpu.memory_space<hbm>>
        tpu.wait_dma2 semaphore(%run_scoped3A_34 : memref<!tpu.dma_semaphore, #tpu.memory_space<semaphore_mem>>) src(%dma_wait3A_48 : memref<79x128xi32, #tpu.memory_space<hbm>>) dst(%run_scoped3A_0 : memref<79x128xi32, #tpu.memory_space<vmem>>)
        tpu.yield
      }) : () -> ()
      %broadcast_in_dim3A = arith.constant 0.000000e+00 : f32
      %broadcast_in_dim3A_3 = vector.broadcast %broadcast_in_dim3A : f32 to vector<16xf32>
      %scan3A = arith.constant 0 : i32
      %scan3A_4 = arith.constant 0 : i32
      %scan3A_5 = arith.constant 128 : i32
      %scan3A_6 = arith.addi %scan3A_4, %scan3A_5 : i32
      %scan3A_7 = arith.constant 1 : i32
      %scan3A_8 = scf.for %scan3A_34 = %scan3A_4 to %scan3A_6 step %scan3A_7 iter_args(%scan3A_35 = %scan3A) -> (i32)  : i32 {
        %swap3A = arith.index_cast %scan3A_34 : i32 to index
        %swap3A_36 = arith.constant 0 : index
        %swap3A_37 = tpu.vector_load %run_scoped3A_1[%swap3A, %swap3A_36] {strides = array<i32>} : memref<128x128xf32, #tpu.memory_space<vmem>>, vector<1x16xf32>,
        %swap3A_38 = vector.shape_cast %swap3A_37 : vector<1x16xf32> to vector<16xf32>
        %swap3A_39 = vector.shape_cast %broadcast_in_dim3A_3 : vector<16xf32> to vector<1x16xf32>
        tpu.vector_store %run_scoped3A_1[%swap3A, %swap3A_36], %swap3A_39 {strides = array<i32>} : memref<128x128xf32, #tpu.memory_space<vmem>>, vector<1x16xf32>,
        %swap3A_40 = arith.index_cast %scan3A_34 : i32 to index
        %swap3A_41 = arith.constant 16 : index
        %swap3A_42 = tpu.vector_load %run_scoped3A_1[%swap3A_40, %swap3A_41] {strides = array<i32>} : memref<128x128xf32, #tpu.memory_space<vmem>>, vector<1x16xf32>,
        %swap3A_43 = vector.shape_cast %swap3A_42 : vector<1x16xf32> to vector<16xf32>
        %swap3A_44 = vector.shape_cast %broadcast_in_dim3A_3 : vector<16xf32> to vector<1x16xf32>
        tpu.vector_store %run_scoped3A_1[%swap3A_40, %swap3A_41], %swap3A_44 {strides = array<i32>} : memref<128x128xf32, #tpu.memory_space<vmem>>, vector<1x16xf32>,
        %swap3A_45 = arith.index_cast %scan3A_34 : i32 to index
        %swap3A_46 = arith.constant 32 : index
        %swap3A_47 = tpu.vector_load %run_scoped3A_1[%swap3A_45, %swap3A_46] {strides = array<i32>} : memref<128x128xf32, #tpu.memory_space<vmem>>, vector<1x16xf32>,
        %swap3A_48 = vector.shape_cast %swap3A_47 : vector<1x16xf32> to vector<16xf32>
        %swap3A_49 = vector.shape_cast %broadcast_in_dim3A_3 : vector<16xf32> to vector<1x16xf32>
        tpu.vector_store %run_scoped3A_1[%swap3A_45, %swap3A_46], %swap3A_49 {strides = array<i32>} : memref<128x128xf32, #tpu.memory_space<vmem>>, vector<1x16xf32>,
        %swap3A_50 = arith.index_cast %scan3A_34 : i32 to index
        %swap3A_51 = arith.constant 48 : index
        %swap3A_52 = tpu.vector_load %run_scoped3A_1[%swap3A_50, %swap3A_51] {strides = array<i32>} : memref<128x128xf32, #tpu.memory_space<vmem>>, vector<1x16xf32>,
        %swap3A_53 = vector.shape_cast %swap3A_52 : vector<1x16xf32> to vector<16xf32>
        %swap3A_54 = vector.shape_cast %broadcast_in_dim3A_3 : vector<16xf32> to vector<1x16xf32>
        tpu.vector_store %run_scoped3A_1[%swap3A_50, %swap3A_51], %swap3A_54 {strides = array<i32>} : memref<128x128xf32, #tpu.memory_space<vmem>>, vector<1x16xf32>,
        %swap3A_55 = arith.index_cast %scan3A_34 : i32 to index
        %swap3A_56 = arith.constant 64 : index
        %swap3A_57 = tpu.vector_load %run_scoped3A_1[%swap3A_55, %swap3A_56] {strides = array<i32>} : memref<128x128xf32, #tpu.memory_space<vmem>>, vector<1x16xf32>,
        %swap3A_58 = vector.shape_cast %swap3A_57 : vector<1x16xf32> to vector<16xf32>
        %swap3A_59 = vector.shape_cast %broadcast_in_dim3A_3 : vector<16xf32> to vector<1x16xf32>
        tpu.vector_store %run_scoped3A_1[%swap3A_55, %swap3A_56], %swap3A_59 {strides = array<i32>} : memref<128x128xf32, #tpu.memory_space<vmem>>, vector<1x16xf32>,
        %swap3A_60 = arith.index_cast %scan3A_34 : i32 to index
        %swap3A_61 = arith.constant 80 : index
        %swap3A_62 = tpu.vector_load %run_scoped3A_1[%swap3A_60, %swap3A_61] {strides = array<i32>} : memref<128x128xf32, #tpu.memory_space<vmem>>, vector<1x16xf32>,
        %swap3A_63 = vector.shape_cast %swap3A_62 : vector<1x16xf32> to vector<16xf32>
        %swap3A_64 = vector.shape_cast %broadcast_in_dim3A_3 : vector<16xf32> to vector<1x16xf32>
        tpu.vector_store %run_scoped3A_1[%swap3A_60, %swap3A_61], %swap3A_64 {strides = array<i32>} : memref<128x128xf32, #tpu.memory_space<vmem>>, vector<1x16xf32>,
        %swap3A_65 = arith.index_cast %scan3A_34 : i32 to index
        %swap3A_66 = arith.constant 96 : index
        %swap3A_67 = tpu.vector_load %run_scoped3A_1[%swap3A_65, %swap3A_66] {strides = array<i32>} : memref<128x128xf32, #tpu.memory_space<vmem>>, vector<1x16xf32>,
        %swap3A_68 = vector.shape_cast %swap3A_67 : vector<1x16xf32> to vector<16xf32>
        %swap3A_69 = vector.shape_cast %broadcast_in_dim3A_3 : vector<16xf32> to vector<1x16xf32>
        tpu.vector_store %run_scoped3A_1[%swap3A_65, %swap3A_66], %swap3A_69 {strides = array<i32>} : memref<128x128xf32, #tpu.memory_space<vmem>>, vector<1x16xf32>,
        %swap3A_70 = arith.index_cast %scan3A_34 : i32 to index
        %swap3A_71 = arith.constant 112 : index
        %swap3A_72 = tpu.vector_load %run_scoped3A_1[%swap3A_70, %swap3A_71] {strides = array<i32>} : memref<128x128xf32, #tpu.memory_space<vmem>>, vector<1x16xf32>,
        %swap3A_73 = vector.shape_cast %swap3A_72 : vector<1x16xf32> to vector<16xf32>
        %swap3A_74 = vector.shape_cast %broadcast_in_dim3A_3 : vector<16xf32> to vector<1x16xf32>
        tpu.vector_store %run_scoped3A_1[%swap3A_70, %swap3A_71], %swap3A_74 {strides = array<i32>} : memref<128x128xf32, #tpu.memory_space<vmem>>, vector<1x16xf32>,
        %scan3A_75 = arith.constant 0 : i32
        scf.yield %scan3A_75 : i32
      }
      %scan3A_9 = arith.constant 128 : i32
      %mul3A_10 = arith.constant 640 : i32
      %mul3A_11 = arith.muli %arg1, %mul3A_10 : i32
      %scan3A_12 = arith.constant 0 : i32
      %scan3A_13 = arith.constant 0 : i32
      %scan3A_14 = arith.constant 5 : i32
      %scan3A_15 = arith.addi %scan3A_13, %scan3A_14 : i32
      %scan3A_16 = arith.constant 1 : i32
      %scan3A_17 = scf.for %scan3A_34 = %scan3A_13 to %scan3A_15 step %scan3A_16 iter_args(%scan3A_35 = %scan3A_12) -> (i32)  : i32 {
        %mul3A_36 = arith.constant 128 : i32
        %mul3A_37 = arith.muli %scan3A_34, %mul3A_36 : i32
        %add3A_38 = arith.addi %mul3A_11, %mul3A_37 : i32
        "tpu.region"() ({
          %run_scoped3A_40 = tpu.sem_alloc : memref<!tpu.dma_semaphore, #tpu.memory_space<semaphore_mem>>
          %dma_start3A = arith.constant 0 : i32
          %dma_start3A_41 = tpu.memref_slice %arg6[%add3A_38, %dma_start3A] : memref<10240x128xf32, #tpu.memory_space<vmem_shared>> -> memref<128x128xf32, #tpu.memory_space<vmem_shared>>
          %dma_start3A_42 = arith.constant 0 : i32
          %dma_start3A_43 = tpu.memref_slice %arg6[%add3A_38, %dma_start3A_42] : memref<10240x128xf32, #tpu.memory_space<vmem_shared>> -> memref<128x128xf32, #tpu.memory_space<vmem_shared>>
          tpu.enqueue_dma source(%run_scoped3A_1 : memref<128x128xf32, #tpu.memory_space<vmem>>) target(%dma_start3A_43 : memref<128x128xf32, #tpu.memory_space<vmem_shared>>) target_semaphore(%run_scoped3A_40 : memref<!tpu.dma_semaphore, #tpu.memory_space<semaphore_mem>>)
          %dma_wait3A = arith.constant 0 : i32
          %dma_wait3A_44 = tpu.memref_slice %arg6[%add3A_38, %dma_wait3A] : memref<10240x128xf32, #tpu.memory_space<vmem_shared>> -> memref<128x128xf32, #tpu.memory_space<vmem_shared>>
          %dma_wait3A_45 = arith.constant 0 : i32
          %dma_wait3A_46 = tpu.memref_slice %arg6[%add3A_38, %dma_wait3A_45] : memref<10240x128xf32, #tpu.memory_space<vmem_shared>> -> memref<128x128xf32, #tpu.memory_space<vmem_shared>>
          tpu.wait_dma2 semaphore(%run_scoped3A_40 : memref<!tpu.dma_semaphore, #tpu.memory_space<semaphore_mem>>) src(%run_scoped3A_1 : memref<128x128xf32, #tpu.memory_space<vmem>>) dst(%dma_wait3A_46 : memref<128x128xf32, #tpu.memory_space<vmem_shared>>)
          tpu.yield
        }) : () -> ()
        %scan3A_39 = arith.constant 0 : i32
        scf.yield %scan3A_39 : i32
      }
      %scan3A_18 = arith.constant 5 : i32
      %barrier3A = arith.constant 0 : index
      tpu.barrier barrier_id(%barrier3A)
      %scan3A_19 = arith.constant 0 : i32
      %scan3A_20 = arith.constant 0 : i32
      %scan3A_21 = arith.constant 79 : i32
      %scan3A_22 = arith.addi %scan3A_20, %scan3A_21 : i32
      %scan3A_23 = arith.constant 1 : i32
      %scan3A_24 = scf.for %scan3A_34 = %scan3A_20 to %scan3A_22 step %scan3A_23 iter_args(%scan3A_35 = %scan3A_19) -> (i32)  : i32 {
        %dma_start3A = arith.constant 0 : i32
        %dma_start3A_36 = tpu.memref_slice %run_scoped3A[%scan3A_34, %dma_start3A] : memref<79x128xi32, #tpu.memory_space<vmem>> -> memref<1x128xi32, #tpu.memory_space<vmem>>
        %dma_start3A_37 = tpu.memref_squeeze %dma_start3A_36 : memref<1x128xi32, #tpu.memory_space<vmem>> -> memref<128xi32, #tpu.memory_space<vmem>>
        %dma_start3A_38 = arith.constant 0 : i32
        %dma_start3A_39 = arith.constant 0 : i32
        %dma_start3A_40 = tpu.memref_slice %arg4[%dma_start3A_38, %dma_start3A_39] : memref<10000x128xf32, #tpu.memory_space<hbm>> -> memref<10000x128xf32, #tpu.memory_space<hbm>>
        tpu.enqueue_indirect_dma source(%dma_start3A_40 : memref<10000x128xf32, #tpu.memory_space<hbm>>) target(%run_scoped3A_1 : memref<128x128xf32, #tpu.memory_space<vmem>>) offsets(%dma_start3A_37 : memref<128xi32, #tpu.memory_space<vmem>>) semaphore(%arg7 : memref<!tpu.dma_semaphore, #tpu.memory_space<semaphore_mem>>)
        %dma_wait3A = arith.constant 0 : i32
        %dma_wait3A_41 = tpu.memref_slice %run_scoped3A[%scan3A_34, %dma_wait3A] : memref<79x128xi32, #tpu.memory_space<vmem>> -> memref<1x128xi32, #tpu.memory_space<vmem>>
        %dma_wait3A_42 = tpu.memref_squeeze %dma_wait3A_41 : memref<1x128xi32, #tpu.memory_space<vmem>> -> memref<128xi32, #tpu.memory_space<vmem>>
        %dma_wait3A_43 = arith.constant 0 : i32
        %dma_wait3A_44 = arith.constant 0 : i32
        %dma_wait3A_45 = tpu.memref_slice %arg4[%dma_wait3A_43, %dma_wait3A_44] : memref<10000x128xf32, #tpu.memory_space<hbm>> -> memref<10000x128xf32, #tpu.memory_space<hbm>>
        tpu.wait_indirect_dma semaphore(%arg7 : memref<!tpu.dma_semaphore, #tpu.memory_space<semaphore_mem>>) src(%dma_wait3A_45 : memref<10000x128xf32, #tpu.memory_space<hbm>>) dst(%run_scoped3A_1 : memref<128x128xf32, #tpu.memory_space<vmem>>)
        "tpu.region"() ({
          %run_scoped3A_47 = tpu.sem_alloc : memref<!tpu.dma_semaphore, #tpu.memory_space<semaphore_mem>>
          %dma_start3A_48 = arith.constant 0 : i32
          %dma_start3A_49 = tpu.memref_slice %run_scoped3A_0[%scan3A_34, %dma_start3A_48] : memref<79x128xi32, #tpu.memory_space<vmem>> -> memref<1x128xi32, #tpu.memory_space<vmem>>
          %dma_start3A_50 = tpu.memref_squeeze %dma_start3A_49 : memref<1x128xi32, #tpu.memory_space<vmem>> -> memref<128xi32, #tpu.memory_space<vmem>>
          %dma_start3A_51 = arith.constant 0 : i32
          %dma_start3A_52 = arith.constant 0 : i32
          %dma_start3A_53 = tpu.memref_slice %arg6[%dma_start3A_51, %dma_start3A_52] : memref<10240x128xf32, #tpu.memory_space<vmem_shared>> -> memref<10240x128xf32, #tpu.memory_space<vmem_shared>>
          tpu.enqueue_indirect_dma source(%run_scoped3A_1 : memref<128x128xf32, #tpu.memory_space<vmem>>) target(%dma_start3A_53 : memref<10240x128xf32, #tpu.memory_space<vmem_shared>>) offsets(%dma_start3A_50 : memref<128xi32, #tpu.memory_space<vmem>>) semaphore(%run_scoped3A_47 : memref<!tpu.dma_semaphore, #tpu.memory_space<semaphore_mem>>) {add = true}
          %dma_wait3A_54 = arith.constant 0 : i32
          %dma_wait3A_55 = tpu.memref_slice %run_scoped3A_0[%scan3A_34, %dma_wait3A_54] : memref<79x128xi32, #tpu.memory_space<vmem>> -> memref<1x128xi32, #tpu.memory_space<vmem>>
          %dma_wait3A_56 = tpu.memref_squeeze %dma_wait3A_55 : memref<1x128xi32, #tpu.memory_space<vmem>> -> memref<128xi32, #tpu.memory_space<vmem>>
          %dma_wait3A_57 = arith.constant 0 : i32
          %dma_wait3A_58 = arith.constant 0 : i32
          %dma_wait3A_59 = tpu.memref_slice %arg6[%dma_wait3A_57, %dma_wait3A_58] : memref<10240x128xf32, #tpu.memory_space<vmem_shared>> -> memref<10240x128xf32, #tpu.memory_space<vmem_shared>>
          tpu.wait_indirect_dma semaphore(%run_scoped3A_47 : memref<!tpu.dma_semaphore, #tpu.memory_space<semaphore_mem>>) src(%run_scoped3A_1 : memref<128x128xf32, #tpu.memory_space<vmem>>) dst(%dma_wait3A_59 : memref<10240x128xf32, #tpu.memory_space<vmem_shared>>)
          tpu.yield
        }) : () -> ()
        %scan3A_46 = arith.constant 0 : i32
        scf.yield %scan3A_46 : i32
      }
      %scan3A_25 = arith.constant 79 : i32
      %barrier3A_26 = arith.constant 0 : index
      tpu.barrier barrier_id(%barrier3A_26)
      %scan3A_27 = arith.constant 0 : i32
      %scan3A_28 = arith.constant 0 : i32
      %scan3A_29 = arith.constant 5 : i32
      %scan3A_30 = arith.addi %scan3A_28, %scan3A_29 : i32
      %scan3A_31 = arith.constant 1 : i32
      %scan3A_32 = scf.for %scan3A_34 = %scan3A_28 to %scan3A_30 step %scan3A_31 iter_args(%scan3A_35 = %scan3A_27) -> (i32)  : i32 {
        %mul3A_36 = arith.constant 128 : i32
        %mul3A_37 = arith.muli %scan3A_34, %mul3A_36 : i32
        %add3A_38 = arith.addi %mul3A_11, %mul3A_37 : i32
        %mul3A_39 = arith.constant 128 : i32
        %mul3A_40 = arith.muli %scan3A_34, %mul3A_39 : i32
        %add3A_41 = arith.addi %mul3A_11, %mul3A_40 : i32
        "tpu.region"() ({
          %run_scoped3A_43 = tpu.sem_alloc : memref<!tpu.dma_semaphore, #tpu.memory_space<semaphore_mem>>
          %dma_start3A = arith.constant 0 : i32
          %dma_start3A_44 = tpu.memref_slice %arg5[%arg0, %add3A_41, %dma_start3A] : memref<2x10240x128xf32, #tpu.memory_space<hbm>> -> memref<1x128x128xf32, #tpu.memory_space<hbm>>
          %dma_start3A_45 = tpu.memref_squeeze %dma_start3A_44 : memref<1x128x128xf32, #tpu.memory_space<hbm>> -> memref<128x128xf32, #tpu.memory_space<hbm>>
          %dma_start3A_46 = arith.constant 0 : i32
          %dma_start3A_47 = tpu.memref_slice %arg6[%add3A_38, %dma_start3A_46] : memref<10240x128xf32, #tpu.memory_space<vmem_shared>> -> memref<128x128xf32, #tpu.memory_space<vmem_shared>>
          tpu.enqueue_dma source(%dma_start3A_47 : memref<128x128xf32, #tpu.memory_space<vmem_shared>>) target(%dma_start3A_45 : memref<128x128xf32, #tpu.memory_space<hbm>>) target_semaphore(%run_scoped3A_43 : memref<!tpu.dma_semaphore, #tpu.memory_space<semaphore_mem>>)
          %dma_wait3A = arith.constant 0 : i32
          %dma_wait3A_48 = tpu.memref_slice %arg5[%arg0, %add3A_41, %dma_wait3A] : memref<2x10240x128xf32, #tpu.memory_space<hbm>> -> memref<1x128x128xf32, #tpu.memory_space<hbm>>
          %dma_wait3A_49 = tpu.memref_squeeze %dma_wait3A_48 : memref<1x128x128xf32, #tpu.memory_space<hbm>> -> memref<128x128xf32, #tpu.memory_space<hbm>>
          %dma_wait3A_50 = arith.constant 0 : i32
          %dma_wait3A_51 = tpu.memref_slice %arg6[%add3A_38, %dma_wait3A_50] : memref<10240x128xf32, #tpu.memory_space<vmem_shared>> -> memref<128x128xf32, #tpu.memory_space<vmem_shared>>
          tpu.wait_dma2 semaphore(%run_scoped3A_43 : memref<!tpu.dma_semaphore, #tpu.memory_space<semaphore_mem>>) src(%dma_wait3A_51 : memref<128x128xf32, #tpu.memory_space<vmem_shared>>) dst(%dma_wait3A_49 : memref<128x128xf32, #tpu.memory_space<hbm>>)
          tpu.yield
        }) : () -> ()
        %scan3A_42 = arith.constant 0 : i32
        scf.yield %scan3A_42 : i32
      }
      %scan3A_33 = arith.constant 5 : i32
      tpu.yield
    }) : () -> ()
    return
  }
}

#map = affine_map<(d0, d1) -> (0, 0, 0)>
#map1 = affine_map<(d0, d1) -> (0, 0)>
module attributes {stable_mosaic.version = 14 : i64} {
  func.func @_sc_scatter_body(%arg0: i32, %arg1: i32, %arg2: memref<32x79x128xi32, #tpu.memory_space<hbm>>, %arg3: memref<32x79x128xi32, #tpu.memory_space<hbm>>, %arg4: memref<10000x128xf32, #tpu.memory_space<hbm>>, %arg5: memref<2x10240x128xf32, #tpu.memory_space<hbm>>, %arg6: memref<10240x128xf32, #tpu.memory_space<vmem_shared>>, %arg7: memref<!tpu.dma_semaphore, #tpu.memory_space<semaphore_mem>>) attributes {dimension_semantics = [#tpu.dimension_semantics<core_parallel>, #tpu.dimension_semantics<subcore_parallel>], iteration_bounds = array<i64: 2, 16>, scalar_prefetch = 0 : i64, scratch_operands = 2 : i64, tpu.core_type = #tpu.core_type<sc_vector_subcore>, window_params = [{transform_indices = #map}, {transform_indices = #map}, {transform_indices = #map1}, {transform_indices = #map}]} {
    "tpu.region"() ({
      %run_scoped3A = memref.alloca() : memref<79x128xi32, #tpu.memory_space<vmem>>
      %run_scoped3A_0 = memref.alloca() : memref<79x128xi32, #tpu.memory_space<vmem>>
      %run_scoped3A_1 = memref.alloca() : memref<128x128xf32, #tpu.memory_space<vmem>>
      %mul3A = arith.constant 16 : i32
      %mul3A_2 = arith.muli %arg0, %mul3A : i32
      %add3A = arith.addi %mul3A_2, %arg1 : i32
      "tpu.region"() ({
        %run_scoped3A_34 = tpu.sem_alloc : memref<!tpu.dma_semaphore, #tpu.memory_space<semaphore_mem>>
        %dma_start3A = arith.constant 0 : i32
        %dma_start3A_35 = arith.constant 0 : i32
        %dma_start3A_36 = tpu.memref_slice %arg2[%add3A, %dma_start3A, %dma_start3A_35] : memref<32x79x128xi32, #tpu.memory_space<hbm>> -> memref<1x79x128xi32, #tpu.memory_space<hbm>>
        %dma_start3A_37 = tpu.memref_squeeze %dma_start3A_36 : memref<1x79x128xi32, #tpu.memory_space<hbm>> -> memref<79x128xi32, #tpu.memory_space<hbm>>
        %dma_start3A_38 = arith.constant 0 : i32
        %dma_start3A_39 = arith.constant 0 : i32
        %dma_start3A_40 = tpu.memref_slice %arg2[%add3A, %dma_start3A_38, %dma_start3A_39] : memref<32x79x128xi32, #tpu.memory_space<hbm>> -> memref<1x79x128xi32, #tpu.memory_space<hbm>>
        %dma_start3A_41 = tpu.memref_squeeze %dma_start3A_40 : memref<1x79x128xi32, #tpu.memory_space<hbm>> -> memref<79x128xi32, #tpu.memory_space<hbm>>
        tpu.enqueue_dma source(%dma_start3A_41 : memref<79x128xi32, #tpu.memory_space<hbm>>) target(%run_scoped3A : memref<79x128xi32, #tpu.memory_space<vmem>>) target_semaphore(%run_scoped3A_34 : memref<!tpu.dma_semaphore, #tpu.memory_space<semaphore_mem>>)
        %dma_wait3A = arith.constant 0 : i32
        %dma_wait3A_42 = arith.constant 0 : i32
        %dma_wait3A_43 = tpu.memref_slice %arg2[%add3A, %dma_wait3A, %dma_wait3A_42] : memref<32x79x128xi32, #tpu.memory_space<hbm>> -> memref<1x79x128xi32, #tpu.memory_space<hbm>>
        %dma_wait3A_44 = tpu.memref_squeeze %dma_wait3A_43 : memref<1x79x128xi32, #tpu.memory_space<hbm>> -> memref<79x128xi32, #tpu.memory_space<hbm>>
        %dma_wait3A_45 = arith.constant 0 : i32
        %dma_wait3A_46 = arith.constant 0 : i32
        %dma_wait3A_47 = tpu.memref_slice %arg2[%add3A, %dma_wait3A_45, %dma_wait3A_46] : memref<32x79x128xi32, #tpu.memory_space<hbm>> -> memref<1x79x128xi32, #tpu.memory_space<hbm>>
        %dma_wait3A_48 = tpu.memref_squeeze %dma_wait3A_47 : memref<1x79x128xi32, #tpu.memory_space<hbm>> -> memref<79x128xi32, #tpu.memory_space<hbm>>
        tpu.wait_dma2 semaphore(%run_scoped3A_34 : memref<!tpu.dma_semaphore, #tpu.memory_space<semaphore_mem>>) src(%dma_wait3A_48 : memref<79x128xi32, #tpu.memory_space<hbm>>) dst(%run_scoped3A : memref<79x128xi32, #tpu.memory_space<vmem>>)
        tpu.yield
      }) : () -> ()
      "tpu.region"() ({
        %run_scoped3A_34 = tpu.sem_alloc : memref<!tpu.dma_semaphore, #tpu.memory_space<semaphore_mem>>
        %dma_start3A = arith.constant 0 : i32
        %dma_start3A_35 = arith.constant 0 : i32
        %dma_start3A_36 = tpu.memref_slice %arg3[%add3A, %dma_start3A, %dma_start3A_35] : memref<32x79x128xi32, #tpu.memory_space<hbm>> -> memref<1x79x128xi32, #tpu.memory_space<hbm>>
        %dma_start3A_37 = tpu.memref_squeeze %dma_start3A_36 : memref<1x79x128xi32, #tpu.memory_space<hbm>> -> memref<79x128xi32, #tpu.memory_space<hbm>>
        %dma_start3A_38 = arith.constant 0 : i32
        %dma_start3A_39 = arith.constant 0 : i32
        %dma_start3A_40 = tpu.memref_slice %arg3[%add3A, %dma_start3A_38, %dma_start3A_39] : memref<32x79x128xi32, #tpu.memory_space<hbm>> -> memref<1x79x128xi32, #tpu.memory_space<hbm>>
        %dma_start3A_41 = tpu.memref_squeeze %dma_start3A_40 : memref<1x79x128xi32, #tpu.memory_space<hbm>> -> memref<79x128xi32, #tpu.memory_space<hbm>>
        tpu.enqueue_dma source(%dma_start3A_41 : memref<79x128xi32, #tpu.memory_space<hbm>>) target(%run_scoped3A_0 : memref<79x128xi32, #tpu.memory_space<vmem>>) target_semaphore(%run_scoped3A_34 : memref<!tpu.dma_semaphore, #tpu.memory_space<semaphore_mem>>)
        %dma_wait3A = arith.constant 0 : i32
        %dma_wait3A_42 = arith.constant 0 : i32
        %dma_wait3A_43 = tpu.memref_slice %arg3[%add3A, %dma_wait3A, %dma_wait3A_42] : memref<32x79x128xi32, #tpu.memory_space<hbm>> -> memref<1x79x128xi32, #tpu.memory_space<hbm>>
        %dma_wait3A_44 = tpu.memref_squeeze %dma_wait3A_43 : memref<1x79x128xi32, #tpu.memory_space<hbm>> -> memref<79x128xi32, #tpu.memory_space<hbm>>
        %dma_wait3A_45 = arith.constant 0 : i32
        %dma_wait3A_46 = arith.constant 0 : i32
        %dma_wait3A_47 = tpu.memref_slice %arg3[%add3A, %dma_wait3A_45, %dma_wait3A_46] : memref<32x79x128xi32, #tpu.memory_space<hbm>> -> memref<1x79x128xi32, #tpu.memory_space<hbm>>
        %dma_wait3A_48 = tpu.memref_squeeze %dma_wait3A_47 : memref<1x79x128xi32, #tpu.memory_space<hbm>> -> memref<79x128xi32, #tpu.memory_space<hbm>>
        tpu.wait_dma2 semaphore(%run_scoped3A_34 : memref<!tpu.dma_semaphore, #tpu.memory_space<semaphore_mem>>) src(%dma_wait3A_48 : memref<79x128xi32, #tpu.memory_space<hbm>>) dst(%run_scoped3A_0 : memref<79x128xi32, #tpu.memory_space<vmem>>)
        tpu.yield
      }) : () -> ()
      %broadcast_in_dim3A = arith.constant 0.000000e+00 : f32
      %broadcast_in_dim3A_3 = vector.broadcast %broadcast_in_dim3A : f32 to vector<16xf32>
      %scan3A = arith.constant 0 : i32
      %scan3A_4 = arith.constant 0 : i32
      %scan3A_5 = arith.constant 128 : i32
      %scan3A_6 = arith.addi %scan3A_4, %scan3A_5 : i32
      %scan3A_7 = arith.constant 1 : i32
      %scan3A_8 = scf.for %scan3A_34 = %scan3A_4 to %scan3A_6 step %scan3A_7 iter_args(%scan3A_35 = %scan3A) -> (i32)  : i32 {
        %swap3A = arith.index_cast %scan3A_34 : i32 to index
        %swap3A_36 = arith.constant 0 : index
        %swap3A_37 = tpu.vector_load %run_scoped3A_1[%swap3A, %swap3A_36] {strides = array<i32>} : memref<128x128xf32, #tpu.memory_space<vmem>>, vector<1x16xf32>,
        %swap3A_38 = vector.shape_cast %swap3A_37 : vector<1x16xf32> to vector<16xf32>
        %swap3A_39 = vector.shape_cast %broadcast_in_dim3A_3 : vector<16xf32> to vector<1x16xf32>
        tpu.vector_store %run_scoped3A_1[%swap3A, %swap3A_36], %swap3A_39 {strides = array<i32>} : memref<128x128xf32, #tpu.memory_space<vmem>>, vector<1x16xf32>,
        %swap3A_40 = arith.index_cast %scan3A_34 : i32 to index
        %swap3A_41 = arith.constant 16 : index
        %swap3A_42 = tpu.vector_load %run_scoped3A_1[%swap3A_40, %swap3A_41] {strides = array<i32>} : memref<128x128xf32, #tpu.memory_space<vmem>>, vector<1x16xf32>,
        %swap3A_43 = vector.shape_cast %swap3A_42 : vector<1x16xf32> to vector<16xf32>
        %swap3A_44 = vector.shape_cast %broadcast_in_dim3A_3 : vector<16xf32> to vector<1x16xf32>
        tpu.vector_store %run_scoped3A_1[%swap3A_40, %swap3A_41], %swap3A_44 {strides = array<i32>} : memref<128x128xf32, #tpu.memory_space<vmem>>, vector<1x16xf32>,
        %swap3A_45 = arith.index_cast %scan3A_34 : i32 to index
        %swap3A_46 = arith.constant 32 : index
        %swap3A_47 = tpu.vector_load %run_scoped3A_1[%swap3A_45, %swap3A_46] {strides = array<i32>} : memref<128x128xf32, #tpu.memory_space<vmem>>, vector<1x16xf32>,
        %swap3A_48 = vector.shape_cast %swap3A_47 : vector<1x16xf32> to vector<16xf32>
        %swap3A_49 = vector.shape_cast %broadcast_in_dim3A_3 : vector<16xf32> to vector<1x16xf32>
        tpu.vector_store %run_scoped3A_1[%swap3A_45, %swap3A_46], %swap3A_49 {strides = array<i32>} : memref<128x128xf32, #tpu.memory_space<vmem>>, vector<1x16xf32>,
        %swap3A_50 = arith.index_cast %scan3A_34 : i32 to index
        %swap3A_51 = arith.constant 48 : index
        %swap3A_52 = tpu.vector_load %run_scoped3A_1[%swap3A_50, %swap3A_51] {strides = array<i32>} : memref<128x128xf32, #tpu.memory_space<vmem>>, vector<1x16xf32>,
        %swap3A_53 = vector.shape_cast %swap3A_52 : vector<1x16xf32> to vector<16xf32>
        %swap3A_54 = vector.shape_cast %broadcast_in_dim3A_3 : vector<16xf32> to vector<1x16xf32>
        tpu.vector_store %run_scoped3A_1[%swap3A_50, %swap3A_51], %swap3A_54 {strides = array<i32>} : memref<128x128xf32, #tpu.memory_space<vmem>>, vector<1x16xf32>,
        %swap3A_55 = arith.index_cast %scan3A_34 : i32 to index
        %swap3A_56 = arith.constant 64 : index
        %swap3A_57 = tpu.vector_load %run_scoped3A_1[%swap3A_55, %swap3A_56] {strides = array<i32>} : memref<128x128xf32, #tpu.memory_space<vmem>>, vector<1x16xf32>,
        %swap3A_58 = vector.shape_cast %swap3A_57 : vector<1x16xf32> to vector<16xf32>
        %swap3A_59 = vector.shape_cast %broadcast_in_dim3A_3 : vector<16xf32> to vector<1x16xf32>
        tpu.vector_store %run_scoped3A_1[%swap3A_55, %swap3A_56], %swap3A_59 {strides = array<i32>} : memref<128x128xf32, #tpu.memory_space<vmem>>, vector<1x16xf32>,
        %swap3A_60 = arith.index_cast %scan3A_34 : i32 to index
        %swap3A_61 = arith.constant 80 : index
        %swap3A_62 = tpu.vector_load %run_scoped3A_1[%swap3A_60, %swap3A_61] {strides = array<i32>} : memref<128x128xf32, #tpu.memory_space<vmem>>, vector<1x16xf32>,
        %swap3A_63 = vector.shape_cast %swap3A_62 : vector<1x16xf32> to vector<16xf32>
        %swap3A_64 = vector.shape_cast %broadcast_in_dim3A_3 : vector<16xf32> to vector<1x16xf32>
        tpu.vector_store %run_scoped3A_1[%swap3A_60, %swap3A_61], %swap3A_64 {strides = array<i32>} : memref<128x128xf32, #tpu.memory_space<vmem>>, vector<1x16xf32>,
        %swap3A_65 = arith.index_cast %scan3A_34 : i32 to index
        %swap3A_66 = arith.constant 96 : index
        %swap3A_67 = tpu.vector_load %run_scoped3A_1[%swap3A_65, %swap3A_66] {strides = array<i32>} : memref<128x128xf32, #tpu.memory_space<vmem>>, vector<1x16xf32>,
        %swap3A_68 = vector.shape_cast %swap3A_67 : vector<1x16xf32> to vector<16xf32>
        %swap3A_69 = vector.shape_cast %broadcast_in_dim3A_3 : vector<16xf32> to vector<1x16xf32>
        tpu.vector_store %run_scoped3A_1[%swap3A_65, %swap3A_66], %swap3A_69 {strides = array<i32>} : memref<128x128xf32, #tpu.memory_space<vmem>>, vector<1x16xf32>,
        %swap3A_70 = arith.index_cast %scan3A_34 : i32 to index
        %swap3A_71 = arith.constant 112 : index
        %swap3A_72 = tpu.vector_load %run_scoped3A_1[%swap3A_70, %swap3A_71] {strides = array<i32>} : memref<128x128xf32, #tpu.memory_space<vmem>>, vector<1x16xf32>,
        %swap3A_73 = vector.shape_cast %swap3A_72 : vector<1x16xf32> to vector<16xf32>
        %swap3A_74 = vector.shape_cast %broadcast_in_dim3A_3 : vector<16xf32> to vector<1x16xf32>
        tpu.vector_store %run_scoped3A_1[%swap3A_70, %swap3A_71], %swap3A_74 {strides = array<i32>} : memref<128x128xf32, #tpu.memory_space<vmem>>, vector<1x16xf32>,
        %scan3A_75 = arith.constant 0 : i32
        scf.yield %scan3A_75 : i32
      }
      %scan3A_9 = arith.constant 128 : i32
      %mul3A_10 = arith.constant 640 : i32
      %mul3A_11 = arith.muli %arg1, %mul3A_10 : i32
      %scan3A_12 = arith.constant 0 : i32
      %scan3A_13 = arith.constant 0 : i32
      %scan3A_14 = arith.constant 5 : i32
      %scan3A_15 = arith.addi %scan3A_13, %scan3A_14 : i32
      %scan3A_16 = arith.constant 1 : i32
      %scan3A_17 = scf.for %scan3A_34 = %scan3A_13 to %scan3A_15 step %scan3A_16 iter_args(%scan3A_35 = %scan3A_12) -> (i32)  : i32 {
        %mul3A_36 = arith.constant 128 : i32
        %mul3A_37 = arith.muli %scan3A_34, %mul3A_36 : i32
        %add3A_38 = arith.addi %mul3A_11, %mul3A_37 : i32
        "tpu.region"() ({
          %run_scoped3A_40 = tpu.sem_alloc : memref<!tpu.dma_semaphore, #tpu.memory_space<semaphore_mem>>
          %dma_start3A = arith.constant 0 : i32
          %dma_start3A_41 = tpu.memref_slice %arg6[%add3A_38, %dma_start3A] : memref<10240x128xf32, #tpu.memory_space<vmem_shared>> -> memref<128x128xf32, #tpu.memory_space<vmem_shared>>
          %dma_start3A_42 = arith.constant 0 : i32
          %dma_start3A_43 = tpu.memref_slice %arg6[%add3A_38, %dma_start3A_42] : memref<10240x128xf32, #tpu.memory_space<vmem_shared>> -> memref<128x128xf32, #tpu.memory_space<vmem_shared>>
          tpu.enqueue_dma source(%run_scoped3A_1 : memref<128x128xf32, #tpu.memory_space<vmem>>) target(%dma_start3A_43 : memref<128x128xf32, #tpu.memory_space<vmem_shared>>) target_semaphore(%run_scoped3A_40 : memref<!tpu.dma_semaphore, #tpu.memory_space<semaphore_mem>>)
          %dma_wait3A = arith.constant 0 : i32
          %dma_wait3A_44 = tpu.memref_slice %arg6[%add3A_38, %dma_wait3A] : memref<10240x128xf32, #tpu.memory_space<vmem_shared>> -> memref<128x128xf32, #tpu.memory_space<vmem_shared>>
          %dma_wait3A_45 = arith.constant 0 : i32
          %dma_wait3A_46 = tpu.memref_slice %arg6[%add3A_38, %dma_wait3A_45] : memref<10240x128xf32, #tpu.memory_space<vmem_shared>> -> memref<128x128xf32, #tpu.memory_space<vmem_shared>>
          tpu.wait_dma2 semaphore(%run_scoped3A_40 : memref<!tpu.dma_semaphore, #tpu.memory_space<semaphore_mem>>) src(%run_scoped3A_1 : memref<128x128xf32, #tpu.memory_space<vmem>>) dst(%dma_wait3A_46 : memref<128x128xf32, #tpu.memory_space<vmem_shared>>)
          tpu.yield
        }) : () -> ()
        %scan3A_39 = arith.constant 0 : i32
        scf.yield %scan3A_39 : i32
      }
      %scan3A_18 = arith.constant 5 : i32
      %barrier3A = arith.constant 0 : index
      tpu.barrier barrier_id(%barrier3A)
      %scan3A_19 = arith.constant 0 : i32
      %scan3A_20 = arith.constant 0 : i32
      %scan3A_21 = arith.constant 79 : i32
      %scan3A_22 = arith.addi %scan3A_20, %scan3A_21 : i32
      %scan3A_23 = arith.constant 1 : i32
      %scan3A_24 = scf.for %scan3A_34 = %scan3A_20 to %scan3A_22 step %scan3A_23 iter_args(%scan3A_35 = %scan3A_19) -> (i32)  : i32 {
        %dma_start3A = arith.constant 0 : i32
        %dma_start3A_36 = tpu.memref_slice %run_scoped3A[%scan3A_34, %dma_start3A] : memref<79x128xi32, #tpu.memory_space<vmem>> -> memref<1x128xi32, #tpu.memory_space<vmem>>
        %dma_start3A_37 = tpu.memref_squeeze %dma_start3A_36 : memref<1x128xi32, #tpu.memory_space<vmem>> -> memref<128xi32, #tpu.memory_space<vmem>>
        %dma_start3A_38 = arith.constant 0 : i32
        %dma_start3A_39 = arith.constant 0 : i32
        %dma_start3A_40 = tpu.memref_slice %arg4[%dma_start3A_38, %dma_start3A_39] : memref<10000x128xf32, #tpu.memory_space<hbm>> -> memref<10000x128xf32, #tpu.memory_space<hbm>>
        tpu.enqueue_indirect_dma source(%dma_start3A_40 : memref<10000x128xf32, #tpu.memory_space<hbm>>) target(%run_scoped3A_1 : memref<128x128xf32, #tpu.memory_space<vmem>>) offsets(%dma_start3A_37 : memref<128xi32, #tpu.memory_space<vmem>>) semaphore(%arg7 : memref<!tpu.dma_semaphore, #tpu.memory_space<semaphore_mem>>)
        %dma_wait3A = arith.constant 0 : i32
        %dma_wait3A_41 = tpu.memref_slice %run_scoped3A[%scan3A_34, %dma_wait3A] : memref<79x128xi32, #tpu.memory_space<vmem>> -> memref<1x128xi32, #tpu.memory_space<vmem>>
        %dma_wait3A_42 = tpu.memref_squeeze %dma_wait3A_41 : memref<1x128xi32, #tpu.memory_space<vmem>> -> memref<128xi32, #tpu.memory_space<vmem>>
        %dma_wait3A_43 = arith.constant 0 : i32
        %dma_wait3A_44 = arith.constant 0 : i32
        %dma_wait3A_45 = tpu.memref_slice %arg4[%dma_wait3A_43, %dma_wait3A_44] : memref<10000x128xf32, #tpu.memory_space<hbm>> -> memref<10000x128xf32, #tpu.memory_space<hbm>>
        tpu.wait_indirect_dma semaphore(%arg7 : memref<!tpu.dma_semaphore, #tpu.memory_space<semaphore_mem>>) src(%dma_wait3A_45 : memref<10000x128xf32, #tpu.memory_space<hbm>>) dst(%run_scoped3A_1 : memref<128x128xf32, #tpu.memory_space<vmem>>)
        "tpu.region"() ({
          %run_scoped3A_47 = tpu.sem_alloc : memref<!tpu.dma_semaphore, #tpu.memory_space<semaphore_mem>>
          %dma_start3A_48 = arith.constant 0 : i32
          %dma_start3A_49 = tpu.memref_slice %run_scoped3A_0[%scan3A_34, %dma_start3A_48] : memref<79x128xi32, #tpu.memory_space<vmem>> -> memref<1x128xi32, #tpu.memory_space<vmem>>
          %dma_start3A_50 = tpu.memref_squeeze %dma_start3A_49 : memref<1x128xi32, #tpu.memory_space<vmem>> -> memref<128xi32, #tpu.memory_space<vmem>>
          %dma_start3A_51 = arith.constant 0 : i32
          %dma_start3A_52 = arith.constant 0 : i32
          %dma_start3A_53 = tpu.memref_slice %arg6[%dma_start3A_51, %dma_start3A_52] : memref<10240x128xf32, #tpu.memory_space<vmem_shared>> -> memref<10240x128xf32, #tpu.memory_space<vmem_shared>>
          tpu.enqueue_indirect_dma source(%run_scoped3A_1 : memref<128x128xf32, #tpu.memory_space<vmem>>) target(%dma_start3A_53 : memref<10240x128xf32, #tpu.memory_space<vmem_shared>>) offsets(%dma_start3A_50 : memref<128xi32, #tpu.memory_space<vmem>>) semaphore(%run_scoped3A_47 : memref<!tpu.dma_semaphore, #tpu.memory_space<semaphore_mem>>) {add = true}
          %dma_wait3A_54 = arith.constant 0 : i32
          %dma_wait3A_55 = tpu.memref_slice %run_scoped3A_0[%scan3A_34, %dma_wait3A_54] : memref<79x128xi32, #tpu.memory_space<vmem>> -> memref<1x128xi32, #tpu.memory_space<vmem>>
          %dma_wait3A_56 = tpu.memref_squeeze %dma_wait3A_55 : memref<1x128xi32, #tpu.memory_space<vmem>> -> memref<128xi32, #tpu.memory_space<vmem>>
          %dma_wait3A_57 = arith.constant 0 : i32
          %dma_wait3A_58 = arith.constant 0 : i32
          %dma_wait3A_59 = tpu.memref_slice %arg6[%dma_wait3A_57, %dma_wait3A_58] : memref<10240x128xf32, #tpu.memory_space<vmem_shared>> -> memref<10240x128xf32, #tpu.memory_space<vmem_shared>>
          tpu.wait_indirect_dma semaphore(%run_scoped3A_47 : memref<!tpu.dma_semaphore, #tpu.memory_space<semaphore_mem>>) src(%run_scoped3A_1 : memref<128x128xf32, #tpu.memory_space<vmem>>) dst(%dma_wait3A_59 : memref<10240x128xf32, #tpu.memory_space<vmem_shared>>)
          tpu.yield
        }) : () -> ()
        %scan3A_46 = arith.constant 0 : i32
        scf.yield %scan3A_46 : i32
      }
      %scan3A_25 = arith.constant 79 : i32
      %barrier3A_26 = arith.constant 0 : index
      tpu.barrier barrier_id(%barrier3A_26)
      %scan3A_27 = arith.constant 0 : i32
      %scan3A_28 = arith.constant 0 : i32
      %scan3A_29 = arith.constant 5 : i32
      %scan3A_30 = arith.addi %scan3A_28, %scan3A_29 : i32
      %scan3A_31 = arith.constant 1 : i32
      %scan3A_32 = scf.for %scan3A_34 = %scan3A_28 to %scan3A_30 step %scan3A_31 iter_args(%scan3A_35 = %scan3A_27) -> (i32)  : i32 {
        %mul3A_36 = arith.constant 128 : i32
        %mul3A_37 = arith.muli %scan3A_34, %mul3A_36 : i32
        %add3A_38 = arith.addi %mul3A_11, %mul3A_37 : i32
        %mul3A_39 = arith.constant 128 : i32
        %mul3A_40 = arith.muli %scan3A_34, %mul3A_39 : i32
        %add3A_41 = arith.addi %mul3A_11, %mul3A_40 : i32
        "tpu.region"() ({
          %run_scoped3A_43 = tpu.sem_alloc : memref<!tpu.dma_semaphore, #tpu.memory_space<semaphore_mem>>
          %dma_start3A = arith.constant 0 : i32
          %dma_start3A_44 = tpu.memref_slice %arg5[%arg0, %add3A_41, %dma_start3A] : memref<2x10240x128xf32, #tpu.memory_space<hbm>> -> memref<1x128x128xf32, #tpu.memory_space<hbm>>
          %dma_start3A_45 = tpu.memref_squeeze %dma_start3A_44 : memref<1x128x128xf32, #tpu.memory_space<hbm>> -> memref<128x128xf32, #tpu.memory_space<hbm>>
          %dma_start3A_46 = arith.constant 0 : i32
          %dma_start3A_47 = tpu.memref_slice %arg6[%add3A_38, %dma_start3A_46] : memref<10240x128xf32, #tpu.memory_space<vmem_shared>> -> memref<128x128xf32, #tpu.memory_space<vmem_shared>>
          tpu.enqueue_dma source(%dma_start3A_47 : memref<128x128xf32, #tpu.memory_space<vmem_shared>>) target(%dma_start3A_45 : memref<128x128xf32, #tpu.memory_space<hbm>>) target_semaphore(%run_scoped3A_43 : memref<!tpu.dma_semaphore, #tpu.memory_space<semaphore_mem>>)
          %dma_wait3A = arith.constant 0 : i32
          %dma_wait3A_48 = tpu.memref_slice %arg5[%arg0, %add3A_41, %dma_wait3A] : memref<2x10240x128xf32, #tpu.memory_space<hbm>> -> memref<1x128x128xf32, #tpu.memory_space<hbm>>
          %dma_wait3A_49 = tpu.memref_squeeze %dma_wait3A_48 : memref<1x128x128xf32, #tpu.memory_space<hbm>> -> memref<128x128xf32, #tpu.memory_space<hbm>>
          %dma_wait3A_50 = arith.constant 0 : i32
          %dma_wait3A_51 = tpu.memref_slice %arg6[%add3A_38, %dma_wait3A_50] : memref<10240x128xf32, #tpu.memory_space<vmem_shared>> -> memref<128x128xf32, #tpu.memory_space<vmem_shared>>
          tpu.wait_dma2 semaphore(%run_scoped3A_43 : memref<!tpu.dma_semaphore, #tpu.memory_space<semaphore_mem>>) src(%dma_wait3A_51 : memref<128x128xf32, #tpu.memory_space<vmem_shared>>) dst(%dma_wait3A_49 : memref<128x128xf32, #tpu.memory_space<hbm>>)
          tpu.yield
        }) : () -> ()
        %scan3A_42 = arith.constant 0 : i32
        scf.yield %scan3A_42 : i32
      }
      %scan3A_33 = arith.constant 5 : i32
      tpu.yield
    }) : () -> ()
    return
  }
}

#map = affine_map<(d0, d1) -> (0, 0, 0)>
#map1 = affine_map<(d0, d1) -> (0, 0)>
module attributes {stable_mosaic.version = 14 : i64} {
  func.func @_sc_scatter_body(%arg0: i32, %arg1: i32, %arg2: memref<32x79x128xi32, #tpu.memory_space<hbm>>, %arg3: memref<32x79x128xi32, #tpu.memory_space<hbm>>, %arg4: memref<10000x128xf32, #tpu.memory_space<hbm>>, %arg5: memref<2x10240x128xf32, #tpu.memory_space<hbm>>, %arg6: memref<10240x128xf32, #tpu.memory_space<vmem_shared>>, %arg7: memref<!tpu.dma_semaphore, #tpu.memory_space<semaphore_mem>>) attributes {dimension_semantics = [#tpu.dimension_semantics<core_parallel>, #tpu.dimension_semantics<subcore_parallel>], iteration_bounds = array<i64: 2, 16>, scalar_prefetch = 0 : i64, scratch_operands = 2 : i64, tpu.core_type = #tpu.core_type<sc_vector_subcore>, window_params = [{transform_indices = #map}, {transform_indices = #map}, {transform_indices = #map1}, {transform_indices = #map}]} {
    "tpu.region"() ({
      %run_scoped3A = memref.alloca() : memref<79x128xi32, #tpu.memory_space<vmem>>
      %run_scoped3A_0 = memref.alloca() : memref<79x128xi32, #tpu.memory_space<vmem>>
      %run_scoped3A_1 = memref.alloca() : memref<128x128xf32, #tpu.memory_space<vmem>>
      %mul3A = arith.constant 16 : i32
      %mul3A_2 = arith.muli %arg0, %mul3A : i32
      %add3A = arith.addi %mul3A_2, %arg1 : i32
      "tpu.region"() ({
        %run_scoped3A_34 = tpu.sem_alloc : memref<!tpu.dma_semaphore, #tpu.memory_space<semaphore_mem>>
        %dma_start3A = arith.constant 0 : i32
        %dma_start3A_35 = arith.constant 0 : i32
        %dma_start3A_36 = tpu.memref_slice %arg2[%add3A, %dma_start3A, %dma_start3A_35] : memref<32x79x128xi32, #tpu.memory_space<hbm>> -> memref<1x79x128xi32, #tpu.memory_space<hbm>>
        %dma_start3A_37 = tpu.memref_squeeze %dma_start3A_36 : memref<1x79x128xi32, #tpu.memory_space<hbm>> -> memref<79x128xi32, #tpu.memory_space<hbm>>
        %dma_start3A_38 = arith.constant 0 : i32
        %dma_start3A_39 = arith.constant 0 : i32
        %dma_start3A_40 = tpu.memref_slice %arg2[%add3A, %dma_start3A_38, %dma_start3A_39] : memref<32x79x128xi32, #tpu.memory_space<hbm>> -> memref<1x79x128xi32, #tpu.memory_space<hbm>>
        %dma_start3A_41 = tpu.memref_squeeze %dma_start3A_40 : memref<1x79x128xi32, #tpu.memory_space<hbm>> -> memref<79x128xi32, #tpu.memory_space<hbm>>
        tpu.enqueue_dma source(%dma_start3A_41 : memref<79x128xi32, #tpu.memory_space<hbm>>) target(%run_scoped3A : memref<79x128xi32, #tpu.memory_space<vmem>>) target_semaphore(%run_scoped3A_34 : memref<!tpu.dma_semaphore, #tpu.memory_space<semaphore_mem>>)
        %dma_wait3A = arith.constant 0 : i32
        %dma_wait3A_42 = arith.constant 0 : i32
        %dma_wait3A_43 = tpu.memref_slice %arg2[%add3A, %dma_wait3A, %dma_wait3A_42] : memref<32x79x128xi32, #tpu.memory_space<hbm>> -> memref<1x79x128xi32, #tpu.memory_space<hbm>>
        %dma_wait3A_44 = tpu.memref_squeeze %dma_wait3A_43 : memref<1x79x128xi32, #tpu.memory_space<hbm>> -> memref<79x128xi32, #tpu.memory_space<hbm>>
        %dma_wait3A_45 = arith.constant 0 : i32
        %dma_wait3A_46 = arith.constant 0 : i32
        %dma_wait3A_47 = tpu.memref_slice %arg2[%add3A, %dma_wait3A_45, %dma_wait3A_46] : memref<32x79x128xi32, #tpu.memory_space<hbm>> -> memref<1x79x128xi32, #tpu.memory_space<hbm>>
        %dma_wait3A_48 = tpu.memref_squeeze %dma_wait3A_47 : memref<1x79x128xi32, #tpu.memory_space<hbm>> -> memref<79x128xi32, #tpu.memory_space<hbm>>
        tpu.wait_dma2 semaphore(%run_scoped3A_34 : memref<!tpu.dma_semaphore, #tpu.memory_space<semaphore_mem>>) src(%dma_wait3A_48 : memref<79x128xi32, #tpu.memory_space<hbm>>) dst(%run_scoped3A : memref<79x128xi32, #tpu.memory_space<vmem>>)
        tpu.yield
      }) : () -> ()
      "tpu.region"() ({
        %run_scoped3A_34 = tpu.sem_alloc : memref<!tpu.dma_semaphore, #tpu.memory_space<semaphore_mem>>
        %dma_start3A = arith.constant 0 : i32
        %dma_start3A_35 = arith.constant 0 : i32
        %dma_start3A_36 = tpu.memref_slice %arg3[%add3A, %dma_start3A, %dma_start3A_35] : memref<32x79x128xi32, #tpu.memory_space<hbm>> -> memref<1x79x128xi32, #tpu.memory_space<hbm>>
        %dma_start3A_37 = tpu.memref_squeeze %dma_start3A_36 : memref<1x79x128xi32, #tpu.memory_space<hbm>> -> memref<79x128xi32, #tpu.memory_space<hbm>>
        %dma_start3A_38 = arith.constant 0 : i32
        %dma_start3A_39 = arith.constant 0 : i32
        %dma_start3A_40 = tpu.memref_slice %arg3[%add3A, %dma_start3A_38, %dma_start3A_39] : memref<32x79x128xi32, #tpu.memory_space<hbm>> -> memref<1x79x128xi32, #tpu.memory_space<hbm>>
        %dma_start3A_41 = tpu.memref_squeeze %dma_start3A_40 : memref<1x79x128xi32, #tpu.memory_space<hbm>> -> memref<79x128xi32, #tpu.memory_space<hbm>>
        tpu.enqueue_dma source(%dma_start3A_41 : memref<79x128xi32, #tpu.memory_space<hbm>>) target(%run_scoped3A_0 : memref<79x128xi32, #tpu.memory_space<vmem>>) target_semaphore(%run_scoped3A_34 : memref<!tpu.dma_semaphore, #tpu.memory_space<semaphore_mem>>)
        %dma_wait3A = arith.constant 0 : i32
        %dma_wait3A_42 = arith.constant 0 : i32
        %dma_wait3A_43 = tpu.memref_slice %arg3[%add3A, %dma_wait3A, %dma_wait3A_42] : memref<32x79x128xi32, #tpu.memory_space<hbm>> -> memref<1x79x128xi32, #tpu.memory_space<hbm>>
        %dma_wait3A_44 = tpu.memref_squeeze %dma_wait3A_43 : memref<1x79x128xi32, #tpu.memory_space<hbm>> -> memref<79x128xi32, #tpu.memory_space<hbm>>
        %dma_wait3A_45 = arith.constant 0 : i32
        %dma_wait3A_46 = arith.constant 0 : i32
        %dma_wait3A_47 = tpu.memref_slice %arg3[%add3A, %dma_wait3A_45, %dma_wait3A_46] : memref<32x79x128xi32, #tpu.memory_space<hbm>> -> memref<1x79x128xi32, #tpu.memory_space<hbm>>
        %dma_wait3A_48 = tpu.memref_squeeze %dma_wait3A_47 : memref<1x79x128xi32, #tpu.memory_space<hbm>> -> memref<79x128xi32, #tpu.memory_space<hbm>>
        tpu.wait_dma2 semaphore(%run_scoped3A_34 : memref<!tpu.dma_semaphore, #tpu.memory_space<semaphore_mem>>) src(%dma_wait3A_48 : memref<79x128xi32, #tpu.memory_space<hbm>>) dst(%run_scoped3A_0 : memref<79x128xi32, #tpu.memory_space<vmem>>)
        tpu.yield
      }) : () -> ()
      %broadcast_in_dim3A = arith.constant 0.000000e+00 : f32
      %broadcast_in_dim3A_3 = vector.broadcast %broadcast_in_dim3A : f32 to vector<16xf32>
      %scan3A = arith.constant 0 : i32
      %scan3A_4 = arith.constant 0 : i32
      %scan3A_5 = arith.constant 128 : i32
      %scan3A_6 = arith.addi %scan3A_4, %scan3A_5 : i32
      %scan3A_7 = arith.constant 1 : i32
      %scan3A_8 = scf.for %scan3A_34 = %scan3A_4 to %scan3A_6 step %scan3A_7 iter_args(%scan3A_35 = %scan3A) -> (i32)  : i32 {
        %swap3A = arith.index_cast %scan3A_34 : i32 to index
        %swap3A_36 = arith.constant 0 : index
        %swap3A_37 = tpu.vector_load %run_scoped3A_1[%swap3A, %swap3A_36] {strides = array<i32>} : memref<128x128xf32, #tpu.memory_space<vmem>>, vector<1x16xf32>,
        %swap3A_38 = vector.shape_cast %swap3A_37 : vector<1x16xf32> to vector<16xf32>
        %swap3A_39 = vector.shape_cast %broadcast_in_dim3A_3 : vector<16xf32> to vector<1x16xf32>
        tpu.vector_store %run_scoped3A_1[%swap3A, %swap3A_36], %swap3A_39 {strides = array<i32>} : memref<128x128xf32, #tpu.memory_space<vmem>>, vector<1x16xf32>,
        %swap3A_40 = arith.index_cast %scan3A_34 : i32 to index
        %swap3A_41 = arith.constant 16 : index
        %swap3A_42 = tpu.vector_load %run_scoped3A_1[%swap3A_40, %swap3A_41] {strides = array<i32>} : memref<128x128xf32, #tpu.memory_space<vmem>>, vector<1x16xf32>,
        %swap3A_43 = vector.shape_cast %swap3A_42 : vector<1x16xf32> to vector<16xf32>
        %swap3A_44 = vector.shape_cast %broadcast_in_dim3A_3 : vector<16xf32> to vector<1x16xf32>
        tpu.vector_store %run_scoped3A_1[%swap3A_40, %swap3A_41], %swap3A_44 {strides = array<i32>} : memref<128x128xf32, #tpu.memory_space<vmem>>, vector<1x16xf32>,
        %swap3A_45 = arith.index_cast %scan3A_34 : i32 to index
        %swap3A_46 = arith.constant 32 : index
        %swap3A_47 = tpu.vector_load %run_scoped3A_1[%swap3A_45, %swap3A_46] {strides = array<i32>} : memref<128x128xf32, #tpu.memory_space<vmem>>, vector<1x16xf32>,
        %swap3A_48 = vector.shape_cast %swap3A_47 : vector<1x16xf32> to vector<16xf32>
        %swap3A_49 = vector.shape_cast %broadcast_in_dim3A_3 : vector<16xf32> to vector<1x16xf32>
        tpu.vector_store %run_scoped3A_1[%swap3A_45, %swap3A_46], %swap3A_49 {strides = array<i32>} : memref<128x128xf32, #tpu.memory_space<vmem>>, vector<1x16xf32>,
        %swap3A_50 = arith.index_cast %scan3A_34 : i32 to index
        %swap3A_51 = arith.constant 48 : index
        %swap3A_52 = tpu.vector_load %run_scoped3A_1[%swap3A_50, %swap3A_51] {strides = array<i32>} : memref<128x128xf32, #tpu.memory_space<vmem>>, vector<1x16xf32>,
        %swap3A_53 = vector.shape_cast %swap3A_52 : vector<1x16xf32> to vector<16xf32>
        %swap3A_54 = vector.shape_cast %broadcast_in_dim3A_3 : vector<16xf32> to vector<1x16xf32>
        tpu.vector_store %run_scoped3A_1[%swap3A_50, %swap3A_51], %swap3A_54 {strides = array<i32>} : memref<128x128xf32, #tpu.memory_space<vmem>>, vector<1x16xf32>,
        %swap3A_55 = arith.index_cast %scan3A_34 : i32 to index
        %swap3A_56 = arith.constant 64 : index
        %swap3A_57 = tpu.vector_load %run_scoped3A_1[%swap3A_55, %swap3A_56] {strides = array<i32>} : memref<128x128xf32, #tpu.memory_space<vmem>>, vector<1x16xf32>,
        %swap3A_58 = vector.shape_cast %swap3A_57 : vector<1x16xf32> to vector<16xf32>
        %swap3A_59 = vector.shape_cast %broadcast_in_dim3A_3 : vector<16xf32> to vector<1x16xf32>
        tpu.vector_store %run_scoped3A_1[%swap3A_55, %swap3A_56], %swap3A_59 {strides = array<i32>} : memref<128x128xf32, #tpu.memory_space<vmem>>, vector<1x16xf32>,
        %swap3A_60 = arith.index_cast %scan3A_34 : i32 to index
        %swap3A_61 = arith.constant 80 : index
        %swap3A_62 = tpu.vector_load %run_scoped3A_1[%swap3A_60, %swap3A_61] {strides = array<i32>} : memref<128x128xf32, #tpu.memory_space<vmem>>, vector<1x16xf32>,
        %swap3A_63 = vector.shape_cast %swap3A_62 : vector<1x16xf32> to vector<16xf32>
        %swap3A_64 = vector.shape_cast %broadcast_in_dim3A_3 : vector<16xf32> to vector<1x16xf32>
        tpu.vector_store %run_scoped3A_1[%swap3A_60, %swap3A_61], %swap3A_64 {strides = array<i32>} : memref<128x128xf32, #tpu.memory_space<vmem>>, vector<1x16xf32>,
        %swap3A_65 = arith.index_cast %scan3A_34 : i32 to index
        %swap3A_66 = arith.constant 96 : index
        %swap3A_67 = tpu.vector_load %run_scoped3A_1[%swap3A_65, %swap3A_66] {strides = array<i32>} : memref<128x128xf32, #tpu.memory_space<vmem>>, vector<1x16xf32>,
        %swap3A_68 = vector.shape_cast %swap3A_67 : vector<1x16xf32> to vector<16xf32>
        %swap3A_69 = vector.shape_cast %broadcast_in_dim3A_3 : vector<16xf32> to vector<1x16xf32>
        tpu.vector_store %run_scoped3A_1[%swap3A_65, %swap3A_66], %swap3A_69 {strides = array<i32>} : memref<128x128xf32, #tpu.memory_space<vmem>>, vector<1x16xf32>,
        %swap3A_70 = arith.index_cast %scan3A_34 : i32 to index
        %swap3A_71 = arith.constant 112 : index
        %swap3A_72 = tpu.vector_load %run_scoped3A_1[%swap3A_70, %swap3A_71] {strides = array<i32>} : memref<128x128xf32, #tpu.memory_space<vmem>>, vector<1x16xf32>,
        %swap3A_73 = vector.shape_cast %swap3A_72 : vector<1x16xf32> to vector<16xf32>
        %swap3A_74 = vector.shape_cast %broadcast_in_dim3A_3 : vector<16xf32> to vector<1x16xf32>
        tpu.vector_store %run_scoped3A_1[%swap3A_70, %swap3A_71], %swap3A_74 {strides = array<i32>} : memref<128x128xf32, #tpu.memory_space<vmem>>, vector<1x16xf32>,
        %scan3A_75 = arith.constant 0 : i32
        scf.yield %scan3A_75 : i32
      }
      %scan3A_9 = arith.constant 128 : i32
      %mul3A_10 = arith.constant 640 : i32
      %mul3A_11 = arith.muli %arg1, %mul3A_10 : i32
      %scan3A_12 = arith.constant 0 : i32
      %scan3A_13 = arith.constant 0 : i32
      %scan3A_14 = arith.constant 5 : i32
      %scan3A_15 = arith.addi %scan3A_13, %scan3A_14 : i32
      %scan3A_16 = arith.constant 1 : i32
      %scan3A_17 = scf.for %scan3A_34 = %scan3A_13 to %scan3A_15 step %scan3A_16 iter_args(%scan3A_35 = %scan3A_12) -> (i32)  : i32 {
        %mul3A_36 = arith.constant 128 : i32
        %mul3A_37 = arith.muli %scan3A_34, %mul3A_36 : i32
        %add3A_38 = arith.addi %mul3A_11, %mul3A_37 : i32
        "tpu.region"() ({
          %run_scoped3A_40 = tpu.sem_alloc : memref<!tpu.dma_semaphore, #tpu.memory_space<semaphore_mem>>
          %dma_start3A = arith.constant 0 : i32
          %dma_start3A_41 = tpu.memref_slice %arg6[%add3A_38, %dma_start3A] : memref<10240x128xf32, #tpu.memory_space<vmem_shared>> -> memref<128x128xf32, #tpu.memory_space<vmem_shared>>
          %dma_start3A_42 = arith.constant 0 : i32
          %dma_start3A_43 = tpu.memref_slice %arg6[%add3A_38, %dma_start3A_42] : memref<10240x128xf32, #tpu.memory_space<vmem_shared>> -> memref<128x128xf32, #tpu.memory_space<vmem_shared>>
          tpu.enqueue_dma source(%run_scoped3A_1 : memref<128x128xf32, #tpu.memory_space<vmem>>) target(%dma_start3A_43 : memref<128x128xf32, #tpu.memory_space<vmem_shared>>) target_semaphore(%run_scoped3A_40 : memref<!tpu.dma_semaphore, #tpu.memory_space<semaphore_mem>>)
          %dma_wait3A = arith.constant 0 : i32
          %dma_wait3A_44 = tpu.memref_slice %arg6[%add3A_38, %dma_wait3A] : memref<10240x128xf32, #tpu.memory_space<vmem_shared>> -> memref<128x128xf32, #tpu.memory_space<vmem_shared>>
          %dma_wait3A_45 = arith.constant 0 : i32
          %dma_wait3A_46 = tpu.memref_slice %arg6[%add3A_38, %dma_wait3A_45] : memref<10240x128xf32, #tpu.memory_space<vmem_shared>> -> memref<128x128xf32, #tpu.memory_space<vmem_shared>>
          tpu.wait_dma2 semaphore(%run_scoped3A_40 : memref<!tpu.dma_semaphore, #tpu.memory_space<semaphore_mem>>) src(%run_scoped3A_1 : memref<128x128xf32, #tpu.memory_space<vmem>>) dst(%dma_wait3A_46 : memref<128x128xf32, #tpu.memory_space<vmem_shared>>)
          tpu.yield
        }) : () -> ()
        %scan3A_39 = arith.constant 0 : i32
        scf.yield %scan3A_39 : i32
      }
      %scan3A_18 = arith.constant 5 : i32
      %barrier3A = arith.constant 0 : index
      tpu.barrier barrier_id(%barrier3A)
      %scan3A_19 = arith.constant 0 : i32
      %scan3A_20 = arith.constant 0 : i32
      %scan3A_21 = arith.constant 79 : i32
      %scan3A_22 = arith.addi %scan3A_20, %scan3A_21 : i32
      %scan3A_23 = arith.constant 1 : i32
      %scan3A_24 = scf.for %scan3A_34 = %scan3A_20 to %scan3A_22 step %scan3A_23 iter_args(%scan3A_35 = %scan3A_19) -> (i32)  : i32 {
        %dma_start3A = arith.constant 0 : i32
        %dma_start3A_36 = tpu.memref_slice %run_scoped3A[%scan3A_34, %dma_start3A] : memref<79x128xi32, #tpu.memory_space<vmem>> -> memref<1x128xi32, #tpu.memory_space<vmem>>
        %dma_start3A_37 = tpu.memref_squeeze %dma_start3A_36 : memref<1x128xi32, #tpu.memory_space<vmem>> -> memref<128xi32, #tpu.memory_space<vmem>>
        %dma_start3A_38 = arith.constant 0 : i32
        %dma_start3A_39 = arith.constant 0 : i32
        %dma_start3A_40 = tpu.memref_slice %arg4[%dma_start3A_38, %dma_start3A_39] : memref<10000x128xf32, #tpu.memory_space<hbm>> -> memref<10000x128xf32, #tpu.memory_space<hbm>>
        tpu.enqueue_indirect_dma source(%dma_start3A_40 : memref<10000x128xf32, #tpu.memory_space<hbm>>) target(%run_scoped3A_1 : memref<128x128xf32, #tpu.memory_space<vmem>>) offsets(%dma_start3A_37 : memref<128xi32, #tpu.memory_space<vmem>>) semaphore(%arg7 : memref<!tpu.dma_semaphore, #tpu.memory_space<semaphore_mem>>)
        %dma_wait3A = arith.constant 0 : i32
        %dma_wait3A_41 = tpu.memref_slice %run_scoped3A[%scan3A_34, %dma_wait3A] : memref<79x128xi32, #tpu.memory_space<vmem>> -> memref<1x128xi32, #tpu.memory_space<vmem>>
        %dma_wait3A_42 = tpu.memref_squeeze %dma_wait3A_41 : memref<1x128xi32, #tpu.memory_space<vmem>> -> memref<128xi32, #tpu.memory_space<vmem>>
        %dma_wait3A_43 = arith.constant 0 : i32
        %dma_wait3A_44 = arith.constant 0 : i32
        %dma_wait3A_45 = tpu.memref_slice %arg4[%dma_wait3A_43, %dma_wait3A_44] : memref<10000x128xf32, #tpu.memory_space<hbm>> -> memref<10000x128xf32, #tpu.memory_space<hbm>>
        tpu.wait_indirect_dma semaphore(%arg7 : memref<!tpu.dma_semaphore, #tpu.memory_space<semaphore_mem>>) src(%dma_wait3A_45 : memref<10000x128xf32, #tpu.memory_space<hbm>>) dst(%run_scoped3A_1 : memref<128x128xf32, #tpu.memory_space<vmem>>)
        "tpu.region"() ({
          %run_scoped3A_47 = tpu.sem_alloc : memref<!tpu.dma_semaphore, #tpu.memory_space<semaphore_mem>>
          %dma_start3A_48 = arith.constant 0 : i32
          %dma_start3A_49 = tpu.memref_slice %run_scoped3A_0[%scan3A_34, %dma_start3A_48] : memref<79x128xi32, #tpu.memory_space<vmem>> -> memref<1x128xi32, #tpu.memory_space<vmem>>
          %dma_start3A_50 = tpu.memref_squeeze %dma_start3A_49 : memref<1x128xi32, #tpu.memory_space<vmem>> -> memref<128xi32, #tpu.memory_space<vmem>>
          %dma_start3A_51 = arith.constant 0 : i32
          %dma_start3A_52 = arith.constant 0 : i32
          %dma_start3A_53 = tpu.memref_slice %arg6[%dma_start3A_51, %dma_start3A_52] : memref<10240x128xf32, #tpu.memory_space<vmem_shared>> -> memref<10240x128xf32, #tpu.memory_space<vmem_shared>>
          tpu.enqueue_indirect_dma source(%run_scoped3A_1 : memref<128x128xf32, #tpu.memory_space<vmem>>) target(%dma_start3A_53 : memref<10240x128xf32, #tpu.memory_space<vmem_shared>>) offsets(%dma_start3A_50 : memref<128xi32, #tpu.memory_space<vmem>>) semaphore(%run_scoped3A_47 : memref<!tpu.dma_semaphore, #tpu.memory_space<semaphore_mem>>) {add = true}
          %dma_wait3A_54 = arith.constant 0 : i32
          %dma_wait3A_55 = tpu.memref_slice %run_scoped3A_0[%scan3A_34, %dma_wait3A_54] : memref<79x128xi32, #tpu.memory_space<vmem>> -> memref<1x128xi32, #tpu.memory_space<vmem>>
          %dma_wait3A_56 = tpu.memref_squeeze %dma_wait3A_55 : memref<1x128xi32, #tpu.memory_space<vmem>> -> memref<128xi32, #tpu.memory_space<vmem>>
          %dma_wait3A_57 = arith.constant 0 : i32
          %dma_wait3A_58 = arith.constant 0 : i32
          %dma_wait3A_59 = tpu.memref_slice %arg6[%dma_wait3A_57, %dma_wait3A_58] : memref<10240x128xf32, #tpu.memory_space<vmem_shared>> -> memref<10240x128xf32, #tpu.memory_space<vmem_shared>>
          tpu.wait_indirect_dma semaphore(%run_scoped3A_47 : memref<!tpu.dma_semaphore, #tpu.memory_space<semaphore_mem>>) src(%run_scoped3A_1 : memref<128x128xf32, #tpu.memory_space<vmem>>) dst(%dma_wait3A_59 : memref<10240x128xf32, #tpu.memory_space<vmem_shared>>)
          tpu.yield
        }) : () -> ()
        %scan3A_46 = arith.constant 0 : i32
        scf.yield %scan3A_46 : i32
      }
      %scan3A_25 = arith.constant 79 : i32
      %barrier3A_26 = arith.constant 0 : index
      tpu.barrier barrier_id(%barrier3A_26)
      %scan3A_27 = arith.constant 0 : i32
      %scan3A_28 = arith.constant 0 : i32
      %scan3A_29 = arith.constant 5 : i32
      %scan3A_30 = arith.addi %scan3A_28, %scan3A_29 : i32
      %scan3A_31 = arith.constant 1 : i32
      %scan3A_32 = scf.for %scan3A_34 = %scan3A_28 to %scan3A_30 step %scan3A_31 iter_args(%scan3A_35 = %scan3A_27) -> (i32)  : i32 {
        %mul3A_36 = arith.constant 128 : i32
        %mul3A_37 = arith.muli %scan3A_34, %mul3A_36 : i32
        %add3A_38 = arith.addi %mul3A_11, %mul3A_37 : i32
        %mul3A_39 = arith.constant 128 : i32
        %mul3A_40 = arith.muli %scan3A_34, %mul3A_39 : i32
        %add3A_41 = arith.addi %mul3A_11, %mul3A_40 : i32
        "tpu.region"() ({
          %run_scoped3A_43 = tpu.sem_alloc : memref<!tpu.dma_semaphore, #tpu.memory_space<semaphore_mem>>
          %dma_start3A = arith.constant 0 : i32
          %dma_start3A_44 = tpu.memref_slice %arg5[%arg0, %add3A_41, %dma_start3A] : memref<2x10240x128xf32, #tpu.memory_space<hbm>> -> memref<1x128x128xf32, #tpu.memory_space<hbm>>
          %dma_start3A_45 = tpu.memref_squeeze %dma_start3A_44 : memref<1x128x128xf32, #tpu.memory_space<hbm>> -> memref<128x128xf32, #tpu.memory_space<hbm>>
          %dma_start3A_46 = arith.constant 0 : i32
          %dma_start3A_47 = tpu.memref_slice %arg6[%add3A_38, %dma_start3A_46] : memref<10240x128xf32, #tpu.memory_space<vmem_shared>> -> memref<128x128xf32, #tpu.memory_space<vmem_shared>>
          tpu.enqueue_dma source(%dma_start3A_47 : memref<128x128xf32, #tpu.memory_space<vmem_shared>>) target(%dma_start3A_45 : memref<128x128xf32, #tpu.memory_space<hbm>>) target_semaphore(%run_scoped3A_43 : memref<!tpu.dma_semaphore, #tpu.memory_space<semaphore_mem>>)
          %dma_wait3A = arith.constant 0 : i32
          %dma_wait3A_48 = tpu.memref_slice %arg5[%arg0, %add3A_41, %dma_wait3A] : memref<2x10240x128xf32, #tpu.memory_space<hbm>> -> memref<1x128x128xf32, #tpu.memory_space<hbm>>
          %dma_wait3A_49 = tpu.memref_squeeze %dma_wait3A_48 : memref<1x128x128xf32, #tpu.memory_space<hbm>> -> memref<128x128xf32, #tpu.memory_space<hbm>>
          %dma_wait3A_50 = arith.constant 0 : i32
          %dma_wait3A_51 = tpu.memref_slice %arg6[%add3A_38, %dma_wait3A_50] : memref<10240x128xf32, #tpu.memory_space<vmem_shared>> -> memref<128x128xf32, #tpu.memory_space<vmem_shared>>
          tpu.wait_dma2 semaphore(%run_scoped3A_43 : memref<!tpu.dma_semaphore, #tpu.memory_space<semaphore_mem>>) src(%dma_wait3A_51 : memref<128x128xf32, #tpu.memory_space<vmem_shared>>) dst(%dma_wait3A_49 : memref<128x128xf32, #tpu.memory_space<hbm>>)
          tpu.yield
        }) : () -> ()
        %scan3A_42 = arith.constant 0 : i32
        scf.yield %scan3A_42 : i32
      }
      %scan3A_33 = arith.constant 5 : i32
      tpu.yield
    }) : () -> ()
    return
  }
}

#map = affine_map<(d0, d1) -> (0, 0, 0)>
#map1 = affine_map<(d0, d1) -> (0, 0)>
module attributes {stable_mosaic.version = 14 : i64} {
  func.func @_sc_scatter_body(%arg0: i32, %arg1: i32, %arg2: memref<32x79x128xi32, #tpu.memory_space<hbm>>, %arg3: memref<32x79x128xi32, #tpu.memory_space<hbm>>, %arg4: memref<10000x128xf32, #tpu.memory_space<hbm>>, %arg5: memref<2x10240x128xf32, #tpu.memory_space<hbm>>, %arg6: memref<10240x128xf32, #tpu.memory_space<vmem_shared>>, %arg7: memref<!tpu.dma_semaphore, #tpu.memory_space<semaphore_mem>>) attributes {dimension_semantics = [#tpu.dimension_semantics<core_parallel>, #tpu.dimension_semantics<subcore_parallel>], iteration_bounds = array<i64: 2, 16>, scalar_prefetch = 0 : i64, scratch_operands = 2 : i64, tpu.core_type = #tpu.core_type<sc_vector_subcore>, window_params = [{transform_indices = #map}, {transform_indices = #map}, {transform_indices = #map1}, {transform_indices = #map}]} {
    "tpu.region"() ({
      %run_scoped3A = memref.alloca() : memref<79x128xi32, #tpu.memory_space<vmem>>
      %run_scoped3A_0 = memref.alloca() : memref<79x128xi32, #tpu.memory_space<vmem>>
      %run_scoped3A_1 = memref.alloca() : memref<128x128xf32, #tpu.memory_space<vmem>>
      %mul3A = arith.constant 16 : i32
      %mul3A_2 = arith.muli %arg0, %mul3A : i32
      %add3A = arith.addi %mul3A_2, %arg1 : i32
      "tpu.region"() ({
        %run_scoped3A_34 = tpu.sem_alloc : memref<!tpu.dma_semaphore, #tpu.memory_space<semaphore_mem>>
        %dma_start3A = arith.constant 0 : i32
        %dma_start3A_35 = arith.constant 0 : i32
        %dma_start3A_36 = tpu.memref_slice %arg2[%add3A, %dma_start3A, %dma_start3A_35] : memref<32x79x128xi32, #tpu.memory_space<hbm>> -> memref<1x79x128xi32, #tpu.memory_space<hbm>>
        %dma_start3A_37 = tpu.memref_squeeze %dma_start3A_36 : memref<1x79x128xi32, #tpu.memory_space<hbm>> -> memref<79x128xi32, #tpu.memory_space<hbm>>
        %dma_start3A_38 = arith.constant 0 : i32
        %dma_start3A_39 = arith.constant 0 : i32
        %dma_start3A_40 = tpu.memref_slice %arg2[%add3A, %dma_start3A_38, %dma_start3A_39] : memref<32x79x128xi32, #tpu.memory_space<hbm>> -> memref<1x79x128xi32, #tpu.memory_space<hbm>>
        %dma_start3A_41 = tpu.memref_squeeze %dma_start3A_40 : memref<1x79x128xi32, #tpu.memory_space<hbm>> -> memref<79x128xi32, #tpu.memory_space<hbm>>
        tpu.enqueue_dma source(%dma_start3A_41 : memref<79x128xi32, #tpu.memory_space<hbm>>) target(%run_scoped3A : memref<79x128xi32, #tpu.memory_space<vmem>>) target_semaphore(%run_scoped3A_34 : memref<!tpu.dma_semaphore, #tpu.memory_space<semaphore_mem>>)
        %dma_wait3A = arith.constant 0 : i32
        %dma_wait3A_42 = arith.constant 0 : i32
        %dma_wait3A_43 = tpu.memref_slice %arg2[%add3A, %dma_wait3A, %dma_wait3A_42] : memref<32x79x128xi32, #tpu.memory_space<hbm>> -> memref<1x79x128xi32, #tpu.memory_space<hbm>>
        %dma_wait3A_44 = tpu.memref_squeeze %dma_wait3A_43 : memref<1x79x128xi32, #tpu.memory_space<hbm>> -> memref<79x128xi32, #tpu.memory_space<hbm>>
        %dma_wait3A_45 = arith.constant 0 : i32
        %dma_wait3A_46 = arith.constant 0 : i32
        %dma_wait3A_47 = tpu.memref_slice %arg2[%add3A, %dma_wait3A_45, %dma_wait3A_46] : memref<32x79x128xi32, #tpu.memory_space<hbm>> -> memref<1x79x128xi32, #tpu.memory_space<hbm>>
        %dma_wait3A_48 = tpu.memref_squeeze %dma_wait3A_47 : memref<1x79x128xi32, #tpu.memory_space<hbm>> -> memref<79x128xi32, #tpu.memory_space<hbm>>
        tpu.wait_dma2 semaphore(%run_scoped3A_34 : memref<!tpu.dma_semaphore, #tpu.memory_space<semaphore_mem>>) src(%dma_wait3A_48 : memref<79x128xi32, #tpu.memory_space<hbm>>) dst(%run_scoped3A : memref<79x128xi32, #tpu.memory_space<vmem>>)
        tpu.yield
      }) : () -> ()
      "tpu.region"() ({
        %run_scoped3A_34 = tpu.sem_alloc : memref<!tpu.dma_semaphore, #tpu.memory_space<semaphore_mem>>
        %dma_start3A = arith.constant 0 : i32
        %dma_start3A_35 = arith.constant 0 : i32
        %dma_start3A_36 = tpu.memref_slice %arg3[%add3A, %dma_start3A, %dma_start3A_35] : memref<32x79x128xi32, #tpu.memory_space<hbm>> -> memref<1x79x128xi32, #tpu.memory_space<hbm>>
        %dma_start3A_37 = tpu.memref_squeeze %dma_start3A_36 : memref<1x79x128xi32, #tpu.memory_space<hbm>> -> memref<79x128xi32, #tpu.memory_space<hbm>>
        %dma_start3A_38 = arith.constant 0 : i32
        %dma_start3A_39 = arith.constant 0 : i32
        %dma_start3A_40 = tpu.memref_slice %arg3[%add3A, %dma_start3A_38, %dma_start3A_39] : memref<32x79x128xi32, #tpu.memory_space<hbm>> -> memref<1x79x128xi32, #tpu.memory_space<hbm>>
        %dma_start3A_41 = tpu.memref_squeeze %dma_start3A_40 : memref<1x79x128xi32, #tpu.memory_space<hbm>> -> memref<79x128xi32, #tpu.memory_space<hbm>>
        tpu.enqueue_dma source(%dma_start3A_41 : memref<79x128xi32, #tpu.memory_space<hbm>>) target(%run_scoped3A_0 : memref<79x128xi32, #tpu.memory_space<vmem>>) target_semaphore(%run_scoped3A_34 : memref<!tpu.dma_semaphore, #tpu.memory_space<semaphore_mem>>)
        %dma_wait3A = arith.constant 0 : i32
        %dma_wait3A_42 = arith.constant 0 : i32
        %dma_wait3A_43 = tpu.memref_slice %arg3[%add3A, %dma_wait3A, %dma_wait3A_42] : memref<32x79x128xi32, #tpu.memory_space<hbm>> -> memref<1x79x128xi32, #tpu.memory_space<hbm>>
        %dma_wait3A_44 = tpu.memref_squeeze %dma_wait3A_43 : memref<1x79x128xi32, #tpu.memory_space<hbm>> -> memref<79x128xi32, #tpu.memory_space<hbm>>
        %dma_wait3A_45 = arith.constant 0 : i32
        %dma_wait3A_46 = arith.constant 0 : i32
        %dma_wait3A_47 = tpu.memref_slice %arg3[%add3A, %dma_wait3A_45, %dma_wait3A_46] : memref<32x79x128xi32, #tpu.memory_space<hbm>> -> memref<1x79x128xi32, #tpu.memory_space<hbm>>
        %dma_wait3A_48 = tpu.memref_squeeze %dma_wait3A_47 : memref<1x79x128xi32, #tpu.memory_space<hbm>> -> memref<79x128xi32, #tpu.memory_space<hbm>>
        tpu.wait_dma2 semaphore(%run_scoped3A_34 : memref<!tpu.dma_semaphore, #tpu.memory_space<semaphore_mem>>) src(%dma_wait3A_48 : memref<79x128xi32, #tpu.memory_space<hbm>>) dst(%run_scoped3A_0 : memref<79x128xi32, #tpu.memory_space<vmem>>)
        tpu.yield
      }) : () -> ()
      %broadcast_in_dim3A = arith.constant 0.000000e+00 : f32
      %broadcast_in_dim3A_3 = vector.broadcast %broadcast_in_dim3A : f32 to vector<16xf32>
      %scan3A = arith.constant 0 : i32
      %scan3A_4 = arith.constant 0 : i32
      %scan3A_5 = arith.constant 128 : i32
      %scan3A_6 = arith.addi %scan3A_4, %scan3A_5 : i32
      %scan3A_7 = arith.constant 1 : i32
      %scan3A_8 = scf.for %scan3A_34 = %scan3A_4 to %scan3A_6 step %scan3A_7 iter_args(%scan3A_35 = %scan3A) -> (i32)  : i32 {
        %swap3A = arith.index_cast %scan3A_34 : i32 to index
        %swap3A_36 = arith.constant 0 : index
        %swap3A_37 = tpu.vector_load %run_scoped3A_1[%swap3A, %swap3A_36] {strides = array<i32>} : memref<128x128xf32, #tpu.memory_space<vmem>>, vector<1x16xf32>,
        %swap3A_38 = vector.shape_cast %swap3A_37 : vector<1x16xf32> to vector<16xf32>
        %swap3A_39 = vector.shape_cast %broadcast_in_dim3A_3 : vector<16xf32> to vector<1x16xf32>
        tpu.vector_store %run_scoped3A_1[%swap3A, %swap3A_36], %swap3A_39 {strides = array<i32>} : memref<128x128xf32, #tpu.memory_space<vmem>>, vector<1x16xf32>,
        %swap3A_40 = arith.index_cast %scan3A_34 : i32 to index
        %swap3A_41 = arith.constant 16 : index
        %swap3A_42 = tpu.vector_load %run_scoped3A_1[%swap3A_40, %swap3A_41] {strides = array<i32>} : memref<128x128xf32, #tpu.memory_space<vmem>>, vector<1x16xf32>,
        %swap3A_43 = vector.shape_cast %swap3A_42 : vector<1x16xf32> to vector<16xf32>
        %swap3A_44 = vector.shape_cast %broadcast_in_dim3A_3 : vector<16xf32> to vector<1x16xf32>
        tpu.vector_store %run_scoped3A_1[%swap3A_40, %swap3A_41], %swap3A_44 {strides = array<i32>} : memref<128x128xf32, #tpu.memory_space<vmem>>, vector<1x16xf32>,
        %swap3A_45 = arith.index_cast %scan3A_34 : i32 to index
        %swap3A_46 = arith.constant 32 : index
        %swap3A_47 = tpu.vector_load %run_scoped3A_1[%swap3A_45, %swap3A_46] {strides = array<i32>} : memref<128x128xf32, #tpu.memory_space<vmem>>, vector<1x16xf32>,
        %swap3A_48 = vector.shape_cast %swap3A_47 : vector<1x16xf32> to vector<16xf32>
        %swap3A_49 = vector.shape_cast %broadcast_in_dim3A_3 : vector<16xf32> to vector<1x16xf32>
        tpu.vector_store %run_scoped3A_1[%swap3A_45, %swap3A_46], %swap3A_49 {strides = array<i32>} : memref<128x128xf32, #tpu.memory_space<vmem>>, vector<1x16xf32>,
        %swap3A_50 = arith.index_cast %scan3A_34 : i32 to index
        %swap3A_51 = arith.constant 48 : index
        %swap3A_52 = tpu.vector_load %run_scoped3A_1[%swap3A_50, %swap3A_51] {strides = array<i32>} : memref<128x128xf32, #tpu.memory_space<vmem>>, vector<1x16xf32>,
        %swap3A_53 = vector.shape_cast %swap3A_52 : vector<1x16xf32> to vector<16xf32>
        %swap3A_54 = vector.shape_cast %broadcast_in_dim3A_3 : vector<16xf32> to vector<1x16xf32>
        tpu.vector_store %run_scoped3A_1[%swap3A_50, %swap3A_51], %swap3A_54 {strides = array<i32>} : memref<128x128xf32, #tpu.memory_space<vmem>>, vector<1x16xf32>,
        %swap3A_55 = arith.index_cast %scan3A_34 : i32 to index
        %swap3A_56 = arith.constant 64 : index
        %swap3A_57 = tpu.vector_load %run_scoped3A_1[%swap3A_55, %swap3A_56] {strides = array<i32>} : memref<128x128xf32, #tpu.memory_space<vmem>>, vector<1x16xf32>,
        %swap3A_58 = vector.shape_cast %swap3A_57 : vector<1x16xf32> to vector<16xf32>
        %swap3A_59 = vector.shape_cast %broadcast_in_dim3A_3 : vector<16xf32> to vector<1x16xf32>
        tpu.vector_store %run_scoped3A_1[%swap3A_55, %swap3A_56], %swap3A_59 {strides = array<i32>} : memref<128x128xf32, #tpu.memory_space<vmem>>, vector<1x16xf32>,
        %swap3A_60 = arith.index_cast %scan3A_34 : i32 to index
        %swap3A_61 = arith.constant 80 : index
        %swap3A_62 = tpu.vector_load %run_scoped3A_1[%swap3A_60, %swap3A_61] {strides = array<i32>} : memref<128x128xf32, #tpu.memory_space<vmem>>, vector<1x16xf32>,
        %swap3A_63 = vector.shape_cast %swap3A_62 : vector<1x16xf32> to vector<16xf32>
        %swap3A_64 = vector.shape_cast %broadcast_in_dim3A_3 : vector<16xf32> to vector<1x16xf32>
        tpu.vector_store %run_scoped3A_1[%swap3A_60, %swap3A_61], %swap3A_64 {strides = array<i32>} : memref<128x128xf32, #tpu.memory_space<vmem>>, vector<1x16xf32>,
        %swap3A_65 = arith.index_cast %scan3A_34 : i32 to index
        %swap3A_66 = arith.constant 96 : index
        %swap3A_67 = tpu.vector_load %run_scoped3A_1[%swap3A_65, %swap3A_66] {strides = array<i32>} : memref<128x128xf32, #tpu.memory_space<vmem>>, vector<1x16xf32>,
        %swap3A_68 = vector.shape_cast %swap3A_67 : vector<1x16xf32> to vector<16xf32>
        %swap3A_69 = vector.shape_cast %broadcast_in_dim3A_3 : vector<16xf32> to vector<1x16xf32>
        tpu.vector_store %run_scoped3A_1[%swap3A_65, %swap3A_66], %swap3A_69 {strides = array<i32>} : memref<128x128xf32, #tpu.memory_space<vmem>>, vector<1x16xf32>,
        %swap3A_70 = arith.index_cast %scan3A_34 : i32 to index
        %swap3A_71 = arith.constant 112 : index
        %swap3A_72 = tpu.vector_load %run_scoped3A_1[%swap3A_70, %swap3A_71] {strides = array<i32>} : memref<128x128xf32, #tpu.memory_space<vmem>>, vector<1x16xf32>,
        %swap3A_73 = vector.shape_cast %swap3A_72 : vector<1x16xf32> to vector<16xf32>
        %swap3A_74 = vector.shape_cast %broadcast_in_dim3A_3 : vector<16xf32> to vector<1x16xf32>
        tpu.vector_store %run_scoped3A_1[%swap3A_70, %swap3A_71], %swap3A_74 {strides = array<i32>} : memref<128x128xf32, #tpu.memory_space<vmem>>, vector<1x16xf32>,
        %scan3A_75 = arith.constant 0 : i32
        scf.yield %scan3A_75 : i32
      }
      %scan3A_9 = arith.constant 128 : i32
      %mul3A_10 = arith.constant 640 : i32
      %mul3A_11 = arith.muli %arg1, %mul3A_10 : i32
      %scan3A_12 = arith.constant 0 : i32
      %scan3A_13 = arith.constant 0 : i32
      %scan3A_14 = arith.constant 5 : i32
      %scan3A_15 = arith.addi %scan3A_13, %scan3A_14 : i32
      %scan3A_16 = arith.constant 1 : i32
      %scan3A_17 = scf.for %scan3A_34 = %scan3A_13 to %scan3A_15 step %scan3A_16 iter_args(%scan3A_35 = %scan3A_12) -> (i32)  : i32 {
        %mul3A_36 = arith.constant 128 : i32
        %mul3A_37 = arith.muli %scan3A_34, %mul3A_36 : i32
        %add3A_38 = arith.addi %mul3A_11, %mul3A_37 : i32
        "tpu.region"() ({
          %run_scoped3A_40 = tpu.sem_alloc : memref<!tpu.dma_semaphore, #tpu.memory_space<semaphore_mem>>
          %dma_start3A = arith.constant 0 : i32
          %dma_start3A_41 = tpu.memref_slice %arg6[%add3A_38, %dma_start3A] : memref<10240x128xf32, #tpu.memory_space<vmem_shared>> -> memref<128x128xf32, #tpu.memory_space<vmem_shared>>
          %dma_start3A_42 = arith.constant 0 : i32
          %dma_start3A_43 = tpu.memref_slice %arg6[%add3A_38, %dma_start3A_42] : memref<10240x128xf32, #tpu.memory_space<vmem_shared>> -> memref<128x128xf32, #tpu.memory_space<vmem_shared>>
          tpu.enqueue_dma source(%run_scoped3A_1 : memref<128x128xf32, #tpu.memory_space<vmem>>) target(%dma_start3A_43 : memref<128x128xf32, #tpu.memory_space<vmem_shared>>) target_semaphore(%run_scoped3A_40 : memref<!tpu.dma_semaphore, #tpu.memory_space<semaphore_mem>>)
          %dma_wait3A = arith.constant 0 : i32
          %dma_wait3A_44 = tpu.memref_slice %arg6[%add3A_38, %dma_wait3A] : memref<10240x128xf32, #tpu.memory_space<vmem_shared>> -> memref<128x128xf32, #tpu.memory_space<vmem_shared>>
          %dma_wait3A_45 = arith.constant 0 : i32
          %dma_wait3A_46 = tpu.memref_slice %arg6[%add3A_38, %dma_wait3A_45] : memref<10240x128xf32, #tpu.memory_space<vmem_shared>> -> memref<128x128xf32, #tpu.memory_space<vmem_shared>>
          tpu.wait_dma2 semaphore(%run_scoped3A_40 : memref<!tpu.dma_semaphore, #tpu.memory_space<semaphore_mem>>) src(%run_scoped3A_1 : memref<128x128xf32, #tpu.memory_space<vmem>>) dst(%dma_wait3A_46 : memref<128x128xf32, #tpu.memory_space<vmem_shared>>)
          tpu.yield
        }) : () -> ()
        %scan3A_39 = arith.constant 0 : i32
        scf.yield %scan3A_39 : i32
      }
      %scan3A_18 = arith.constant 5 : i32
      %barrier3A = arith.constant 0 : index
      tpu.barrier barrier_id(%barrier3A)
      %scan3A_19 = arith.constant 0 : i32
      %scan3A_20 = arith.constant 0 : i32
      %scan3A_21 = arith.constant 79 : i32
      %scan3A_22 = arith.addi %scan3A_20, %scan3A_21 : i32
      %scan3A_23 = arith.constant 1 : i32
      %scan3A_24 = scf.for %scan3A_34 = %scan3A_20 to %scan3A_22 step %scan3A_23 iter_args(%scan3A_35 = %scan3A_19) -> (i32)  : i32 {
        %dma_start3A = arith.constant 0 : i32
        %dma_start3A_36 = tpu.memref_slice %run_scoped3A[%scan3A_34, %dma_start3A] : memref<79x128xi32, #tpu.memory_space<vmem>> -> memref<1x128xi32, #tpu.memory_space<vmem>>
        %dma_start3A_37 = tpu.memref_squeeze %dma_start3A_36 : memref<1x128xi32, #tpu.memory_space<vmem>> -> memref<128xi32, #tpu.memory_space<vmem>>
        %dma_start3A_38 = arith.constant 0 : i32
        %dma_start3A_39 = arith.constant 0 : i32
        %dma_start3A_40 = tpu.memref_slice %arg4[%dma_start3A_38, %dma_start3A_39] : memref<10000x128xf32, #tpu.memory_space<hbm>> -> memref<10000x128xf32, #tpu.memory_space<hbm>>
        tpu.enqueue_indirect_dma source(%dma_start3A_40 : memref<10000x128xf32, #tpu.memory_space<hbm>>) target(%run_scoped3A_1 : memref<128x128xf32, #tpu.memory_space<vmem>>) offsets(%dma_start3A_37 : memref<128xi32, #tpu.memory_space<vmem>>) semaphore(%arg7 : memref<!tpu.dma_semaphore, #tpu.memory_space<semaphore_mem>>)
        %dma_wait3A = arith.constant 0 : i32
        %dma_wait3A_41 = tpu.memref_slice %run_scoped3A[%scan3A_34, %dma_wait3A] : memref<79x128xi32, #tpu.memory_space<vmem>> -> memref<1x128xi32, #tpu.memory_space<vmem>>
        %dma_wait3A_42 = tpu.memref_squeeze %dma_wait3A_41 : memref<1x128xi32, #tpu.memory_space<vmem>> -> memref<128xi32, #tpu.memory_space<vmem>>
        %dma_wait3A_43 = arith.constant 0 : i32
        %dma_wait3A_44 = arith.constant 0 : i32
        %dma_wait3A_45 = tpu.memref_slice %arg4[%dma_wait3A_43, %dma_wait3A_44] : memref<10000x128xf32, #tpu.memory_space<hbm>> -> memref<10000x128xf32, #tpu.memory_space<hbm>>
        tpu.wait_indirect_dma semaphore(%arg7 : memref<!tpu.dma_semaphore, #tpu.memory_space<semaphore_mem>>) src(%dma_wait3A_45 : memref<10000x128xf32, #tpu.memory_space<hbm>>) dst(%run_scoped3A_1 : memref<128x128xf32, #tpu.memory_space<vmem>>)
        "tpu.region"() ({
          %run_scoped3A_47 = tpu.sem_alloc : memref<!tpu.dma_semaphore, #tpu.memory_space<semaphore_mem>>
          %dma_start3A_48 = arith.constant 0 : i32
          %dma_start3A_49 = tpu.memref_slice %run_scoped3A_0[%scan3A_34, %dma_start3A_48] : memref<79x128xi32, #tpu.memory_space<vmem>> -> memref<1x128xi32, #tpu.memory_space<vmem>>
          %dma_start3A_50 = tpu.memref_squeeze %dma_start3A_49 : memref<1x128xi32, #tpu.memory_space<vmem>> -> memref<128xi32, #tpu.memory_space<vmem>>
          %dma_start3A_51 = arith.constant 0 : i32
          %dma_start3A_52 = arith.constant 0 : i32
          %dma_start3A_53 = tpu.memref_slice %arg6[%dma_start3A_51, %dma_start3A_52] : memref<10240x128xf32, #tpu.memory_space<vmem_shared>> -> memref<10240x128xf32, #tpu.memory_space<vmem_shared>>
          tpu.enqueue_indirect_dma source(%run_scoped3A_1 : memref<128x128xf32, #tpu.memory_space<vmem>>) target(%dma_start3A_53 : memref<10240x128xf32, #tpu.memory_space<vmem_shared>>) offsets(%dma_start3A_50 : memref<128xi32, #tpu.memory_space<vmem>>) semaphore(%run_scoped3A_47 : memref<!tpu.dma_semaphore, #tpu.memory_space<semaphore_mem>>) {add = true}
          %dma_wait3A_54 = arith.constant 0 : i32
          %dma_wait3A_55 = tpu.memref_slice %run_scoped3A_0[%scan3A_34, %dma_wait3A_54] : memref<79x128xi32, #tpu.memory_space<vmem>> -> memref<1x128xi32, #tpu.memory_space<vmem>>
          %dma_wait3A_56 = tpu.memref_squeeze %dma_wait3A_55 : memref<1x128xi32, #tpu.memory_space<vmem>> -> memref<128xi32, #tpu.memory_space<vmem>>
          %dma_wait3A_57 = arith.constant 0 : i32
          %dma_wait3A_58 = arith.constant 0 : i32
          %dma_wait3A_59 = tpu.memref_slice %arg6[%dma_wait3A_57, %dma_wait3A_58] : memref<10240x128xf32, #tpu.memory_space<vmem_shared>> -> memref<10240x128xf32, #tpu.memory_space<vmem_shared>>
          tpu.wait_indirect_dma semaphore(%run_scoped3A_47 : memref<!tpu.dma_semaphore, #tpu.memory_space<semaphore_mem>>) src(%run_scoped3A_1 : memref<128x128xf32, #tpu.memory_space<vmem>>) dst(%dma_wait3A_59 : memref<10240x128xf32, #tpu.memory_space<vmem_shared>>)
          tpu.yield
        }) : () -> ()
        %scan3A_46 = arith.constant 0 : i32
        scf.yield %scan3A_46 : i32
      }
      %scan3A_25 = arith.constant 79 : i32
      %barrier3A_26 = arith.constant 0 : index
      tpu.barrier barrier_id(%barrier3A_26)
      %scan3A_27 = arith.constant 0 : i32
      %scan3A_28 = arith.constant 0 : i32
      %scan3A_29 = arith.constant 5 : i32
      %scan3A_30 = arith.addi %scan3A_28, %scan3A_29 : i32
      %scan3A_31 = arith.constant 1 : i32
      %scan3A_32 = scf.for %scan3A_34 = %scan3A_28 to %scan3A_30 step %scan3A_31 iter_args(%scan3A_35 = %scan3A_27) -> (i32)  : i32 {
        %mul3A_36 = arith.constant 128 : i32
        %mul3A_37 = arith.muli %scan3A_34, %mul3A_36 : i32
        %add3A_38 = arith.addi %mul3A_11, %mul3A_37 : i32
        %mul3A_39 = arith.constant 128 : i32
        %mul3A_40 = arith.muli %scan3A_34, %mul3A_39 : i32
        %add3A_41 = arith.addi %mul3A_11, %mul3A_40 : i32
        "tpu.region"() ({
          %run_scoped3A_43 = tpu.sem_alloc : memref<!tpu.dma_semaphore, #tpu.memory_space<semaphore_mem>>
          %dma_start3A = arith.constant 0 : i32
          %dma_start3A_44 = tpu.memref_slice %arg5[%arg0, %add3A_41, %dma_start3A] : memref<2x10240x128xf32, #tpu.memory_space<hbm>> -> memref<1x128x128xf32, #tpu.memory_space<hbm>>
          %dma_start3A_45 = tpu.memref_squeeze %dma_start3A_44 : memref<1x128x128xf32, #tpu.memory_space<hbm>> -> memref<128x128xf32, #tpu.memory_space<hbm>>
          %dma_start3A_46 = arith.constant 0 : i32
          %dma_start3A_47 = tpu.memref_slice %arg6[%add3A_38, %dma_start3A_46] : memref<10240x128xf32, #tpu.memory_space<vmem_shared>> -> memref<128x128xf32, #tpu.memory_space<vmem_shared>>
          tpu.enqueue_dma source(%dma_start3A_47 : memref<128x128xf32, #tpu.memory_space<vmem_shared>>) target(%dma_start3A_45 : memref<128x128xf32, #tpu.memory_space<hbm>>) target_semaphore(%run_scoped3A_43 : memref<!tpu.dma_semaphore, #tpu.memory_space<semaphore_mem>>)
          %dma_wait3A = arith.constant 0 : i32
          %dma_wait3A_48 = tpu.memref_slice %arg5[%arg0, %add3A_41, %dma_wait3A] : memref<2x10240x128xf32, #tpu.memory_space<hbm>> -> memref<1x128x128xf32, #tpu.memory_space<hbm>>
          %dma_wait3A_49 = tpu.memref_squeeze %dma_wait3A_48 : memref<1x128x128xf32, #tpu.memory_space<hbm>> -> memref<128x128xf32, #tpu.memory_space<hbm>>
          %dma_wait3A_50 = arith.constant 0 : i32
          %dma_wait3A_51 = tpu.memref_slice %arg6[%add3A_38, %dma_wait3A_50] : memref<10240x128xf32, #tpu.memory_space<vmem_shared>> -> memref<128x128xf32, #tpu.memory_space<vmem_shared>>
          tpu.wait_dma2 semaphore(%run_scoped3A_43 : memref<!tpu.dma_semaphore, #tpu.memory_space<semaphore_mem>>) src(%dma_wait3A_51 : memref<128x128xf32, #tpu.memory_space<vmem_shared>>) dst(%dma_wait3A_49 : memref<128x128xf32, #tpu.memory_space<hbm>>)
          tpu.yield
        }) : () -> ()
        %scan3A_42 = arith.constant 0 : i32
        scf.yield %scan3A_42 : i32
      }
      %scan3A_33 = arith.constant 5 : i32
      tpu.yield
    }) : () -> ()
    return
  }
}

#map = affine_map<(d0, d1) -> (0, 0, 0)>
#map1 = affine_map<(d0, d1) -> (0, 0)>
module attributes {stable_mosaic.version = 14 : i64} {
  func.func @_sc_scatter_body(%arg0: i32, %arg1: i32, %arg2: memref<32x79x128xi32, #tpu.memory_space<hbm>>, %arg3: memref<32x79x128xi32, #tpu.memory_space<hbm>>, %arg4: memref<10000x128xf32, #tpu.memory_space<hbm>>, %arg5: memref<2x10240x128xf32, #tpu.memory_space<hbm>>, %arg6: memref<10240x128xf32, #tpu.memory_space<vmem_shared>>, %arg7: memref<!tpu.dma_semaphore, #tpu.memory_space<semaphore_mem>>) attributes {dimension_semantics = [#tpu.dimension_semantics<core_parallel>, #tpu.dimension_semantics<subcore_parallel>], iteration_bounds = array<i64: 2, 16>, scalar_prefetch = 0 : i64, scratch_operands = 2 : i64, tpu.core_type = #tpu.core_type<sc_vector_subcore>, window_params = [{transform_indices = #map}, {transform_indices = #map}, {transform_indices = #map1}, {transform_indices = #map}]} {
    "tpu.region"() ({
      %run_scoped3A = memref.alloca() : memref<79x128xi32, #tpu.memory_space<vmem>>
      %run_scoped3A_0 = memref.alloca() : memref<79x128xi32, #tpu.memory_space<vmem>>
      %run_scoped3A_1 = memref.alloca() : memref<128x128xf32, #tpu.memory_space<vmem>>
      %mul3A = arith.constant 16 : i32
      %mul3A_2 = arith.muli %arg0, %mul3A : i32
      %add3A = arith.addi %mul3A_2, %arg1 : i32
      "tpu.region"() ({
        %run_scoped3A_34 = tpu.sem_alloc : memref<!tpu.dma_semaphore, #tpu.memory_space<semaphore_mem>>
        %dma_start3A = arith.constant 0 : i32
        %dma_start3A_35 = arith.constant 0 : i32
        %dma_start3A_36 = tpu.memref_slice %arg2[%add3A, %dma_start3A, %dma_start3A_35] : memref<32x79x128xi32, #tpu.memory_space<hbm>> -> memref<1x79x128xi32, #tpu.memory_space<hbm>>
        %dma_start3A_37 = tpu.memref_squeeze %dma_start3A_36 : memref<1x79x128xi32, #tpu.memory_space<hbm>> -> memref<79x128xi32, #tpu.memory_space<hbm>>
        %dma_start3A_38 = arith.constant 0 : i32
        %dma_start3A_39 = arith.constant 0 : i32
        %dma_start3A_40 = tpu.memref_slice %arg2[%add3A, %dma_start3A_38, %dma_start3A_39] : memref<32x79x128xi32, #tpu.memory_space<hbm>> -> memref<1x79x128xi32, #tpu.memory_space<hbm>>
        %dma_start3A_41 = tpu.memref_squeeze %dma_start3A_40 : memref<1x79x128xi32, #tpu.memory_space<hbm>> -> memref<79x128xi32, #tpu.memory_space<hbm>>
        tpu.enqueue_dma source(%dma_start3A_41 : memref<79x128xi32, #tpu.memory_space<hbm>>) target(%run_scoped3A : memref<79x128xi32, #tpu.memory_space<vmem>>) target_semaphore(%run_scoped3A_34 : memref<!tpu.dma_semaphore, #tpu.memory_space<semaphore_mem>>)
        %dma_wait3A = arith.constant 0 : i32
        %dma_wait3A_42 = arith.constant 0 : i32
        %dma_wait3A_43 = tpu.memref_slice %arg2[%add3A, %dma_wait3A, %dma_wait3A_42] : memref<32x79x128xi32, #tpu.memory_space<hbm>> -> memref<1x79x128xi32, #tpu.memory_space<hbm>>
        %dma_wait3A_44 = tpu.memref_squeeze %dma_wait3A_43 : memref<1x79x128xi32, #tpu.memory_space<hbm>> -> memref<79x128xi32, #tpu.memory_space<hbm>>
        %dma_wait3A_45 = arith.constant 0 : i32
        %dma_wait3A_46 = arith.constant 0 : i32
        %dma_wait3A_47 = tpu.memref_slice %arg2[%add3A, %dma_wait3A_45, %dma_wait3A_46] : memref<32x79x128xi32, #tpu.memory_space<hbm>> -> memref<1x79x128xi32, #tpu.memory_space<hbm>>
        %dma_wait3A_48 = tpu.memref_squeeze %dma_wait3A_47 : memref<1x79x128xi32, #tpu.memory_space<hbm>> -> memref<79x128xi32, #tpu.memory_space<hbm>>
        tpu.wait_dma2 semaphore(%run_scoped3A_34 : memref<!tpu.dma_semaphore, #tpu.memory_space<semaphore_mem>>) src(%dma_wait3A_48 : memref<79x128xi32, #tpu.memory_space<hbm>>) dst(%run_scoped3A : memref<79x128xi32, #tpu.memory_space<vmem>>)
        tpu.yield
      }) : () -> ()
      "tpu.region"() ({
        %run_scoped3A_34 = tpu.sem_alloc : memref<!tpu.dma_semaphore, #tpu.memory_space<semaphore_mem>>
        %dma_start3A = arith.constant 0 : i32
        %dma_start3A_35 = arith.constant 0 : i32
        %dma_start3A_36 = tpu.memref_slice %arg3[%add3A, %dma_start3A, %dma_start3A_35] : memref<32x79x128xi32, #tpu.memory_space<hbm>> -> memref<1x79x128xi32, #tpu.memory_space<hbm>>
        %dma_start3A_37 = tpu.memref_squeeze %dma_start3A_36 : memref<1x79x128xi32, #tpu.memory_space<hbm>> -> memref<79x128xi32, #tpu.memory_space<hbm>>
        %dma_start3A_38 = arith.constant 0 : i32
        %dma_start3A_39 = arith.constant 0 : i32
        %dma_start3A_40 = tpu.memref_slice %arg3[%add3A, %dma_start3A_38, %dma_start3A_39] : memref<32x79x128xi32, #tpu.memory_space<hbm>> -> memref<1x79x128xi32, #tpu.memory_space<hbm>>
        %dma_start3A_41 = tpu.memref_squeeze %dma_start3A_40 : memref<1x79x128xi32, #tpu.memory_space<hbm>> -> memref<79x128xi32, #tpu.memory_space<hbm>>
        tpu.enqueue_dma source(%dma_start3A_41 : memref<79x128xi32, #tpu.memory_space<hbm>>) target(%run_scoped3A_0 : memref<79x128xi32, #tpu.memory_space<vmem>>) target_semaphore(%run_scoped3A_34 : memref<!tpu.dma_semaphore, #tpu.memory_space<semaphore_mem>>)
        %dma_wait3A = arith.constant 0 : i32
        %dma_wait3A_42 = arith.constant 0 : i32
        %dma_wait3A_43 = tpu.memref_slice %arg3[%add3A, %dma_wait3A, %dma_wait3A_42] : memref<32x79x128xi32, #tpu.memory_space<hbm>> -> memref<1x79x128xi32, #tpu.memory_space<hbm>>
        %dma_wait3A_44 = tpu.memref_squeeze %dma_wait3A_43 : memref<1x79x128xi32, #tpu.memory_space<hbm>> -> memref<79x128xi32, #tpu.memory_space<hbm>>
        %dma_wait3A_45 = arith.constant 0 : i32
        %dma_wait3A_46 = arith.constant 0 : i32
        %dma_wait3A_47 = tpu.memref_slice %arg3[%add3A, %dma_wait3A_45, %dma_wait3A_46] : memref<32x79x128xi32, #tpu.memory_space<hbm>> -> memref<1x79x128xi32, #tpu.memory_space<hbm>>
        %dma_wait3A_48 = tpu.memref_squeeze %dma_wait3A_47 : memref<1x79x128xi32, #tpu.memory_space<hbm>> -> memref<79x128xi32, #tpu.memory_space<hbm>>
        tpu.wait_dma2 semaphore(%run_scoped3A_34 : memref<!tpu.dma_semaphore, #tpu.memory_space<semaphore_mem>>) src(%dma_wait3A_48 : memref<79x128xi32, #tpu.memory_space<hbm>>) dst(%run_scoped3A_0 : memref<79x128xi32, #tpu.memory_space<vmem>>)
        tpu.yield
      }) : () -> ()
      %broadcast_in_dim3A = arith.constant 0.000000e+00 : f32
      %broadcast_in_dim3A_3 = vector.broadcast %broadcast_in_dim3A : f32 to vector<16xf32>
      %scan3A = arith.constant 0 : i32
      %scan3A_4 = arith.constant 0 : i32
      %scan3A_5 = arith.constant 128 : i32
      %scan3A_6 = arith.addi %scan3A_4, %scan3A_5 : i32
      %scan3A_7 = arith.constant 1 : i32
      %scan3A_8 = scf.for %scan3A_34 = %scan3A_4 to %scan3A_6 step %scan3A_7 iter_args(%scan3A_35 = %scan3A) -> (i32)  : i32 {
        %swap3A = arith.index_cast %scan3A_34 : i32 to index
        %swap3A_36 = arith.constant 0 : index
        %swap3A_37 = tpu.vector_load %run_scoped3A_1[%swap3A, %swap3A_36] {strides = array<i32>} : memref<128x128xf32, #tpu.memory_space<vmem>>, vector<1x16xf32>,
        %swap3A_38 = vector.shape_cast %swap3A_37 : vector<1x16xf32> to vector<16xf32>
        %swap3A_39 = vector.shape_cast %broadcast_in_dim3A_3 : vector<16xf32> to vector<1x16xf32>
        tpu.vector_store %run_scoped3A_1[%swap3A, %swap3A_36], %swap3A_39 {strides = array<i32>} : memref<128x128xf32, #tpu.memory_space<vmem>>, vector<1x16xf32>,
        %swap3A_40 = arith.index_cast %scan3A_34 : i32 to index
        %swap3A_41 = arith.constant 16 : index
        %swap3A_42 = tpu.vector_load %run_scoped3A_1[%swap3A_40, %swap3A_41] {strides = array<i32>} : memref<128x128xf32, #tpu.memory_space<vmem>>, vector<1x16xf32>,
        %swap3A_43 = vector.shape_cast %swap3A_42 : vector<1x16xf32> to vector<16xf32>
        %swap3A_44 = vector.shape_cast %broadcast_in_dim3A_3 : vector<16xf32> to vector<1x16xf32>
        tpu.vector_store %run_scoped3A_1[%swap3A_40, %swap3A_41], %swap3A_44 {strides = array<i32>} : memref<128x128xf32, #tpu.memory_space<vmem>>, vector<1x16xf32>,
        %swap3A_45 = arith.index_cast %scan3A_34 : i32 to index
        %swap3A_46 = arith.constant 32 : index
        %swap3A_47 = tpu.vector_load %run_scoped3A_1[%swap3A_45, %swap3A_46] {strides = array<i32>} : memref<128x128xf32, #tpu.memory_space<vmem>>, vector<1x16xf32>,
        %swap3A_48 = vector.shape_cast %swap3A_47 : vector<1x16xf32> to vector<16xf32>
        %swap3A_49 = vector.shape_cast %broadcast_in_dim3A_3 : vector<16xf32> to vector<1x16xf32>
        tpu.vector_store %run_scoped3A_1[%swap3A_45, %swap3A_46], %swap3A_49 {strides = array<i32>} : memref<128x128xf32, #tpu.memory_space<vmem>>, vector<1x16xf32>,
        %swap3A_50 = arith.index_cast %scan3A_34 : i32 to index
        %swap3A_51 = arith.constant 48 : index
        %swap3A_52 = tpu.vector_load %run_scoped3A_1[%swap3A_50, %swap3A_51] {strides = array<i32>} : memref<128x128xf32, #tpu.memory_space<vmem>>, vector<1x16xf32>,
        %swap3A_53 = vector.shape_cast %swap3A_52 : vector<1x16xf32> to vector<16xf32>
        %swap3A_54 = vector.shape_cast %broadcast_in_dim3A_3 : vector<16xf32> to vector<1x16xf32>
        tpu.vector_store %run_scoped3A_1[%swap3A_50, %swap3A_51], %swap3A_54 {strides = array<i32>} : memref<128x128xf32, #tpu.memory_space<vmem>>, vector<1x16xf32>,
        %swap3A_55 = arith.index_cast %scan3A_34 : i32 to index
        %swap3A_56 = arith.constant 64 : index
        %swap3A_57 = tpu.vector_load %run_scoped3A_1[%swap3A_55, %swap3A_56] {strides = array<i32>} : memref<128x128xf32, #tpu.memory_space<vmem>>, vector<1x16xf32>,
        %swap3A_58 = vector.shape_cast %swap3A_57 : vector<1x16xf32> to vector<16xf32>
        %swap3A_59 = vector.shape_cast %broadcast_in_dim3A_3 : vector<16xf32> to vector<1x16xf32>
        tpu.vector_store %run_scoped3A_1[%swap3A_55, %swap3A_56], %swap3A_59 {strides = array<i32>} : memref<128x128xf32, #tpu.memory_space<vmem>>, vector<1x16xf32>,
        %swap3A_60 = arith.index_cast %scan3A_34 : i32 to index
        %swap3A_61 = arith.constant 80 : index
        %swap3A_62 = tpu.vector_load %run_scoped3A_1[%swap3A_60, %swap3A_61] {strides = array<i32>} : memref<128x128xf32, #tpu.memory_space<vmem>>, vector<1x16xf32>,
        %swap3A_63 = vector.shape_cast %swap3A_62 : vector<1x16xf32> to vector<16xf32>
        %swap3A_64 = vector.shape_cast %broadcast_in_dim3A_3 : vector<16xf32> to vector<1x16xf32>
        tpu.vector_store %run_scoped3A_1[%swap3A_60, %swap3A_61], %swap3A_64 {strides = array<i32>} : memref<128x128xf32, #tpu.memory_space<vmem>>, vector<1x16xf32>,
        %swap3A_65 = arith.index_cast %scan3A_34 : i32 to index
        %swap3A_66 = arith.constant 96 : index
        %swap3A_67 = tpu.vector_load %run_scoped3A_1[%swap3A_65, %swap3A_66] {strides = array<i32>} : memref<128x128xf32, #tpu.memory_space<vmem>>, vector<1x16xf32>,
        %swap3A_68 = vector.shape_cast %swap3A_67 : vector<1x16xf32> to vector<16xf32>
        %swap3A_69 = vector.shape_cast %broadcast_in_dim3A_3 : vector<16xf32> to vector<1x16xf32>
        tpu.vector_store %run_scoped3A_1[%swap3A_65, %swap3A_66], %swap3A_69 {strides = array<i32>} : memref<128x128xf32, #tpu.memory_space<vmem>>, vector<1x16xf32>,
        %swap3A_70 = arith.index_cast %scan3A_34 : i32 to index
        %swap3A_71 = arith.constant 112 : index
        %swap3A_72 = tpu.vector_load %run_scoped3A_1[%swap3A_70, %swap3A_71] {strides = array<i32>} : memref<128x128xf32, #tpu.memory_space<vmem>>, vector<1x16xf32>,
        %swap3A_73 = vector.shape_cast %swap3A_72 : vector<1x16xf32> to vector<16xf32>
        %swap3A_74 = vector.shape_cast %broadcast_in_dim3A_3 : vector<16xf32> to vector<1x16xf32>
        tpu.vector_store %run_scoped3A_1[%swap3A_70, %swap3A_71], %swap3A_74 {strides = array<i32>} : memref<128x128xf32, #tpu.memory_space<vmem>>, vector<1x16xf32>,
        %scan3A_75 = arith.constant 0 : i32
        scf.yield %scan3A_75 : i32
      }
      %scan3A_9 = arith.constant 128 : i32
      %mul3A_10 = arith.constant 640 : i32
      %mul3A_11 = arith.muli %arg1, %mul3A_10 : i32
      %scan3A_12 = arith.constant 0 : i32
      %scan3A_13 = arith.constant 0 : i32
      %scan3A_14 = arith.constant 5 : i32
      %scan3A_15 = arith.addi %scan3A_13, %scan3A_14 : i32
      %scan3A_16 = arith.constant 1 : i32
      %scan3A_17 = scf.for %scan3A_34 = %scan3A_13 to %scan3A_15 step %scan3A_16 iter_args(%scan3A_35 = %scan3A_12) -> (i32)  : i32 {
        %mul3A_36 = arith.constant 128 : i32
        %mul3A_37 = arith.muli %scan3A_34, %mul3A_36 : i32
        %add3A_38 = arith.addi %mul3A_11, %mul3A_37 : i32
        "tpu.region"() ({
          %run_scoped3A_40 = tpu.sem_alloc : memref<!tpu.dma_semaphore, #tpu.memory_space<semaphore_mem>>
          %dma_start3A = arith.constant 0 : i32
          %dma_start3A_41 = tpu.memref_slice %arg6[%add3A_38, %dma_start3A] : memref<10240x128xf32, #tpu.memory_space<vmem_shared>> -> memref<128x128xf32, #tpu.memory_space<vmem_shared>>
          %dma_start3A_42 = arith.constant 0 : i32
          %dma_start3A_43 = tpu.memref_slice %arg6[%add3A_38, %dma_start3A_42] : memref<10240x128xf32, #tpu.memory_space<vmem_shared>> -> memref<128x128xf32, #tpu.memory_space<vmem_shared>>
          tpu.enqueue_dma source(%run_scoped3A_1 : memref<128x128xf32, #tpu.memory_space<vmem>>) target(%dma_start3A_43 : memref<128x128xf32, #tpu.memory_space<vmem_shared>>) target_semaphore(%run_scoped3A_40 : memref<!tpu.dma_semaphore, #tpu.memory_space<semaphore_mem>>)
          %dma_wait3A = arith.constant 0 : i32
          %dma_wait3A_44 = tpu.memref_slice %arg6[%add3A_38, %dma_wait3A] : memref<10240x128xf32, #tpu.memory_space<vmem_shared>> -> memref<128x128xf32, #tpu.memory_space<vmem_shared>>
          %dma_wait3A_45 = arith.constant 0 : i32
          %dma_wait3A_46 = tpu.memref_slice %arg6[%add3A_38, %dma_wait3A_45] : memref<10240x128xf32, #tpu.memory_space<vmem_shared>> -> memref<128x128xf32, #tpu.memory_space<vmem_shared>>
          tpu.wait_dma2 semaphore(%run_scoped3A_40 : memref<!tpu.dma_semaphore, #tpu.memory_space<semaphore_mem>>) src(%run_scoped3A_1 : memref<128x128xf32, #tpu.memory_space<vmem>>) dst(%dma_wait3A_46 : memref<128x128xf32, #tpu.memory_space<vmem_shared>>)
          tpu.yield
        }) : () -> ()
        %scan3A_39 = arith.constant 0 : i32
        scf.yield %scan3A_39 : i32
      }
      %scan3A_18 = arith.constant 5 : i32
      %barrier3A = arith.constant 0 : index
      tpu.barrier barrier_id(%barrier3A)
      %scan3A_19 = arith.constant 0 : i32
      %scan3A_20 = arith.constant 0 : i32
      %scan3A_21 = arith.constant 79 : i32
      %scan3A_22 = arith.addi %scan3A_20, %scan3A_21 : i32
      %scan3A_23 = arith.constant 1 : i32
      %scan3A_24 = scf.for %scan3A_34 = %scan3A_20 to %scan3A_22 step %scan3A_23 iter_args(%scan3A_35 = %scan3A_19) -> (i32)  : i32 {
        %dma_start3A = arith.constant 0 : i32
        %dma_start3A_36 = tpu.memref_slice %run_scoped3A[%scan3A_34, %dma_start3A] : memref<79x128xi32, #tpu.memory_space<vmem>> -> memref<1x128xi32, #tpu.memory_space<vmem>>
        %dma_start3A_37 = tpu.memref_squeeze %dma_start3A_36 : memref<1x128xi32, #tpu.memory_space<vmem>> -> memref<128xi32, #tpu.memory_space<vmem>>
        %dma_start3A_38 = arith.constant 0 : i32
        %dma_start3A_39 = arith.constant 0 : i32
        %dma_start3A_40 = tpu.memref_slice %arg4[%dma_start3A_38, %dma_start3A_39] : memref<10000x128xf32, #tpu.memory_space<hbm>> -> memref<10000x128xf32, #tpu.memory_space<hbm>>
        tpu.enqueue_indirect_dma source(%dma_start3A_40 : memref<10000x128xf32, #tpu.memory_space<hbm>>) target(%run_scoped3A_1 : memref<128x128xf32, #tpu.memory_space<vmem>>) offsets(%dma_start3A_37 : memref<128xi32, #tpu.memory_space<vmem>>) semaphore(%arg7 : memref<!tpu.dma_semaphore, #tpu.memory_space<semaphore_mem>>)
        %dma_wait3A = arith.constant 0 : i32
        %dma_wait3A_41 = tpu.memref_slice %run_scoped3A[%scan3A_34, %dma_wait3A] : memref<79x128xi32, #tpu.memory_space<vmem>> -> memref<1x128xi32, #tpu.memory_space<vmem>>
        %dma_wait3A_42 = tpu.memref_squeeze %dma_wait3A_41 : memref<1x128xi32, #tpu.memory_space<vmem>> -> memref<128xi32, #tpu.memory_space<vmem>>
        %dma_wait3A_43 = arith.constant 0 : i32
        %dma_wait3A_44 = arith.constant 0 : i32
        %dma_wait3A_45 = tpu.memref_slice %arg4[%dma_wait3A_43, %dma_wait3A_44] : memref<10000x128xf32, #tpu.memory_space<hbm>> -> memref<10000x128xf32, #tpu.memory_space<hbm>>
        tpu.wait_indirect_dma semaphore(%arg7 : memref<!tpu.dma_semaphore, #tpu.memory_space<semaphore_mem>>) src(%dma_wait3A_45 : memref<10000x128xf32, #tpu.memory_space<hbm>>) dst(%run_scoped3A_1 : memref<128x128xf32, #tpu.memory_space<vmem>>)
        "tpu.region"() ({
          %run_scoped3A_47 = tpu.sem_alloc : memref<!tpu.dma_semaphore, #tpu.memory_space<semaphore_mem>>
          %dma_start3A_48 = arith.constant 0 : i32
          %dma_start3A_49 = tpu.memref_slice %run_scoped3A_0[%scan3A_34, %dma_start3A_48] : memref<79x128xi32, #tpu.memory_space<vmem>> -> memref<1x128xi32, #tpu.memory_space<vmem>>
          %dma_start3A_50 = tpu.memref_squeeze %dma_start3A_49 : memref<1x128xi32, #tpu.memory_space<vmem>> -> memref<128xi32, #tpu.memory_space<vmem>>
          %dma_start3A_51 = arith.constant 0 : i32
          %dma_start3A_52 = arith.constant 0 : i32
          %dma_start3A_53 = tpu.memref_slice %arg6[%dma_start3A_51, %dma_start3A_52] : memref<10240x128xf32, #tpu.memory_space<vmem_shared>> -> memref<10240x128xf32, #tpu.memory_space<vmem_shared>>
          tpu.enqueue_indirect_dma source(%run_scoped3A_1 : memref<128x128xf32, #tpu.memory_space<vmem>>) target(%dma_start3A_53 : memref<10240x128xf32, #tpu.memory_space<vmem_shared>>) offsets(%dma_start3A_50 : memref<128xi32, #tpu.memory_space<vmem>>) semaphore(%run_scoped3A_47 : memref<!tpu.dma_semaphore, #tpu.memory_space<semaphore_mem>>) {add = true}
          %dma_wait3A_54 = arith.constant 0 : i32
          %dma_wait3A_55 = tpu.memref_slice %run_scoped3A_0[%scan3A_34, %dma_wait3A_54] : memref<79x128xi32, #tpu.memory_space<vmem>> -> memref<1x128xi32, #tpu.memory_space<vmem>>
          %dma_wait3A_56 = tpu.memref_squeeze %dma_wait3A_55 : memref<1x128xi32, #tpu.memory_space<vmem>> -> memref<128xi32, #tpu.memory_space<vmem>>
          %dma_wait3A_57 = arith.constant 0 : i32
          %dma_wait3A_58 = arith.constant 0 : i32
          %dma_wait3A_59 = tpu.memref_slice %arg6[%dma_wait3A_57, %dma_wait3A_58] : memref<10240x128xf32, #tpu.memory_space<vmem_shared>> -> memref<10240x128xf32, #tpu.memory_space<vmem_shared>>
          tpu.wait_indirect_dma semaphore(%run_scoped3A_47 : memref<!tpu.dma_semaphore, #tpu.memory_space<semaphore_mem>>) src(%run_scoped3A_1 : memref<128x128xf32, #tpu.memory_space<vmem>>) dst(%dma_wait3A_59 : memref<10240x128xf32, #tpu.memory_space<vmem_shared>>)
          tpu.yield
        }) : () -> ()
        %scan3A_46 = arith.constant 0 : i32
        scf.yield %scan3A_46 : i32
      }
      %scan3A_25 = arith.constant 79 : i32
      %barrier3A_26 = arith.constant 0 : index
      tpu.barrier barrier_id(%barrier3A_26)
      %scan3A_27 = arith.constant 0 : i32
      %scan3A_28 = arith.constant 0 : i32
      %scan3A_29 = arith.constant 5 : i32
      %scan3A_30 = arith.addi %scan3A_28, %scan3A_29 : i32
      %scan3A_31 = arith.constant 1 : i32
      %scan3A_32 = scf.for %scan3A_34 = %scan3A_28 to %scan3A_30 step %scan3A_31 iter_args(%scan3A_35 = %scan3A_27) -> (i32)  : i32 {
        %mul3A_36 = arith.constant 128 : i32
        %mul3A_37 = arith.muli %scan3A_34, %mul3A_36 : i32
        %add3A_38 = arith.addi %mul3A_11, %mul3A_37 : i32
        %mul3A_39 = arith.constant 128 : i32
        %mul3A_40 = arith.muli %scan3A_34, %mul3A_39 : i32
        %add3A_41 = arith.addi %mul3A_11, %mul3A_40 : i32
        "tpu.region"() ({
          %run_scoped3A_43 = tpu.sem_alloc : memref<!tpu.dma_semaphore, #tpu.memory_space<semaphore_mem>>
          %dma_start3A = arith.constant 0 : i32
          %dma_start3A_44 = tpu.memref_slice %arg5[%arg0, %add3A_41, %dma_start3A] : memref<2x10240x128xf32, #tpu.memory_space<hbm>> -> memref<1x128x128xf32, #tpu.memory_space<hbm>>
          %dma_start3A_45 = tpu.memref_squeeze %dma_start3A_44 : memref<1x128x128xf32, #tpu.memory_space<hbm>> -> memref<128x128xf32, #tpu.memory_space<hbm>>
          %dma_start3A_46 = arith.constant 0 : i32
          %dma_start3A_47 = tpu.memref_slice %arg6[%add3A_38, %dma_start3A_46] : memref<10240x128xf32, #tpu.memory_space<vmem_shared>> -> memref<128x128xf32, #tpu.memory_space<vmem_shared>>
          tpu.enqueue_dma source(%dma_start3A_47 : memref<128x128xf32, #tpu.memory_space<vmem_shared>>) target(%dma_start3A_45 : memref<128x128xf32, #tpu.memory_space<hbm>>) target_semaphore(%run_scoped3A_43 : memref<!tpu.dma_semaphore, #tpu.memory_space<semaphore_mem>>)
          %dma_wait3A = arith.constant 0 : i32
          %dma_wait3A_48 = tpu.memref_slice %arg5[%arg0, %add3A_41, %dma_wait3A] : memref<2x10240x128xf32, #tpu.memory_space<hbm>> -> memref<1x128x128xf32, #tpu.memory_space<hbm>>
          %dma_wait3A_49 = tpu.memref_squeeze %dma_wait3A_48 : memref<1x128x128xf32, #tpu.memory_space<hbm>> -> memref<128x128xf32, #tpu.memory_space<hbm>>
          %dma_wait3A_50 = arith.constant 0 : i32
          %dma_wait3A_51 = tpu.memref_slice %arg6[%add3A_38, %dma_wait3A_50] : memref<10240x128xf32, #tpu.memory_space<vmem_shared>> -> memref<128x128xf32, #tpu.memory_space<vmem_shared>>
          tpu.wait_dma2 semaphore(%run_scoped3A_43 : memref<!tpu.dma_semaphore, #tpu.memory_space<semaphore_mem>>) src(%dma_wait3A_51 : memref<128x128xf32, #tpu.memory_space<vmem_shared>>) dst(%dma_wait3A_49 : memref<128x128xf32, #tpu.memory_space<hbm>>)
          tpu.yield
        }) : () -> ()
        %scan3A_42 = arith.constant 0 : i32
        scf.yield %scan3A_42 : i32
      }
      %scan3A_33 = arith.constant 5 : i32
      tpu.yield
    }) : () -> ()
    return
  }
}

module attributes {stable_mosaic.version = 14 : i64} {
  func.func @_tc_fuse_body(%arg0: i32, %arg1: memref<2x1000x128xf32, #tpu.memory_space<vmem>>, %arg2: memref<2x1000x128xf32, #tpu.memory_space<vmem>>, %arg3: memref<128x128xf32, #tpu.memory_space<vmem>>, %arg4: memref<1000x128xf32, #tpu.memory_space<vmem>>, %arg5: memref<1000x128xf32, #tpu.memory_space<vmem>>) attributes {dimension_semantics = [#tpu.dimension_semantics<arbitrary>], iteration_bounds = array<i64: 10>, scalar_prefetch = 0 : i64, scratch_operands = 0 : i64, tpu.core_type = #tpu.core_type<tc>, window_params = [{transform_indices = @transform_0, window_bounds = array<i64: 2, 1000, 128>}, {transform_indices = @transform_1, window_bounds = array<i64: 2, 1000, 128>}, {pipeline_mode = #tpu.pipeline_mode<synchronous>, transform_indices = @transform_2, window_bounds = array<i64: 128, 128>}, {transform_indices = @transform_3, window_bounds = array<i64: 1000, 128>}, {transform_indices = @transform_4, window_bounds = array<i64: 1000, 128>}]} {
    %get3A = arith.constant 0 : index
    %get3A_0 = arith.constant 0 : index
    %get3A_1 = vector.load %arg3[%get3A, %get3A_0] : memref<128x128xf32, #tpu.memory_space<vmem>>, vector<128x128xf32>
    %reduce_max3A = arith.constant dense<0xFF800000> : vector<128xf32>
    %reduce_max3A_2 = vector.multi_reduction <maximumf>, %get3A_1, %reduce_max3A [1] : vector<128x128xf32> to vector<128xf32>
    %broadcast_in_dim3A = vector.shape_cast %reduce_max3A_2 : vector<128xf32> to vector<128x1xf32>
    %sub3A = vector.broadcast %broadcast_in_dim3A : vector<128x1xf32> to vector<128x128xf32>
    %sub3A_3 = arith.subf %get3A_1, %sub3A : vector<128x128xf32>
    %exp3A = math.exp %sub3A_3 : vector<128x128xf32>
    %reduce_sum3A = arith.constant dense<0.000000e+00> : vector<128xf32>
    %reduce_sum3A_4 = vector.multi_reduction <add>, %exp3A, %reduce_sum3A [1] : vector<128x128xf32> to vector<128xf32>
    %broadcast_in_dim3A_5 = vector.shape_cast %reduce_sum3A_4 : vector<128xf32> to vector<128x1xf32>
    %div3A = vector.broadcast %broadcast_in_dim3A_5 : vector<128x1xf32> to vector<128x128xf32>
    %div3A_6 = arith.divf %exp3A, %div3A : vector<128x128xf32>
    %get3A_7 = arith.constant 0 : index
    %get3A_8 = arith.constant 0 : index
    %get3A_9 = arith.constant 0 : index
    %get3A_10 = vector.load %arg1[%get3A_7, %get3A_8, %get3A_9] : memref<2x1000x128xf32, #tpu.memory_space<vmem>>, vector<1x1000x128xf32>
    %get3A_11 = vector.shape_cast %get3A_10 : vector<1x1000x128xf32> to vector<1000x128xf32>
    %get3A_12 = arith.constant 1 : index
    %get3A_13 = arith.constant 0 : index
    %get3A_14 = arith.constant 0 : index
    %get3A_15 = vector.load %arg1[%get3A_12, %get3A_13, %get3A_14] : memref<2x1000x128xf32, #tpu.memory_space<vmem>>, vector<1x1000x128xf32>
    %get3A_16 = vector.shape_cast %get3A_15 : vector<1x1000x128xf32> to vector<1000x128xf32>
    %add3A = arith.addf %get3A_11, %get3A_16 : vector<1000x128xf32>
    %get3A_17 = arith.constant 0 : index
    %get3A_18 = arith.constant 0 : index
    %get3A_19 = arith.constant 0 : index
    %get3A_20 = vector.load %arg2[%get3A_17, %get3A_18, %get3A_19] : memref<2x1000x128xf32, #tpu.memory_space<vmem>>, vector<1x1000x128xf32>
    %get3A_21 = vector.shape_cast %get3A_20 : vector<1x1000x128xf32> to vector<1000x128xf32>
    %get3A_22 = arith.constant 1 : index
    %get3A_23 = arith.constant 0 : index
    %get3A_24 = arith.constant 0 : index
    %get3A_25 = vector.load %arg2[%get3A_22, %get3A_23, %get3A_24] : memref<2x1000x128xf32, #tpu.memory_space<vmem>>, vector<1x1000x128xf32>
    %get3A_26 = vector.shape_cast %get3A_25 : vector<1x1000x128xf32> to vector<1000x128xf32>
    %add3A_27 = arith.addf %get3A_21, %get3A_26 : vector<1000x128xf32>
    %max3A = arith.constant 1.000000e+00 : f32
    %max3A_28 = vector.broadcast %max3A : f32 to vector<1000x128xf32>
    %max3A_29 = arith.maximumf %add3A_27, %max3A_28 : vector<1000x128xf32>
    %div3A_30 = arith.constant 1.000000e+00 : f32
    %div3A_31 = vector.broadcast %div3A_30 : f32 to vector<1000x128xf32>
    %div3A_32 = arith.divf %div3A_31, %max3A_29 : vector<1000x128xf32>
    %dot_general3A = arith.constant dense<0.000000e+00> : vector<1000x128xf32>
    %dot_general3A_33 = tpu.matmul %add3A, %div3A_6, %dot_general3A {dimension_numbers = #tpu.dot_dimension_numbers<[1], [0], [0], [1], [0, 0, 1, 1], [], []>, transpose_lhs_hint = false} : vector<1000x128xf32>, vector<128x128xf32>, vector<1000x128xf32> -> vector<1000x128xf32>
    %mul3A = arith.constant 0.899999976 : f32
    %mul3A_34 = vector.broadcast %mul3A : f32 to vector<1000x128xf32>
    %mul3A_35 = arith.mulf %mul3A_34, %div3A_32 : vector<1000x128xf32>
    %mul3A_36 = arith.mulf %mul3A_35, %dot_general3A_33 : vector<1000x128xf32>
    %get3A_37 = arith.constant 0 : index
    %get3A_38 = arith.constant 0 : index
    %get3A_39 = vector.load %arg4[%get3A_37, %get3A_38] : memref<1000x128xf32, #tpu.memory_space<vmem>>, vector<1000x128xf32>
    %mul3A_40 = arith.constant 1.000000e-01 : f32
    %mul3A_41 = vector.broadcast %mul3A_40 : f32 to vector<1000x128xf32>
    %mul3A_42 = arith.mulf %mul3A_41, %get3A_39 : vector<1000x128xf32>
    %add3A_43 = arith.addf %mul3A_36, %mul3A_42 : vector<1000x128xf32>
    %swap3A = arith.constant 0 : index
    %swap3A_44 = arith.constant 0 : index
    %swap3A_45 = vector.load %arg5[%swap3A, %swap3A_44] : memref<1000x128xf32, #tpu.memory_space<vmem>>, vector<1000x128xf32>
    tpu.vector_store %arg5[%swap3A, %swap3A_44], %add3A_43 {strides = array<i32>} : memref<1000x128xf32, #tpu.memory_space<vmem>>, vector<1000x128xf32>,
    return
  }
  func.func @transform_0(%arg0: i32) -> (i32, i32, i32) {
    %c0_i32 = arith.constant 0 : i32
    %c0_i32_0 = arith.constant 0 : i32
    %c0_i32_1 = arith.constant 0 : i32
    return %c0_i32, %arg0, %c0_i32_0 : i32, i32, i32
  }
  func.func @transform_1(%arg0: i32) -> (i32, i32, i32) {
    %c0_i32 = arith.constant 0 : i32
    %c0_i32_0 = arith.constant 0 : i32
    %c0_i32_1 = arith.constant 0 : i32
    return %c0_i32, %arg0, %c0_i32_0 : i32, i32, i32
  }
  func.func @transform_2(%arg0: i32) -> (i32, i32) {
    %c0_i32 = arith.constant 0 : i32
    %c0_i32_0 = arith.constant 0 : i32
    %c0_i32_1 = arith.constant 0 : i32
    return %c0_i32, %c0_i32_0 : i32, i32
  }
  func.func @transform_3(%arg0: i32) -> (i32, i32) {
    %c0_i32 = arith.constant 0 : i32
    %c0_i32_0 = arith.constant 0 : i32
    return %arg0, %c0_i32 : i32, i32
  }
  func.func @transform_4(%arg0: i32) -> (i32, i32) {
    %c0_i32 = arith.constant 0 : i32
    %c0_i32_0 = arith.constant 0 : i32
    return %arg0, %c0_i32 : i32, i32
  }
}

module attributes {stable_mosaic.version = 14 : i64} {
  func.func @_tc_fuse_body(%arg0: i32, %arg1: memref<2x1000x128xf32, #tpu.memory_space<vmem>>, %arg2: memref<2x1000x128xf32, #tpu.memory_space<vmem>>, %arg3: memref<128x128xf32, #tpu.memory_space<vmem>>, %arg4: memref<1000x128xf32, #tpu.memory_space<vmem>>, %arg5: memref<1000x128xf32, #tpu.memory_space<vmem>>) attributes {dimension_semantics = [#tpu.dimension_semantics<arbitrary>], iteration_bounds = array<i64: 10>, scalar_prefetch = 0 : i64, scratch_operands = 0 : i64, tpu.core_type = #tpu.core_type<tc>, window_params = [{transform_indices = @transform_0, window_bounds = array<i64: 2, 1000, 128>}, {transform_indices = @transform_1, window_bounds = array<i64: 2, 1000, 128>}, {pipeline_mode = #tpu.pipeline_mode<synchronous>, transform_indices = @transform_2, window_bounds = array<i64: 128, 128>}, {transform_indices = @transform_3, window_bounds = array<i64: 1000, 128>}, {transform_indices = @transform_4, window_bounds = array<i64: 1000, 128>}]} {
    %get3A = arith.constant 0 : index
    %get3A_0 = arith.constant 0 : index
    %get3A_1 = vector.load %arg3[%get3A, %get3A_0] : memref<128x128xf32, #tpu.memory_space<vmem>>, vector<128x128xf32>
    %reduce_max3A = arith.constant dense<0xFF800000> : vector<128xf32>
    %reduce_max3A_2 = vector.multi_reduction <maximumf>, %get3A_1, %reduce_max3A [1] : vector<128x128xf32> to vector<128xf32>
    %broadcast_in_dim3A = vector.shape_cast %reduce_max3A_2 : vector<128xf32> to vector<128x1xf32>
    %sub3A = vector.broadcast %broadcast_in_dim3A : vector<128x1xf32> to vector<128x128xf32>
    %sub3A_3 = arith.subf %get3A_1, %sub3A : vector<128x128xf32>
    %exp3A = math.exp %sub3A_3 : vector<128x128xf32>
    %reduce_sum3A = arith.constant dense<0.000000e+00> : vector<128xf32>
    %reduce_sum3A_4 = vector.multi_reduction <add>, %exp3A, %reduce_sum3A [1] : vector<128x128xf32> to vector<128xf32>
    %broadcast_in_dim3A_5 = vector.shape_cast %reduce_sum3A_4 : vector<128xf32> to vector<128x1xf32>
    %div3A = vector.broadcast %broadcast_in_dim3A_5 : vector<128x1xf32> to vector<128x128xf32>
    %div3A_6 = arith.divf %exp3A, %div3A : vector<128x128xf32>
    %get3A_7 = arith.constant 0 : index
    %get3A_8 = arith.constant 0 : index
    %get3A_9 = arith.constant 0 : index
    %get3A_10 = vector.load %arg1[%get3A_7, %get3A_8, %get3A_9] : memref<2x1000x128xf32, #tpu.memory_space<vmem>>, vector<1x1000x128xf32>
    %get3A_11 = vector.shape_cast %get3A_10 : vector<1x1000x128xf32> to vector<1000x128xf32>
    %get3A_12 = arith.constant 1 : index
    %get3A_13 = arith.constant 0 : index
    %get3A_14 = arith.constant 0 : index
    %get3A_15 = vector.load %arg1[%get3A_12, %get3A_13, %get3A_14] : memref<2x1000x128xf32, #tpu.memory_space<vmem>>, vector<1x1000x128xf32>
    %get3A_16 = vector.shape_cast %get3A_15 : vector<1x1000x128xf32> to vector<1000x128xf32>
    %add3A = arith.addf %get3A_11, %get3A_16 : vector<1000x128xf32>
    %get3A_17 = arith.constant 0 : index
    %get3A_18 = arith.constant 0 : index
    %get3A_19 = arith.constant 0 : index
    %get3A_20 = vector.load %arg2[%get3A_17, %get3A_18, %get3A_19] : memref<2x1000x128xf32, #tpu.memory_space<vmem>>, vector<1x1000x128xf32>
    %get3A_21 = vector.shape_cast %get3A_20 : vector<1x1000x128xf32> to vector<1000x128xf32>
    %get3A_22 = arith.constant 1 : index
    %get3A_23 = arith.constant 0 : index
    %get3A_24 = arith.constant 0 : index
    %get3A_25 = vector.load %arg2[%get3A_22, %get3A_23, %get3A_24] : memref<2x1000x128xf32, #tpu.memory_space<vmem>>, vector<1x1000x128xf32>
    %get3A_26 = vector.shape_cast %get3A_25 : vector<1x1000x128xf32> to vector<1000x128xf32>
    %add3A_27 = arith.addf %get3A_21, %get3A_26 : vector<1000x128xf32>
    %max3A = arith.constant 1.000000e+00 : f32
    %max3A_28 = vector.broadcast %max3A : f32 to vector<1000x128xf32>
    %max3A_29 = arith.maximumf %add3A_27, %max3A_28 : vector<1000x128xf32>
    %div3A_30 = arith.constant 1.000000e+00 : f32
    %div3A_31 = vector.broadcast %div3A_30 : f32 to vector<1000x128xf32>
    %div3A_32 = arith.divf %div3A_31, %max3A_29 : vector<1000x128xf32>
    %dot_general3A = arith.constant dense<0.000000e+00> : vector<1000x128xf32>
    %dot_general3A_33 = tpu.matmul %add3A, %div3A_6, %dot_general3A {dimension_numbers = #tpu.dot_dimension_numbers<[1], [0], [0], [1], [0, 0, 1, 1], [], []>, transpose_lhs_hint = false} : vector<1000x128xf32>, vector<128x128xf32>, vector<1000x128xf32> -> vector<1000x128xf32>
    %mul3A = arith.constant 0.899999976 : f32
    %mul3A_34 = vector.broadcast %mul3A : f32 to vector<1000x128xf32>
    %mul3A_35 = arith.mulf %mul3A_34, %div3A_32 : vector<1000x128xf32>
    %mul3A_36 = arith.mulf %mul3A_35, %dot_general3A_33 : vector<1000x128xf32>
    %get3A_37 = arith.constant 0 : index
    %get3A_38 = arith.constant 0 : index
    %get3A_39 = vector.load %arg4[%get3A_37, %get3A_38] : memref<1000x128xf32, #tpu.memory_space<vmem>>, vector<1000x128xf32>
    %mul3A_40 = arith.constant 1.000000e-01 : f32
    %mul3A_41 = vector.broadcast %mul3A_40 : f32 to vector<1000x128xf32>
    %mul3A_42 = arith.mulf %mul3A_41, %get3A_39 : vector<1000x128xf32>
    %add3A_43 = arith.addf %mul3A_36, %mul3A_42 : vector<1000x128xf32>
    %swap3A = arith.constant 0 : index
    %swap3A_44 = arith.constant 0 : index
    %swap3A_45 = vector.load %arg5[%swap3A, %swap3A_44] : memref<1000x128xf32, #tpu.memory_space<vmem>>, vector<1000x128xf32>
    tpu.vector_store %arg5[%swap3A, %swap3A_44], %add3A_43 {strides = array<i32>} : memref<1000x128xf32, #tpu.memory_space<vmem>>, vector<1000x128xf32>,
    return
  }
  func.func @transform_0(%arg0: i32) -> (i32, i32, i32) {
    %c0_i32 = arith.constant 0 : i32
    %c0_i32_0 = arith.constant 0 : i32
    %c0_i32_1 = arith.constant 0 : i32
    return %c0_i32, %arg0, %c0_i32_0 : i32, i32, i32
  }
  func.func @transform_1(%arg0: i32) -> (i32, i32, i32) {
    %c0_i32 = arith.constant 0 : i32
    %c0_i32_0 = arith.constant 0 : i32
    %c0_i32_1 = arith.constant 0 : i32
    return %c0_i32, %arg0, %c0_i32_0 : i32, i32, i32
  }
  func.func @transform_2(%arg0: i32) -> (i32, i32) {
    %c0_i32 = arith.constant 0 : i32
    %c0_i32_0 = arith.constant 0 : i32
    %c0_i32_1 = arith.constant 0 : i32
    return %c0_i32, %c0_i32_0 : i32, i32
  }
  func.func @transform_3(%arg0: i32) -> (i32, i32) {
    %c0_i32 = arith.constant 0 : i32
    %c0_i32_0 = arith.constant 0 : i32
    return %arg0, %c0_i32 : i32, i32
  }
  func.func @transform_4(%arg0: i32) -> (i32, i32) {
    %c0_i32 = arith.constant 0 : i32
    %c0_i32_0 = arith.constant 0 : i32
    return %arg0, %c0_i32 : i32, i32
  }
}

</mosaic_0001>

<sc_bundles>
// kernel: kernel.23.cloned.1.call-start
scs
__scs_entry_jumppad:
0x0: {  	(pc) =	sbr.rel $0x88, $3  }
0x1: {  	(tag) =	ssettag $0x0;
	lr =	simm.s32 $0x1  }
0x2: {  	[smem:$0x3F9E] =	sst lr;
	_ =	strace $0xD0000000  }
0x3: {  	_ = 	snop  }
0x4: {  	_ = 	snop  }
0x5: {  	_ = 	snop  }
0x6: {  	_ = 	snop  }
0x7: {  	_ = 	snop  }
__scs_overlays_trampoline_lowered:
0x8: {  	[smem:$0x3FAD] =	sst s0  }
0x9: {  	[smem:$0x3FAE] =	sst s1  }
0xa: {  	[smem:$0x3FAF] =	sst s2  }
0xb: {  	[smem:$0x3FB0] =	sst s3  }
0xc: {  	[smem:$0x3FB1] =	sst s4  }
0xd: {  	[smem:$0x3FB2] =	sst s5  }
0xe: {  	[smem:$0x3FB3] =	sst s6  }
0xf: {  	[smem:$0x3FB4] =	sst s7  }
0x10: {  	[smem:$0x3FB5] =	sst s8  }
0x11: {  	[smem:$0x3FB6] =	sst s9;
	s0 =	simm.s32 @!p0 $0x0  }
0x12: {  	s1 =	sld [smem:$0x3F9C];
	s0 =	simm.s32 @p0 $0x1  }
0x13: {  	[smem:$0x3FB7] =	sst s0;
	s0 =	simm.s32 @!p1 $0x0  }
0x14: {  	s2 =	sld [smem:$0x3F9B];
	s0 =	simm.s32 @p1 $0x1  }
0x15: {  	[smem:$0x3FB8] =	sst s0;
	s0 =	simm.s32 @!p2 $0x0  }
0x16: {  	s3 =	sld [smem:$0x3FDB];
	s0 =	simm.s32 @p2 $0x1  }
0x17: {  	s4 =	simm.s32 $0x1BF5;
	[smem:$0x3FBA] =	sst s0  }
0x18: {  	s0 =	sld [smem:$0x3F9D];
	_ =	swait.ge [sflag:s4], $0x0  }
0x19: {  	s7 =	sld [smem:$0x3F9E]  }
0x1a: {  	s8 =	sadd.s32 $0xFFFFE003, lr  }
0x1b: {  	s9 =	sadd.s32 $0xFFFFFEF7, lr;
	s5 =	simm.s32 $0xFFFFFFFF;
	p2 =	slt.u32 s8, $0xFFFFF086  }
0x1c: {  	p1 =	slt.u32 s9, $0xF7A;
	s5 =	simm.s32 @!p2 $0x0  }
0x1d: {  	s5 =	simm.s32 @p1 $0x1;
	p0 =	seq.s32 s7, s2  }
0x1e: {  	s7 =	smul.u32 @!p0 $0xF7A, s2;
	p2 =	seq.s32 @!p0 s5, $0x0  }
0x1f: {  	s9 =	smul.u32 $0xF7A, s1;
	s8 =	simm.s32 @!p0 $0x1BF5;
	p2 =	por !p2, p0  }
0x20: {  	[sflag:s8] =	ssyncset.s32 @!p0 $0xFFFFF086;
	s6 =	sadd.s32 @!p0 s3, s7;
	s7 =	simm.s32 @!p0 $0x108  }
0x21: {  	s3 =	sadd.s32 s3, s9;
	s6 =	sadd.s32 @!p0 $0x88, s6;
	s7 =	simm.s32 @p2 $0x1082  }
0x22: {  	[simem:s7], [sflag:s8] =	dma.local @!p0 [hbm:s6], $0xF7A  }
0x23: {  	s9 =	sor.u32 $0xD0000000, s2;
	s6 =	simm.s32 $0x108;
	_ =	swait.ge @!p0 [sflag:s8], $0x0  }
0x24: {  	s3 =	sadd.s32 $0x88, s3;
	s6 =	simm.s32 @!p1 $0x1082;
	[sflag:s4] =	ssyncset.s32 $0xFFFFF086  }
0x25: {  	[simem:s6], [sflag:s4] =	dma.local [hbm:s3], $0xF7A  }
0x26: {  	[smem:$0x3F9E] =	sst s1;
	(tag) =	ssettag s2;
	_ =	strace s9  }
0x27: {  	s1 =	sld [smem:$0x3FAE]  }
0x28: {  	s2 =	sld [smem:$0x3FAF]  }
0x29: {  	s4 =	sld [smem:$0x3FB1]  }
0x2a: {  	p0 =	seq.s32 s5, $0x0;
	s5 =	sld [smem:$0x3FB2]  }
0x2b: {  	s6 =	sld [smem:$0x3FB3]  }
0x2c: {  	s7 =	sld [smem:$0x3FB4]  }
0x2d: {  	s3 =	simm.s32 $0x108;
	s8 =	sld [smem:$0x3FB5]  }
0x2e: {  	s3 =	simm.s32 @!p0 $0x1082;
	s9 =	sld [smem:$0x3FB6]  }
0x2f: {  	lr =	sadd.s32 s0, s3;
	s0 =	sld [smem:$0x3FAD]  }
0x30: {  	s3 =	sld [smem:$0x3FB0]  }
0x31: {  	[smem:$0x3FB9] =	sst s10  }
0x32: {  	s10 =	sld [smem:$0x3FB7];
	_ =	sdelay $0x3  }
0x33: {  	p0 =	seq.s32 s10, $0x1;
	s10 =	sld [smem:$0x3FB9];
	_ =	sdelay $0x3  }
0x34: {  	[smem:$0x3FB9] =	sst s10  }
0x35: {  	s10 =	sld [smem:$0x3FB8];
	_ =	sdelay $0x3  }
0x36: {  	p1 =	seq.s32 s10, $0x1;
	s10 =	sld [smem:$0x3FB9];
	_ =	sdelay $0x3  }
0x37: {  	[smem:$0x3FB9] =	sst s10  }
0x38: {  	s10 =	sld [smem:$0x3FBA]  }
0x39: {  	_ = 	snop;
	(pc) =	sbr.ind lr, $3  }
0x3a: {  	_ = 	snop  }
0x3b: {  	_ = 	snop  }
0x3c: {  	p2 =	seq.s32 s10, $0x1;
	s10 =	sld [smem:$0x3FB9]  }
0x3d: {  	_ =	shalt  }
0x3e: {  	_ =	shalt  }
0x3f: {  	_ =	shalt  }
0x40: {  	_ =	shalt  }
0x41: {  	_ =	shalt  }
0x42: {  	_ =	shalt  }
0x43: {  	_ =	shalt  }
0x44: {  	_ =	shalt  }
0x45: {  	_ =	shalt  }
0x46: {  	_ =	shalt  }
0x47: {  	_ =	shalt  }
0x48: {  	_ =	shalt  }
0x49: {  	_ =	shalt  }
0x4a: {  	_ =	shalt  }
0x4b: {  	_ =	shalt  }
0x4c: {  	_ =	shalt  }
0x4d: {  	_ =	shalt  }
0x4e: {  	_ =	shalt  }
0x4f: {  	_ =	shalt  }
0x50: {  	_ =	shalt  }
0x51: {  	_ =	shalt  }
0x52: {  	_ =	shalt  }
0x53: {  	_ =	shalt  }
0x54: {  	_ =	shalt  }
0x55: {  	_ =	shalt  }
0x56: {  	_ =	shalt  }
0x57: {  	_ =	shalt  }
0x58: {  	_ =	shalt  }
0x59: {  	_ =	shalt  }
0x5a: {  	_ =	shalt  }
0x5b: {  	_ =	shalt  }
0x5c: {  	_ =	shalt  }
0x5d: {  	_ =	shalt  }
0x5e: {  	_ =	shalt  }
0x5f: {  	_ =	shalt  }
0x60: {  	_ =	shalt  }
0x61: {  	_ =	shalt  }
0x62: {  	_ =	shalt  }
0x63: {  	_ =	shalt  }
0x64: {  	_ =	shalt  }
0x65: {  	_ =	shalt  }
0x66: {  	_ =	shalt  }
0x67: {  	_ =	shalt  }
0x68: {  	_ =	shalt  }
0x69: {  	_ =	shalt  }
0x6a: {  	_ =	shalt  }
0x6b: {  	_ =	shalt  }
0x6c: {  	_ =	shalt  }
0x6d: {  	_ =	shalt  }
0x6e: {  	_ =	shalt  }
0x6f: {  	_ =	shalt  }
0x70: {  	_ =	shalt  }
0x71: {  	_ =	shalt  }
0x72: {  	_ =	shalt  }
0x73: {  	_ =	shalt  }
0x74: {  	_ =	shalt  }
0x75: {  	_ =	shalt  }
0x76: {  	_ =	shalt  }
0x77: {  	_ =	shalt  }
0x78: {  	_ =	shalt  }
0x79: {  	_ =	shalt  }
0x7a: {  	_ =	shalt  }
0x7b: {  	_ =	shalt  }
0x7c: {  	_ =	shalt  }
0x7d: {  	_ =	shalt  }
0x7e: {  	_ =	shalt  }
0x7f: {  	_ =	shalt  }
0x80: {  	_ =	shalt  }
0x81: {  	_ =	shalt  }
0x82: {  	_ =	shalt  }
0x83: {  	_ =	shalt  }
0x84: {  	_ =	shalt  }
0x85: {  	_ =	shalt  }
0x86: {  	_ =	shalt  }
0x87: {  	_ =	shalt  }
.Lfunc_end0:
.L_simem_size_0:
called_computation_lowered:
.L_overlay_start_0:
0x88: {  	s2 =	sld [smem:$0x3FD9]  }
0x89: {  	s3 =	sld [smem:$0x3FFE];
	_ =	sdelay $0x1  }
0x8a: {  	s1 =	srdreg.scid  }
0x8b: {  	s0 =	sand.u32 $0x1, s1  }
0x8c: {  	s17 =	sshll.u32 s0, $0xA;
	s2 =	sadd.s32 s3, s2  }
0x8d: {  	s2 =	sadd.s32 s2, s17  }
0x8e: {  	[smem:$0x3FC5] =	sst s2  }
0x8f: {  	_ = 	snop  }
0x90: {  	s2 =	sld [smem:$0x3FD0];
	(tm) =	ssettm $0x1  }
0x91: {  	s18 =	sld [smem:$0x3FFB];
	_ =	sdelay $0x3  }
0x92: {  	_ =	strace s18  }
0x93: {  	s3 =	sld [smem:$0x3FFC];
	_ =	sdelay $0x3  }
0x94: {  	_ =	strace s3  }
0x95: {  	s3 =	sld [smem:$0x3FFD];
	_ =	sdelay $0x3  }
0x96: {  	_ =	strace s3  }
0x97: {  	_ =	strace $0x8FFFFFFF  }
0x98: {  	s19 =	sld [smem:$0x3FDB];
	_ =	sdelay $0x1  }
0x99: {  	s4 =	simm.s32 $_scs_section_size  }
0x9a: {  	s5 =	simm.s32 $_size__tile_overlayer_lowered;
	s6 =	simm.s32 $_tile_overlayer_lowered  }
0x9b: {  	s22 =	simm.s32 $0x1BFF;
	s21 =	sshll.u32 s6, $0x1;
	s3 =	sadd.s32 s4, s19  }
0x9c: {  	s7 =	simm.s32 $0x0;
	s20 =	sshll.u32 s5, $0x1;
	s5 =	sadd.s32 s21, s3  }
0x9d: {  	[timem:s7], [sflag:s22] =	dma.local [hbm:s5], s20  }
0x9e: {  	_ =	swait.ge [sflag:s22], s20  }
0x9f: {  	s4 =	ssub.s32 $0x0, s20;
	[sflag:s22] =	ssyncset.done $0x0  }
0xa0: {  	[sflag:s22] =	ssyncadd.s32 s4;
	_ =	sdelay $0x1  }
0xa1: {  	s23 =	simm.s32 $0x1B8B  }
0xa2: {  	_ =	swait.ge [sflag:s23], $0x1  }
0xa3: {  	[sflag:s23] =	ssyncset.done $0x0  }
0xa4: {  	s25 =	simm.s32 $0x1B8E;
	s24 =	sld [smem:$0x3FFE];
	[sflag:s23] =	ssyncadd.s32 $0xFFFFFFFF  }
0xa5: {  	s26 =	simm.s32 $execute0_lowered;
	[smem:$0x3FD2] =	sst s25  }
0xa6: {  	s5 =	sshll.u32 s26, $0x1;
	_ =	strace $0x80000046;
	[dreg:$0x1] =	wrdreg $0xFFFFFFFF  }
0xa7: {  	s28 =	simm.s32 $_size_execute0_lowered;
	s3 =	sadd.s32 s3, s5;
	[dreg:$0x0] =	wrdreg $0x0  }
0xa8: {  	s5 =	sshll.u32 s28, $0x1;
	[dreg:$0x2] =	wrdreg s3  }
0xa9: {  	[dreg:$0x3] =	wrdreg s5  }
0xaa: {  	[dreg:$0x4] =	wrdreg $0xC0  }
0xab: {  	_ =	task [dreg:s7], $0x5FFFF  }
0xac: {  	[dreg:$0x1] =	wrdreg $0xFFFFFFFF  }
0xad: {  	[dreg:$0x0] =	wrdreg $0x60  }
0xae: {  	[dreg:$0x2] =	wrdreg s24  }
0xaf: {  	[dreg:$0x3] =	wrdreg s2  }
0xb0: {  	[dreg:$0x4] =	wrdreg $0x0  }
0xb1: {  	[dreg:$0x5] =	wrdreg $0x9  }
0xb2: {  	_ =	task.clear_ibuf [dreg:s7], $0x6FFFF;
	_ =	strace $0x90000046  }
0xb3: {  	s29 =	simm.s32 $0x9;
	_ =	strace $0x80000048  }
0xb4: {  	_ =	swait.ge [sflag:s29], $0x1  }
0xb5: {  	[sflag:s29] =	ssyncadd.s32 $0xFFFFFFFF  }
0xb6: {  	_ =	strace $0x90000048  }
0xb7: {  	_ =	sfence  }
0xb8: {  	s30 =	sld [smem:$0x0];
	_ =	sdelay $0x2  }
0xb9: {  	s31 =	sshll.u32 s1, $0xD;
	s1 =	sshrl.u32 s1, $0x2  }
0xba: {  	s3 =	sand.u32 $0x4000, s31;
	s1 =	sadd.s32 s1, s30  }
0xbb: {  	s0 =	sor.u32 s3, s0;
	s1 =	sshll.u32 s1, $0x11  }
0xbc: {  	s0 =	sor.u32 s1, s0  }
0xbd: {  	s0 =	sadd.s32 $0x8F2B, s0  }
0xbe: {  	[sflag:s0] =	ssyncadd.remote.s32 $0x1  }
0xbf: {  	_ =	sfence.sel $0xFFFF  }
0xc0: {  	[dreg:$0x0] =	wrdreg $0xFFFFFFFF;
	(pc) =	sbr.abs _section_cstart, $3  }
0xc1: {  	[dreg:$0x1] =	wrdreg $0xFFFFFFFF  }
0xc2: {  	_ =	task.clear_ibuf [dreg:s7], $0x2FFFF;
	_ =	strace $0x9FFFFFFF  }
0xc3: {  	(tm) =	ssettm $0x7FFFFFFF  }
tec
execute0_lowered:
.L_overlay_start_1:
0x0: {  	(tag) =	ssettag $0x1  }
0x1: {  	s5 =	rddreg [dreg:$0x0]  }
0x2: {  	s0 =	srdreg.scid;
	s2 =	rddreg [dreg:$0x1]  }
0x3: {  	s22 =	stileid.u32;
	s3 =	rddreg [dreg:$0x2]  }
0x4: {  	s4 =	simm.s32 $0x0;
	s28 =	simm.s32 $0x1;
	s29 =	simm.s32 $0x0  }
0x5: {  	s6 =	sand.u32 $0x1, s0;
	[smem:$0x7FF] =	sst s4;
	s15 =	smul.u32 $0x14000, s22  }
0x6: {  	s9 =	smul.u32 $0x50000, s22;
	s17 =	sadd.s32 $0x19400, s5;
	s1 =	sshll.u32 s6, $0x4  }
0x7: {  	s16 =	smul.u32 $0x140000, s6;
	_ =	strace $0x80000047;
	s6 =	ssub.s32 $0x2, s6  }
0x8: {  	s7 =	sor.u32 s22, s1;
	s8 =	sshrl.u32 s6, $0x1;
	s24 =	sshrl.u32 s9, $0x2  }
0x9: {  	s18 =	sadd.s32 $0x4000, s15;
	s19 =	sadd.s32 $0x8000, s15;
	s20 =	sadd.s32 $0xC000, s15  }
0xa: {  	s21 =	sadd.s32 $0x10000, s15;
	s7 =	smul.u32 $0x500, s7;
	s10 =	ssub.s32 s6, s8  }
0xb: {  	s23 =	sadd.s32 s16, s15;
	s14 =	sadd.s32 s16, s18;
	s22 =	sadd.s32 s18, s3  }
0xc: {  	s26 =	sadd.s32 s16, s19;
	s30 =	sadd.s32 s16, s20;
	s16 =	sadd.s32 s16, s21  }
0xd: {  	s25 =	sshrl.u32 s23, $0x3;
	s9 =	smax.u32 s10, $0x1;
	s14 =	sshrl.u32 s14, $0x3  }
0xe: {  	s18 =	sshrl.u32 s26, $0x3;
	s23 =	sadd.s32 s19, s3;
	s31 =	sshrl.u32 s16, $0x3  }
0xf: {  	s19 =	simm.s32 $0x2;
	s22 =	sshrl.u32 s22, $0x3;
	s26 =	simm.s32 $0x80  }
0x10: {  	s7 =	sadd.s32 s7, s5;
	s8 =	sadd.s32 s17, s25;
	s14 =	sadd.s32 s17, s14  }
0x11: {  	s15 =	sadd.s32 s17, s18;
	s18 =	sshrl.u32 s30, $0x3;
	s25 =	sadd.s32 s21, s3  }
0x12: {  	s21 =	simm.s32 $0x18F00;
	s23 =	sshrl.u32 s23, $0x3;
	s5 =	sadd.s32 $0xF400, s7  }
0x13: {  	s6 =	sadd.s32 $0x5400, s7;
	s7 =	sadd.s32 s24, s3;
	s16 =	sadd.s32 s17, s18  }
0x14: {  	s24 =	sadd.s32 s20, s3;
	s17 =	sadd.s32 s17, s31;
	s20 =	simm.s32 $0x16780  }
0x15: {  	s25 =	sshrl.u32 s25, $0x3;
	s10 =	sadd.s32 $0x4000, s7;
	s11 =	sadd.s32 $0x8000, s7  }
0x16: {  	v0 =	vimm.f32 $0.0e+00;
	s12 =	sadd.s32 $0xC000, s7;
	s13 =	sadd.s32 $0x10000, s7;
	s24 =	sshrl.u32 s24, $0x3  }
.LBB2_1:
0x17: {  	s0 =	simm.s32 $0x14000  }
0x18: {  	[tilespmem:s0], [sflag:$0x2] =	stream.linear.gather [hbm4b:s5+s4], $0x2780, $0x38;
	[tilespmem:$0x1CF00] =	vst v63  }
0x19: {  	_ =	swait.ge [sflag:s19], $0x2780  }
0x1a: {  	[sflag:s19] =	ssyncset.done $0x0  }
0x1b: {  	[sflag:s19] =	ssyncadd.s32 $0xFFFFD880  }
0x1c: {  	[tilespmem:s20], [sflag:$0x2] =	stream.linear.gather [hbm4b:s6+s4], $0x2780, $0x38;
	[tilespmem:$0x1CF00] =	vst v63  }
0x1d: {  	_ =	swait.ge [sflag:s19], $0x2780  }
0x1e: {  	[sflag:s19] =	ssyncset.done $0x0  }
0x1f: {  	s30 =	simm.s32 $0x0;
	s31 =	simm.s32 $0x200;
	[sflag:s19] =	ssyncadd.s32 $0xFFFFD880  }
.LBB2_2:
0x20: {  	p0 =	sne.s32 s31, $0xFE00;
	[tilespmem:s30+$0x18F70] =	vst v0  }
0x21: {  	[tilespmem:s30+$0x18F00] =	vst v0  }
0x22: {  	[tilespmem:s30+$0x18F10] =	vst v0  }
.Ltmp0:
0x23: {  	[tilespmem:s30+$0x18F20] =	vst v0;
	(pc) =	sbr.rel @p0 .LBB2_2-.Ltmp0, $4  }
0x24: {  	[tilespmem:s30+$0x18F30] =	vst v0  }
0x25: {  	[tilespmem:s30+$0x18F40] =	vst v0  }
0x26: {  	[tilespmem:s30+$0x18F50] =	vst v0  }
0x27: {  	[tilespmem:s30+$0x18F60] =	vst v0;
	s30 =	sshra.s32 s31, $0x2;
	s31 =	sadd.s32 $0x200, s31  }
0x28: {  	[tilespmem:s30+$0x18F70] =	vst v0  }
0x29: {  	[tilespmem:s30+$0x18F00] =	vst v0  }
0x2a: {  	[tilespmem:s30+$0x18F10] =	vst v0  }
0x2b: {  	[tilespmem:s30+$0x18F20] =	vst v0  }
0x2c: {  	[tilespmem:s30+$0x18F30] =	vst v0  }
0x2d: {  	[tilespmem:s30+$0x18F40] =	vst v0  }
0x2e: {  	[tilespmem:s30+$0x18F50] =	vst v0  }
0x2f: {  	[tilespmem:s30+$0x18F60] =	vst v0  }
0x30: {  	[spmem:s7] =	stream.linear.scatter [tilespmem:s21], [sflag:$0x2], $0x4000, $0x38;
	[tilespmem:$0x1CF00] =	vst v63  }
0x31: {  	_ =	swait.ge [sflag:s19], $0x4000  }
0x32: {  	[sflag:s19] =	ssyncset.done $0x0  }
0x33: {  	[sflag:s19] =	ssyncadd.s32 $0xFFFFC000  }
0x34: {  	[spmem:s10] =	stream.linear.scatter [tilespmem:s21], [sflag:$0x2], $0x4000, $0x38;
	[tilespmem:$0x1CF00] =	vst v63  }
0x35: {  	_ =	swait.ge [sflag:s19], $0x4000  }
0x36: {  	[sflag:s19] =	ssyncset.done $0x0  }
0x37: {  	[sflag:s19] =	ssyncadd.s32 $0xFFFFC000  }
0x38: {  	[spmem:s11] =	stream.linear.scatter [tilespmem:s21], [sflag:$0x2], $0x4000, $0x38;
	[tilespmem:$0x1CF00] =	vst v63  }
0x39: {  	_ =	swait.ge [sflag:s19], $0x4000  }
0x3a: {  	[sflag:s19] =	ssyncset.done $0x0  }
0x3b: {  	[sflag:s19] =	ssyncadd.s32 $0xFFFFC000  }
0x3c: {  	[spmem:s12] =	stream.linear.scatter [tilespmem:s21], [sflag:$0x2], $0x4000, $0x38;
	[tilespmem:$0x1CF00] =	vst v63  }
0x3d: {  	_ =	swait.ge [sflag:s19], $0x4000  }
0x3e: {  	[sflag:s19] =	ssyncset.done $0x0  }
0x3f: {  	[sflag:s19] =	ssyncadd.s32 $0xFFFFC000  }
0x40: {  	[spmem:s13] =	stream.linear.scatter [tilespmem:s21], [sflag:$0x2], $0x4000, $0x38;
	[tilespmem:$0x1CF00] =	vst v63  }
0x41: {  	_ =	swait.ge [sflag:s19], $0x4000  }
0x42: {  	[sflag:s19] =	ssyncset.done $0x0  }
0x43: {  	[sflag:s19] =	ssyncadd.s32 $0xFFFFC000  }
0x44: {  	s30 =	simm.s32 $0x14000;
	[bflag:$0x0] =	sbarrier.arrive $0xFFFF  }
0x45: {  	[tilespmem:s21], [sflag:$0x1] =	stream.indirect.gather [hbm4b:s2+s26], $0x80, s30, s26, $0xb8;
	[tilespmem:$0x1CF00] =	vst v63  }
0x46: {  	_ =	swait.ge [sflag:s28], $0x4000  }
0x47: {  	[sflag:s28] =	ssyncset.done $0x0  }
0x48: {  	s30 =	simm.s32 $0x16780;
	[sflag:s28] =	ssyncadd.s32 $0xFFFFC000  }
0x49: {  	[spmem:s3] =	stream.indirect.scatter.add.f32 [tilespmem:s21], [sflag:$0x2], $0x80, s30, s26, $0xb8;
	[tilespmem:$0x1CF00] =	vst v63  }
0x4a: {  	_ =	swait.ge [sflag:s19], $0x4000  }
0x4b: {  	s31 =	simm.s32 $0x400;
	s30 =	simm.s32 $0x80;
	[sflag:s19] =	ssyncset.done $0x0  }
.LBB2_4:
0x4c: {  	s1 =	sadd.s32 $0x14000, s30  }
0x4d: {  	[sflag:s19] =	ssyncadd.s32 $0xFFFFC000;
	s0 =	smov.u32 s31;
	s18 =	sadd.s32 $0x200, s31  }
0x4e: {  	[tilespmem:s21], [sflag:$0x1] =	stream.indirect.gather [hbm4b:s2+s26], $0x80, s1, s26, $0xb8;
	[tilespmem:$0x1CF00] =	vst v63  }
0x4f: {  	p0 =	sne.s32 s31, $0x9C00;
	_ =	swait.ge [sflag:s28], $0x4000  }
.Ltmp1:
0x50: {  	[sflag:s28] =	ssyncset.done $0x0;
	(pc) =	sbr.rel @p0 .LBB2_4-.Ltmp1, $4  }
0x51: {  	s1 =	sadd.s32 $0x16780, s30;
	[sflag:s28] =	ssyncadd.s32 $0xFFFFC000  }
0x52: {  	[spmem:s3] =	stream.indirect.scatter.add.f32 [tilespmem:s21], [sflag:$0x2], $0x80, s1, s26, $0xb8;
	[tilespmem:$0x1CF00] =	vst v63  }
0x53: {  	_ =	swait.ge [sflag:s19], $0x4000  }
0x54: {  	s30 =	sshra.s32 s0, $0x2;
	s31 =	smov.u32 s18;
	[sflag:s19] =	ssyncset.done $0x0  }
0x55: {  	s0 =	sadd.s32 $0x14000, s30;
	[sflag:s19] =	ssyncadd.s32 $0xFFFFC000  }
0x56: {  	[tilespmem:s21], [sflag:$0x1] =	stream.indirect.gather [hbm4b:s2+s26], $0x80, s0, s26, $0xb8;
	[tilespmem:$0x1CF00] =	vst v63  }
0x57: {  	_ =	swait.ge [sflag:s28], $0x4000  }
0x58: {  	[sflag:s28] =	ssyncset.done $0x0  }
0x59: {  	s30 =	sadd.s32 $0x16780, s30;
	[sflag:s28] =	ssyncadd.s32 $0xFFFFC000  }
0x5a: {  	[spmem:s3] =	stream.indirect.scatter.add.f32 [tilespmem:s21], [sflag:$0x2], $0x80, s30, s26, $0xb8;
	[tilespmem:$0x1CF00] =	vst v63  }
0x5b: {  	_ =	swait.ge [sflag:s19], $0x4000  }
0x5c: {  	s31 =	stileid.u32;
	[sflag:s19] =	ssyncset.done $0x0  }
0x5d: {  	s0 =	sshll.u32 s31, $0x6;
	[sflag:s19] =	ssyncadd.s32 $0xFFFFC000  }
0x5e: {  	s1 =	sshrl.u32 s7, $0x3;
	s0 =	sor.u32 $0x1C02, s0;
	[bflag:$0x0] =	sbarrier.arrive $0xFFFF  }
0x5f: {  	[hbm:s8], [sflag:s0] =	dma.local [spmem:s1], $0x800  }
0x60: {  	_ =	swait.ge [sflag:s19], $0x800  }
0x61: {  	[sflag:s19] =	ssyncset.done $0x0  }
0x62: {  	[sflag:s19] =	ssyncadd.s32 $0xFFFFF800  }
0x63: {  	[hbm:s14], [sflag:s0] =	dma.local [spmem:s22], $0x800  }
0x64: {  	_ =	swait.ge [sflag:s19], $0x800  }
0x65: {  	[sflag:s19] =	ssyncset.done $0x0  }
0x66: {  	[sflag:s19] =	ssyncadd.s32 $0xFFFFF800  }
0x67: {  	[hbm:s15], [sflag:s0] =	dma.local [spmem:s23], $0x800  }
0x68: {  	_ =	swait.ge [sflag:s19], $0x800  }
0x69: {  	[sflag:s19] =	ssyncset.done $0x0  }
0x6a: {  	[sflag:s19] =	ssyncadd.s32 $0xFFFFF800  }
0x6b: {  	[hbm:s16], [sflag:s0] =	dma.local [spmem:s24], $0x800  }
0x6c: {  	s29 =	sadd.s32 $0x1, s29;
	_ =	swait.ge [sflag:s19], $0x800  }
0x6d: {  	p0 =	sne.s32 s29, s9;
	[sflag:s19] =	ssyncset.done $0x0  }
.Ltmp2:
0x6e: {  	[sflag:s19] =	ssyncadd.s32 $0xFFFFF800;
	(pc) =	sbr.rel @p0 .LBB2_1-.Ltmp2, $4  }
0x6f: {  	[hbm:s17], [sflag:s0] =	dma.local [spmem:s25], $0x800  }
0x70: {  	_ =	swait.ge [sflag:s19], $0x800  }
0x71: {  	[sflag:s19] =	ssyncset.done $0x0  }
0x72: {  	[sflag:s19] =	ssyncadd.s32 $0xFFFFF800  }
0x73: {  	_ =	sfence.sel $0x180000  }
0x74: {  	[bflag:$0x0] =	sbarrier.arrive $0xFFFF  }
0x75: {  	_ =	strace $0x90000047  }
0x76: {  	s0 =	stileid.u32;
	[bflag:$0x2] =	sbarrier.arrive $0xFFFF  }
0x77: {  	p0 =	sne.s32 s0, $0x0;
	s0 =	rddreg [dreg:$0x3]  }
0x78: {  	s0 =	sadd.s32 @!p0 $0x100000, s0  }
0x79: {  	[sflag:s0] =	ssyncadd.tile.s32 @!p0 $0x1;
	_ =	shalt  }
.Lfunc_end2:
_tile_overlayer_lowered:
.L_overlay_start_2:
0x7a: {  	(tag) =	ssettag $0x2  }
0x7b: {  	s0 =	rddreg [dreg:$0x0];
	s2 =	stileid.u32  }
0x7c: {  	s1 =	rddreg [dreg:$0x1];
	p0 =	sne.s32 s2, $0x0  }
0x7d: {  	s3 =	rddreg [dreg:$0x2];
	[bflag:$0x3] =	sbarrier.arrive $0xFFFF;
	s2 =	simm.s32 @!p0 $0x1C02  }
0x7e: {  	[timem:s3], [sflag:s2] =	dma.local @!p0 [hbm:s0], s1  }
0x7f: {  	s0 =	simm.s32 @!p0 $0x2  }
0x80: {  	_ =	swait.ge @!p0 [sflag:s0], s1  }
0x81: {  	s1 =	ssub.s32 @!p0 $0x0, s1;
	[sflag:s0] =	ssyncset.done @!p0 $0x0  }
0x82: {  	[sflag:s0] =	ssyncadd.s32 @!p0 s1  }
0x83: {  	[bflag:$0x3] =	sbarrier.arrive $0xFFFF  }
0x84: {  	_ =	shalt  }

// kernel: kernel.26.cloned.1.call-start
scs
__scs_entry_jumppad:
0x0: {  	(pc) =	sbr.rel $0x88, $3  }
0x1: {  	(tag) =	ssettag $0x0;
	lr =	simm.s32 $0x1  }
0x2: {  	[smem:$0x3F9E] =	sst lr;
	_ =	strace $0xD0000000  }
0x3: {  	_ = 	snop  }
0x4: {  	_ = 	snop  }
0x5: {  	_ = 	snop  }
0x6: {  	_ = 	snop  }
0x7: {  	_ = 	snop  }
__scs_overlays_trampoline_lowered:
0x8: {  	[smem:$0x3FAD] =	sst s0  }
0x9: {  	[smem:$0x3FAE] =	sst s1  }
0xa: {  	[smem:$0x3FAF] =	sst s2  }
0xb: {  	[smem:$0x3FB0] =	sst s3  }
0xc: {  	[smem:$0x3FB1] =	sst s4  }
0xd: {  	[smem:$0x3FB2] =	sst s5  }
0xe: {  	[smem:$0x3FB3] =	sst s6  }
0xf: {  	[smem:$0x3FB4] =	sst s7  }
0x10: {  	[smem:$0x3FB5] =	sst s8  }
0x11: {  	[smem:$0x3FB6] =	sst s9;
	s0 =	simm.s32 @!p0 $0x0  }
0x12: {  	s1 =	sld [smem:$0x3F9C];
	s0 =	simm.s32 @p0 $0x1  }
0x13: {  	[smem:$0x3FB7] =	sst s0;
	s0 =	simm.s32 @!p1 $0x0  }
0x14: {  	s2 =	sld [smem:$0x3F9B];
	s0 =	simm.s32 @p1 $0x1  }
0x15: {  	[smem:$0x3FB8] =	sst s0;
	s0 =	simm.s32 @!p2 $0x0  }
0x16: {  	s3 =	sld [smem:$0x3FDB];
	s0 =	simm.s32 @p2 $0x1  }
0x17: {  	s4 =	simm.s32 $0x1BF5;
	[smem:$0x3FBA] =	sst s0  }
0x18: {  	s0 =	sld [smem:$0x3F9D];
	_ =	swait.ge [sflag:s4], $0x0  }
0x19: {  	s7 =	sld [smem:$0x3F9E]  }
0x1a: {  	s8 =	sadd.s32 $0xFFFFE003, lr  }
0x1b: {  	s9 =	sadd.s32 $0xFFFFFEF7, lr;
	s5 =	simm.s32 $0xFFFFFFFF;
	p2 =	slt.u32 s8, $0xFFFFF086  }
0x1c: {  	p1 =	slt.u32 s9, $0xF7A;
	s5 =	simm.s32 @!p2 $0x0  }
0x1d: {  	s5 =	simm.s32 @p1 $0x1;
	p0 =	seq.s32 s7, s2  }
0x1e: {  	s7 =	smul.u32 @!p0 $0xF7A, s2;
	p2 =	seq.s32 @!p0 s5, $0x0  }
0x1f: {  	s9 =	smul.u32 $0xF7A, s1;
	s8 =	simm.s32 @!p0 $0x1BF5;
	p2 =	por !p2, p0  }
0x20: {  	[sflag:s8] =	ssyncset.s32 @!p0 $0xFFFFF086;
	s6 =	sadd.s32 @!p0 s3, s7;
	s7 =	simm.s32 @!p0 $0x108  }
0x21: {  	s3 =	sadd.s32 s3, s9;
	s6 =	sadd.s32 @!p0 $0x88, s6;
	s7 =	simm.s32 @p2 $0x1082  }
0x22: {  	[simem:s7], [sflag:s8] =	dma.local @!p0 [hbm:s6], $0xF7A  }
0x23: {  	s9 =	sor.u32 $0xD0000000, s2;
	s6 =	simm.s32 $0x108;
	_ =	swait.ge @!p0 [sflag:s8], $0x0  }
0x24: {  	s3 =	sadd.s32 $0x88, s3;
	s6 =	simm.s32 @!p1 $0x1082;
	[sflag:s4] =	ssyncset.s32 $0xFFFFF086  }
0x25: {  	[simem:s6], [sflag:s4] =	dma.local [hbm:s3], $0xF7A  }
0x26: {  	[smem:$0x3F9E] =	sst s1;
	(tag) =	ssettag s2;
	_ =	strace s9  }
0x27: {  	s1 =	sld [smem:$0x3FAE]  }
0x28: {  	s2 =	sld [smem:$0x3FAF]  }
0x29: {  	s4 =	sld [smem:$0x3FB1]  }
0x2a: {  	p0 =	seq.s32 s5, $0x0;
	s5 =	sld [smem:$0x3FB2]  }
0x2b: {  	s6 =	sld [smem:$0x3FB3]  }
0x2c: {  	s7 =	sld [smem:$0x3FB4]  }
0x2d: {  	s3 =	simm.s32 $0x108;
	s8 =	sld [smem:$0x3FB5]  }
0x2e: {  	s3 =	simm.s32 @!p0 $0x1082;
	s9 =	sld [smem:$0x3FB6]  }
0x2f: {  	lr =	sadd.s32 s0, s3;
	s0 =	sld [smem:$0x3FAD]  }
0x30: {  	s3 =	sld [smem:$0x3FB0]  }
0x31: {  	[smem:$0x3FB9] =	sst s10  }
0x32: {  	s10 =	sld [smem:$0x3FB7];
	_ =	sdelay $0x3  }
0x33: {  	p0 =	seq.s32 s10, $0x1;
	s10 =	sld [smem:$0x3FB9];
	_ =	sdelay $0x3  }
0x34: {  	[smem:$0x3FB9] =	sst s10  }
0x35: {  	s10 =	sld [smem:$0x3FB8];
	_ =	sdelay $0x3  }
0x36: {  	p1 =	seq.s32 s10, $0x1;
	s10 =	sld [smem:$0x3FB9];
	_ =	sdelay $0x3  }
0x37: {  	[smem:$0x3FB9] =	sst s10  }
0x38: {  	s10 =	sld [smem:$0x3FBA]  }
0x39: {  	_ = 	snop;
	(pc) =	sbr.ind lr, $3  }
0x3a: {  	_ = 	snop  }
0x3b: {  	_ = 	snop  }
0x3c: {  	p2 =	seq.s32 s10, $0x1;
	s10 =	sld [smem:$0x3FB9]  }
0x3d: {  	_ =	shalt  }
0x3e: {  	_ =	shalt  }
0x3f: {  	_ =	shalt  }
0x40: {  	_ =	shalt  }
0x41: {  	_ =	shalt  }
0x42: {  	_ =	shalt  }
0x43: {  	_ =	shalt  }
0x44: {  	_ =	shalt  }
0x45: {  	_ =	shalt  }
0x46: {  	_ =	shalt  }
0x47: {  	_ =	shalt  }
0x48: {  	_ =	shalt  }
0x49: {  	_ =	shalt  }
0x4a: {  	_ =	shalt  }
0x4b: {  	_ =	shalt  }
0x4c: {  	_ =	shalt  }
0x4d: {  	_ =	shalt  }
0x4e: {  	_ =	shalt  }
0x4f: {  	_ =	shalt  }
0x50: {  	_ =	shalt  }
0x51: {  	_ =	shalt  }
0x52: {  	_ =	shalt  }
0x53: {  	_ =	shalt  }
0x54: {  	_ =	shalt  }
0x55: {  	_ =	shalt  }
0x56: {  	_ =	shalt  }
0x57: {  	_ =	shalt  }
0x58: {  	_ =	shalt  }
0x59: {  	_ =	shalt  }
0x5a: {  	_ =	shalt  }
0x5b: {  	_ =	shalt  }
0x5c: {  	_ =	shalt  }
0x5d: {  	_ =	shalt  }
0x5e: {  	_ =	shalt  }
0x5f: {  	_ =	shalt  }
0x60: {  	_ =	shalt  }
0x61: {  	_ =	shalt  }
0x62: {  	_ =	shalt  }
0x63: {  	_ =	shalt  }
0x64: {  	_ =	shalt  }
0x65: {  	_ =	shalt  }
0x66: {  	_ =	shalt  }
0x67: {  	_ =	shalt  }
0x68: {  	_ =	shalt  }
0x69: {  	_ =	shalt  }
0x6a: {  	_ =	shalt  }
0x6b: {  	_ =	shalt  }
0x6c: {  	_ =	shalt  }
0x6d: {  	_ =	shalt  }
0x6e: {  	_ =	shalt  }
0x6f: {  	_ =	shalt  }
0x70: {  	_ =	shalt  }
0x71: {  	_ =	shalt  }
0x72: {  	_ =	shalt  }
0x73: {  	_ =	shalt  }
0x74: {  	_ =	shalt  }
0x75: {  	_ =	shalt  }
0x76: {  	_ =	shalt  }
0x77: {  	_ =	shalt  }
0x78: {  	_ =	shalt  }
0x79: {  	_ =	shalt  }
0x7a: {  	_ =	shalt  }
0x7b: {  	_ =	shalt  }
0x7c: {  	_ =	shalt  }
0x7d: {  	_ =	shalt  }
0x7e: {  	_ =	shalt  }
0x7f: {  	_ =	shalt  }
0x80: {  	_ =	shalt  }
0x81: {  	_ =	shalt  }
0x82: {  	_ =	shalt  }
0x83: {  	_ =	shalt  }
0x84: {  	_ =	shalt  }
0x85: {  	_ =	shalt  }
0x86: {  	_ =	shalt  }
0x87: {  	_ =	shalt  }
.Lfunc_end0:
.L_simem_size_0:
called_computation.1_lowered:
.L_overlay_start_0:
0x88: {  	s2 =	sld [smem:$0x3FD9]  }
0x89: {  	s3 =	sld [smem:$0x3FFE];
	_ =	sdelay $0x1  }
0x8a: {  	s1 =	srdreg.scid  }
0x8b: {  	s0 =	sand.u32 $0x1, s1  }
0x8c: {  	s17 =	sshll.u32 s0, $0xA;
	s2 =	sadd.s32 s3, s2  }
0x8d: {  	s2 =	sadd.s32 s2, s17  }
0x8e: {  	[smem:$0x3FC5] =	sst s2  }
0x8f: {  	_ = 	snop  }
0x90: {  	s18 =	sld [smem:$0x3FC8];
	(tm) =	ssettm $0x1  }
0x91: {  	s19 =	sld [smem:$0x3FFB];
	_ =	sdelay $0x3  }
0x92: {  	_ =	strace s19  }
0x93: {  	s2 =	sld [smem:$0x3FFC];
	_ =	sdelay $0x3  }
0x94: {  	_ =	strace s2  }
0x95: {  	s2 =	sld [smem:$0x3FFD];
	_ =	sdelay $0x3  }
0x96: {  	_ =	strace s2  }
0x97: {  	_ =	strace $0x8FFFFFFF  }
0x98: {  	s20 =	sld [smem:$0x3FDB];
	_ =	sdelay $0x1  }
0x99: {  	s4 =	simm.s32 $_scs_section_size  }
0x9a: {  	s5 =	simm.s32 $_size__tile_overlayer_lowered;
	s6 =	simm.s32 $_tile_overlayer_lowered  }
0x9b: {  	s7 =	simm.s32 $0x1BFF;
	s21 =	sshll.u32 s6, $0x1;
	s4 =	sadd.s32 s4, s20  }
0x9c: {  	s22 =	simm.s32 $0x0;
	s5 =	sshll.u32 s5, $0x1;
	s6 =	sadd.s32 s21, s4  }
0x9d: {  	[timem:s22], [sflag:s7] =	dma.local [hbm:s6], s5  }
0x9e: {  	_ =	swait.ge [sflag:s7], s5  }
0x9f: {  	s5 =	ssub.s32 $0x0, s5;
	[sflag:s7] =	ssyncset.done $0x0  }
0xa0: {  	[sflag:s7] =	ssyncadd.s32 s5;
	_ =	sdelay $0x1  }
0xa1: {  	s23 =	simm.s32 $0x1B8B  }
0xa2: {  	_ =	swait.ge [sflag:s23], $0x1  }
0xa3: {  	[sflag:s23] =	ssyncset.done $0x0  }
0xa4: {  	[sflag:s23] =	ssyncadd.s32 $0xFFFFFFFF  }
0xa5: {  	s5 =	sld [smem:$0x0]  }
0xa6: {  	s6 =	sand.u32 $0xFFFFFFFE, s1  }
0xa7: {  	p0 =	sne.s32 s1, s6  }
0xa8: {  	s6 =	sshll.u32 @p0 s6, $0xE  }
0xa9: {  	s6 =	sadd.s32 @p0 $0x11B8D, s6;
	s7 =	sshll.u32 @p0 s5, $0x11  }
0xaa: {  	s6 =	sor.u32 @p0 s7, s6  }
0xab: {  	[sflag:s6] =	ssyncadd.remote.s32 @p0 $0x1;
	_ =	sdelay $0x1  }
0xac: {  	s6 =	simm.s32 @p0 $0x1B8D  }
0xad: {  	_ =	swait.eq @p0 [sflag:s6], $0x1  }
0xae: {  	[sflag:s6] =	ssyncadd.s32 @p0 $0xFFFFFFFF  }
0xaf: {  	s7 =	sshll.u32 @!p0 s1, $0xE  }
0xb0: {  	s7 =	sor.u32 @!p0 $0x4000, s7;
	s6 =	simm.s32 @!p0 $0x1B8D  }
0xb1: {  	s5 =	sshll.u32 @!p0 s5, $0x11;
	s7 =	sadd.s32 @!p0 $0x11B8D, s7;
	_ =	swait.eq @!p0 [sflag:s6], $0x1  }
0xb2: {  	s5 =	sor.u32 @!p0 s5, s7;
	[sflag:s6] =	ssyncadd.s32 @!p0 $0xFFFFFFFF  }
0xb3: {  	s25 =	simm.s32 $0x1B8E;
	s24 =	sld [smem:$0x3FFE];
	[sflag:s5] =	ssyncadd.remote.s32 @!p0 $0x1  }
0xb4: {  	s26 =	simm.s32 $execute0_lowered;
	[smem:$0x3FD2] =	sst s25  }
0xb5: {  	s6 =	sshll.u32 s26, $0x1;
	_ =	strace $0x80000049;
	[dreg:$0x1] =	wrdreg $0xFFFFFFFF  }
0xb6: {  	s28 =	simm.s32 $_size_execute0_lowered;
	s4 =	sadd.s32 s4, s6;
	[dreg:$0x0] =	wrdreg $0x0  }
0xb7: {  	s6 =	sshll.u32 s28, $0x1;
	[dreg:$0x2] =	wrdreg s4  }
0xb8: {  	[dreg:$0x3] =	wrdreg s6  }
0xb9: {  	[dreg:$0x4] =	wrdreg $0xC0  }
0xba: {  	_ =	task [dreg:s22], $0x5FFFF  }
0xbb: {  	[dreg:$0x1] =	wrdreg $0xFFFFFFFF  }
0xbc: {  	[dreg:$0x0] =	wrdreg $0x60  }
0xbd: {  	[dreg:$0x2] =	wrdreg s24  }
0xbe: {  	[dreg:$0x3] =	wrdreg s18  }
0xbf: {  	[dreg:$0x4] =	wrdreg $0x0  }
0xc0: {  	[dreg:$0x5] =	wrdreg $0xA  }
0xc1: {  	_ =	task.clear_ibuf [dreg:s22], $0x6FFFF;
	_ =	strace $0x90000049  }
0xc2: {  	s29 =	simm.s32 $0xA;
	_ =	strace $0x8000004B  }
0xc3: {  	_ =	swait.ge [sflag:s29], $0x1  }
0xc4: {  	[sflag:s29] =	ssyncadd.s32 $0xFFFFFFFF  }
0xc5: {  	_ =	strace $0x9000004B  }
0xc6: {  	_ =	sfence  }
0xc7: {  	s30 =	sld [smem:$0x0];
	_ =	sdelay $0x2  }
0xc8: {  	s31 =	sshll.u32 s1, $0xD;
	s1 =	sshrl.u32 s1, $0x2  }
0xc9: {  	s4 =	sand.u32 $0x4000, s31;
	s1 =	sadd.s32 s1, s30  }
0xca: {  	s0 =	sor.u32 s4, s0;
	s1 =	sshll.u32 s1, $0x11  }
0xcb: {  	s0 =	sor.u32 s1, s0  }
0xcc: {  	s0 =	sadd.s32 $0x8F2B, s0  }
0xcd: {  	[sflag:s0] =	ssyncadd.remote.s32 $0x1  }
0xce: {  	_ =	sfence.sel $0xFFFF  }
0xcf: {  	[dreg:$0x0] =	wrdreg $0xFFFFFFFF;
	(pc) =	sbr.abs _section_cstart, $3  }
0xd0: {  	[dreg:$0x1] =	wrdreg $0xFFFFFFFF  }
0xd1: {  	_ =	task.clear_ibuf [dreg:s22], $0x2FFFF;
	_ =	strace $0x9FFFFFFF  }
0xd2: {  	(tm) =	ssettm $0x7FFFFFFF  }
0xd3: {  	_ =	shalt  }
tec
execute0_lowered:
.L_overlay_start_1:
0x0: {  	(tag) =	ssettag $0x1  }
0x1: {  	s5 =	rddreg [dreg:$0x0]  }
0x2: {  	s0 =	srdreg.scid;
	s2 =	rddreg [dreg:$0x1]  }
0x3: {  	s22 =	stileid.u32;
	s3 =	rddreg [dreg:$0x2]  }
0x4: {  	s4 =	simm.s32 $0x0;
	s28 =	simm.s32 $0x1;
	s29 =	simm.s32 $0x0  }
0x5: {  	s6 =	sand.u32 $0x1, s0;
	[smem:$0x7FF] =	sst s4;
	s15 =	smul.u32 $0x14000, s22  }
0x6: {  	s9 =	smul.u32 $0x50000, s22;
	s17 =	sadd.s32 $0x69400, s5;
	s1 =	sshll.u32 s6, $0x4  }
0x7: {  	s16 =	smul.u32 $0x140000, s6;
	_ =	strace $0x8000004A;
	s6 =	ssub.s32 $0x2, s6  }
0x8: {  	s7 =	sor.u32 s22, s1;
	s8 =	sshrl.u32 s6, $0x1;
	s24 =	sshrl.u32 s9, $0x2  }
0x9: {  	s18 =	sadd.s32 $0x4000, s15;
	s19 =	sadd.s32 $0x8000, s15;
	s20 =	sadd.s32 $0xC000, s15  }
0xa: {  	s21 =	sadd.s32 $0x10000, s15;
	s7 =	smul.u32 $0x500, s7;
	s10 =	ssub.s32 s6, s8  }
0xb: {  	s23 =	sadd.s32 s16, s15;
	s14 =	sadd.s32 s16, s18;
	s22 =	sadd.s32 s18, s3  }
0xc: {  	s26 =	sadd.s32 s16, s19;
	s30 =	sadd.s32 s16, s20;
	s16 =	sadd.s32 s16, s21  }
0xd: {  	s25 =	sshrl.u32 s23, $0x3;
	s9 =	smax.u32 s10, $0x1;
	s14 =	sshrl.u32 s14, $0x3  }
0xe: {  	s18 =	sshrl.u32 s26, $0x3;
	s23 =	sadd.s32 s19, s3;
	s31 =	sshrl.u32 s16, $0x3  }
0xf: {  	s19 =	simm.s32 $0x2;
	s22 =	sshrl.u32 s22, $0x3;
	s26 =	simm.s32 $0x80  }
0x10: {  	s7 =	sadd.s32 s7, s5;
	s8 =	sadd.s32 s17, s25;
	s14 =	sadd.s32 s17, s14  }
0x11: {  	s15 =	sadd.s32 s17, s18;
	s18 =	sshrl.u32 s30, $0x3;
	s25 =	sadd.s32 s21, s3  }
0x12: {  	s21 =	simm.s32 $0x18F00;
	s23 =	sshrl.u32 s23, $0x3;
	s5 =	sadd.s32 $0xF400, s7  }
0x13: {  	s6 =	sadd.s32 $0x5400, s7;
	s7 =	sadd.s32 s24, s3;
	s16 =	sadd.s32 s17, s18  }
0x14: {  	s24 =	sadd.s32 s20, s3;
	s17 =	sadd.s32 s17, s31;
	s20 =	simm.s32 $0x16780  }
0x15: {  	s25 =	sshrl.u32 s25, $0x3;
	s10 =	sadd.s32 $0x4000, s7;
	s11 =	sadd.s32 $0x8000, s7  }
0x16: {  	v0 =	vimm.f32 $0.0e+00;
	s12 =	sadd.s32 $0xC000, s7;
	s13 =	sadd.s32 $0x10000, s7;
	s24 =	sshrl.u32 s24, $0x3  }
.LBB2_1:
0x17: {  	s0 =	simm.s32 $0x14000  }
0x18: {  	[tilespmem:s0], [sflag:$0x2] =	stream.linear.gather [hbm4b:s5+s4], $0x2780, $0x38;
	[tilespmem:$0x1CF00] =	vst v63  }
0x19: {  	_ =	swait.ge [sflag:s19], $0x2780  }
0x1a: {  	[sflag:s19] =	ssyncset.done $0x0  }
0x1b: {  	[sflag:s19] =	ssyncadd.s32 $0xFFFFD880  }
0x1c: {  	[tilespmem:s20], [sflag:$0x2] =	stream.linear.gather [hbm4b:s6+s4], $0x2780, $0x38;
	[tilespmem:$0x1CF00] =	vst v63  }
0x1d: {  	_ =	swait.ge [sflag:s19], $0x2780  }
0x1e: {  	[sflag:s19] =	ssyncset.done $0x0  }
0x1f: {  	s30 =	simm.s32 $0x0;
	s31 =	simm.s32 $0x200;
	[sflag:s19] =	ssyncadd.s32 $0xFFFFD880  }
.LBB2_2:
0x20: {  	p0 =	sne.s32 s31, $0xFE00;
	[tilespmem:s30+$0x18F70] =	vst v0  }
0x21: {  	[tilespmem:s30+$0x18F00] =	vst v0  }
0x22: {  	[tilespmem:s30+$0x18F10] =	vst v0  }
.Ltmp0:
0x23: {  	[tilespmem:s30+$0x18F20] =	vst v0;
	(pc) =	sbr.rel @p0 .LBB2_2-.Ltmp0, $4  }
0x24: {  	[tilespmem:s30+$0x18F30] =	vst v0  }
0x25: {  	[tilespmem:s30+$0x18F40] =	vst v0  }
0x26: {  	[tilespmem:s30+$0x18F50] =	vst v0  }
0x27: {  	[tilespmem:s30+$0x18F60] =	vst v0;
	s30 =	sshra.s32 s31, $0x2;
	s31 =	sadd.s32 $0x200, s31  }
0x28: {  	[tilespmem:s30+$0x18F70] =	vst v0  }
0x29: {  	[tilespmem:s30+$0x18F00] =	vst v0  }
0x2a: {  	[tilespmem:s30+$0x18F10] =	vst v0  }
0x2b: {  	[tilespmem:s30+$0x18F20] =	vst v0  }
0x2c: {  	[tilespmem:s30+$0x18F30] =	vst v0  }
0x2d: {  	[tilespmem:s30+$0x18F40] =	vst v0  }
0x2e: {  	[tilespmem:s30+$0x18F50] =	vst v0  }
0x2f: {  	[tilespmem:s30+$0x18F60] =	vst v0  }
0x30: {  	[spmem:s7] =	stream.linear.scatter [tilespmem:s21], [sflag:$0x2], $0x4000, $0x38;
	[tilespmem:$0x1CF00] =	vst v63  }
0x31: {  	_ =	swait.ge [sflag:s19], $0x4000  }
0x32: {  	[sflag:s19] =	ssyncset.done $0x0  }
0x33: {  	[sflag:s19] =	ssyncadd.s32 $0xFFFFC000  }
0x34: {  	[spmem:s10] =	stream.linear.scatter [tilespmem:s21], [sflag:$0x2], $0x4000, $0x38;
	[tilespmem:$0x1CF00] =	vst v63  }
0x35: {  	_ =	swait.ge [sflag:s19], $0x4000  }
0x36: {  	[sflag:s19] =	ssyncset.done $0x0  }
0x37: {  	[sflag:s19] =	ssyncadd.s32 $0xFFFFC000  }
0x38: {  	[spmem:s11] =	stream.linear.scatter [tilespmem:s21], [sflag:$0x2], $0x4000, $0x38;
	[tilespmem:$0x1CF00] =	vst v63  }
0x39: {  	_ =	swait.ge [sflag:s19], $0x4000  }
0x3a: {  	[sflag:s19] =	ssyncset.done $0x0  }
0x3b: {  	[sflag:s19] =	ssyncadd.s32 $0xFFFFC000  }
0x3c: {  	[spmem:s12] =	stream.linear.scatter [tilespmem:s21], [sflag:$0x2], $0x4000, $0x38;
	[tilespmem:$0x1CF00] =	vst v63  }
0x3d: {  	_ =	swait.ge [sflag:s19], $0x4000  }
0x3e: {  	[sflag:s19] =	ssyncset.done $0x0  }
0x3f: {  	[sflag:s19] =	ssyncadd.s32 $0xFFFFC000  }
0x40: {  	[spmem:s13] =	stream.linear.scatter [tilespmem:s21], [sflag:$0x2], $0x4000, $0x38;
	[tilespmem:$0x1CF00] =	vst v63  }
0x41: {  	_ =	swait.ge [sflag:s19], $0x4000  }
0x42: {  	[sflag:s19] =	ssyncset.done $0x0  }
0x43: {  	[sflag:s19] =	ssyncadd.s32 $0xFFFFC000  }
0x44: {  	s30 =	simm.s32 $0x14000;
	[bflag:$0x0] =	sbarrier.arrive $0xFFFF  }
0x45: {  	[tilespmem:s21], [sflag:$0x1] =	stream.indirect.gather [hbm4b:s2+s26], $0x80, s30, s26, $0xb8;
	[tilespmem:$0x1CF00] =	vst v63  }
0x46: {  	_ =	swait.ge [sflag:s28], $0x4000  }
0x47: {  	[sflag:s28] =	ssyncset.done $0x0  }
0x48: {  	s30 =	simm.s32 $0x16780;
	[sflag:s28] =	ssyncadd.s32 $0xFFFFC000  }
0x49: {  	[spmem:s3] =	stream.indirect.scatter.add.f32 [tilespmem:s21], [sflag:$0x2], $0x80, s30, s26, $0xb8;
	[tilespmem:$0x1CF00] =	vst v63  }
0x4a: {  	_ =	swait.ge [sflag:s19], $0x4000  }
0x4b: {  	s31 =	simm.s32 $0x400;
	s30 =	simm.s32 $0x80;
	[sflag:s19] =	ssyncset.done $0x0  }
.LBB2_4:
0x4c: {  	s1 =	sadd.s32 $0x14000, s30  }
0x4d: {  	[sflag:s19] =	ssyncadd.s32 $0xFFFFC000;
	s0 =	smov.u32 s31;
	s18 =	sadd.s32 $0x200, s31  }
0x4e: {  	[tilespmem:s21], [sflag:$0x1] =	stream.indirect.gather [hbm4b:s2+s26], $0x80, s1, s26, $0xb8;
	[tilespmem:$0x1CF00] =	vst v63  }
0x4f: {  	p0 =	sne.s32 s31, $0x9C00;
	_ =	swait.ge [sflag:s28], $0x4000  }
.Ltmp1:
0x50: {  	[sflag:s28] =	ssyncset.done $0x0;
	(pc) =	sbr.rel @p0 .LBB2_4-.Ltmp1, $4  }
0x51: {  	s1 =	sadd.s32 $0x16780, s30;
	[sflag:s28] =	ssyncadd.s32 $0xFFFFC000  }
0x52: {  	[spmem:s3] =	stream.indirect.scatter.add.f32 [tilespmem:s21], [sflag:$0x2], $0x80, s1, s26, $0xb8;
	[tilespmem:$0x1CF00] =	vst v63  }
0x53: {  	_ =	swait.ge [sflag:s19], $0x4000  }
0x54: {  	s30 =	sshra.s32 s0, $0x2;
	s31 =	smov.u32 s18;
	[sflag:s19] =	ssyncset.done $0x0  }
0x55: {  	s0 =	sadd.s32 $0x14000, s30;
	[sflag:s19] =	ssyncadd.s32 $0xFFFFC000  }
0x56: {  	[tilespmem:s21], [sflag:$0x1] =	stream.indirect.gather [hbm4b:s2+s26], $0x80, s0, s26, $0xb8;
	[tilespmem:$0x1CF00] =	vst v63  }
0x57: {  	_ =	swait.ge [sflag:s28], $0x4000  }
0x58: {  	[sflag:s28] =	ssyncset.done $0x0  }
0x59: {  	s30 =	sadd.s32 $0x16780, s30;
	[sflag:s28] =	ssyncadd.s32 $0xFFFFC000  }
0x5a: {  	[spmem:s3] =	stream.indirect.scatter.add.f32 [tilespmem:s21], [sflag:$0x2], $0x80, s30, s26, $0xb8;
	[tilespmem:$0x1CF00] =	vst v63  }
0x5b: {  	_ =	swait.ge [sflag:s19], $0x4000  }
0x5c: {  	s31 =	stileid.u32;
	[sflag:s19] =	ssyncset.done $0x0  }
0x5d: {  	s0 =	sshll.u32 s31, $0x6;
	[sflag:s19] =	ssyncadd.s32 $0xFFFFC000  }
0x5e: {  	s1 =	sshrl.u32 s7, $0x3;
	s0 =	sor.u32 $0x1C02, s0;
	[bflag:$0x0] =	sbarrier.arrive $0xFFFF  }
0x5f: {  	[hbm:s8], [sflag:s0] =	dma.local [spmem:s1], $0x800  }
0x60: {  	_ =	swait.ge [sflag:s19], $0x800  }
0x61: {  	[sflag:s19] =	ssyncset.done $0x0  }
0x62: {  	[sflag:s19] =	ssyncadd.s32 $0xFFFFF800  }
0x63: {  	[hbm:s14], [sflag:s0] =	dma.local [spmem:s22], $0x800  }
0x64: {  	_ =	swait.ge [sflag:s19], $0x800  }
0x65: {  	[sflag:s19] =	ssyncset.done $0x0  }
0x66: {  	[sflag:s19] =	ssyncadd.s32 $0xFFFFF800  }
0x67: {  	[hbm:s15], [sflag:s0] =	dma.local [spmem:s23], $0x800  }
0x68: {  	_ =	swait.ge [sflag:s19], $0x800  }
0x69: {  	[sflag:s19] =	ssyncset.done $0x0  }
0x6a: {  	[sflag:s19] =	ssyncadd.s32 $0xFFFFF800  }
0x6b: {  	[hbm:s16], [sflag:s0] =	dma.local [spmem:s24], $0x800  }
0x6c: {  	s29 =	sadd.s32 $0x1, s29;
	_ =	swait.ge [sflag:s19], $0x800  }
0x6d: {  	p0 =	sne.s32 s29, s9;
	[sflag:s19] =	ssyncset.done $0x0  }
.Ltmp2:
0x6e: {  	[sflag:s19] =	ssyncadd.s32 $0xFFFFF800;
	(pc) =	sbr.rel @p0 .LBB2_1-.Ltmp2, $4  }
0x6f: {  	[hbm:s17], [sflag:s0] =	dma.local [spmem:s25], $0x800  }
0x70: {  	_ =	swait.ge [sflag:s19], $0x800  }
0x71: {  	[sflag:s19] =	ssyncset.done $0x0  }
0x72: {  	[sflag:s19] =	ssyncadd.s32 $0xFFFFF800  }
0x73: {  	_ =	sfence.sel $0x180000  }
0x74: {  	[bflag:$0x0] =	sbarrier.arrive $0xFFFF  }
0x75: {  	_ =	strace $0x9000004A  }
0x76: {  	s0 =	stileid.u32;
	[bflag:$0x2] =	sbarrier.arrive $0xFFFF  }
0x77: {  	p0 =	sne.s32 s0, $0x0;
	s0 =	rddreg [dreg:$0x3]  }
0x78: {  	s0 =	sadd.s32 @!p0 $0x100000, s0  }
0x79: {  	[sflag:s0] =	ssyncadd.tile.s32 @!p0 $0x1;
	_ =	shalt  }
.Lfunc_end2:
_tile_overlayer_lowered:
.L_overlay_start_2:
0x7a: {  	(tag) =	ssettag $0x2  }
0x7b: {  	s0 =	rddreg [dreg:$0x0];
	s2 =	stileid.u32  }
0x7c: {  	s1 =	rddreg [dreg:$0x1];
	p0 =	sne.s32 s2, $0x0  }
0x7d: {  	s3 =	rddreg [dreg:$0x2];
	[bflag:$0x3] =	sbarrier.arrive $0xFFFF;
	s2 =	simm.s32 @!p0 $0x1C02  }
0x7e: {  	[timem:s3], [sflag:s2] =	dma.local @!p0 [hbm:s0], s1  }
0x7f: {  	s0 =	simm.s32 @!p0 $0x2  }
0x80: {  	_ =	swait.ge @!p0 [sflag:s0], s1  }
0x81: {  	s1 =	ssub.s32 @!p0 $0x0, s1;
	[sflag:s0] =	ssyncset.done @!p0 $0x0  }
0x82: {  	[sflag:s0] =	ssyncadd.s32 @!p0 s1  }
0x83: {  	[bflag:$0x3] =	sbarrier.arrive $0xFFFF  }
0x84: {  	_ =	shalt  }

// kernel: kernel.29.cloned.1.call-start
scs
__scs_entry_jumppad:
0x0: {  	(pc) =	sbr.rel $0x88, $3  }
0x1: {  	(tag) =	ssettag $0x0;
	lr =	simm.s32 $0x1  }
0x2: {  	[smem:$0x3F9E] =	sst lr;
	_ =	strace $0xD0000000  }
0x3: {  	_ = 	snop  }
0x4: {  	_ = 	snop  }
0x5: {  	_ = 	snop  }
0x6: {  	_ = 	snop  }
0x7: {  	_ = 	snop  }
__scs_overlays_trampoline_lowered:
0x8: {  	[smem:$0x3FAD] =	sst s0  }
0x9: {  	[smem:$0x3FAE] =	sst s1  }
0xa: {  	[smem:$0x3FAF] =	sst s2  }
0xb: {  	[smem:$0x3FB0] =	sst s3  }
0xc: {  	[smem:$0x3FB1] =	sst s4  }
0xd: {  	[smem:$0x3FB2] =	sst s5  }
0xe: {  	[smem:$0x3FB3] =	sst s6  }
0xf: {  	[smem:$0x3FB4] =	sst s7  }
0x10: {  	[smem:$0x3FB5] =	sst s8  }
0x11: {  	[smem:$0x3FB6] =	sst s9;
	s0 =	simm.s32 @!p0 $0x0  }
0x12: {  	s1 =	sld [smem:$0x3F9C];
	s0 =	simm.s32 @p0 $0x1  }
0x13: {  	[smem:$0x3FB7] =	sst s0;
	s0 =	simm.s32 @!p1 $0x0  }
0x14: {  	s2 =	sld [smem:$0x3F9B];
	s0 =	simm.s32 @p1 $0x1  }
0x15: {  	[smem:$0x3FB8] =	sst s0;
	s0 =	simm.s32 @!p2 $0x0  }
0x16: {  	s3 =	sld [smem:$0x3FDB];
	s0 =	simm.s32 @p2 $0x1  }
0x17: {  	s4 =	simm.s32 $0x1BF5;
	[smem:$0x3FBA] =	sst s0  }
0x18: {  	s0 =	sld [smem:$0x3F9D];
	_ =	swait.ge [sflag:s4], $0x0  }
0x19: {  	s7 =	sld [smem:$0x3F9E]  }
0x1a: {  	s8 =	sadd.s32 $0xFFFFE003, lr  }
0x1b: {  	s9 =	sadd.s32 $0xFFFFFEF7, lr;
	s5 =	simm.s32 $0xFFFFFFFF;
	p2 =	slt.u32 s8, $0xFFFFF086  }
0x1c: {  	p1 =	slt.u32 s9, $0xF7A;
	s5 =	simm.s32 @!p2 $0x0  }
0x1d: {  	s5 =	simm.s32 @p1 $0x1;
	p0 =	seq.s32 s7, s2  }
0x1e: {  	s7 =	smul.u32 @!p0 $0xF7A, s2;
	p2 =	seq.s32 @!p0 s5, $0x0  }
0x1f: {  	s9 =	smul.u32 $0xF7A, s1;
	s8 =	simm.s32 @!p0 $0x1BF5;
	p2 =	por !p2, p0  }
0x20: {  	[sflag:s8] =	ssyncset.s32 @!p0 $0xFFFFF086;
	s6 =	sadd.s32 @!p0 s3, s7;
	s7 =	simm.s32 @!p0 $0x108  }
0x21: {  	s3 =	sadd.s32 s3, s9;
	s6 =	sadd.s32 @!p0 $0x88, s6;
	s7 =	simm.s32 @p2 $0x1082  }
0x22: {  	[simem:s7], [sflag:s8] =	dma.local @!p0 [hbm:s6], $0xF7A  }
0x23: {  	s9 =	sor.u32 $0xD0000000, s2;
	s6 =	simm.s32 $0x108;
	_ =	swait.ge @!p0 [sflag:s8], $0x0  }
0x24: {  	s3 =	sadd.s32 $0x88, s3;
	s6 =	simm.s32 @!p1 $0x1082;
	[sflag:s4] =	ssyncset.s32 $0xFFFFF086  }
0x25: {  	[simem:s6], [sflag:s4] =	dma.local [hbm:s3], $0xF7A  }
0x26: {  	[smem:$0x3F9E] =	sst s1;
	(tag) =	ssettag s2;
	_ =	strace s9  }
0x27: {  	s1 =	sld [smem:$0x3FAE]  }
0x28: {  	s2 =	sld [smem:$0x3FAF]  }
0x29: {  	s4 =	sld [smem:$0x3FB1]  }
0x2a: {  	p0 =	seq.s32 s5, $0x0;
	s5 =	sld [smem:$0x3FB2]  }
0x2b: {  	s6 =	sld [smem:$0x3FB3]  }
0x2c: {  	s7 =	sld [smem:$0x3FB4]  }
0x2d: {  	s3 =	simm.s32 $0x108;
	s8 =	sld [smem:$0x3FB5]  }
0x2e: {  	s3 =	simm.s32 @!p0 $0x1082;
	s9 =	sld [smem:$0x3FB6]  }
0x2f: {  	lr =	sadd.s32 s0, s3;
	s0 =	sld [smem:$0x3FAD]  }
0x30: {  	s3 =	sld [smem:$0x3FB0]  }
0x31: {  	[smem:$0x3FB9] =	sst s10  }
0x32: {  	s10 =	sld [smem:$0x3FB7];
	_ =	sdelay $0x3  }
0x33: {  	p0 =	seq.s32 s10, $0x1;
	s10 =	sld [smem:$0x3FB9];
	_ =	sdelay $0x3  }
0x34: {  	[smem:$0x3FB9] =	sst s10  }
0x35: {  	s10 =	sld [smem:$0x3FB8];
	_ =	sdelay $0x3  }
0x36: {  	p1 =	seq.s32 s10, $0x1;
	s10 =	sld [smem:$0x3FB9];
	_ =	sdelay $0x3  }
0x37: {  	[smem:$0x3FB9] =	sst s10  }
0x38: {  	s10 =	sld [smem:$0x3FBA]  }
0x39: {  	_ = 	snop;
	(pc) =	sbr.ind lr, $3  }
0x3a: {  	_ = 	snop  }
0x3b: {  	_ = 	snop  }
0x3c: {  	p2 =	seq.s32 s10, $0x1;
	s10 =	sld [smem:$0x3FB9]  }
0x3d: {  	_ =	shalt  }
0x3e: {  	_ =	shalt  }
0x3f: {  	_ =	shalt  }
0x40: {  	_ =	shalt  }
0x41: {  	_ =	shalt  }
0x42: {  	_ =	shalt  }
0x43: {  	_ =	shalt  }
0x44: {  	_ =	shalt  }
0x45: {  	_ =	shalt  }
0x46: {  	_ =	shalt  }
0x47: {  	_ =	shalt  }
0x48: {  	_ =	shalt  }
0x49: {  	_ =	shalt  }
0x4a: {  	_ =	shalt  }
0x4b: {  	_ =	shalt  }
0x4c: {  	_ =	shalt  }
0x4d: {  	_ =	shalt  }
0x4e: {  	_ =	shalt  }
0x4f: {  	_ =	shalt  }
0x50: {  	_ =	shalt  }
0x51: {  	_ =	shalt  }
0x52: {  	_ =	shalt  }
0x53: {  	_ =	shalt  }
0x54: {  	_ =	shalt  }
0x55: {  	_ =	shalt  }
0x56: {  	_ =	shalt  }
0x57: {  	_ =	shalt  }
0x58: {  	_ =	shalt  }
0x59: {  	_ =	shalt  }
0x5a: {  	_ =	shalt  }
0x5b: {  	_ =	shalt  }
0x5c: {  	_ =	shalt  }
0x5d: {  	_ =	shalt  }
0x5e: {  	_ =	shalt  }
0x5f: {  	_ =	shalt  }
0x60: {  	_ =	shalt  }
0x61: {  	_ =	shalt  }
0x62: {  	_ =	shalt  }
0x63: {  	_ =	shalt  }
0x64: {  	_ =	shalt  }
0x65: {  	_ =	shalt  }
0x66: {  	_ =	shalt  }
0x67: {  	_ =	shalt  }
0x68: {  	_ =	shalt  }
0x69: {  	_ =	shalt  }
0x6a: {  	_ =	shalt  }
0x6b: {  	_ =	shalt  }
0x6c: {  	_ =	shalt  }
0x6d: {  	_ =	shalt  }
0x6e: {  	_ =	shalt  }
0x6f: {  	_ =	shalt  }
0x70: {  	_ =	shalt  }
0x71: {  	_ =	shalt  }
0x72: {  	_ =	shalt  }
0x73: {  	_ =	shalt  }
0x74: {  	_ =	shalt  }
0x75: {  	_ =	shalt  }
0x76: {  	_ =	shalt  }
0x77: {  	_ =	shalt  }
0x78: {  	_ =	shalt  }
0x79: {  	_ =	shalt  }
0x7a: {  	_ =	shalt  }
0x7b: {  	_ =	shalt  }
0x7c: {  	_ =	shalt  }
0x7d: {  	_ =	shalt  }
0x7e: {  	_ =	shalt  }
0x7f: {  	_ =	shalt  }
0x80: {  	_ =	shalt  }
0x81: {  	_ =	shalt  }
0x82: {  	_ =	shalt  }
0x83: {  	_ =	shalt  }
0x84: {  	_ =	shalt  }
0x85: {  	_ =	shalt  }
0x86: {  	_ =	shalt  }
0x87: {  	_ =	shalt  }
.Lfunc_end0:
.L_simem_size_0:
called_computation.2_lowered:
.L_overlay_start_0:
0x88: {  	s2 =	sld [smem:$0x3FD9]  }
0x89: {  	s3 =	sld [smem:$0x3FFE];
	_ =	sdelay $0x1  }
0x8a: {  	s1 =	srdreg.scid  }
0x8b: {  	s0 =	sand.u32 $0x1, s1  }
0x8c: {  	s17 =	sshll.u32 s0, $0xA;
	s2 =	sadd.s32 s3, s2  }
0x8d: {  	s2 =	sadd.s32 s2, s17  }
0x8e: {  	[smem:$0x3FC5] =	sst s2  }
0x8f: {  	_ = 	snop  }
0x90: {  	s2 =	sld [smem:$0x3FD0];
	(tm) =	ssettm $0x1  }
0x91: {  	s18 =	sld [smem:$0x3FFB];
	_ =	sdelay $0x3  }
0x92: {  	_ =	strace s18  }
0x93: {  	s3 =	sld [smem:$0x3FFC];
	_ =	sdelay $0x3  }
0x94: {  	_ =	strace s3  }
0x95: {  	s3 =	sld [smem:$0x3FFD];
	_ =	sdelay $0x3  }
0x96: {  	_ =	strace s3  }
0x97: {  	_ =	strace $0x8FFFFFFF  }
0x98: {  	s19 =	sld [smem:$0x3FDB];
	_ =	sdelay $0x1  }
0x99: {  	s4 =	simm.s32 $_scs_section_size  }
0x9a: {  	s5 =	simm.s32 $_size__tile_overlayer_lowered;
	s6 =	simm.s32 $_tile_overlayer_lowered  }
0x9b: {  	s22 =	simm.s32 $0x1BFF;
	s21 =	sshll.u32 s6, $0x1;
	s3 =	sadd.s32 s4, s19  }
0x9c: {  	s7 =	simm.s32 $0x0;
	s20 =	sshll.u32 s5, $0x1;
	s5 =	sadd.s32 s21, s3  }
0x9d: {  	[timem:s7], [sflag:s22] =	dma.local [hbm:s5], s20  }
0x9e: {  	_ =	swait.ge [sflag:s22], s20  }
0x9f: {  	s4 =	ssub.s32 $0x0, s20;
	[sflag:s22] =	ssyncset.done $0x0  }
0xa0: {  	[sflag:s22] =	ssyncadd.s32 s4;
	_ =	sdelay $0x1  }
0xa1: {  	s23 =	simm.s32 $0x1B8B  }
0xa2: {  	_ =	swait.ge [sflag:s23], $0x1  }
0xa3: {  	[sflag:s23] =	ssyncset.done $0x0  }
0xa4: {  	s25 =	simm.s32 $0x1B8E;
	s24 =	sld [smem:$0x3FFE];
	[sflag:s23] =	ssyncadd.s32 $0xFFFFFFFF  }
0xa5: {  	s26 =	simm.s32 $execute0_lowered;
	[smem:$0x3FD2] =	sst s25  }
0xa6: {  	s5 =	sshll.u32 s26, $0x1;
	_ =	strace $0x8000004C;
	[dreg:$0x1] =	wrdreg $0xFFFFFFFF  }
0xa7: {  	s28 =	simm.s32 $_size_execute0_lowered;
	s3 =	sadd.s32 s3, s5;
	[dreg:$0x0] =	wrdreg $0x0  }
0xa8: {  	s5 =	sshll.u32 s28, $0x1;
	[dreg:$0x2] =	wrdreg s3  }
0xa9: {  	[dreg:$0x3] =	wrdreg s5  }
0xaa: {  	[dreg:$0x4] =	wrdreg $0xC0  }
0xab: {  	_ =	task [dreg:s7], $0x5FFFF  }
0xac: {  	[dreg:$0x1] =	wrdreg $0xFFFFFFFF  }
0xad: {  	[dreg:$0x0] =	wrdreg $0x60  }
0xae: {  	[dreg:$0x2] =	wrdreg s24  }
0xaf: {  	[dreg:$0x3] =	wrdreg s2  }
0xb0: {  	[dreg:$0x4] =	wrdreg $0x0  }
0xb1: {  	[dreg:$0x5] =	wrdreg $0x9  }
0xb2: {  	_ =	task.clear_ibuf [dreg:s7], $0x6FFFF;
	_ =	strace $0x9000004C  }
0xb3: {  	s29 =	simm.s32 $0x9;
	_ =	strace $0x8000004E  }
0xb4: {  	_ =	swait.ge [sflag:s29], $0x1  }
0xb5: {  	[sflag:s29] =	ssyncadd.s32 $0xFFFFFFFF  }
0xb6: {  	_ =	strace $0x9000004E  }
0xb7: {  	_ =	sfence  }
0xb8: {  	s30 =	sld [smem:$0x0];
	_ =	sdelay $0x2  }
0xb9: {  	s31 =	sshll.u32 s1, $0xD;
	s1 =	sshrl.u32 s1, $0x2  }
0xba: {  	s3 =	sand.u32 $0x4000, s31;
	s1 =	sadd.s32 s1, s30  }
0xbb: {  	s0 =	sor.u32 s3, s0;
	s1 =	sshll.u32 s1, $0x11  }
0xbc: {  	s0 =	sor.u32 s1, s0  }
0xbd: {  	s0 =	sadd.s32 $0x8F2B, s0  }
0xbe: {  	[sflag:s0] =	ssyncadd.remote.s32 $0x1  }
0xbf: {  	_ =	sfence.sel $0xFFFF  }
0xc0: {  	[dreg:$0x0] =	wrdreg $0xFFFFFFFF;
	(pc) =	sbr.abs _section_cstart, $3  }
0xc1: {  	[dreg:$0x1] =	wrdreg $0xFFFFFFFF  }
0xc2: {  	_ =	task.clear_ibuf [dreg:s7], $0x2FFFF;
	_ =	strace $0x9FFFFFFF  }
0xc3: {  	(tm) =	ssettm $0x7FFFFFFF  }
tec
execute0_lowered:
.L_overlay_start_1:
0x0: {  	(tag) =	ssettag $0x1  }
0x1: {  	s5 =	rddreg [dreg:$0x0]  }
0x2: {  	s0 =	srdreg.scid;
	s2 =	rddreg [dreg:$0x1]  }
0x3: {  	s22 =	stileid.u32;
	s3 =	rddreg [dreg:$0x2]  }
0x4: {  	s4 =	simm.s32 $0x0;
	s28 =	simm.s32 $0x1;
	s29 =	simm.s32 $0x0  }
0x5: {  	s6 =	sand.u32 $0x1, s0;
	[smem:$0x7FF] =	sst s4;
	s15 =	smul.u32 $0x14000, s22  }
0x6: {  	s9 =	smul.u32 $0x50000, s22;
	s17 =	sadd.s32 $0x69400, s5;
	s1 =	sshll.u32 s6, $0x4  }
0x7: {  	s16 =	smul.u32 $0x140000, s6;
	_ =	strace $0x8000004D;
	s6 =	ssub.s32 $0x2, s6  }
0x8: {  	s7 =	sor.u32 s22, s1;
	s8 =	sshrl.u32 s6, $0x1;
	s24 =	sshrl.u32 s9, $0x2  }
0x9: {  	s18 =	sadd.s32 $0x4000, s15;
	s19 =	sadd.s32 $0x8000, s15;
	s20 =	sadd.s32 $0xC000, s15  }
0xa: {  	s21 =	sadd.s32 $0x10000, s15;
	s7 =	smul.u32 $0x500, s7;
	s10 =	ssub.s32 s6, s8  }
0xb: {  	s23 =	sadd.s32 s16, s15;
	s14 =	sadd.s32 s16, s18;
	s22 =	sadd.s32 s18, s3  }
0xc: {  	s26 =	sadd.s32 s16, s19;
	s30 =	sadd.s32 s16, s20;
	s16 =	sadd.s32 s16, s21  }
0xd: {  	s25 =	sshrl.u32 s23, $0x3;
	s9 =	smax.u32 s10, $0x1;
	s14 =	sshrl.u32 s14, $0x3  }
0xe: {  	s18 =	sshrl.u32 s26, $0x3;
	s23 =	sadd.s32 s19, s3;
	s31 =	sshrl.u32 s16, $0x3  }
0xf: {  	s19 =	simm.s32 $0x2;
	s22 =	sshrl.u32 s22, $0x3;
	s26 =	simm.s32 $0x80  }
0x10: {  	s7 =	sadd.s32 s7, s5;
	s8 =	sadd.s32 s17, s25;
	s14 =	sadd.s32 s17, s14  }
0x11: {  	s15 =	sadd.s32 s17, s18;
	s18 =	sshrl.u32 s30, $0x3;
	s25 =	sadd.s32 s21, s3  }
0x12: {  	s21 =	simm.s32 $0x18F00;
	s23 =	sshrl.u32 s23, $0x3;
	s5 =	sadd.s32 $0xF400, s7  }
0x13: {  	s6 =	sadd.s32 $0x5400, s7;
	s7 =	sadd.s32 s24, s3;
	s16 =	sadd.s32 s17, s18  }
0x14: {  	s24 =	sadd.s32 s20, s3;
	s17 =	sadd.s32 s17, s31;
	s20 =	simm.s32 $0x16780  }
0x15: {  	s25 =	sshrl.u32 s25, $0x3;
	s10 =	sadd.s32 $0x4000, s7;
	s11 =	sadd.s32 $0x8000, s7  }
0x16: {  	v0 =	vimm.f32 $0.0e+00;
	s12 =	sadd.s32 $0xC000, s7;
	s13 =	sadd.s32 $0x10000, s7;
	s24 =	sshrl.u32 s24, $0x3  }
.LBB2_1:
0x17: {  	s0 =	simm.s32 $0x14000  }
0x18: {  	[tilespmem:s0], [sflag:$0x2] =	stream.linear.gather [hbm4b:s5+s4], $0x2780, $0x38;
	[tilespmem:$0x1CF00] =	vst v63  }
0x19: {  	_ =	swait.ge [sflag:s19], $0x2780  }
0x1a: {  	[sflag:s19] =	ssyncset.done $0x0  }
0x1b: {  	[sflag:s19] =	ssyncadd.s32 $0xFFFFD880  }
0x1c: {  	[tilespmem:s20], [sflag:$0x2] =	stream.linear.gather [hbm4b:s6+s4], $0x2780, $0x38;
	[tilespmem:$0x1CF00] =	vst v63  }
0x1d: {  	_ =	swait.ge [sflag:s19], $0x2780  }
0x1e: {  	[sflag:s19] =	ssyncset.done $0x0  }
0x1f: {  	s30 =	simm.s32 $0x0;
	s31 =	simm.s32 $0x200;
	[sflag:s19] =	ssyncadd.s32 $0xFFFFD880  }
.LBB2_2:
0x20: {  	p0 =	sne.s32 s31, $0xFE00;
	[tilespmem:s30+$0x18F70] =	vst v0  }
0x21: {  	[tilespmem:s30+$0x18F00] =	vst v0  }
0x22: {  	[tilespmem:s30+$0x18F10] =	vst v0  }
.Ltmp0:
0x23: {  	[tilespmem:s30+$0x18F20] =	vst v0;
	(pc) =	sbr.rel @p0 .LBB2_2-.Ltmp0, $4  }
0x24: {  	[tilespmem:s30+$0x18F30] =	vst v0  }
0x25: {  	[tilespmem:s30+$0x18F40] =	vst v0  }
0x26: {  	[tilespmem:s30+$0x18F50] =	vst v0  }
0x27: {  	[tilespmem:s30+$0x18F60] =	vst v0;
	s30 =	sshra.s32 s31, $0x2;
	s31 =	sadd.s32 $0x200, s31  }
0x28: {  	[tilespmem:s30+$0x18F70] =	vst v0  }
0x29: {  	[tilespmem:s30+$0x18F00] =	vst v0  }
0x2a: {  	[tilespmem:s30+$0x18F10] =	vst v0  }
0x2b: {  	[tilespmem:s30+$0x18F20] =	vst v0  }
0x2c: {  	[tilespmem:s30+$0x18F30] =	vst v0  }
0x2d: {  	[tilespmem:s30+$0x18F40] =	vst v0  }
0x2e: {  	[tilespmem:s30+$0x18F50] =	vst v0  }
0x2f: {  	[tilespmem:s30+$0x18F60] =	vst v0  }
0x30: {  	[spmem:s7] =	stream.linear.scatter [tilespmem:s21], [sflag:$0x2], $0x4000, $0x38;
	[tilespmem:$0x1CF00] =	vst v63  }
0x31: {  	_ =	swait.ge [sflag:s19], $0x4000  }
0x32: {  	[sflag:s19] =	ssyncset.done $0x0  }
0x33: {  	[sflag:s19] =	ssyncadd.s32 $0xFFFFC000  }
0x34: {  	[spmem:s10] =	stream.linear.scatter [tilespmem:s21], [sflag:$0x2], $0x4000, $0x38;
	[tilespmem:$0x1CF00] =	vst v63  }
0x35: {  	_ =	swait.ge [sflag:s19], $0x4000  }
0x36: {  	[sflag:s19] =	ssyncset.done $0x0  }
0x37: {  	[sflag:s19] =	ssyncadd.s32 $0xFFFFC000  }
0x38: {  	[spmem:s11] =	stream.linear.scatter [tilespmem:s21], [sflag:$0x2], $0x4000, $0x38;
	[tilespmem:$0x1CF00] =	vst v63  }
0x39: {  	_ =	swait.ge [sflag:s19], $0x4000  }
0x3a: {  	[sflag:s19] =	ssyncset.done $0x0  }
0x3b: {  	[sflag:s19] =	ssyncadd.s32 $0xFFFFC000  }
0x3c: {  	[spmem:s12] =	stream.linear.scatter [tilespmem:s21], [sflag:$0x2], $0x4000, $0x38;
	[tilespmem:$0x1CF00] =	vst v63  }
0x3d: {  	_ =	swait.ge [sflag:s19], $0x4000  }
0x3e: {  	[sflag:s19] =	ssyncset.done $0x0  }
0x3f: {  	[sflag:s19] =	ssyncadd.s32 $0xFFFFC000  }
0x40: {  	[spmem:s13] =	stream.linear.scatter [tilespmem:s21], [sflag:$0x2], $0x4000, $0x38;
	[tilespmem:$0x1CF00] =	vst v63  }
0x41: {  	_ =	swait.ge [sflag:s19], $0x4000  }
0x42: {  	[sflag:s19] =	ssyncset.done $0x0  }
0x43: {  	[sflag:s19] =	ssyncadd.s32 $0xFFFFC000  }
0x44: {  	s30 =	simm.s32 $0x14000;
	[bflag:$0x0] =	sbarrier.arrive $0xFFFF  }
0x45: {  	[tilespmem:s21], [sflag:$0x1] =	stream.indirect.gather [hbm4b:s2+s26], $0x80, s30, s26, $0xb8;
	[tilespmem:$0x1CF00] =	vst v63  }
0x46: {  	_ =	swait.ge [sflag:s28], $0x4000  }
0x47: {  	[sflag:s28] =	ssyncset.done $0x0  }
0x48: {  	s30 =	simm.s32 $0x16780;
	[sflag:s28] =	ssyncadd.s32 $0xFFFFC000  }
0x49: {  	[spmem:s3] =	stream.indirect.scatter.add.f32 [tilespmem:s21], [sflag:$0x2], $0x80, s30, s26, $0xb8;
	[tilespmem:$0x1CF00] =	vst v63  }
0x4a: {  	_ =	swait.ge [sflag:s19], $0x4000  }
0x4b: {  	s31 =	simm.s32 $0x400;
	s30 =	simm.s32 $0x80;
	[sflag:s19] =	ssyncset.done $0x0  }
.LBB2_4:
0x4c: {  	s1 =	sadd.s32 $0x14000, s30  }
0x4d: {  	[sflag:s19] =	ssyncadd.s32 $0xFFFFC000;
	s0 =	smov.u32 s31;
	s18 =	sadd.s32 $0x200, s31  }
0x4e: {  	[tilespmem:s21], [sflag:$0x1] =	stream.indirect.gather [hbm4b:s2+s26], $0x80, s1, s26, $0xb8;
	[tilespmem:$0x1CF00] =	vst v63  }
0x4f: {  	p0 =	sne.s32 s31, $0x9C00;
	_ =	swait.ge [sflag:s28], $0x4000  }
.Ltmp1:
0x50: {  	[sflag:s28] =	ssyncset.done $0x0;
	(pc) =	sbr.rel @p0 .LBB2_4-.Ltmp1, $4  }
0x51: {  	s1 =	sadd.s32 $0x16780, s30;
	[sflag:s28] =	ssyncadd.s32 $0xFFFFC000  }
0x52: {  	[spmem:s3] =	stream.indirect.scatter.add.f32 [tilespmem:s21], [sflag:$0x2], $0x80, s1, s26, $0xb8;
	[tilespmem:$0x1CF00] =	vst v63  }
0x53: {  	_ =	swait.ge [sflag:s19], $0x4000  }
0x54: {  	s30 =	sshra.s32 s0, $0x2;
	s31 =	smov.u32 s18;
	[sflag:s19] =	ssyncset.done $0x0  }
0x55: {  	s0 =	sadd.s32 $0x14000, s30;
	[sflag:s19] =	ssyncadd.s32 $0xFFFFC000  }
0x56: {  	[tilespmem:s21], [sflag:$0x1] =	stream.indirect.gather [hbm4b:s2+s26], $0x80, s0, s26, $0xb8;
	[tilespmem:$0x1CF00] =	vst v63  }
0x57: {  	_ =	swait.ge [sflag:s28], $0x4000  }
0x58: {  	[sflag:s28] =	ssyncset.done $0x0  }
0x59: {  	s30 =	sadd.s32 $0x16780, s30;
	[sflag:s28] =	ssyncadd.s32 $0xFFFFC000  }
0x5a: {  	[spmem:s3] =	stream.indirect.scatter.add.f32 [tilespmem:s21], [sflag:$0x2], $0x80, s30, s26, $0xb8;
	[tilespmem:$0x1CF00] =	vst v63  }
0x5b: {  	_ =	swait.ge [sflag:s19], $0x4000  }
0x5c: {  	s31 =	stileid.u32;
	[sflag:s19] =	ssyncset.done $0x0  }
0x5d: {  	s0 =	sshll.u32 s31, $0x6;
	[sflag:s19] =	ssyncadd.s32 $0xFFFFC000  }
0x5e: {  	s1 =	sshrl.u32 s7, $0x3;
	s0 =	sor.u32 $0x1C02, s0;
	[bflag:$0x0] =	sbarrier.arrive $0xFFFF  }
0x5f: {  	[hbm:s8], [sflag:s0] =	dma.local [spmem:s1], $0x800  }
0x60: {  	_ =	swait.ge [sflag:s19], $0x800  }
0x61: {  	[sflag:s19] =	ssyncset.done $0x0  }
0x62: {  	[sflag:s19] =	ssyncadd.s32 $0xFFFFF800  }
0x63: {  	[hbm:s14], [sflag:s0] =	dma.local [spmem:s22], $0x800  }
0x64: {  	_ =	swait.ge [sflag:s19], $0x800  }
0x65: {  	[sflag:s19] =	ssyncset.done $0x0  }
0x66: {  	[sflag:s19] =	ssyncadd.s32 $0xFFFFF800  }
0x67: {  	[hbm:s15], [sflag:s0] =	dma.local [spmem:s23], $0x800  }
0x68: {  	_ =	swait.ge [sflag:s19], $0x800  }
0x69: {  	[sflag:s19] =	ssyncset.done $0x0  }
0x6a: {  	[sflag:s19] =	ssyncadd.s32 $0xFFFFF800  }
0x6b: {  	[hbm:s16], [sflag:s0] =	dma.local [spmem:s24], $0x800  }
0x6c: {  	s29 =	sadd.s32 $0x1, s29;
	_ =	swait.ge [sflag:s19], $0x800  }
0x6d: {  	p0 =	sne.s32 s29, s9;
	[sflag:s19] =	ssyncset.done $0x0  }
.Ltmp2:
0x6e: {  	[sflag:s19] =	ssyncadd.s32 $0xFFFFF800;
	(pc) =	sbr.rel @p0 .LBB2_1-.Ltmp2, $4  }
0x6f: {  	[hbm:s17], [sflag:s0] =	dma.local [spmem:s25], $0x800  }
0x70: {  	_ =	swait.ge [sflag:s19], $0x800  }
0x71: {  	[sflag:s19] =	ssyncset.done $0x0  }
0x72: {  	[sflag:s19] =	ssyncadd.s32 $0xFFFFF800  }
0x73: {  	_ =	sfence.sel $0x180000  }
0x74: {  	[bflag:$0x0] =	sbarrier.arrive $0xFFFF  }
0x75: {  	_ =	strace $0x9000004D  }
0x76: {  	s0 =	stileid.u32;
	[bflag:$0x2] =	sbarrier.arrive $0xFFFF  }
0x77: {  	p0 =	sne.s32 s0, $0x0;
	s0 =	rddreg [dreg:$0x3]  }
0x78: {  	s0 =	sadd.s32 @!p0 $0x100000, s0  }
0x79: {  	[sflag:s0] =	ssyncadd.tile.s32 @!p0 $0x1;
	_ =	shalt  }
.Lfunc_end2:
_tile_overlayer_lowered:
.L_overlay_start_2:
0x7a: {  	(tag) =	ssettag $0x2  }
0x7b: {  	s0 =	rddreg [dreg:$0x0];
	s2 =	stileid.u32  }
0x7c: {  	s1 =	rddreg [dreg:$0x1];
	p0 =	sne.s32 s2, $0x0  }
0x7d: {  	s3 =	rddreg [dreg:$0x2];
	[bflag:$0x3] =	sbarrier.arrive $0xFFFF;
	s2 =	simm.s32 @!p0 $0x1C02  }
0x7e: {  	[timem:s3], [sflag:s2] =	dma.local @!p0 [hbm:s0], s1  }
0x7f: {  	s0 =	simm.s32 @!p0 $0x2  }
0x80: {  	_ =	swait.ge @!p0 [sflag:s0], s1  }
0x81: {  	s1 =	ssub.s32 @!p0 $0x0, s1;
	[sflag:s0] =	ssyncset.done @!p0 $0x0  }
0x82: {  	[sflag:s0] =	ssyncadd.s32 @!p0 s1  }
0x83: {  	[bflag:$0x3] =	sbarrier.arrive $0xFFFF  }
0x84: {  	_ =	shalt  }

// kernel: kernel.32.cloned.1.call-start
scs
__scs_entry_jumppad:
0x0: {  	(pc) =	sbr.rel $0x88, $3  }
0x1: {  	(tag) =	ssettag $0x0;
	lr =	simm.s32 $0x1  }
0x2: {  	[smem:$0x3F9E] =	sst lr;
	_ =	strace $0xD0000000  }
0x3: {  	_ = 	snop  }
0x4: {  	_ = 	snop  }
0x5: {  	_ = 	snop  }
0x6: {  	_ = 	snop  }
0x7: {  	_ = 	snop  }
__scs_overlays_trampoline_lowered:
0x8: {  	[smem:$0x3FAD] =	sst s0  }
0x9: {  	[smem:$0x3FAE] =	sst s1  }
0xa: {  	[smem:$0x3FAF] =	sst s2  }
0xb: {  	[smem:$0x3FB0] =	sst s3  }
0xc: {  	[smem:$0x3FB1] =	sst s4  }
0xd: {  	[smem:$0x3FB2] =	sst s5  }
0xe: {  	[smem:$0x3FB3] =	sst s6  }
0xf: {  	[smem:$0x3FB4] =	sst s7  }
0x10: {  	[smem:$0x3FB5] =	sst s8  }
0x11: {  	[smem:$0x3FB6] =	sst s9;
	s0 =	simm.s32 @!p0 $0x0  }
0x12: {  	s1 =	sld [smem:$0x3F9C];
	s0 =	simm.s32 @p0 $0x1  }
0x13: {  	[smem:$0x3FB7] =	sst s0;
	s0 =	simm.s32 @!p1 $0x0  }
0x14: {  	s2 =	sld [smem:$0x3F9B];
	s0 =	simm.s32 @p1 $0x1  }
0x15: {  	[smem:$0x3FB8] =	sst s0;
	s0 =	simm.s32 @!p2 $0x0  }
0x16: {  	s3 =	sld [smem:$0x3FDB];
	s0 =	simm.s32 @p2 $0x1  }
0x17: {  	s4 =	simm.s32 $0x1BF5;
	[smem:$0x3FBA] =	sst s0  }
0x18: {  	s0 =	sld [smem:$0x3F9D];
	_ =	swait.ge [sflag:s4], $0x0  }
0x19: {  	s7 =	sld [smem:$0x3F9E]  }
0x1a: {  	s8 =	sadd.s32 $0xFFFFE003, lr  }
0x1b: {  	s9 =	sadd.s32 $0xFFFFFEF7, lr;
	s5 =	simm.s32 $0xFFFFFFFF;
	p2 =	slt.u32 s8, $0xFFFFF086  }
0x1c: {  	p1 =	slt.u32 s9, $0xF7A;
	s5 =	simm.s32 @!p2 $0x0  }
0x1d: {  	s5 =	simm.s32 @p1 $0x1;
	p0 =	seq.s32 s7, s2  }
0x1e: {  	s7 =	smul.u32 @!p0 $0xF7A, s2;
	p2 =	seq.s32 @!p0 s5, $0x0  }
0x1f: {  	s9 =	smul.u32 $0xF7A, s1;
	s8 =	simm.s32 @!p0 $0x1BF5;
	p2 =	por !p2, p0  }
0x20: {  	[sflag:s8] =	ssyncset.s32 @!p0 $0xFFFFF086;
	s6 =	sadd.s32 @!p0 s3, s7;
	s7 =	simm.s32 @!p0 $0x108  }
0x21: {  	s3 =	sadd.s32 s3, s9;
	s6 =	sadd.s32 @!p0 $0x88, s6;
	s7 =	simm.s32 @p2 $0x1082  }
0x22: {  	[simem:s7], [sflag:s8] =	dma.local @!p0 [hbm:s6], $0xF7A  }
0x23: {  	s9 =	sor.u32 $0xD0000000, s2;
	s6 =	simm.s32 $0x108;
	_ =	swait.ge @!p0 [sflag:s8], $0x0  }
0x24: {  	s3 =	sadd.s32 $0x88, s3;
	s6 =	simm.s32 @!p1 $0x1082;
	[sflag:s4] =	ssyncset.s32 $0xFFFFF086  }
0x25: {  	[simem:s6], [sflag:s4] =	dma.local [hbm:s3], $0xF7A  }
0x26: {  	[smem:$0x3F9E] =	sst s1;
	(tag) =	ssettag s2;
	_ =	strace s9  }
0x27: {  	s1 =	sld [smem:$0x3FAE]  }
0x28: {  	s2 =	sld [smem:$0x3FAF]  }
0x29: {  	s4 =	sld [smem:$0x3FB1]  }
0x2a: {  	p0 =	seq.s32 s5, $0x0;
	s5 =	sld [smem:$0x3FB2]  }
0x2b: {  	s6 =	sld [smem:$0x3FB3]  }
0x2c: {  	s7 =	sld [smem:$0x3FB4]  }
0x2d: {  	s3 =	simm.s32 $0x108;
	s8 =	sld [smem:$0x3FB5]  }
0x2e: {  	s3 =	simm.s32 @!p0 $0x1082;
	s9 =	sld [smem:$0x3FB6]  }
0x2f: {  	lr =	sadd.s32 s0, s3;
	s0 =	sld [smem:$0x3FAD]  }
0x30: {  	s3 =	sld [smem:$0x3FB0]  }
0x31: {  	[smem:$0x3FB9] =	sst s10  }
0x32: {  	s10 =	sld [smem:$0x3FB7];
	_ =	sdelay $0x3  }
0x33: {  	p0 =	seq.s32 s10, $0x1;
	s10 =	sld [smem:$0x3FB9];
	_ =	sdelay $0x3  }
0x34: {  	[smem:$0x3FB9] =	sst s10  }
0x35: {  	s10 =	sld [smem:$0x3FB8];
	_ =	sdelay $0x3  }
0x36: {  	p1 =	seq.s32 s10, $0x1;
	s10 =	sld [smem:$0x3FB9];
	_ =	sdelay $0x3  }
0x37: {  	[smem:$0x3FB9] =	sst s10  }
0x38: {  	s10 =	sld [smem:$0x3FBA]  }
0x39: {  	_ = 	snop;
	(pc) =	sbr.ind lr, $3  }
0x3a: {  	_ = 	snop  }
0x3b: {  	_ = 	snop  }
0x3c: {  	p2 =	seq.s32 s10, $0x1;
	s10 =	sld [smem:$0x3FB9]  }
0x3d: {  	_ =	shalt  }
0x3e: {  	_ =	shalt  }
0x3f: {  	_ =	shalt  }
0x40: {  	_ =	shalt  }
0x41: {  	_ =	shalt  }
0x42: {  	_ =	shalt  }
0x43: {  	_ =	shalt  }
0x44: {  	_ =	shalt  }
0x45: {  	_ =	shalt  }
0x46: {  	_ =	shalt  }
0x47: {  	_ =	shalt  }
0x48: {  	_ =	shalt  }
0x49: {  	_ =	shalt  }
0x4a: {  	_ =	shalt  }
0x4b: {  	_ =	shalt  }
0x4c: {  	_ =	shalt  }
0x4d: {  	_ =	shalt  }
0x4e: {  	_ =	shalt  }
0x4f: {  	_ =	shalt  }
0x50: {  	_ =	shalt  }
0x51: {  	_ =	shalt  }
0x52: {  	_ =	shalt  }
0x53: {  	_ =	shalt  }
0x54: {  	_ =	shalt  }
0x55: {  	_ =	shalt  }
0x56: {  	_ =	shalt  }
0x57: {  	_ =	shalt  }
0x58: {  	_ =	shalt  }
0x59: {  	_ =	shalt  }
0x5a: {  	_ =	shalt  }
0x5b: {  	_ =	shalt  }
0x5c: {  	_ =	shalt  }
0x5d: {  	_ =	shalt  }
0x5e: {  	_ =	shalt  }
0x5f: {  	_ =	shalt  }
0x60: {  	_ =	shalt  }
0x61: {  	_ =	shalt  }
0x62: {  	_ =	shalt  }
0x63: {  	_ =	shalt  }
0x64: {  	_ =	shalt  }
0x65: {  	_ =	shalt  }
0x66: {  	_ =	shalt  }
0x67: {  	_ =	shalt  }
0x68: {  	_ =	shalt  }
0x69: {  	_ =	shalt  }
0x6a: {  	_ =	shalt  }
0x6b: {  	_ =	shalt  }
0x6c: {  	_ =	shalt  }
0x6d: {  	_ =	shalt  }
0x6e: {  	_ =	shalt  }
0x6f: {  	_ =	shalt  }
0x70: {  	_ =	shalt  }
0x71: {  	_ =	shalt  }
0x72: {  	_ =	shalt  }
0x73: {  	_ =	shalt  }
0x74: {  	_ =	shalt  }
0x75: {  	_ =	shalt  }
0x76: {  	_ =	shalt  }
0x77: {  	_ =	shalt  }
0x78: {  	_ =	shalt  }
0x79: {  	_ =	shalt  }
0x7a: {  	_ =	shalt  }
0x7b: {  	_ =	shalt  }
0x7c: {  	_ =	shalt  }
0x7d: {  	_ =	shalt  }
0x7e: {  	_ =	shalt  }
0x7f: {  	_ =	shalt  }
0x80: {  	_ =	shalt  }
0x81: {  	_ =	shalt  }
0x82: {  	_ =	shalt  }
0x83: {  	_ =	shalt  }
0x84: {  	_ =	shalt  }
0x85: {  	_ =	shalt  }
0x86: {  	_ =	shalt  }
0x87: {  	_ =	shalt  }
.Lfunc_end0:
.L_simem_size_0:
called_computation.3_lowered:
.L_overlay_start_0:
0x88: {  	s2 =	sld [smem:$0x3FD9]  }
0x89: {  	s3 =	sld [smem:$0x3FFE];
	_ =	sdelay $0x1  }
0x8a: {  	s1 =	srdreg.scid  }
0x8b: {  	s0 =	sand.u32 $0x1, s1  }
0x8c: {  	s17 =	sshll.u32 s0, $0xA;
	s2 =	sadd.s32 s3, s2  }
0x8d: {  	s2 =	sadd.s32 s2, s17  }
0x8e: {  	[smem:$0x3FC5] =	sst s2  }
0x8f: {  	_ = 	snop  }
0x90: {  	s2 =	sld [smem:$0x3FD0];
	(tm) =	ssettm $0x1  }
0x91: {  	s18 =	sld [smem:$0x3FFB];
	_ =	sdelay $0x3  }
0x92: {  	_ =	strace s18  }
0x93: {  	s3 =	sld [smem:$0x3FFC];
	_ =	sdelay $0x3  }
0x94: {  	_ =	strace s3  }
0x95: {  	s3 =	sld [smem:$0x3FFD];
	_ =	sdelay $0x3  }
0x96: {  	_ =	strace s3  }
0x97: {  	_ =	strace $0x8FFFFFFF  }
0x98: {  	s19 =	sld [smem:$0x3FDB];
	_ =	sdelay $0x1  }
0x99: {  	s4 =	simm.s32 $_scs_section_size  }
0x9a: {  	s5 =	simm.s32 $_size__tile_overlayer_lowered;
	s6 =	simm.s32 $_tile_overlayer_lowered  }
0x9b: {  	s22 =	simm.s32 $0x1BFF;
	s21 =	sshll.u32 s6, $0x1;
	s3 =	sadd.s32 s4, s19  }
0x9c: {  	s7 =	simm.s32 $0x0;
	s20 =	sshll.u32 s5, $0x1;
	s5 =	sadd.s32 s21, s3  }
0x9d: {  	[timem:s7], [sflag:s22] =	dma.local [hbm:s5], s20  }
0x9e: {  	_ =	swait.ge [sflag:s22], s20  }
0x9f: {  	s4 =	ssub.s32 $0x0, s20;
	[sflag:s22] =	ssyncset.done $0x0  }
0xa0: {  	[sflag:s22] =	ssyncadd.s32 s4;
	_ =	sdelay $0x1  }
0xa1: {  	s23 =	simm.s32 $0x1B8B  }
0xa2: {  	_ =	swait.ge [sflag:s23], $0x1  }
0xa3: {  	[sflag:s23] =	ssyncset.done $0x0  }
0xa4: {  	s25 =	simm.s32 $0x1B8E;
	s24 =	sld [smem:$0x3FFE];
	[sflag:s23] =	ssyncadd.s32 $0xFFFFFFFF  }
0xa5: {  	s26 =	simm.s32 $execute0_lowered;
	[smem:$0x3FD2] =	sst s25  }
0xa6: {  	s5 =	sshll.u32 s26, $0x1;
	_ =	strace $0x8000004F;
	[dreg:$0x1] =	wrdreg $0xFFFFFFFF  }
0xa7: {  	s28 =	simm.s32 $_size_execute0_lowered;
	s3 =	sadd.s32 s3, s5;
	[dreg:$0x0] =	wrdreg $0x0  }
0xa8: {  	s5 =	sshll.u32 s28, $0x1;
	[dreg:$0x2] =	wrdreg s3  }
0xa9: {  	[dreg:$0x3] =	wrdreg s5  }
0xaa: {  	[dreg:$0x4] =	wrdreg $0xC0  }
0xab: {  	_ =	task [dreg:s7], $0x5FFFF  }
0xac: {  	[dreg:$0x1] =	wrdreg $0xFFFFFFFF  }
0xad: {  	[dreg:$0x0] =	wrdreg $0x60  }
0xae: {  	[dreg:$0x2] =	wrdreg s24  }
0xaf: {  	[dreg:$0x3] =	wrdreg s2  }
0xb0: {  	[dreg:$0x4] =	wrdreg $0x0  }
0xb1: {  	[dreg:$0x5] =	wrdreg $0x9  }
0xb2: {  	_ =	task.clear_ibuf [dreg:s7], $0x6FFFF;
	_ =	strace $0x9000004F  }
0xb3: {  	s29 =	simm.s32 $0x9;
	_ =	strace $0x80000051  }
0xb4: {  	_ =	swait.ge [sflag:s29], $0x1  }
0xb5: {  	[sflag:s29] =	ssyncadd.s32 $0xFFFFFFFF  }
0xb6: {  	_ =	strace $0x90000051  }
0xb7: {  	_ =	sfence  }
0xb8: {  	s30 =	sld [smem:$0x0];
	_ =	sdelay $0x2  }
0xb9: {  	s31 =	sshll.u32 s1, $0xD;
	s1 =	sshrl.u32 s1, $0x2  }
0xba: {  	s3 =	sand.u32 $0x4000, s31;
	s1 =	sadd.s32 s1, s30  }
0xbb: {  	s0 =	sor.u32 s3, s0;
	s1 =	sshll.u32 s1, $0x11  }
0xbc: {  	s0 =	sor.u32 s1, s0  }
0xbd: {  	s0 =	sadd.s32 $0x8F2B, s0  }
0xbe: {  	[sflag:s0] =	ssyncadd.remote.s32 $0x1  }
0xbf: {  	_ =	sfence.sel $0xFFFF  }
0xc0: {  	[dreg:$0x0] =	wrdreg $0xFFFFFFFF;
	(pc) =	sbr.abs _section_cstart, $3  }
0xc1: {  	[dreg:$0x1] =	wrdreg $0xFFFFFFFF  }
0xc2: {  	_ =	task.clear_ibuf [dreg:s7], $0x2FFFF;
	_ =	strace $0x9FFFFFFF  }
0xc3: {  	(tm) =	ssettm $0x7FFFFFFF  }
tec
execute0_lowered:
.L_overlay_start_1:
0x0: {  	(tag) =	ssettag $0x1  }
0x1: {  	s5 =	rddreg [dreg:$0x0]  }
0x2: {  	s0 =	srdreg.scid;
	s2 =	rddreg [dreg:$0x1]  }
0x3: {  	s22 =	stileid.u32;
	s3 =	rddreg [dreg:$0x2]  }
0x4: {  	s4 =	simm.s32 $0x0;
	s28 =	simm.s32 $0x1;
	s29 =	simm.s32 $0x0  }
0x5: {  	s6 =	sand.u32 $0x1, s0;
	[smem:$0x7FF] =	sst s4;
	s15 =	smul.u32 $0x14000, s22  }
0x6: {  	s9 =	smul.u32 $0x50000, s22;
	s17 =	sadd.s32 $0x69400, s5;
	s1 =	sshll.u32 s6, $0x4  }
0x7: {  	s16 =	smul.u32 $0x140000, s6;
	_ =	strace $0x80000050;
	s6 =	ssub.s32 $0x2, s6  }
0x8: {  	s7 =	sor.u32 s22, s1;
	s8 =	sshrl.u32 s6, $0x1;
	s24 =	sshrl.u32 s9, $0x2  }
0x9: {  	s18 =	sadd.s32 $0x4000, s15;
	s19 =	sadd.s32 $0x8000, s15;
	s20 =	sadd.s32 $0xC000, s15  }
0xa: {  	s21 =	sadd.s32 $0x10000, s15;
	s7 =	smul.u32 $0x500, s7;
	s10 =	ssub.s32 s6, s8  }
0xb: {  	s23 =	sadd.s32 s16, s15;
	s14 =	sadd.s32 s16, s18;
	s22 =	sadd.s32 s18, s3  }
0xc: {  	s26 =	sadd.s32 s16, s19;
	s30 =	sadd.s32 s16, s20;
	s16 =	sadd.s32 s16, s21  }
0xd: {  	s25 =	sshrl.u32 s23, $0x3;
	s9 =	smax.u32 s10, $0x1;
	s14 =	sshrl.u32 s14, $0x3  }
0xe: {  	s18 =	sshrl.u32 s26, $0x3;
	s23 =	sadd.s32 s19, s3;
	s31 =	sshrl.u32 s16, $0x3  }
0xf: {  	s19 =	simm.s32 $0x2;
	s22 =	sshrl.u32 s22, $0x3;
	s26 =	simm.s32 $0x80  }
0x10: {  	s7 =	sadd.s32 s7, s5;
	s8 =	sadd.s32 s17, s25;
	s14 =	sadd.s32 s17, s14  }
0x11: {  	s15 =	sadd.s32 s17, s18;
	s18 =	sshrl.u32 s30, $0x3;
	s25 =	sadd.s32 s21, s3  }
0x12: {  	s21 =	simm.s32 $0x18F00;
	s23 =	sshrl.u32 s23, $0x3;
	s5 =	sadd.s32 $0xF400, s7  }
0x13: {  	s6 =	sadd.s32 $0x5400, s7;
	s7 =	sadd.s32 s24, s3;
	s16 =	sadd.s32 s17, s18  }
0x14: {  	s24 =	sadd.s32 s20, s3;
	s17 =	sadd.s32 s17, s31;
	s20 =	simm.s32 $0x16780  }
0x15: {  	s25 =	sshrl.u32 s25, $0x3;
	s10 =	sadd.s32 $0x4000, s7;
	s11 =	sadd.s32 $0x8000, s7  }
0x16: {  	v0 =	vimm.f32 $0.0e+00;
	s12 =	sadd.s32 $0xC000, s7;
	s13 =	sadd.s32 $0x10000, s7;
	s24 =	sshrl.u32 s24, $0x3  }
.LBB2_1:
0x17: {  	s0 =	simm.s32 $0x14000  }
0x18: {  	[tilespmem:s0], [sflag:$0x2] =	stream.linear.gather [hbm4b:s5+s4], $0x2780, $0x38;
	[tilespmem:$0x1CF00] =	vst v63  }
0x19: {  	_ =	swait.ge [sflag:s19], $0x2780  }
0x1a: {  	[sflag:s19] =	ssyncset.done $0x0  }
0x1b: {  	[sflag:s19] =	ssyncadd.s32 $0xFFFFD880  }
0x1c: {  	[tilespmem:s20], [sflag:$0x2] =	stream.linear.gather [hbm4b:s6+s4], $0x2780, $0x38;
	[tilespmem:$0x1CF00] =	vst v63  }
0x1d: {  	_ =	swait.ge [sflag:s19], $0x2780  }
0x1e: {  	[sflag:s19] =	ssyncset.done $0x0  }
0x1f: {  	s30 =	simm.s32 $0x0;
	s31 =	simm.s32 $0x200;
	[sflag:s19] =	ssyncadd.s32 $0xFFFFD880  }
.LBB2_2:
0x20: {  	p0 =	sne.s32 s31, $0xFE00;
	[tilespmem:s30+$0x18F70] =	vst v0  }
0x21: {  	[tilespmem:s30+$0x18F00] =	vst v0  }
0x22: {  	[tilespmem:s30+$0x18F10] =	vst v0  }
.Ltmp0:
0x23: {  	[tilespmem:s30+$0x18F20] =	vst v0;
	(pc) =	sbr.rel @p0 .LBB2_2-.Ltmp0, $4  }
0x24: {  	[tilespmem:s30+$0x18F30] =	vst v0  }
0x25: {  	[tilespmem:s30+$0x18F40] =	vst v0  }
0x26: {  	[tilespmem:s30+$0x18F50] =	vst v0  }
0x27: {  	[tilespmem:s30+$0x18F60] =	vst v0;
	s30 =	sshra.s32 s31, $0x2;
	s31 =	sadd.s32 $0x200, s31  }
0x28: {  	[tilespmem:s30+$0x18F70] =	vst v0  }
0x29: {  	[tilespmem:s30+$0x18F00] =	vst v0  }
0x2a: {  	[tilespmem:s30+$0x18F10] =	vst v0  }
0x2b: {  	[tilespmem:s30+$0x18F20] =	vst v0  }
0x2c: {  	[tilespmem:s30+$0x18F30] =	vst v0  }
0x2d: {  	[tilespmem:s30+$0x18F40] =	vst v0  }
0x2e: {  	[tilespmem:s30+$0x18F50] =	vst v0  }
0x2f: {  	[tilespmem:s30+$0x18F60] =	vst v0  }
0x30: {  	[spmem:s7] =	stream.linear.scatter [tilespmem:s21], [sflag:$0x2], $0x4000, $0x38;
	[tilespmem:$0x1CF00] =	vst v63  }
0x31: {  	_ =	swait.ge [sflag:s19], $0x4000  }
0x32: {  	[sflag:s19] =	ssyncset.done $0x0  }
0x33: {  	[sflag:s19] =	ssyncadd.s32 $0xFFFFC000  }
0x34: {  	[spmem:s10] =	stream.linear.scatter [tilespmem:s21], [sflag:$0x2], $0x4000, $0x38;
	[tilespmem:$0x1CF00] =	vst v63  }
0x35: {  	_ =	swait.ge [sflag:s19], $0x4000  }
0x36: {  	[sflag:s19] =	ssyncset.done $0x0  }
0x37: {  	[sflag:s19] =	ssyncadd.s32 $0xFFFFC000  }
0x38: {  	[spmem:s11] =	stream.linear.scatter [tilespmem:s21], [sflag:$0x2], $0x4000, $0x38;
	[tilespmem:$0x1CF00] =	vst v63  }
0x39: {  	_ =	swait.ge [sflag:s19], $0x4000  }
0x3a: {  	[sflag:s19] =	ssyncset.done $0x0  }
0x3b: {  	[sflag:s19] =	ssyncadd.s32 $0xFFFFC000  }
0x3c: {  	[spmem:s12] =	stream.linear.scatter [tilespmem:s21], [sflag:$0x2], $0x4000, $0x38;
	[tilespmem:$0x1CF00] =	vst v63  }
0x3d: {  	_ =	swait.ge [sflag:s19], $0x4000  }
0x3e: {  	[sflag:s19] =	ssyncset.done $0x0  }
0x3f: {  	[sflag:s19] =	ssyncadd.s32 $0xFFFFC000  }
0x40: {  	[spmem:s13] =	stream.linear.scatter [tilespmem:s21], [sflag:$0x2], $0x4000, $0x38;
	[tilespmem:$0x1CF00] =	vst v63  }
0x41: {  	_ =	swait.ge [sflag:s19], $0x4000  }
0x42: {  	[sflag:s19] =	ssyncset.done $0x0  }
0x43: {  	[sflag:s19] =	ssyncadd.s32 $0xFFFFC000  }
0x44: {  	s30 =	simm.s32 $0x14000;
	[bflag:$0x0] =	sbarrier.arrive $0xFFFF  }
0x45: {  	[tilespmem:s21], [sflag:$0x1] =	stream.indirect.gather [hbm4b:s2+s26], $0x80, s30, s26, $0xb8;
	[tilespmem:$0x1CF00] =	vst v63  }
0x46: {  	_ =	swait.ge [sflag:s28], $0x4000  }
0x47: {  	[sflag:s28] =	ssyncset.done $0x0  }
0x48: {  	s30 =	simm.s32 $0x16780;
	[sflag:s28] =	ssyncadd.s32 $0xFFFFC000  }
0x49: {  	[spmem:s3] =	stream.indirect.scatter.add.f32 [tilespmem:s21], [sflag:$0x2], $0x80, s30, s26, $0xb8;
	[tilespmem:$0x1CF00] =	vst v63  }
0x4a: {  	_ =	swait.ge [sflag:s19], $0x4000  }
0x4b: {  	s31 =	simm.s32 $0x400;
	s30 =	simm.s32 $0x80;
	[sflag:s19] =	ssyncset.done $0x0  }
.LBB2_4:
0x4c: {  	s1 =	sadd.s32 $0x14000, s30  }
0x4d: {  	[sflag:s19] =	ssyncadd.s32 $0xFFFFC000;
	s0 =	smov.u32 s31;
	s18 =	sadd.s32 $0x200, s31  }
0x4e: {  	[tilespmem:s21], [sflag:$0x1] =	stream.indirect.gather [hbm4b:s2+s26], $0x80, s1, s26, $0xb8;
	[tilespmem:$0x1CF00] =	vst v63  }
0x4f: {  	p0 =	sne.s32 s31, $0x9C00;
	_ =	swait.ge [sflag:s28], $0x4000  }
.Ltmp1:
0x50: {  	[sflag:s28] =	ssyncset.done $0x0;
	(pc) =	sbr.rel @p0 .LBB2_4-.Ltmp1, $4  }
0x51: {  	s1 =	sadd.s32 $0x16780, s30;
	[sflag:s28] =	ssyncadd.s32 $0xFFFFC000  }
0x52: {  	[spmem:s3] =	stream.indirect.scatter.add.f32 [tilespmem:s21], [sflag:$0x2], $0x80, s1, s26, $0xb8;
	[tilespmem:$0x1CF00] =	vst v63  }
0x53: {  	_ =	swait.ge [sflag:s19], $0x4000  }
0x54: {  	s30 =	sshra.s32 s0, $0x2;
	s31 =	smov.u32 s18;
	[sflag:s19] =	ssyncset.done $0x0  }
0x55: {  	s0 =	sadd.s32 $0x14000, s30;
	[sflag:s19] =	ssyncadd.s32 $0xFFFFC000  }
0x56: {  	[tilespmem:s21], [sflag:$0x1] =	stream.indirect.gather [hbm4b:s2+s26], $0x80, s0, s26, $0xb8;
	[tilespmem:$0x1CF00] =	vst v63  }
0x57: {  	_ =	swait.ge [sflag:s28], $0x4000  }
0x58: {  	[sflag:s28] =	ssyncset.done $0x0  }
0x59: {  	s30 =	sadd.s32 $0x16780, s30;
	[sflag:s28] =	ssyncadd.s32 $0xFFFFC000  }
0x5a: {  	[spmem:s3] =	stream.indirect.scatter.add.f32 [tilespmem:s21], [sflag:$0x2], $0x80, s30, s26, $0xb8;
	[tilespmem:$0x1CF00] =	vst v63  }
0x5b: {  	_ =	swait.ge [sflag:s19], $0x4000  }
0x5c: {  	s31 =	stileid.u32;
	[sflag:s19] =	ssyncset.done $0x0  }
0x5d: {  	s0 =	sshll.u32 s31, $0x6;
	[sflag:s19] =	ssyncadd.s32 $0xFFFFC000  }
0x5e: {  	s1 =	sshrl.u32 s7, $0x3;
	s0 =	sor.u32 $0x1C02, s0;
	[bflag:$0x0] =	sbarrier.arrive $0xFFFF  }
0x5f: {  	[hbm:s8], [sflag:s0] =	dma.local [spmem:s1], $0x800  }
0x60: {  	_ =	swait.ge [sflag:s19], $0x800  }
0x61: {  	[sflag:s19] =	ssyncset.done $0x0  }
0x62: {  	[sflag:s19] =	ssyncadd.s32 $0xFFFFF800  }
0x63: {  	[hbm:s14], [sflag:s0] =	dma.local [spmem:s22], $0x800  }
0x64: {  	_ =	swait.ge [sflag:s19], $0x800  }
0x65: {  	[sflag:s19] =	ssyncset.done $0x0  }
0x66: {  	[sflag:s19] =	ssyncadd.s32 $0xFFFFF800  }
0x67: {  	[hbm:s15], [sflag:s0] =	dma.local [spmem:s23], $0x800  }
0x68: {  	_ =	swait.ge [sflag:s19], $0x800  }
0x69: {  	[sflag:s19] =	ssyncset.done $0x0  }
0x6a: {  	[sflag:s19] =	ssyncadd.s32 $0xFFFFF800  }
0x6b: {  	[hbm:s16], [sflag:s0] =	dma.local [spmem:s24], $0x800  }
0x6c: {  	s29 =	sadd.s32 $0x1, s29;
	_ =	swait.ge [sflag:s19], $0x800  }
0x6d: {  	p0 =	sne.s32 s29, s9;
	[sflag:s19] =	ssyncset.done $0x0  }
.Ltmp2:
0x6e: {  	[sflag:s19] =	ssyncadd.s32 $0xFFFFF800;
	(pc) =	sbr.rel @p0 .LBB2_1-.Ltmp2, $4  }
0x6f: {  	[hbm:s17], [sflag:s0] =	dma.local [spmem:s25], $0x800  }
0x70: {  	_ =	swait.ge [sflag:s19], $0x800  }
0x71: {  	[sflag:s19] =	ssyncset.done $0x0  }
0x72: {  	[sflag:s19] =	ssyncadd.s32 $0xFFFFF800  }
0x73: {  	_ =	sfence.sel $0x180000  }
0x74: {  	[bflag:$0x0] =	sbarrier.arrive $0xFFFF  }
0x75: {  	_ =	strace $0x90000050  }
0x76: {  	s0 =	stileid.u32;
	[bflag:$0x2] =	sbarrier.arrive $0xFFFF  }
0x77: {  	p0 =	sne.s32 s0, $0x0;
	s0 =	rddreg [dreg:$0x3]  }
0x78: {  	s0 =	sadd.s32 @!p0 $0x100000, s0  }
0x79: {  	[sflag:s0] =	ssyncadd.tile.s32 @!p0 $0x1;
	_ =	shalt  }
.Lfunc_end2:
_tile_overlayer_lowered:
.L_overlay_start_2:
0x7a: {  	(tag) =	ssettag $0x2  }
0x7b: {  	s0 =	rddreg [dreg:$0x0];
	s2 =	stileid.u32  }
0x7c: {  	s1 =	rddreg [dreg:$0x1];
	p0 =	sne.s32 s2, $0x0  }
0x7d: {  	s3 =	rddreg [dreg:$0x2];
	[bflag:$0x3] =	sbarrier.arrive $0xFFFF;
	s2 =	simm.s32 @!p0 $0x1C02  }
0x7e: {  	[timem:s3], [sflag:s2] =	dma.local @!p0 [hbm:s0], s1  }
0x7f: {  	s0 =	simm.s32 @!p0 $0x2  }
0x80: {  	_ =	swait.ge @!p0 [sflag:s0], s1  }
0x81: {  	s1 =	ssub.s32 @!p0 $0x0, s1;
	[sflag:s0] =	ssyncset.done @!p0 $0x0  }
0x82: {  	[sflag:s0] =	ssyncadd.s32 @!p0 s1  }
0x83: {  	[bflag:$0x3] =	sbarrier.arrive $0xFFFF  }
0x84: {  	_ =	shalt  }

// kernel: kernel.35.cloned.1.call-start
scs
__scs_entry_jumppad:
0x0: {  	(pc) =	sbr.rel $0x88, $3  }
0x1: {  	(tag) =	ssettag $0x0;
	lr =	simm.s32 $0x1  }
0x2: {  	[smem:$0x3F9E] =	sst lr;
	_ =	strace $0xD0000000  }
0x3: {  	_ = 	snop  }
0x4: {  	_ = 	snop  }
0x5: {  	_ = 	snop  }
0x6: {  	_ = 	snop  }
0x7: {  	_ = 	snop  }
__scs_overlays_trampoline_lowered:
0x8: {  	[smem:$0x3FAD] =	sst s0  }
0x9: {  	[smem:$0x3FAE] =	sst s1  }
0xa: {  	[smem:$0x3FAF] =	sst s2  }
0xb: {  	[smem:$0x3FB0] =	sst s3  }
0xc: {  	[smem:$0x3FB1] =	sst s4  }
0xd: {  	[smem:$0x3FB2] =	sst s5  }
0xe: {  	[smem:$0x3FB3] =	sst s6  }
0xf: {  	[smem:$0x3FB4] =	sst s7  }
0x10: {  	[smem:$0x3FB5] =	sst s8  }
0x11: {  	[smem:$0x3FB6] =	sst s9;
	s0 =	simm.s32 @!p0 $0x0  }
0x12: {  	s1 =	sld [smem:$0x3F9C];
	s0 =	simm.s32 @p0 $0x1  }
0x13: {  	[smem:$0x3FB7] =	sst s0;
	s0 =	simm.s32 @!p1 $0x0  }
0x14: {  	s2 =	sld [smem:$0x3F9B];
	s0 =	simm.s32 @p1 $0x1  }
0x15: {  	[smem:$0x3FB8] =	sst s0;
	s0 =	simm.s32 @!p2 $0x0  }
0x16: {  	s3 =	sld [smem:$0x3FDB];
	s0 =	simm.s32 @p2 $0x1  }
0x17: {  	s4 =	simm.s32 $0x1BF5;
	[smem:$0x3FBA] =	sst s0  }
0x18: {  	s0 =	sld [smem:$0x3F9D];
	_ =	swait.ge [sflag:s4], $0x0  }
0x19: {  	s7 =	sld [smem:$0x3F9E]  }
0x1a: {  	s8 =	sadd.s32 $0xFFFFE003, lr  }
0x1b: {  	s9 =	sadd.s32 $0xFFFFFEF7, lr;
	s5 =	simm.s32 $0xFFFFFFFF;
	p2 =	slt.u32 s8, $0xFFFFF086  }
0x1c: {  	p1 =	slt.u32 s9, $0xF7A;
	s5 =	simm.s32 @!p2 $0x0  }
0x1d: {  	s5 =	simm.s32 @p1 $0x1;
	p0 =	seq.s32 s7, s2  }
0x1e: {  	s7 =	smul.u32 @!p0 $0xF7A, s2;
	p2 =	seq.s32 @!p0 s5, $0x0  }
0x1f: {  	s9 =	smul.u32 $0xF7A, s1;
	s8 =	simm.s32 @!p0 $0x1BF5;
	p2 =	por !p2, p0  }
0x20: {  	[sflag:s8] =	ssyncset.s32 @!p0 $0xFFFFF086;
	s6 =	sadd.s32 @!p0 s3, s7;
	s7 =	simm.s32 @!p0 $0x108  }
0x21: {  	s3 =	sadd.s32 s3, s9;
	s6 =	sadd.s32 @!p0 $0x88, s6;
	s7 =	simm.s32 @p2 $0x1082  }
0x22: {  	[simem:s7], [sflag:s8] =	dma.local @!p0 [hbm:s6], $0xF7A  }
0x23: {  	s9 =	sor.u32 $0xD0000000, s2;
	s6 =	simm.s32 $0x108;
	_ =	swait.ge @!p0 [sflag:s8], $0x0  }
0x24: {  	s3 =	sadd.s32 $0x88, s3;
	s6 =	simm.s32 @!p1 $0x1082;
	[sflag:s4] =	ssyncset.s32 $0xFFFFF086  }
0x25: {  	[simem:s6], [sflag:s4] =	dma.local [hbm:s3], $0xF7A  }
0x26: {  	[smem:$0x3F9E] =	sst s1;
	(tag) =	ssettag s2;
	_ =	strace s9  }
0x27: {  	s1 =	sld [smem:$0x3FAE]  }
0x28: {  	s2 =	sld [smem:$0x3FAF]  }
0x29: {  	s4 =	sld [smem:$0x3FB1]  }
0x2a: {  	p0 =	seq.s32 s5, $0x0;
	s5 =	sld [smem:$0x3FB2]  }
0x2b: {  	s6 =	sld [smem:$0x3FB3]  }
0x2c: {  	s7 =	sld [smem:$0x3FB4]  }
0x2d: {  	s3 =	simm.s32 $0x108;
	s8 =	sld [smem:$0x3FB5]  }
0x2e: {  	s3 =	simm.s32 @!p0 $0x1082;
	s9 =	sld [smem:$0x3FB6]  }
0x2f: {  	lr =	sadd.s32 s0, s3;
	s0 =	sld [smem:$0x3FAD]  }
0x30: {  	s3 =	sld [smem:$0x3FB0]  }
0x31: {  	[smem:$0x3FB9] =	sst s10  }
0x32: {  	s10 =	sld [smem:$0x3FB7];
	_ =	sdelay $0x3  }
0x33: {  	p0 =	seq.s32 s10, $0x1;
	s10 =	sld [smem:$0x3FB9];
	_ =	sdelay $0x3  }
0x34: {  	[smem:$0x3FB9] =	sst s10  }
0x35: {  	s10 =	sld [smem:$0x3FB8];
	_ =	sdelay $0x3  }
0x36: {  	p1 =	seq.s32 s10, $0x1;
	s10 =	sld [smem:$0x3FB9];
	_ =	sdelay $0x3  }
0x37: {  	[smem:$0x3FB9] =	sst s10  }
0x38: {  	s10 =	sld [smem:$0x3FBA]  }
0x39: {  	_ = 	snop;
	(pc) =	sbr.ind lr, $3  }
0x3a: {  	_ = 	snop  }
0x3b: {  	_ = 	snop  }
0x3c: {  	p2 =	seq.s32 s10, $0x1;
	s10 =	sld [smem:$0x3FB9]  }
0x3d: {  	_ =	shalt  }
0x3e: {  	_ =	shalt  }
0x3f: {  	_ =	shalt  }
0x40: {  	_ =	shalt  }
0x41: {  	_ =	shalt  }
0x42: {  	_ =	shalt  }
0x43: {  	_ =	shalt  }
0x44: {  	_ =	shalt  }
0x45: {  	_ =	shalt  }
0x46: {  	_ =	shalt  }
0x47: {  	_ =	shalt  }
0x48: {  	_ =	shalt  }
0x49: {  	_ =	shalt  }
0x4a: {  	_ =	shalt  }
0x4b: {  	_ =	shalt  }
0x4c: {  	_ =	shalt  }
0x4d: {  	_ =	shalt  }
0x4e: {  	_ =	shalt  }
0x4f: {  	_ =	shalt  }
0x50: {  	_ =	shalt  }
0x51: {  	_ =	shalt  }
0x52: {  	_ =	shalt  }
0x53: {  	_ =	shalt  }
0x54: {  	_ =	shalt  }
0x55: {  	_ =	shalt  }
0x56: {  	_ =	shalt  }
0x57: {  	_ =	shalt  }
0x58: {  	_ =	shalt  }
0x59: {  	_ =	shalt  }
0x5a: {  	_ =	shalt  }
0x5b: {  	_ =	shalt  }
0x5c: {  	_ =	shalt  }
0x5d: {  	_ =	shalt  }
0x5e: {  	_ =	shalt  }
0x5f: {  	_ =	shalt  }
0x60: {  	_ =	shalt  }
0x61: {  	_ =	shalt  }
0x62: {  	_ =	shalt  }
0x63: {  	_ =	shalt  }
0x64: {  	_ =	shalt  }
0x65: {  	_ =	shalt  }
0x66: {  	_ =	shalt  }
0x67: {  	_ =	shalt  }
0x68: {  	_ =	shalt  }
0x69: {  	_ =	shalt  }
0x6a: {  	_ =	shalt  }
0x6b: {  	_ =	shalt  }
0x6c: {  	_ =	shalt  }
0x6d: {  	_ =	shalt  }
0x6e: {  	_ =	shalt  }
0x6f: {  	_ =	shalt  }
0x70: {  	_ =	shalt  }
0x71: {  	_ =	shalt  }
0x72: {  	_ =	shalt  }
0x73: {  	_ =	shalt  }
0x74: {  	_ =	shalt  }
0x75: {  	_ =	shalt  }
0x76: {  	_ =	shalt  }
0x77: {  	_ =	shalt  }
0x78: {  	_ =	shalt  }
0x79: {  	_ =	shalt  }
0x7a: {  	_ =	shalt  }
0x7b: {  	_ =	shalt  }
0x7c: {  	_ =	shalt  }
0x7d: {  	_ =	shalt  }
0x7e: {  	_ =	shalt  }
0x7f: {  	_ =	shalt  }
0x80: {  	_ =	shalt  }
0x81: {  	_ =	shalt  }
0x82: {  	_ =	shalt  }
0x83: {  	_ =	shalt  }
0x84: {  	_ =	shalt  }
0x85: {  	_ =	shalt  }
0x86: {  	_ =	shalt  }
0x87: {  	_ =	shalt  }
.Lfunc_end0:
.L_simem_size_0:
called_computation.4_lowered:
.L_overlay_start_0:
0x88: {  	s2 =	sld [smem:$0x3FD9]  }
0x89: {  	s3 =	sld [smem:$0x3FFE];
	_ =	sdelay $0x1  }
0x8a: {  	s1 =	srdreg.scid  }
0x8b: {  	s0 =	sand.u32 $0x1, s1  }
0x8c: {  	s17 =	sshll.u32 s0, $0xA;
	s2 =	sadd.s32 s3, s2  }
0x8d: {  	s2 =	sadd.s32 s2, s17  }
0x8e: {  	[smem:$0x3FC5] =	sst s2  }
0x8f: {  	_ = 	snop  }
0x90: {  	s2 =	sld [smem:$0x3FD0];
	(tm) =	ssettm $0x1  }
0x91: {  	s18 =	sld [smem:$0x3FFB];
	_ =	sdelay $0x3  }
0x92: {  	_ =	strace s18  }
0x93: {  	s3 =	sld [smem:$0x3FFC];
	_ =	sdelay $0x3  }
0x94: {  	_ =	strace s3  }
0x95: {  	s3 =	sld [smem:$0x3FFD];
	_ =	sdelay $0x3  }
0x96: {  	_ =	strace s3  }
0x97: {  	_ =	strace $0x8FFFFFFF  }
0x98: {  	s19 =	sld [smem:$0x3FDB];
	_ =	sdelay $0x1  }
0x99: {  	s4 =	simm.s32 $_scs_section_size  }
0x9a: {  	s5 =	simm.s32 $_size__tile_overlayer_lowered;
	s6 =	simm.s32 $_tile_overlayer_lowered  }
0x9b: {  	s22 =	simm.s32 $0x1BFF;
	s21 =	sshll.u32 s6, $0x1;
	s3 =	sadd.s32 s4, s19  }
0x9c: {  	s7 =	simm.s32 $0x0;
	s20 =	sshll.u32 s5, $0x1;
	s5 =	sadd.s32 s21, s3  }
0x9d: {  	[timem:s7], [sflag:s22] =	dma.local [hbm:s5], s20  }
0x9e: {  	_ =	swait.ge [sflag:s22], s20  }
0x9f: {  	s4 =	ssub.s32 $0x0, s20;
	[sflag:s22] =	ssyncset.done $0x0  }
0xa0: {  	[sflag:s22] =	ssyncadd.s32 s4;
	_ =	sdelay $0x1  }
0xa1: {  	s23 =	simm.s32 $0x1B8B  }
0xa2: {  	_ =	swait.ge [sflag:s23], $0x1  }
0xa3: {  	[sflag:s23] =	ssyncset.done $0x0  }
0xa4: {  	s25 =	simm.s32 $0x1B8E;
	s24 =	sld [smem:$0x3FFE];
	[sflag:s23] =	ssyncadd.s32 $0xFFFFFFFF  }
0xa5: {  	s26 =	simm.s32 $execute0_lowered;
	[smem:$0x3FD2] =	sst s25  }
0xa6: {  	s5 =	sshll.u32 s26, $0x1;
	_ =	strace $0x80000052;
	[dreg:$0x1] =	wrdreg $0xFFFFFFFF  }
0xa7: {  	s28 =	simm.s32 $_size_execute0_lowered;
	s3 =	sadd.s32 s3, s5;
	[dreg:$0x0] =	wrdreg $0x0  }
0xa8: {  	s5 =	sshll.u32 s28, $0x1;
	[dreg:$0x2] =	wrdreg s3  }
0xa9: {  	[dreg:$0x3] =	wrdreg s5  }
0xaa: {  	[dreg:$0x4] =	wrdreg $0xC0  }
0xab: {  	_ =	task [dreg:s7], $0x5FFFF  }
0xac: {  	[dreg:$0x1] =	wrdreg $0xFFFFFFFF  }
0xad: {  	[dreg:$0x0] =	wrdreg $0x60  }
0xae: {  	[dreg:$0x2] =	wrdreg s24  }
0xaf: {  	[dreg:$0x3] =	wrdreg s2  }
0xb0: {  	[dreg:$0x4] =	wrdreg $0x0  }
0xb1: {  	[dreg:$0x5] =	wrdreg $0x9  }
0xb2: {  	_ =	task.clear_ibuf [dreg:s7], $0x6FFFF;
	_ =	strace $0x90000052  }
0xb3: {  	s29 =	simm.s32 $0x9;
	_ =	strace $0x80000054  }
0xb4: {  	_ =	swait.ge [sflag:s29], $0x1  }
0xb5: {  	[sflag:s29] =	ssyncadd.s32 $0xFFFFFFFF  }
0xb6: {  	_ =	strace $0x90000054  }
0xb7: {  	_ =	sfence  }
0xb8: {  	s30 =	sld [smem:$0x0];
	_ =	sdelay $0x2  }
0xb9: {  	s31 =	sshll.u32 s1, $0xD;
	s1 =	sshrl.u32 s1, $0x2  }
0xba: {  	s3 =	sand.u32 $0x4000, s31;
	s1 =	sadd.s32 s1, s30  }
0xbb: {  	s0 =	sor.u32 s3, s0;
	s1 =	sshll.u32 s1, $0x11  }
0xbc: {  	s0 =	sor.u32 s1, s0  }
0xbd: {  	s0 =	sadd.s32 $0x8F2B, s0  }
0xbe: {  	[sflag:s0] =	ssyncadd.remote.s32 $0x1  }
0xbf: {  	_ =	sfence.sel $0xFFFF  }
0xc0: {  	[dreg:$0x0] =	wrdreg $0xFFFFFFFF;
	(pc) =	sbr.abs _section_cstart, $3  }
0xc1: {  	[dreg:$0x1] =	wrdreg $0xFFFFFFFF  }
0xc2: {  	_ =	task.clear_ibuf [dreg:s7], $0x2FFFF;
	_ =	strace $0x9FFFFFFF  }
0xc3: {  	(tm) =	ssettm $0x7FFFFFFF  }
tec
execute0_lowered:
.L_overlay_start_1:
0x0: {  	(tag) =	ssettag $0x1  }
0x1: {  	s5 =	rddreg [dreg:$0x0]  }
0x2: {  	s0 =	srdreg.scid;
	s2 =	rddreg [dreg:$0x1]  }
0x3: {  	s22 =	stileid.u32;
	s3 =	rddreg [dreg:$0x2]  }
0x4: {  	s4 =	simm.s32 $0x0;
	s28 =	simm.s32 $0x1;
	s29 =	simm.s32 $0x0  }
0x5: {  	s6 =	sand.u32 $0x1, s0;
	[smem:$0x7FF] =	sst s4;
	s15 =	smul.u32 $0x14000, s22  }
0x6: {  	s9 =	smul.u32 $0x50000, s22;
	s17 =	sadd.s32 $0x69400, s5;
	s1 =	sshll.u32 s6, $0x4  }
0x7: {  	s16 =	smul.u32 $0x140000, s6;
	_ =	strace $0x80000053;
	s6 =	ssub.s32 $0x2, s6  }
0x8: {  	s7 =	sor.u32 s22, s1;
	s8 =	sshrl.u32 s6, $0x1;
	s24 =	sshrl.u32 s9, $0x2  }
0x9: {  	s18 =	sadd.s32 $0x4000, s15;
	s19 =	sadd.s32 $0x8000, s15;
	s20 =	sadd.s32 $0xC000, s15  }
0xa: {  	s21 =	sadd.s32 $0x10000, s15;
	s7 =	smul.u32 $0x500, s7;
	s10 =	ssub.s32 s6, s8  }
0xb: {  	s23 =	sadd.s32 s16, s15;
	s14 =	sadd.s32 s16, s18;
	s22 =	sadd.s32 s18, s3  }
0xc: {  	s26 =	sadd.s32 s16, s19;
	s30 =	sadd.s32 s16, s20;
	s16 =	sadd.s32 s16, s21  }
0xd: {  	s25 =	sshrl.u32 s23, $0x3;
	s9 =	smax.u32 s10, $0x1;
	s14 =	sshrl.u32 s14, $0x3  }
0xe: {  	s18 =	sshrl.u32 s26, $0x3;
	s23 =	sadd.s32 s19, s3;
	s31 =	sshrl.u32 s16, $0x3  }
0xf: {  	s19 =	simm.s32 $0x2;
	s22 =	sshrl.u32 s22, $0x3;
	s26 =	simm.s32 $0x80  }
0x10: {  	s7 =	sadd.s32 s7, s5;
	s8 =	sadd.s32 s17, s25;
	s14 =	sadd.s32 s17, s14  }
0x11: {  	s15 =	sadd.s32 s17, s18;
	s18 =	sshrl.u32 s30, $0x3;
	s25 =	sadd.s32 s21, s3  }
0x12: {  	s21 =	simm.s32 $0x18F00;
	s23 =	sshrl.u32 s23, $0x3;
	s5 =	sadd.s32 $0xF400, s7  }
0x13: {  	s6 =	sadd.s32 $0x5400, s7;
	s7 =	sadd.s32 s24, s3;
	s16 =	sadd.s32 s17, s18  }
0x14: {  	s24 =	sadd.s32 s20, s3;
	s17 =	sadd.s32 s17, s31;
	s20 =	simm.s32 $0x16780  }
0x15: {  	s25 =	sshrl.u32 s25, $0x3;
	s10 =	sadd.s32 $0x4000, s7;
	s11 =	sadd.s32 $0x8000, s7  }
0x16: {  	v0 =	vimm.f32 $0.0e+00;
	s12 =	sadd.s32 $0xC000, s7;
	s13 =	sadd.s32 $0x10000, s7;
	s24 =	sshrl.u32 s24, $0x3  }
.LBB2_1:
0x17: {  	s0 =	simm.s32 $0x14000  }
0x18: {  	[tilespmem:s0], [sflag:$0x2] =	stream.linear.gather [hbm4b:s5+s4], $0x2780, $0x38;
	[tilespmem:$0x1CF00] =	vst v63  }
0x19: {  	_ =	swait.ge [sflag:s19], $0x2780  }
0x1a: {  	[sflag:s19] =	ssyncset.done $0x0  }
0x1b: {  	[sflag:s19] =	ssyncadd.s32 $0xFFFFD880  }
0x1c: {  	[tilespmem:s20], [sflag:$0x2] =	stream.linear.gather [hbm4b:s6+s4], $0x2780, $0x38;
	[tilespmem:$0x1CF00] =	vst v63  }
0x1d: {  	_ =	swait.ge [sflag:s19], $0x2780  }
0x1e: {  	[sflag:s19] =	ssyncset.done $0x0  }
0x1f: {  	s30 =	simm.s32 $0x0;
	s31 =	simm.s32 $0x200;
	[sflag:s19] =	ssyncadd.s32 $0xFFFFD880  }
.LBB2_2:
0x20: {  	p0 =	sne.s32 s31, $0xFE00;
	[tilespmem:s30+$0x18F70] =	vst v0  }
0x21: {  	[tilespmem:s30+$0x18F00] =	vst v0  }
0x22: {  	[tilespmem:s30+$0x18F10] =	vst v0  }
.Ltmp0:
0x23: {  	[tilespmem:s30+$0x18F20] =	vst v0;
	(pc) =	sbr.rel @p0 .LBB2_2-.Ltmp0, $4  }
0x24: {  	[tilespmem:s30+$0x18F30] =	vst v0  }
0x25: {  	[tilespmem:s30+$0x18F40] =	vst v0  }
0x26: {  	[tilespmem:s30+$0x18F50] =	vst v0  }
0x27: {  	[tilespmem:s30+$0x18F60] =	vst v0;
	s30 =	sshra.s32 s31, $0x2;
	s31 =	sadd.s32 $0x200, s31  }
0x28: {  	[tilespmem:s30+$0x18F70] =	vst v0  }
0x29: {  	[tilespmem:s30+$0x18F00] =	vst v0  }
0x2a: {  	[tilespmem:s30+$0x18F10] =	vst v0  }
0x2b: {  	[tilespmem:s30+$0x18F20] =	vst v0  }
0x2c: {  	[tilespmem:s30+$0x18F30] =	vst v0  }
0x2d: {  	[tilespmem:s30+$0x18F40] =	vst v0  }
0x2e: {  	[tilespmem:s30+$0x18F50] =	vst v0  }
0x2f: {  	[tilespmem:s30+$0x18F60] =	vst v0  }
0x30: {  	[spmem:s7] =	stream.linear.scatter [tilespmem:s21], [sflag:$0x2], $0x4000, $0x38;
	[tilespmem:$0x1CF00] =	vst v63  }
0x31: {  	_ =	swait.ge [sflag:s19], $0x4000  }
0x32: {  	[sflag:s19] =	ssyncset.done $0x0  }
0x33: {  	[sflag:s19] =	ssyncadd.s32 $0xFFFFC000  }
0x34: {  	[spmem:s10] =	stream.linear.scatter [tilespmem:s21], [sflag:$0x2], $0x4000, $0x38;
	[tilespmem:$0x1CF00] =	vst v63  }
0x35: {  	_ =	swait.ge [sflag:s19], $0x4000  }
0x36: {  	[sflag:s19] =	ssyncset.done $0x0  }
0x37: {  	[sflag:s19] =	ssyncadd.s32 $0xFFFFC000  }
0x38: {  	[spmem:s11] =	stream.linear.scatter [tilespmem:s21], [sflag:$0x2], $0x4000, $0x38;
	[tilespmem:$0x1CF00] =	vst v63  }
0x39: {  	_ =	swait.ge [sflag:s19], $0x4000  }
0x3a: {  	[sflag:s19] =	ssyncset.done $0x0  }
0x3b: {  	[sflag:s19] =	ssyncadd.s32 $0xFFFFC000  }
0x3c: {  	[spmem:s12] =	stream.linear.scatter [tilespmem:s21], [sflag:$0x2], $0x4000, $0x38;
	[tilespmem:$0x1CF00] =	vst v63  }
0x3d: {  	_ =	swait.ge [sflag:s19], $0x4000  }
0x3e: {  	[sflag:s19] =	ssyncset.done $0x0  }
0x3f: {  	[sflag:s19] =	ssyncadd.s32 $0xFFFFC000  }
0x40: {  	[spmem:s13] =	stream.linear.scatter [tilespmem:s21], [sflag:$0x2], $0x4000, $0x38;
	[tilespmem:$0x1CF00] =	vst v63  }
0x41: {  	_ =	swait.ge [sflag:s19], $0x4000  }
0x42: {  	[sflag:s19] =	ssyncset.done $0x0  }
0x43: {  	[sflag:s19] =	ssyncadd.s32 $0xFFFFC000  }
0x44: {  	s30 =	simm.s32 $0x14000;
	[bflag:$0x0] =	sbarrier.arrive $0xFFFF  }
0x45: {  	[tilespmem:s21], [sflag:$0x1] =	stream.indirect.gather [hbm4b:s2+s26], $0x80, s30, s26, $0xb8;
	[tilespmem:$0x1CF00] =	vst v63  }
0x46: {  	_ =	swait.ge [sflag:s28], $0x4000  }
0x47: {  	[sflag:s28] =	ssyncset.done $0x0  }
0x48: {  	s30 =	simm.s32 $0x16780;
	[sflag:s28] =	ssyncadd.s32 $0xFFFFC000  }
0x49: {  	[spmem:s3] =	stream.indirect.scatter.add.f32 [tilespmem:s21], [sflag:$0x2], $0x80, s30, s26, $0xb8;
	[tilespmem:$0x1CF00] =	vst v63  }
0x4a: {  	_ =	swait.ge [sflag:s19], $0x4000  }
0x4b: {  	s31 =	simm.s32 $0x400;
	s30 =	simm.s32 $0x80;
	[sflag:s19] =	ssyncset.done $0x0  }
.LBB2_4:
0x4c: {  	s1 =	sadd.s32 $0x14000, s30  }
0x4d: {  	[sflag:s19] =	ssyncadd.s32 $0xFFFFC000;
	s0 =	smov.u32 s31;
	s18 =	sadd.s32 $0x200, s31  }
0x4e: {  	[tilespmem:s21], [sflag:$0x1] =	stream.indirect.gather [hbm4b:s2+s26], $0x80, s1, s26, $0xb8;
	[tilespmem:$0x1CF00] =	vst v63  }
0x4f: {  	p0 =	sne.s32 s31, $0x9C00;
	_ =	swait.ge [sflag:s28], $0x4000  }
.Ltmp1:
0x50: {  	[sflag:s28] =	ssyncset.done $0x0;
	(pc) =	sbr.rel @p0 .LBB2_4-.Ltmp1, $4  }
0x51: {  	s1 =	sadd.s32 $0x16780, s30;
	[sflag:s28] =	ssyncadd.s32 $0xFFFFC000  }
0x52: {  	[spmem:s3] =	stream.indirect.scatter.add.f32 [tilespmem:s21], [sflag:$0x2], $0x80, s1, s26, $0xb8;
	[tilespmem:$0x1CF00] =	vst v63  }
0x53: {  	_ =	swait.ge [sflag:s19], $0x4000  }
0x54: {  	s30 =	sshra.s32 s0, $0x2;
	s31 =	smov.u32 s18;
	[sflag:s19] =	ssyncset.done $0x0  }
0x55: {  	s0 =	sadd.s32 $0x14000, s30;
	[sflag:s19] =	ssyncadd.s32 $0xFFFFC000  }
0x56: {  	[tilespmem:s21], [sflag:$0x1] =	stream.indirect.gather [hbm4b:s2+s26], $0x80, s0, s26, $0xb8;
	[tilespmem:$0x1CF00] =	vst v63  }
0x57: {  	_ =	swait.ge [sflag:s28], $0x4000  }
0x58: {  	[sflag:s28] =	ssyncset.done $0x0  }
0x59: {  	s30 =	sadd.s32 $0x16780, s30;
	[sflag:s28] =	ssyncadd.s32 $0xFFFFC000  }
0x5a: {  	[spmem:s3] =	stream.indirect.scatter.add.f32 [tilespmem:s21], [sflag:$0x2], $0x80, s30, s26, $0xb8;
	[tilespmem:$0x1CF00] =	vst v63  }
0x5b: {  	_ =	swait.ge [sflag:s19], $0x4000  }
0x5c: {  	s31 =	stileid.u32;
	[sflag:s19] =	ssyncset.done $0x0  }
0x5d: {  	s0 =	sshll.u32 s31, $0x6;
	[sflag:s19] =	ssyncadd.s32 $0xFFFFC000  }
0x5e: {  	s1 =	sshrl.u32 s7, $0x3;
	s0 =	sor.u32 $0x1C02, s0;
	[bflag:$0x0] =	sbarrier.arrive $0xFFFF  }
0x5f: {  	[hbm:s8], [sflag:s0] =	dma.local [spmem:s1], $0x800  }
0x60: {  	_ =	swait.ge [sflag:s19], $0x800  }
0x61: {  	[sflag:s19] =	ssyncset.done $0x0  }
0x62: {  	[sflag:s19] =	ssyncadd.s32 $0xFFFFF800  }
0x63: {  	[hbm:s14], [sflag:s0] =	dma.local [spmem:s22], $0x800  }
0x64: {  	_ =	swait.ge [sflag:s19], $0x800  }
0x65: {  	[sflag:s19] =	ssyncset.done $0x0  }
0x66: {  	[sflag:s19] =	ssyncadd.s32 $0xFFFFF800  }
0x67: {  	[hbm:s15], [sflag:s0] =	dma.local [spmem:s23], $0x800  }
0x68: {  	_ =	swait.ge [sflag:s19], $0x800  }
0x69: {  	[sflag:s19] =	ssyncset.done $0x0  }
0x6a: {  	[sflag:s19] =	ssyncadd.s32 $0xFFFFF800  }
0x6b: {  	[hbm:s16], [sflag:s0] =	dma.local [spmem:s24], $0x800  }
0x6c: {  	s29 =	sadd.s32 $0x1, s29;
	_ =	swait.ge [sflag:s19], $0x800  }
0x6d: {  	p0 =	sne.s32 s29, s9;
	[sflag:s19] =	ssyncset.done $0x0  }
.Ltmp2:
0x6e: {  	[sflag:s19] =	ssyncadd.s32 $0xFFFFF800;
	(pc) =	sbr.rel @p0 .LBB2_1-.Ltmp2, $4  }
0x6f: {  	[hbm:s17], [sflag:s0] =	dma.local [spmem:s25], $0x800  }
0x70: {  	_ =	swait.ge [sflag:s19], $0x800  }
0x71: {  	[sflag:s19] =	ssyncset.done $0x0  }
0x72: {  	[sflag:s19] =	ssyncadd.s32 $0xFFFFF800  }
0x73: {  	_ =	sfence.sel $0x180000  }
0x74: {  	[bflag:$0x0] =	sbarrier.arrive $0xFFFF  }
0x75: {  	_ =	strace $0x90000053  }
0x76: {  	s0 =	stileid.u32;
	[bflag:$0x2] =	sbarrier.arrive $0xFFFF  }
0x77: {  	p0 =	sne.s32 s0, $0x0;
	s0 =	rddreg [dreg:$0x3]  }
0x78: {  	s0 =	sadd.s32 @!p0 $0x100000, s0  }
0x79: {  	[sflag:s0] =	ssyncadd.tile.s32 @!p0 $0x1;
	_ =	shalt  }
.Lfunc_end2:
_tile_overlayer_lowered:
.L_overlay_start_2:
0x7a: {  	(tag) =	ssettag $0x2  }
0x7b: {  	s0 =	rddreg [dreg:$0x0];
	s2 =	stileid.u32  }
0x7c: {  	s1 =	rddreg [dreg:$0x1];
	p0 =	sne.s32 s2, $0x0  }
0x7d: {  	s3 =	rddreg [dreg:$0x2];
	[bflag:$0x3] =	sbarrier.arrive $0xFFFF;
	s2 =	simm.s32 @!p0 $0x1C02  }
0x7e: {  	[timem:s3], [sflag:s2] =	dma.local @!p0 [hbm:s0], s1  }
0x7f: {  	s0 =	simm.s32 @!p0 $0x2  }
0x80: {  	_ =	swait.ge @!p0 [sflag:s0], s1  }
0x81: {  	s1 =	ssub.s32 @!p0 $0x0, s1;
	[sflag:s0] =	ssyncset.done @!p0 $0x0  }
0x82: {  	[sflag:s0] =	ssyncadd.s32 @!p0 s1  }
0x83: {  	[bflag:$0x3] =	sbarrier.arrive $0xFFFF  }
0x84: {  	_ =	shalt  }

// kernel: kernel.38.cloned.1.call-start
scs
__scs_entry_jumppad:
0x0: {  	(pc) =	sbr.rel $0x88, $3  }
0x1: {  	(tag) =	ssettag $0x0;
	lr =	simm.s32 $0x1  }
0x2: {  	[smem:$0x3F9E] =	sst lr;
	_ =	strace $0xD0000000  }
0x3: {  	_ = 	snop  }
0x4: {  	_ = 	snop  }
0x5: {  	_ = 	snop  }
0x6: {  	_ = 	snop  }
0x7: {  	_ = 	snop  }
__scs_overlays_trampoline_lowered:
0x8: {  	[smem:$0x3FAD] =	sst s0  }
0x9: {  	[smem:$0x3FAE] =	sst s1  }
0xa: {  	[smem:$0x3FAF] =	sst s2  }
0xb: {  	[smem:$0x3FB0] =	sst s3  }
0xc: {  	[smem:$0x3FB1] =	sst s4  }
0xd: {  	[smem:$0x3FB2] =	sst s5  }
0xe: {  	[smem:$0x3FB3] =	sst s6  }
0xf: {  	[smem:$0x3FB4] =	sst s7  }
0x10: {  	[smem:$0x3FB5] =	sst s8  }
0x11: {  	[smem:$0x3FB6] =	sst s9;
	s0 =	simm.s32 @!p0 $0x0  }
0x12: {  	s1 =	sld [smem:$0x3F9C];
	s0 =	simm.s32 @p0 $0x1  }
0x13: {  	[smem:$0x3FB7] =	sst s0;
	s0 =	simm.s32 @!p1 $0x0  }
0x14: {  	s2 =	sld [smem:$0x3F9B];
	s0 =	simm.s32 @p1 $0x1  }
0x15: {  	[smem:$0x3FB8] =	sst s0;
	s0 =	simm.s32 @!p2 $0x0  }
0x16: {  	s3 =	sld [smem:$0x3FDB];
	s0 =	simm.s32 @p2 $0x1  }
0x17: {  	s4 =	simm.s32 $0x1BF5;
	[smem:$0x3FBA] =	sst s0  }
0x18: {  	s0 =	sld [smem:$0x3F9D];
	_ =	swait.ge [sflag:s4], $0x0  }
0x19: {  	s7 =	sld [smem:$0x3F9E]  }
0x1a: {  	s8 =	sadd.s32 $0xFFFFE003, lr  }
0x1b: {  	s9 =	sadd.s32 $0xFFFFFEF7, lr;
	s5 =	simm.s32 $0xFFFFFFFF;
	p2 =	slt.u32 s8, $0xFFFFF086  }
0x1c: {  	p1 =	slt.u32 s9, $0xF7A;
	s5 =	simm.s32 @!p2 $0x0  }
0x1d: {  	s5 =	simm.s32 @p1 $0x1;
	p0 =	seq.s32 s7, s2  }
0x1e: {  	s7 =	smul.u32 @!p0 $0xF7A, s2;
	p2 =	seq.s32 @!p0 s5, $0x0  }
0x1f: {  	s9 =	smul.u32 $0xF7A, s1;
	s8 =	simm.s32 @!p0 $0x1BF5;
	p2 =	por !p2, p0  }
0x20: {  	[sflag:s8] =	ssyncset.s32 @!p0 $0xFFFFF086;
	s6 =	sadd.s32 @!p0 s3, s7;
	s7 =	simm.s32 @!p0 $0x108  }
0x21: {  	s3 =	sadd.s32 s3, s9;
	s6 =	sadd.s32 @!p0 $0x88, s6;
	s7 =	simm.s32 @p2 $0x1082  }
0x22: {  	[simem:s7], [sflag:s8] =	dma.local @!p0 [hbm:s6], $0xF7A  }
0x23: {  	s9 =	sor.u32 $0xD0000000, s2;
	s6 =	simm.s32 $0x108;
	_ =	swait.ge @!p0 [sflag:s8], $0x0  }
0x24: {  	s3 =	sadd.s32 $0x88, s3;
	s6 =	simm.s32 @!p1 $0x1082;
	[sflag:s4] =	ssyncset.s32 $0xFFFFF086  }
0x25: {  	[simem:s6], [sflag:s4] =	dma.local [hbm:s3], $0xF7A  }
0x26: {  	[smem:$0x3F9E] =	sst s1;
	(tag) =	ssettag s2;
	_ =	strace s9  }
0x27: {  	s1 =	sld [smem:$0x3FAE]  }
0x28: {  	s2 =	sld [smem:$0x3FAF]  }
0x29: {  	s4 =	sld [smem:$0x3FB1]  }
0x2a: {  	p0 =	seq.s32 s5, $0x0;
	s5 =	sld [smem:$0x3FB2]  }
0x2b: {  	s6 =	sld [smem:$0x3FB3]  }
0x2c: {  	s7 =	sld [smem:$0x3FB4]  }
0x2d: {  	s3 =	simm.s32 $0x108;
	s8 =	sld [smem:$0x3FB5]  }
0x2e: {  	s3 =	simm.s32 @!p0 $0x1082;
	s9 =	sld [smem:$0x3FB6]  }
0x2f: {  	lr =	sadd.s32 s0, s3;
	s0 =	sld [smem:$0x3FAD]  }
0x30: {  	s3 =	sld [smem:$0x3FB0]  }
0x31: {  	[smem:$0x3FB9] =	sst s10  }
0x32: {  	s10 =	sld [smem:$0x3FB7];
	_ =	sdelay $0x3  }
0x33: {  	p0 =	seq.s32 s10, $0x1;
	s10 =	sld [smem:$0x3FB9];
	_ =	sdelay $0x3  }
0x34: {  	[smem:$0x3FB9] =	sst s10  }
0x35: {  	s10 =	sld [smem:$0x3FB8];
	_ =	sdelay $0x3  }
0x36: {  	p1 =	seq.s32 s10, $0x1;
	s10 =	sld [smem:$0x3FB9];
	_ =	sdelay $0x3  }
0x37: {  	[smem:$0x3FB9] =	sst s10  }
0x38: {  	s10 =	sld [smem:$0x3FBA]  }
0x39: {  	_ = 	snop;
	(pc) =	sbr.ind lr, $3  }
0x3a: {  	_ = 	snop  }
0x3b: {  	_ = 	snop  }
0x3c: {  	p2 =	seq.s32 s10, $0x1;
	s10 =	sld [smem:$0x3FB9]  }
0x3d: {  	_ =	shalt  }
0x3e: {  	_ =	shalt  }
0x3f: {  	_ =	shalt  }
0x40: {  	_ =	shalt  }
0x41: {  	_ =	shalt  }
0x42: {  	_ =	shalt  }
0x43: {  	_ =	shalt  }
0x44: {  	_ =	shalt  }
0x45: {  	_ =	shalt  }
0x46: {  	_ =	shalt  }
0x47: {  	_ =	shalt  }
0x48: {  	_ =	shalt  }
0x49: {  	_ =	shalt  }
0x4a: {  	_ =	shalt  }
0x4b: {  	_ =	shalt  }
0x4c: {  	_ =	shalt  }
0x4d: {  	_ =	shalt  }
0x4e: {  	_ =	shalt  }
0x4f: {  	_ =	shalt  }
0x50: {  	_ =	shalt  }
0x51: {  	_ =	shalt  }
0x52: {  	_ =	shalt  }
0x53: {  	_ =	shalt  }
0x54: {  	_ =	shalt  }
0x55: {  	_ =	shalt  }
0x56: {  	_ =	shalt  }
0x57: {  	_ =	shalt  }
0x58: {  	_ =	shalt  }
0x59: {  	_ =	shalt  }
0x5a: {  	_ =	shalt  }
0x5b: {  	_ =	shalt  }
0x5c: {  	_ =	shalt  }
0x5d: {  	_ =	shalt  }
0x5e: {  	_ =	shalt  }
0x5f: {  	_ =	shalt  }
0x60: {  	_ =	shalt  }
0x61: {  	_ =	shalt  }
0x62: {  	_ =	shalt  }
0x63: {  	_ =	shalt  }
0x64: {  	_ =	shalt  }
0x65: {  	_ =	shalt  }
0x66: {  	_ =	shalt  }
0x67: {  	_ =	shalt  }
0x68: {  	_ =	shalt  }
0x69: {  	_ =	shalt  }
0x6a: {  	_ =	shalt  }
0x6b: {  	_ =	shalt  }
0x6c: {  	_ =	shalt  }
0x6d: {  	_ =	shalt  }
0x6e: {  	_ =	shalt  }
0x6f: {  	_ =	shalt  }
0x70: {  	_ =	shalt  }
0x71: {  	_ =	shalt  }
0x72: {  	_ =	shalt  }
0x73: {  	_ =	shalt  }
0x74: {  	_ =	shalt  }
0x75: {  	_ =	shalt  }
0x76: {  	_ =	shalt  }
0x77: {  	_ =	shalt  }
0x78: {  	_ =	shalt  }
0x79: {  	_ =	shalt  }
0x7a: {  	_ =	shalt  }
0x7b: {  	_ =	shalt  }
0x7c: {  	_ =	shalt  }
0x7d: {  	_ =	shalt  }
0x7e: {  	_ =	shalt  }
0x7f: {  	_ =	shalt  }
0x80: {  	_ =	shalt  }
0x81: {  	_ =	shalt  }
0x82: {  	_ =	shalt  }
0x83: {  	_ =	shalt  }
0x84: {  	_ =	shalt  }
0x85: {  	_ =	shalt  }
0x86: {  	_ =	shalt  }
0x87: {  	_ =	shalt  }
.Lfunc_end0:
.L_simem_size_0:
called_computation.5_lowered:
.L_overlay_start_0:
0x88: {  	s2 =	sld [smem:$0x3FD9]  }
0x89: {  	s3 =	sld [smem:$0x3FFE];
	_ =	sdelay $0x1  }
0x8a: {  	s1 =	srdreg.scid  }
0x8b: {  	s0 =	sand.u32 $0x1, s1  }
0x8c: {  	s17 =	sshll.u32 s0, $0xA;
	s2 =	sadd.s32 s3, s2  }
0x8d: {  	s2 =	sadd.s32 s2, s17  }
0x8e: {  	[smem:$0x3FC5] =	sst s2  }
0x8f: {  	_ = 	snop  }
0x90: {  	s2 =	sld [smem:$0x3FD0];
	(tm) =	ssettm $0x1  }
0x91: {  	s18 =	sld [smem:$0x3FFB];
	_ =	sdelay $0x3  }
0x92: {  	_ =	strace s18  }
0x93: {  	s3 =	sld [smem:$0x3FFC];
	_ =	sdelay $0x3  }
0x94: {  	_ =	strace s3  }
0x95: {  	s3 =	sld [smem:$0x3FFD];
	_ =	sdelay $0x3  }
0x96: {  	_ =	strace s3  }
0x97: {  	_ =	strace $0x8FFFFFFF  }
0x98: {  	s19 =	sld [smem:$0x3FDB];
	_ =	sdelay $0x1  }
0x99: {  	s4 =	simm.s32 $_scs_section_size  }
0x9a: {  	s5 =	simm.s32 $_size__tile_overlayer_lowered;
	s6 =	simm.s32 $_tile_overlayer_lowered  }
0x9b: {  	s22 =	simm.s32 $0x1BFF;
	s21 =	sshll.u32 s6, $0x1;
	s3 =	sadd.s32 s4, s19  }
0x9c: {  	s7 =	simm.s32 $0x0;
	s20 =	sshll.u32 s5, $0x1;
	s5 =	sadd.s32 s21, s3  }
0x9d: {  	[timem:s7], [sflag:s22] =	dma.local [hbm:s5], s20  }
0x9e: {  	_ =	swait.ge [sflag:s22], s20  }
0x9f: {  	s4 =	ssub.s32 $0x0, s20;
	[sflag:s22] =	ssyncset.done $0x0  }
0xa0: {  	[sflag:s22] =	ssyncadd.s32 s4;
	_ =	sdelay $0x1  }
0xa1: {  	s23 =	simm.s32 $0x1B8B  }
0xa2: {  	_ =	swait.ge [sflag:s23], $0x1  }
0xa3: {  	[sflag:s23] =	ssyncset.done $0x0  }
0xa4: {  	s25 =	simm.s32 $0x1B8E;
	s24 =	sld [smem:$0x3FFE];
	[sflag:s23] =	ssyncadd.s32 $0xFFFFFFFF  }
0xa5: {  	s26 =	simm.s32 $execute0_lowered;
	[smem:$0x3FD2] =	sst s25  }
0xa6: {  	s5 =	sshll.u32 s26, $0x1;
	_ =	strace $0x80000055;
	[dreg:$0x1] =	wrdreg $0xFFFFFFFF  }
0xa7: {  	s28 =	simm.s32 $_size_execute0_lowered;
	s3 =	sadd.s32 s3, s5;
	[dreg:$0x0] =	wrdreg $0x0  }
0xa8: {  	s5 =	sshll.u32 s28, $0x1;
	[dreg:$0x2] =	wrdreg s3  }
0xa9: {  	[dreg:$0x3] =	wrdreg s5  }
0xaa: {  	[dreg:$0x4] =	wrdreg $0xC0  }
0xab: {  	_ =	task [dreg:s7], $0x5FFFF  }
0xac: {  	[dreg:$0x1] =	wrdreg $0xFFFFFFFF  }
0xad: {  	[dreg:$0x0] =	wrdreg $0x60  }
0xae: {  	[dreg:$0x2] =	wrdreg s24  }
0xaf: {  	[dreg:$0x3] =	wrdreg s2  }
0xb0: {  	[dreg:$0x4] =	wrdreg $0x0  }
0xb1: {  	[dreg:$0x5] =	wrdreg $0x9  }
0xb2: {  	_ =	task.clear_ibuf [dreg:s7], $0x6FFFF;
	_ =	strace $0x90000055  }
0xb3: {  	s29 =	simm.s32 $0x9;
	_ =	strace $0x80000057  }
0xb4: {  	_ =	swait.ge [sflag:s29], $0x1  }
0xb5: {  	[sflag:s29] =	ssyncadd.s32 $0xFFFFFFFF  }
0xb6: {  	_ =	strace $0x90000057  }
0xb7: {  	_ =	sfence  }
0xb8: {  	s30 =	sld [smem:$0x0];
	_ =	sdelay $0x2  }
0xb9: {  	s31 =	sshll.u32 s1, $0xD;
	s1 =	sshrl.u32 s1, $0x2  }
0xba: {  	s3 =	sand.u32 $0x4000, s31;
	s1 =	sadd.s32 s1, s30  }
0xbb: {  	s0 =	sor.u32 s3, s0;
	s1 =	sshll.u32 s1, $0x11  }
0xbc: {  	s0 =	sor.u32 s1, s0  }
0xbd: {  	s0 =	sadd.s32 $0x8F2B, s0  }
0xbe: {  	[sflag:s0] =	ssyncadd.remote.s32 $0x1  }
0xbf: {  	_ =	sfence.sel $0xFFFF  }
0xc0: {  	[dreg:$0x0] =	wrdreg $0xFFFFFFFF;
	(pc) =	sbr.abs _section_cstart, $3  }
0xc1: {  	[dreg:$0x1] =	wrdreg $0xFFFFFFFF  }
0xc2: {  	_ =	task.clear_ibuf [dreg:s7], $0x2FFFF;
	_ =	strace $0x9FFFFFFF  }
0xc3: {  	(tm) =	ssettm $0x7FFFFFFF  }
tec
execute0_lowered:
.L_overlay_start_1:
0x0: {  	(tag) =	ssettag $0x1  }
0x1: {  	s5 =	rddreg [dreg:$0x0]  }
0x2: {  	s0 =	srdreg.scid;
	s2 =	rddreg [dreg:$0x1]  }
0x3: {  	s22 =	stileid.u32;
	s3 =	rddreg [dreg:$0x2]  }
0x4: {  	s4 =	simm.s32 $0x0;
	s28 =	simm.s32 $0x1;
	s29 =	simm.s32 $0x0  }
0x5: {  	s6 =	sand.u32 $0x1, s0;
	[smem:$0x7FF] =	sst s4;
	s15 =	smul.u32 $0x14000, s22  }
0x6: {  	s9 =	smul.u32 $0x50000, s22;
	s17 =	sadd.s32 $0x69400, s5;
	s1 =	sshll.u32 s6, $0x4  }
0x7: {  	s16 =	smul.u32 $0x140000, s6;
	_ =	strace $0x80000056;
	s6 =	ssub.s32 $0x2, s6  }
0x8: {  	s7 =	sor.u32 s22, s1;
	s8 =	sshrl.u32 s6, $0x1;
	s24 =	sshrl.u32 s9, $0x2  }
0x9: {  	s18 =	sadd.s32 $0x4000, s15;
	s19 =	sadd.s32 $0x8000, s15;
	s20 =	sadd.s32 $0xC000, s15  }
0xa: {  	s21 =	sadd.s32 $0x10000, s15;
	s7 =	smul.u32 $0x500, s7;
	s10 =	ssub.s32 s6, s8  }
0xb: {  	s23 =	sadd.s32 s16, s15;
	s14 =	sadd.s32 s16, s18;
	s22 =	sadd.s32 s18, s3  }
0xc: {  	s26 =	sadd.s32 s16, s19;
	s30 =	sadd.s32 s16, s20;
	s16 =	sadd.s32 s16, s21  }
0xd: {  	s25 =	sshrl.u32 s23, $0x3;
	s9 =	smax.u32 s10, $0x1;
	s14 =	sshrl.u32 s14, $0x3  }
0xe: {  	s18 =	sshrl.u32 s26, $0x3;
	s23 =	sadd.s32 s19, s3;
	s31 =	sshrl.u32 s16, $0x3  }
0xf: {  	s19 =	simm.s32 $0x2;
	s22 =	sshrl.u32 s22, $0x3;
	s26 =	simm.s32 $0x80  }
0x10: {  	s7 =	sadd.s32 s7, s5;
	s8 =	sadd.s32 s17, s25;
	s14 =	sadd.s32 s17, s14  }
0x11: {  	s15 =	sadd.s32 s17, s18;
	s18 =	sshrl.u32 s30, $0x3;
	s25 =	sadd.s32 s21, s3  }
0x12: {  	s21 =	simm.s32 $0x18F00;
	s23 =	sshrl.u32 s23, $0x3;
	s5 =	sadd.s32 $0xF400, s7  }
0x13: {  	s6 =	sadd.s32 $0x5400, s7;
	s7 =	sadd.s32 s24, s3;
	s16 =	sadd.s32 s17, s18  }
0x14: {  	s24 =	sadd.s32 s20, s3;
	s17 =	sadd.s32 s17, s31;
	s20 =	simm.s32 $0x16780  }
0x15: {  	s25 =	sshrl.u32 s25, $0x3;
	s10 =	sadd.s32 $0x4000, s7;
	s11 =	sadd.s32 $0x8000, s7  }
0x16: {  	v0 =	vimm.f32 $0.0e+00;
	s12 =	sadd.s32 $0xC000, s7;
	s13 =	sadd.s32 $0x10000, s7;
	s24 =	sshrl.u32 s24, $0x3  }
.LBB2_1:
0x17: {  	s0 =	simm.s32 $0x14000  }
0x18: {  	[tilespmem:s0], [sflag:$0x2] =	stream.linear.gather [hbm4b:s5+s4], $0x2780, $0x38;
	[tilespmem:$0x1CF00] =	vst v63  }
0x19: {  	_ =	swait.ge [sflag:s19], $0x2780  }
0x1a: {  	[sflag:s19] =	ssyncset.done $0x0  }
0x1b: {  	[sflag:s19] =	ssyncadd.s32 $0xFFFFD880  }
0x1c: {  	[tilespmem:s20], [sflag:$0x2] =	stream.linear.gather [hbm4b:s6+s4], $0x2780, $0x38;
	[tilespmem:$0x1CF00] =	vst v63  }
0x1d: {  	_ =	swait.ge [sflag:s19], $0x2780  }
0x1e: {  	[sflag:s19] =	ssyncset.done $0x0  }
0x1f: {  	s30 =	simm.s32 $0x0;
	s31 =	simm.s32 $0x200;
	[sflag:s19] =	ssyncadd.s32 $0xFFFFD880  }
.LBB2_2:
0x20: {  	p0 =	sne.s32 s31, $0xFE00;
	[tilespmem:s30+$0x18F70] =	vst v0  }
0x21: {  	[tilespmem:s30+$0x18F00] =	vst v0  }
0x22: {  	[tilespmem:s30+$0x18F10] =	vst v0  }
.Ltmp0:
0x23: {  	[tilespmem:s30+$0x18F20] =	vst v0;
	(pc) =	sbr.rel @p0 .LBB2_2-.Ltmp0, $4  }
0x24: {  	[tilespmem:s30+$0x18F30] =	vst v0  }
0x25: {  	[tilespmem:s30+$0x18F40] =	vst v0  }
0x26: {  	[tilespmem:s30+$0x18F50] =	vst v0  }
0x27: {  	[tilespmem:s30+$0x18F60] =	vst v0;
	s30 =	sshra.s32 s31, $0x2;
	s31 =	sadd.s32 $0x200, s31  }
0x28: {  	[tilespmem:s30+$0x18F70] =	vst v0  }
0x29: {  	[tilespmem:s30+$0x18F00] =	vst v0  }
0x2a: {  	[tilespmem:s30+$0x18F10] =	vst v0  }
0x2b: {  	[tilespmem:s30+$0x18F20] =	vst v0  }
0x2c: {  	[tilespmem:s30+$0x18F30] =	vst v0  }
0x2d: {  	[tilespmem:s30+$0x18F40] =	vst v0  }
0x2e: {  	[tilespmem:s30+$0x18F50] =	vst v0  }
0x2f: {  	[tilespmem:s30+$0x18F60] =	vst v0  }
0x30: {  	[spmem:s7] =	stream.linear.scatter [tilespmem:s21], [sflag:$0x2], $0x4000, $0x38;
	[tilespmem:$0x1CF00] =	vst v63  }
0x31: {  	_ =	swait.ge [sflag:s19], $0x4000  }
0x32: {  	[sflag:s19] =	ssyncset.done $0x0  }
0x33: {  	[sflag:s19] =	ssyncadd.s32 $0xFFFFC000  }
0x34: {  	[spmem:s10] =	stream.linear.scatter [tilespmem:s21], [sflag:$0x2], $0x4000, $0x38;
	[tilespmem:$0x1CF00] =	vst v63  }
0x35: {  	_ =	swait.ge [sflag:s19], $0x4000  }
0x36: {  	[sflag:s19] =	ssyncset.done $0x0  }
0x37: {  	[sflag:s19] =	ssyncadd.s32 $0xFFFFC000  }
0x38: {  	[spmem:s11] =	stream.linear.scatter [tilespmem:s21], [sflag:$0x2], $0x4000, $0x38;
	[tilespmem:$0x1CF00] =	vst v63  }
0x39: {  	_ =	swait.ge [sflag:s19], $0x4000  }
0x3a: {  	[sflag:s19] =	ssyncset.done $0x0  }
0x3b: {  	[sflag:s19] =	ssyncadd.s32 $0xFFFFC000  }
0x3c: {  	[spmem:s12] =	stream.linear.scatter [tilespmem:s21], [sflag:$0x2], $0x4000, $0x38;
	[tilespmem:$0x1CF00] =	vst v63  }
0x3d: {  	_ =	swait.ge [sflag:s19], $0x4000  }
0x3e: {  	[sflag:s19] =	ssyncset.done $0x0  }
0x3f: {  	[sflag:s19] =	ssyncadd.s32 $0xFFFFC000  }
0x40: {  	[spmem:s13] =	stream.linear.scatter [tilespmem:s21], [sflag:$0x2], $0x4000, $0x38;
	[tilespmem:$0x1CF00] =	vst v63  }
0x41: {  	_ =	swait.ge [sflag:s19], $0x4000  }
0x42: {  	[sflag:s19] =	ssyncset.done $0x0  }
0x43: {  	[sflag:s19] =	ssyncadd.s32 $0xFFFFC000  }
0x44: {  	s30 =	simm.s32 $0x14000;
	[bflag:$0x0] =	sbarrier.arrive $0xFFFF  }
0x45: {  	[tilespmem:s21], [sflag:$0x1] =	stream.indirect.gather [hbm4b:s2+s26], $0x80, s30, s26, $0xb8;
	[tilespmem:$0x1CF00] =	vst v63  }
0x46: {  	_ =	swait.ge [sflag:s28], $0x4000  }
0x47: {  	[sflag:s28] =	ssyncset.done $0x0  }
0x48: {  	s30 =	simm.s32 $0x16780;
	[sflag:s28] =	ssyncadd.s32 $0xFFFFC000  }
0x49: {  	[spmem:s3] =	stream.indirect.scatter.add.f32 [tilespmem:s21], [sflag:$0x2], $0x80, s30, s26, $0xb8;
	[tilespmem:$0x1CF00] =	vst v63  }
0x4a: {  	_ =	swait.ge [sflag:s19], $0x4000  }
0x4b: {  	s31 =	simm.s32 $0x400;
	s30 =	simm.s32 $0x80;
	[sflag:s19] =	ssyncset.done $0x0  }
.LBB2_4:
0x4c: {  	s1 =	sadd.s32 $0x14000, s30  }
0x4d: {  	[sflag:s19] =	ssyncadd.s32 $0xFFFFC000;
	s0 =	smov.u32 s31;
	s18 =	sadd.s32 $0x200, s31  }
0x4e: {  	[tilespmem:s21], [sflag:$0x1] =	stream.indirect.gather [hbm4b:s2+s26], $0x80, s1, s26, $0xb8;
	[tilespmem:$0x1CF00] =	vst v63  }
0x4f: {  	p0 =	sne.s32 s31, $0x9C00;
	_ =	swait.ge [sflag:s28], $0x4000  }
.Ltmp1:
0x50: {  	[sflag:s28] =	ssyncset.done $0x0;
	(pc) =	sbr.rel @p0 .LBB2_4-.Ltmp1, $4  }
0x51: {  	s1 =	sadd.s32 $0x16780, s30;
	[sflag:s28] =	ssyncadd.s32 $0xFFFFC000  }
0x52: {  	[spmem:s3] =	stream.indirect.scatter.add.f32 [tilespmem:s21], [sflag:$0x2], $0x80, s1, s26, $0xb8;
	[tilespmem:$0x1CF00] =	vst v63  }
0x53: {  	_ =	swait.ge [sflag:s19], $0x4000  }
0x54: {  	s30 =	sshra.s32 s0, $0x2;
	s31 =	smov.u32 s18;
	[sflag:s19] =	ssyncset.done $0x0  }
0x55: {  	s0 =	sadd.s32 $0x14000, s30;
	[sflag:s19] =	ssyncadd.s32 $0xFFFFC000  }
0x56: {  	[tilespmem:s21], [sflag:$0x1] =	stream.indirect.gather [hbm4b:s2+s26], $0x80, s0, s26, $0xb8;
	[tilespmem:$0x1CF00] =	vst v63  }
0x57: {  	_ =	swait.ge [sflag:s28], $0x4000  }
0x58: {  	[sflag:s28] =	ssyncset.done $0x0  }
0x59: {  	s30 =	sadd.s32 $0x16780, s30;
	[sflag:s28] =	ssyncadd.s32 $0xFFFFC000  }
0x5a: {  	[spmem:s3] =	stream.indirect.scatter.add.f32 [tilespmem:s21], [sflag:$0x2], $0x80, s30, s26, $0xb8;
	[tilespmem:$0x1CF00] =	vst v63  }
0x5b: {  	_ =	swait.ge [sflag:s19], $0x4000  }
0x5c: {  	s31 =	stileid.u32;
	[sflag:s19] =	ssyncset.done $0x0  }
0x5d: {  	s0 =	sshll.u32 s31, $0x6;
	[sflag:s19] =	ssyncadd.s32 $0xFFFFC000  }
0x5e: {  	s1 =	sshrl.u32 s7, $0x3;
	s0 =	sor.u32 $0x1C02, s0;
	[bflag:$0x0] =	sbarrier.arrive $0xFFFF  }
0x5f: {  	[hbm:s8], [sflag:s0] =	dma.local [spmem:s1], $0x800  }
0x60: {  	_ =	swait.ge [sflag:s19], $0x800  }
0x61: {  	[sflag:s19] =	ssyncset.done $0x0  }
0x62: {  	[sflag:s19] =	ssyncadd.s32 $0xFFFFF800  }
0x63: {  	[hbm:s14], [sflag:s0] =	dma.local [spmem:s22], $0x800  }
0x64: {  	_ =	swait.ge [sflag:s19], $0x800  }
0x65: {  	[sflag:s19] =	ssyncset.done $0x0  }
0x66: {  	[sflag:s19] =	ssyncadd.s32 $0xFFFFF800  }
0x67: {  	[hbm:s15], [sflag:s0] =	dma.local [spmem:s23], $0x800  }
0x68: {  	_ =	swait.ge [sflag:s19], $0x800  }
0x69: {  	[sflag:s19] =	ssyncset.done $0x0  }
0x6a: {  	[sflag:s19] =	ssyncadd.s32 $0xFFFFF800  }
0x6b: {  	[hbm:s16], [sflag:s0] =	dma.local [spmem:s24], $0x800  }
0x6c: {  	s29 =	sadd.s32 $0x1, s29;
	_ =	swait.ge [sflag:s19], $0x800  }
0x6d: {  	p0 =	sne.s32 s29, s9;
	[sflag:s19] =	ssyncset.done $0x0  }
.Ltmp2:
0x6e: {  	[sflag:s19] =	ssyncadd.s32 $0xFFFFF800;
	(pc) =	sbr.rel @p0 .LBB2_1-.Ltmp2, $4  }
0x6f: {  	[hbm:s17], [sflag:s0] =	dma.local [spmem:s25], $0x800  }
0x70: {  	_ =	swait.ge [sflag:s19], $0x800  }
0x71: {  	[sflag:s19] =	ssyncset.done $0x0  }
0x72: {  	[sflag:s19] =	ssyncadd.s32 $0xFFFFF800  }
0x73: {  	_ =	sfence.sel $0x180000  }
0x74: {  	[bflag:$0x0] =	sbarrier.arrive $0xFFFF  }
0x75: {  	_ =	strace $0x90000056  }
0x76: {  	s0 =	stileid.u32;
	[bflag:$0x2] =	sbarrier.arrive $0xFFFF  }
0x77: {  	p0 =	sne.s32 s0, $0x0;
	s0 =	rddreg [dreg:$0x3]  }
0x78: {  	s0 =	sadd.s32 @!p0 $0x100000, s0  }
0x79: {  	[sflag:s0] =	ssyncadd.tile.s32 @!p0 $0x1;
	_ =	shalt  }
.Lfunc_end2:
_tile_overlayer_lowered:
.L_overlay_start_2:
0x7a: {  	(tag) =	ssettag $0x2  }
0x7b: {  	s0 =	rddreg [dreg:$0x0];
	s2 =	stileid.u32  }
0x7c: {  	s1 =	rddreg [dreg:$0x1];
	p0 =	sne.s32 s2, $0x0  }
0x7d: {  	s3 =	rddreg [dreg:$0x2];
	[bflag:$0x3] =	sbarrier.arrive $0xFFFF;
	s2 =	simm.s32 @!p0 $0x1C02  }
0x7e: {  	[timem:s3], [sflag:s2] =	dma.local @!p0 [hbm:s0], s1  }
0x7f: {  	s0 =	simm.s32 @!p0 $0x2  }
0x80: {  	_ =	swait.ge @!p0 [sflag:s0], s1  }
0x81: {  	s1 =	ssub.s32 @!p0 $0x0, s1;
	[sflag:s0] =	ssyncset.done @!p0 $0x0  }
0x82: {  	[sflag:s0] =	ssyncadd.s32 @!p0 s1  }
0x83: {  	[bflag:$0x3] =	sbarrier.arrive $0xFFFF  }
0x84: {  	_ =	shalt  }

// kernel: kernel.41.cloned.1.call-start
scs
__scs_entry_jumppad:
0x0: {  	(pc) =	sbr.rel $0x88, $3  }
0x1: {  	(tag) =	ssettag $0x0;
	lr =	simm.s32 $0x1  }
0x2: {  	[smem:$0x3F9E] =	sst lr;
	_ =	strace $0xD0000000  }
0x3: {  	_ = 	snop  }
0x4: {  	_ = 	snop  }
0x5: {  	_ = 	snop  }
0x6: {  	_ = 	snop  }
0x7: {  	_ = 	snop  }
__scs_overlays_trampoline_lowered:
0x8: {  	[smem:$0x3FAD] =	sst s0  }
0x9: {  	[smem:$0x3FAE] =	sst s1  }
0xa: {  	[smem:$0x3FAF] =	sst s2  }
0xb: {  	[smem:$0x3FB0] =	sst s3  }
0xc: {  	[smem:$0x3FB1] =	sst s4  }
0xd: {  	[smem:$0x3FB2] =	sst s5  }
0xe: {  	[smem:$0x3FB3] =	sst s6  }
0xf: {  	[smem:$0x3FB4] =	sst s7  }
0x10: {  	[smem:$0x3FB5] =	sst s8  }
0x11: {  	[smem:$0x3FB6] =	sst s9;
	s0 =	simm.s32 @!p0 $0x0  }
0x12: {  	s1 =	sld [smem:$0x3F9C];
	s0 =	simm.s32 @p0 $0x1  }
0x13: {  	[smem:$0x3FB7] =	sst s0;
	s0 =	simm.s32 @!p1 $0x0  }
0x14: {  	s2 =	sld [smem:$0x3F9B];
	s0 =	simm.s32 @p1 $0x1  }
0x15: {  	[smem:$0x3FB8] =	sst s0;
	s0 =	simm.s32 @!p2 $0x0  }
0x16: {  	s3 =	sld [smem:$0x3FDB];
	s0 =	simm.s32 @p2 $0x1  }
0x17: {  	s4 =	simm.s32 $0x1BF5;
	[smem:$0x3FBA] =	sst s0  }
0x18: {  	s0 =	sld [smem:$0x3F9D];
	_ =	swait.ge [sflag:s4], $0x0  }
0x19: {  	s7 =	sld [smem:$0x3F9E]  }
0x1a: {  	s8 =	sadd.s32 $0xFFFFE003, lr  }
0x1b: {  	s9 =	sadd.s32 $0xFFFFFEF7, lr;
	s5 =	simm.s32 $0xFFFFFFFF;
	p2 =	slt.u32 s8, $0xFFFFF086  }
0x1c: {  	p1 =	slt.u32 s9, $0xF7A;
	s5 =	simm.s32 @!p2 $0x0  }
0x1d: {  	s5 =	simm.s32 @p1 $0x1;
	p0 =	seq.s32 s7, s2  }
0x1e: {  	s7 =	smul.u32 @!p0 $0xF7A, s2;
	p2 =	seq.s32 @!p0 s5, $0x0  }
0x1f: {  	s9 =	smul.u32 $0xF7A, s1;
	s8 =	simm.s32 @!p0 $0x1BF5;
	p2 =	por !p2, p0  }
0x20: {  	[sflag:s8] =	ssyncset.s32 @!p0 $0xFFFFF086;
	s6 =	sadd.s32 @!p0 s3, s7;
	s7 =	simm.s32 @!p0 $0x108  }
0x21: {  	s3 =	sadd.s32 s3, s9;
	s6 =	sadd.s32 @!p0 $0x88, s6;
	s7 =	simm.s32 @p2 $0x1082  }
0x22: {  	[simem:s7], [sflag:s8] =	dma.local @!p0 [hbm:s6], $0xF7A  }
0x23: {  	s9 =	sor.u32 $0xD0000000, s2;
	s6 =	simm.s32 $0x108;
	_ =	swait.ge @!p0 [sflag:s8], $0x0  }
0x24: {  	s3 =	sadd.s32 $0x88, s3;
	s6 =	simm.s32 @!p1 $0x1082;
	[sflag:s4] =	ssyncset.s32 $0xFFFFF086  }
0x25: {  	[simem:s6], [sflag:s4] =	dma.local [hbm:s3], $0xF7A  }
0x26: {  	[smem:$0x3F9E] =	sst s1;
	(tag) =	ssettag s2;
	_ =	strace s9  }
0x27: {  	s1 =	sld [smem:$0x3FAE]  }
0x28: {  	s2 =	sld [smem:$0x3FAF]  }
0x29: {  	s4 =	sld [smem:$0x3FB1]  }
0x2a: {  	p0 =	seq.s32 s5, $0x0;
	s5 =	sld [smem:$0x3FB2]  }
0x2b: {  	s6 =	sld [smem:$0x3FB3]  }
0x2c: {  	s7 =	sld [smem:$0x3FB4]  }
0x2d: {  	s3 =	simm.s32 $0x108;
	s8 =	sld [smem:$0x3FB5]  }
0x2e: {  	s3 =	simm.s32 @!p0 $0x1082;
	s9 =	sld [smem:$0x3FB6]  }
0x2f: {  	lr =	sadd.s32 s0, s3;
	s0 =	sld [smem:$0x3FAD]  }
0x30: {  	s3 =	sld [smem:$0x3FB0]  }
0x31: {  	[smem:$0x3FB9] =	sst s10  }
0x32: {  	s10 =	sld [smem:$0x3FB7];
	_ =	sdelay $0x3  }
0x33: {  	p0 =	seq.s32 s10, $0x1;
	s10 =	sld [smem:$0x3FB9];
	_ =	sdelay $0x3  }
0x34: {  	[smem:$0x3FB9] =	sst s10  }
0x35: {  	s10 =	sld [smem:$0x3FB8];
	_ =	sdelay $0x3  }
0x36: {  	p1 =	seq.s32 s10, $0x1;
	s10 =	sld [smem:$0x3FB9];
	_ =	sdelay $0x3  }
0x37: {  	[smem:$0x3FB9] =	sst s10  }
0x38: {  	s10 =	sld [smem:$0x3FBA]  }
0x39: {  	_ = 	snop;
	(pc) =	sbr.ind lr, $3  }
0x3a: {  	_ = 	snop  }
0x3b: {  	_ = 	snop  }
0x3c: {  	p2 =	seq.s32 s10, $0x1;
	s10 =	sld [smem:$0x3FB9]  }
0x3d: {  	_ =	shalt  }
0x3e: {  	_ =	shalt  }
0x3f: {  	_ =	shalt  }
0x40: {  	_ =	shalt  }
0x41: {  	_ =	shalt  }
0x42: {  	_ =	shalt  }
0x43: {  	_ =	shalt  }
0x44: {  	_ =	shalt  }
0x45: {  	_ =	shalt  }
0x46: {  	_ =	shalt  }
0x47: {  	_ =	shalt  }
0x48: {  	_ =	shalt  }
0x49: {  	_ =	shalt  }
0x4a: {  	_ =	shalt  }
0x4b: {  	_ =	shalt  }
0x4c: {  	_ =	shalt  }
0x4d: {  	_ =	shalt  }
0x4e: {  	_ =	shalt  }
0x4f: {  	_ =	shalt  }
0x50: {  	_ =	shalt  }
0x51: {  	_ =	shalt  }
0x52: {  	_ =	shalt  }
0x53: {  	_ =	shalt  }
0x54: {  	_ =	shalt  }
0x55: {  	_ =	shalt  }
0x56: {  	_ =	shalt  }
0x57: {  	_ =	shalt  }
0x58: {  	_ =	shalt  }
0x59: {  	_ =	shalt  }
0x5a: {  	_ =	shalt  }
0x5b: {  	_ =	shalt  }
0x5c: {  	_ =	shalt  }
0x5d: {  	_ =	shalt  }
0x5e: {  	_ =	shalt  }
0x5f: {  	_ =	shalt  }
0x60: {  	_ =	shalt  }
0x61: {  	_ =	shalt  }
0x62: {  	_ =	shalt  }
0x63: {  	_ =	shalt  }
0x64: {  	_ =	shalt  }
0x65: {  	_ =	shalt  }
0x66: {  	_ =	shalt  }
0x67: {  	_ =	shalt  }
0x68: {  	_ =	shalt  }
0x69: {  	_ =	shalt  }
0x6a: {  	_ =	shalt  }
0x6b: {  	_ =	shalt  }
0x6c: {  	_ =	shalt  }
0x6d: {  	_ =	shalt  }
0x6e: {  	_ =	shalt  }
0x6f: {  	_ =	shalt  }
0x70: {  	_ =	shalt  }
0x71: {  	_ =	shalt  }
0x72: {  	_ =	shalt  }
0x73: {  	_ =	shalt  }
0x74: {  	_ =	shalt  }
0x75: {  	_ =	shalt  }
0x76: {  	_ =	shalt  }
0x77: {  	_ =	shalt  }
0x78: {  	_ =	shalt  }
0x79: {  	_ =	shalt  }
0x7a: {  	_ =	shalt  }
0x7b: {  	_ =	shalt  }
0x7c: {  	_ =	shalt  }
0x7d: {  	_ =	shalt  }
0x7e: {  	_ =	shalt  }
0x7f: {  	_ =	shalt  }
0x80: {  	_ =	shalt  }
0x81: {  	_ =	shalt  }
0x82: {  	_ =	shalt  }
0x83: {  	_ =	shalt  }
0x84: {  	_ =	shalt  }
0x85: {  	_ =	shalt  }
0x86: {  	_ =	shalt  }
0x87: {  	_ =	shalt  }
.Lfunc_end0:
.L_simem_size_0:
called_computation.6_lowered:
.L_overlay_start_0:
0x88: {  	s2 =	sld [smem:$0x3FD9]  }
0x89: {  	s3 =	sld [smem:$0x3FFE];
	_ =	sdelay $0x1  }
0x8a: {  	s1 =	srdreg.scid  }
0x8b: {  	s0 =	sand.u32 $0x1, s1  }
0x8c: {  	s17 =	sshll.u32 s0, $0xA;
	s2 =	sadd.s32 s3, s2  }
0x8d: {  	s2 =	sadd.s32 s2, s17  }
0x8e: {  	[smem:$0x3FC5] =	sst s2  }
0x8f: {  	_ = 	snop  }
0x90: {  	s2 =	sld [smem:$0x3FD0];
	(tm) =	ssettm $0x1  }
0x91: {  	s18 =	sld [smem:$0x3FFB];
	_ =	sdelay $0x3  }
0x92: {  	_ =	strace s18  }
0x93: {  	s3 =	sld [smem:$0x3FFC];
	_ =	sdelay $0x3  }
0x94: {  	_ =	strace s3  }
0x95: {  	s3 =	sld [smem:$0x3FFD];
	_ =	sdelay $0x3  }
0x96: {  	_ =	strace s3  }
0x97: {  	_ =	strace $0x8FFFFFFF  }
0x98: {  	s19 =	sld [smem:$0x3FDB];
	_ =	sdelay $0x1  }
0x99: {  	s4 =	simm.s32 $_scs_section_size  }
0x9a: {  	s5 =	simm.s32 $_size__tile_overlayer_lowered;
	s6 =	simm.s32 $_tile_overlayer_lowered  }
0x9b: {  	s22 =	simm.s32 $0x1BFF;
	s21 =	sshll.u32 s6, $0x1;
	s3 =	sadd.s32 s4, s19  }
0x9c: {  	s7 =	simm.s32 $0x0;
	s20 =	sshll.u32 s5, $0x1;
	s5 =	sadd.s32 s21, s3  }
0x9d: {  	[timem:s7], [sflag:s22] =	dma.local [hbm:s5], s20  }
0x9e: {  	_ =	swait.ge [sflag:s22], s20  }
0x9f: {  	s4 =	ssub.s32 $0x0, s20;
	[sflag:s22] =	ssyncset.done $0x0  }
0xa0: {  	[sflag:s22] =	ssyncadd.s32 s4;
	_ =	sdelay $0x1  }
0xa1: {  	s23 =	simm.s32 $0x1B8B  }
0xa2: {  	_ =	swait.ge [sflag:s23], $0x1  }
0xa3: {  	[sflag:s23] =	ssyncset.done $0x0  }
0xa4: {  	s25 =	simm.s32 $0x1B8E;
	s24 =	sld [smem:$0x3FFE];
	[sflag:s23] =	ssyncadd.s32 $0xFFFFFFFF  }
0xa5: {  	s26 =	simm.s32 $execute0_lowered;
	[smem:$0x3FD2] =	sst s25  }
0xa6: {  	s5 =	sshll.u32 s26, $0x1;
	_ =	strace $0x80000058;
	[dreg:$0x1] =	wrdreg $0xFFFFFFFF  }
0xa7: {  	s28 =	simm.s32 $_size_execute0_lowered;
	s3 =	sadd.s32 s3, s5;
	[dreg:$0x0] =	wrdreg $0x0  }
0xa8: {  	s5 =	sshll.u32 s28, $0x1;
	[dreg:$0x2] =	wrdreg s3  }
0xa9: {  	[dreg:$0x3] =	wrdreg s5  }
0xaa: {  	[dreg:$0x4] =	wrdreg $0xC0  }
0xab: {  	_ =	task [dreg:s7], $0x5FFFF  }
0xac: {  	[dreg:$0x1] =	wrdreg $0xFFFFFFFF  }
0xad: {  	[dreg:$0x0] =	wrdreg $0x60  }
0xae: {  	[dreg:$0x2] =	wrdreg s24  }
0xaf: {  	[dreg:$0x3] =	wrdreg s2  }
0xb0: {  	[dreg:$0x4] =	wrdreg $0x0  }
0xb1: {  	[dreg:$0x5] =	wrdreg $0x9  }
0xb2: {  	_ =	task.clear_ibuf [dreg:s7], $0x6FFFF;
	_ =	strace $0x90000058  }
0xb3: {  	s29 =	simm.s32 $0x9;
	_ =	strace $0x8000005A  }
0xb4: {  	_ =	swait.ge [sflag:s29], $0x1  }
0xb5: {  	[sflag:s29] =	ssyncadd.s32 $0xFFFFFFFF  }
0xb6: {  	_ =	strace $0x9000005A  }
0xb7: {  	_ =	sfence  }
0xb8: {  	s30 =	sld [smem:$0x0];
	_ =	sdelay $0x2  }
0xb9: {  	s31 =	sshll.u32 s1, $0xD;
	s1 =	sshrl.u32 s1, $0x2  }
0xba: {  	s3 =	sand.u32 $0x4000, s31;
	s1 =	sadd.s32 s1, s30  }
0xbb: {  	s0 =	sor.u32 s3, s0;
	s1 =	sshll.u32 s1, $0x11  }
0xbc: {  	s0 =	sor.u32 s1, s0  }
0xbd: {  	s0 =	sadd.s32 $0x8F2B, s0  }
0xbe: {  	[sflag:s0] =	ssyncadd.remote.s32 $0x1  }
0xbf: {  	_ =	sfence.sel $0xFFFF  }
0xc0: {  	[dreg:$0x0] =	wrdreg $0xFFFFFFFF;
	(pc) =	sbr.abs _section_cstart, $3  }
0xc1: {  	[dreg:$0x1] =	wrdreg $0xFFFFFFFF  }
0xc2: {  	_ =	task.clear_ibuf [dreg:s7], $0x2FFFF;
	_ =	strace $0x9FFFFFFF  }
0xc3: {  	(tm) =	ssettm $0x7FFFFFFF  }
tec
execute0_lowered:
.L_overlay_start_1:
0x0: {  	(tag) =	ssettag $0x1  }
0x1: {  	s5 =	rddreg [dreg:$0x0]  }
0x2: {  	s0 =	srdreg.scid;
	s2 =	rddreg [dreg:$0x1]  }
0x3: {  	s22 =	stileid.u32;
	s3 =	rddreg [dreg:$0x2]  }
0x4: {  	s4 =	simm.s32 $0x0;
	s28 =	simm.s32 $0x1;
	s29 =	simm.s32 $0x0  }
0x5: {  	s6 =	sand.u32 $0x1, s0;
	[smem:$0x7FF] =	sst s4;
	s15 =	smul.u32 $0x14000, s22  }
0x6: {  	s9 =	smul.u32 $0x50000, s22;
	s17 =	sadd.s32 $0x69400, s5;
	s1 =	sshll.u32 s6, $0x4  }
0x7: {  	s16 =	smul.u32 $0x140000, s6;
	_ =	strace $0x80000059;
	s6 =	ssub.s32 $0x2, s6  }
0x8: {  	s7 =	sor.u32 s22, s1;
	s8 =	sshrl.u32 s6, $0x1;
	s24 =	sshrl.u32 s9, $0x2  }
0x9: {  	s18 =	sadd.s32 $0x4000, s15;
	s19 =	sadd.s32 $0x8000, s15;
	s20 =	sadd.s32 $0xC000, s15  }
0xa: {  	s21 =	sadd.s32 $0x10000, s15;
	s7 =	smul.u32 $0x500, s7;
	s10 =	ssub.s32 s6, s8  }
0xb: {  	s23 =	sadd.s32 s16, s15;
	s14 =	sadd.s32 s16, s18;
	s22 =	sadd.s32 s18, s3  }
0xc: {  	s26 =	sadd.s32 s16, s19;
	s30 =	sadd.s32 s16, s20;
	s16 =	sadd.s32 s16, s21  }
0xd: {  	s25 =	sshrl.u32 s23, $0x3;
	s9 =	smax.u32 s10, $0x1;
	s14 =	sshrl.u32 s14, $0x3  }
0xe: {  	s18 =	sshrl.u32 s26, $0x3;
	s23 =	sadd.s32 s19, s3;
	s31 =	sshrl.u32 s16, $0x3  }
0xf: {  	s19 =	simm.s32 $0x2;
	s22 =	sshrl.u32 s22, $0x3;
	s26 =	simm.s32 $0x80  }
0x10: {  	s7 =	sadd.s32 s7, s5;
	s8 =	sadd.s32 s17, s25;
	s14 =	sadd.s32 s17, s14  }
0x11: {  	s15 =	sadd.s32 s17, s18;
	s18 =	sshrl.u32 s30, $0x3;
	s25 =	sadd.s32 s21, s3  }
0x12: {  	s21 =	simm.s32 $0x18F00;
	s23 =	sshrl.u32 s23, $0x3;
	s5 =	sadd.s32 $0xF400, s7  }
0x13: {  	s6 =	sadd.s32 $0x5400, s7;
	s7 =	sadd.s32 s24, s3;
	s16 =	sadd.s32 s17, s18  }
0x14: {  	s24 =	sadd.s32 s20, s3;
	s17 =	sadd.s32 s17, s31;
	s20 =	simm.s32 $0x16780  }
0x15: {  	s25 =	sshrl.u32 s25, $0x3;
	s10 =	sadd.s32 $0x4000, s7;
	s11 =	sadd.s32 $0x8000, s7  }
0x16: {  	v0 =	vimm.f32 $0.0e+00;
	s12 =	sadd.s32 $0xC000, s7;
	s13 =	sadd.s32 $0x10000, s7;
	s24 =	sshrl.u32 s24, $0x3  }
.LBB2_1:
0x17: {  	s0 =	simm.s32 $0x14000  }
0x18: {  	[tilespmem:s0], [sflag:$0x2] =	stream.linear.gather [hbm4b:s5+s4], $0x2780, $0x38;
	[tilespmem:$0x1CF00] =	vst v63  }
0x19: {  	_ =	swait.ge [sflag:s19], $0x2780  }
0x1a: {  	[sflag:s19] =	ssyncset.done $0x0  }
0x1b: {  	[sflag:s19] =	ssyncadd.s32 $0xFFFFD880  }
0x1c: {  	[tilespmem:s20], [sflag:$0x2] =	stream.linear.gather [hbm4b:s6+s4], $0x2780, $0x38;
	[tilespmem:$0x1CF00] =	vst v63  }
0x1d: {  	_ =	swait.ge [sflag:s19], $0x2780  }
0x1e: {  	[sflag:s19] =	ssyncset.done $0x0  }
0x1f: {  	s30 =	simm.s32 $0x0;
	s31 =	simm.s32 $0x200;
	[sflag:s19] =	ssyncadd.s32 $0xFFFFD880  }
.LBB2_2:
0x20: {  	p0 =	sne.s32 s31, $0xFE00;
	[tilespmem:s30+$0x18F70] =	vst v0  }
0x21: {  	[tilespmem:s30+$0x18F00] =	vst v0  }
0x22: {  	[tilespmem:s30+$0x18F10] =	vst v0  }
.Ltmp0:
0x23: {  	[tilespmem:s30+$0x18F20] =	vst v0;
	(pc) =	sbr.rel @p0 .LBB2_2-.Ltmp0, $4  }
0x24: {  	[tilespmem:s30+$0x18F30] =	vst v0  }
0x25: {  	[tilespmem:s30+$0x18F40] =	vst v0  }
0x26: {  	[tilespmem:s30+$0x18F50] =	vst v0  }
0x27: {  	[tilespmem:s30+$0x18F60] =	vst v0;
	s30 =	sshra.s32 s31, $0x2;
	s31 =	sadd.s32 $0x200, s31  }
0x28: {  	[tilespmem:s30+$0x18F70] =	vst v0  }
0x29: {  	[tilespmem:s30+$0x18F00] =	vst v0  }
0x2a: {  	[tilespmem:s30+$0x18F10] =	vst v0  }
0x2b: {  	[tilespmem:s30+$0x18F20] =	vst v0  }
0x2c: {  	[tilespmem:s30+$0x18F30] =	vst v0  }
0x2d: {  	[tilespmem:s30+$0x18F40] =	vst v0  }
0x2e: {  	[tilespmem:s30+$0x18F50] =	vst v0  }
0x2f: {  	[tilespmem:s30+$0x18F60] =	vst v0  }
0x30: {  	[spmem:s7] =	stream.linear.scatter [tilespmem:s21], [sflag:$0x2], $0x4000, $0x38;
	[tilespmem:$0x1CF00] =	vst v63  }
0x31: {  	_ =	swait.ge [sflag:s19], $0x4000  }
0x32: {  	[sflag:s19] =	ssyncset.done $0x0  }
0x33: {  	[sflag:s19] =	ssyncadd.s32 $0xFFFFC000  }
0x34: {  	[spmem:s10] =	stream.linear.scatter [tilespmem:s21], [sflag:$0x2], $0x4000, $0x38;
	[tilespmem:$0x1CF00] =	vst v63  }
0x35: {  	_ =	swait.ge [sflag:s19], $0x4000  }
0x36: {  	[sflag:s19] =	ssyncset.done $0x0  }
0x37: {  	[sflag:s19] =	ssyncadd.s32 $0xFFFFC000  }
0x38: {  	[spmem:s11] =	stream.linear.scatter [tilespmem:s21], [sflag:$0x2], $0x4000, $0x38;
	[tilespmem:$0x1CF00] =	vst v63  }
0x39: {  	_ =	swait.ge [sflag:s19], $0x4000  }
0x3a: {  	[sflag:s19] =	ssyncset.done $0x0  }
0x3b: {  	[sflag:s19] =	ssyncadd.s32 $0xFFFFC000  }
0x3c: {  	[spmem:s12] =	stream.linear.scatter [tilespmem:s21], [sflag:$0x2], $0x4000, $0x38;
	[tilespmem:$0x1CF00] =	vst v63  }
0x3d: {  	_ =	swait.ge [sflag:s19], $0x4000  }
0x3e: {  	[sflag:s19] =	ssyncset.done $0x0  }
0x3f: {  	[sflag:s19] =	ssyncadd.s32 $0xFFFFC000  }
0x40: {  	[spmem:s13] =	stream.linear.scatter [tilespmem:s21], [sflag:$0x2], $0x4000, $0x38;
	[tilespmem:$0x1CF00] =	vst v63  }
0x41: {  	_ =	swait.ge [sflag:s19], $0x4000  }
0x42: {  	[sflag:s19] =	ssyncset.done $0x0  }
0x43: {  	[sflag:s19] =	ssyncadd.s32 $0xFFFFC000  }
0x44: {  	s30 =	simm.s32 $0x14000;
	[bflag:$0x0] =	sbarrier.arrive $0xFFFF  }
0x45: {  	[tilespmem:s21], [sflag:$0x1] =	stream.indirect.gather [hbm4b:s2+s26], $0x80, s30, s26, $0xb8;
	[tilespmem:$0x1CF00] =	vst v63  }
0x46: {  	_ =	swait.ge [sflag:s28], $0x4000  }
0x47: {  	[sflag:s28] =	ssyncset.done $0x0  }
0x48: {  	s30 =	simm.s32 $0x16780;
	[sflag:s28] =	ssyncadd.s32 $0xFFFFC000  }
0x49: {  	[spmem:s3] =	stream.indirect.scatter.add.f32 [tilespmem:s21], [sflag:$0x2], $0x80, s30, s26, $0xb8;
	[tilespmem:$0x1CF00] =	vst v63  }
0x4a: {  	_ =	swait.ge [sflag:s19], $0x4000  }
0x4b: {  	s31 =	simm.s32 $0x400;
	s30 =	simm.s32 $0x80;
	[sflag:s19] =	ssyncset.done $0x0  }
.LBB2_4:
0x4c: {  	s1 =	sadd.s32 $0x14000, s30  }
0x4d: {  	[sflag:s19] =	ssyncadd.s32 $0xFFFFC000;
	s0 =	smov.u32 s31;
	s18 =	sadd.s32 $0x200, s31  }
0x4e: {  	[tilespmem:s21], [sflag:$0x1] =	stream.indirect.gather [hbm4b:s2+s26], $0x80, s1, s26, $0xb8;
	[tilespmem:$0x1CF00] =	vst v63  }
0x4f: {  	p0 =	sne.s32 s31, $0x9C00;
	_ =	swait.ge [sflag:s28], $0x4000  }
.Ltmp1:
0x50: {  	[sflag:s28] =	ssyncset.done $0x0;
	(pc) =	sbr.rel @p0 .LBB2_4-.Ltmp1, $4  }
0x51: {  	s1 =	sadd.s32 $0x16780, s30;
	[sflag:s28] =	ssyncadd.s32 $0xFFFFC000  }
0x52: {  	[spmem:s3] =	stream.indirect.scatter.add.f32 [tilespmem:s21], [sflag:$0x2], $0x80, s1, s26, $0xb8;
	[tilespmem:$0x1CF00] =	vst v63  }
0x53: {  	_ =	swait.ge [sflag:s19], $0x4000  }
0x54: {  	s30 =	sshra.s32 s0, $0x2;
	s31 =	smov.u32 s18;
	[sflag:s19] =	ssyncset.done $0x0  }
0x55: {  	s0 =	sadd.s32 $0x14000, s30;
	[sflag:s19] =	ssyncadd.s32 $0xFFFFC000  }
0x56: {  	[tilespmem:s21], [sflag:$0x1] =	stream.indirect.gather [hbm4b:s2+s26], $0x80, s0, s26, $0xb8;
	[tilespmem:$0x1CF00] =	vst v63  }
0x57: {  	_ =	swait.ge [sflag:s28], $0x4000  }
0x58: {  	[sflag:s28] =	ssyncset.done $0x0  }
0x59: {  	s30 =	sadd.s32 $0x16780, s30;
	[sflag:s28] =	ssyncadd.s32 $0xFFFFC000  }
0x5a: {  	[spmem:s3] =	stream.indirect.scatter.add.f32 [tilespmem:s21], [sflag:$0x2], $0x80, s30, s26, $0xb8;
	[tilespmem:$0x1CF00] =	vst v63  }
0x5b: {  	_ =	swait.ge [sflag:s19], $0x4000  }
0x5c: {  	s31 =	stileid.u32;
	[sflag:s19] =	ssyncset.done $0x0  }
0x5d: {  	s0 =	sshll.u32 s31, $0x6;
	[sflag:s19] =	ssyncadd.s32 $0xFFFFC000  }
0x5e: {  	s1 =	sshrl.u32 s7, $0x3;
	s0 =	sor.u32 $0x1C02, s0;
	[bflag:$0x0] =	sbarrier.arrive $0xFFFF  }
0x5f: {  	[hbm:s8], [sflag:s0] =	dma.local [spmem:s1], $0x800  }
0x60: {  	_ =	swait.ge [sflag:s19], $0x800  }
0x61: {  	[sflag:s19] =	ssyncset.done $0x0  }
0x62: {  	[sflag:s19] =	ssyncadd.s32 $0xFFFFF800  }
0x63: {  	[hbm:s14], [sflag:s0] =	dma.local [spmem:s22], $0x800  }
0x64: {  	_ =	swait.ge [sflag:s19], $0x800  }
0x65: {  	[sflag:s19] =	ssyncset.done $0x0  }
0x66: {  	[sflag:s19] =	ssyncadd.s32 $0xFFFFF800  }
0x67: {  	[hbm:s15], [sflag:s0] =	dma.local [spmem:s23], $0x800  }
0x68: {  	_ =	swait.ge [sflag:s19], $0x800  }
0x69: {  	[sflag:s19] =	ssyncset.done $0x0  }
0x6a: {  	[sflag:s19] =	ssyncadd.s32 $0xFFFFF800  }
0x6b: {  	[hbm:s16], [sflag:s0] =	dma.local [spmem:s24], $0x800  }
0x6c: {  	s29 =	sadd.s32 $0x1, s29;
	_ =	swait.ge [sflag:s19], $0x800  }
0x6d: {  	p0 =	sne.s32 s29, s9;
	[sflag:s19] =	ssyncset.done $0x0  }
.Ltmp2:
0x6e: {  	[sflag:s19] =	ssyncadd.s32 $0xFFFFF800;
	(pc) =	sbr.rel @p0 .LBB2_1-.Ltmp2, $4  }
0x6f: {  	[hbm:s17], [sflag:s0] =	dma.local [spmem:s25], $0x800  }
0x70: {  	_ =	swait.ge [sflag:s19], $0x800  }
0x71: {  	[sflag:s19] =	ssyncset.done $0x0  }
0x72: {  	[sflag:s19] =	ssyncadd.s32 $0xFFFFF800  }
0x73: {  	_ =	sfence.sel $0x180000  }
0x74: {  	[bflag:$0x0] =	sbarrier.arrive $0xFFFF  }
0x75: {  	_ =	strace $0x90000059  }
0x76: {  	s0 =	stileid.u32;
	[bflag:$0x2] =	sbarrier.arrive $0xFFFF  }
0x77: {  	p0 =	sne.s32 s0, $0x0;
	s0 =	rddreg [dreg:$0x3]  }
0x78: {  	s0 =	sadd.s32 @!p0 $0x100000, s0  }
0x79: {  	[sflag:s0] =	ssyncadd.tile.s32 @!p0 $0x1;
	_ =	shalt  }
.Lfunc_end2:
_tile_overlayer_lowered:
.L_overlay_start_2:
0x7a: {  	(tag) =	ssettag $0x2  }
0x7b: {  	s0 =	rddreg [dreg:$0x0];
	s2 =	stileid.u32  }
0x7c: {  	s1 =	rddreg [dreg:$0x1];
	p0 =	sne.s32 s2, $0x0  }
0x7d: {  	s3 =	rddreg [dreg:$0x2];
	[bflag:$0x3] =	sbarrier.arrive $0xFFFF;
	s2 =	simm.s32 @!p0 $0x1C02  }
0x7e: {  	[timem:s3], [sflag:s2] =	dma.local @!p0 [hbm:s0], s1  }
0x7f: {  	s0 =	simm.s32 @!p0 $0x2  }
0x80: {  	_ =	swait.ge @!p0 [sflag:s0], s1  }
0x81: {  	s1 =	ssub.s32 @!p0 $0x0, s1;
	[sflag:s0] =	ssyncset.done @!p0 $0x0  }
0x82: {  	[sflag:s0] =	ssyncadd.s32 @!p0 s1  }
0x83: {  	[bflag:$0x3] =	sbarrier.arrive $0xFFFF  }
0x84: {  	_ =	shalt  }

// kernel: kernel.44.cloned.1.call-start
scs
__scs_entry_jumppad:
0x0: {  	(pc) =	sbr.rel $0x88, $3  }
0x1: {  	(tag) =	ssettag $0x0;
	lr =	simm.s32 $0x1  }
0x2: {  	[smem:$0x3F9E] =	sst lr;
	_ =	strace $0xD0000000  }
0x3: {  	_ = 	snop  }
0x4: {  	_ = 	snop  }
0x5: {  	_ = 	snop  }
0x6: {  	_ = 	snop  }
0x7: {  	_ = 	snop  }
__scs_overlays_trampoline_lowered:
0x8: {  	[smem:$0x3FAD] =	sst s0  }
0x9: {  	[smem:$0x3FAE] =	sst s1  }
0xa: {  	[smem:$0x3FAF] =	sst s2  }
0xb: {  	[smem:$0x3FB0] =	sst s3  }
0xc: {  	[smem:$0x3FB1] =	sst s4  }
0xd: {  	[smem:$0x3FB2] =	sst s5  }
0xe: {  	[smem:$0x3FB3] =	sst s6  }
0xf: {  	[smem:$0x3FB4] =	sst s7  }
0x10: {  	[smem:$0x3FB5] =	sst s8  }
0x11: {  	[smem:$0x3FB6] =	sst s9;
	s0 =	simm.s32 @!p0 $0x0  }
0x12: {  	s1 =	sld [smem:$0x3F9C];
	s0 =	simm.s32 @p0 $0x1  }
0x13: {  	[smem:$0x3FB7] =	sst s0;
	s0 =	simm.s32 @!p1 $0x0  }
0x14: {  	s2 =	sld [smem:$0x3F9B];
	s0 =	simm.s32 @p1 $0x1  }
0x15: {  	[smem:$0x3FB8] =	sst s0;
	s0 =	simm.s32 @!p2 $0x0  }
0x16: {  	s3 =	sld [smem:$0x3FDB];
	s0 =	simm.s32 @p2 $0x1  }
0x17: {  	s4 =	simm.s32 $0x1BF5;
	[smem:$0x3FBA] =	sst s0  }
0x18: {  	s0 =	sld [smem:$0x3F9D];
	_ =	swait.ge [sflag:s4], $0x0  }
0x19: {  	s7 =	sld [smem:$0x3F9E]  }
0x1a: {  	s8 =	sadd.s32 $0xFFFFE003, lr  }
0x1b: {  	s9 =	sadd.s32 $0xFFFFFEF7, lr;
	s5 =	simm.s32 $0xFFFFFFFF;
	p2 =	slt.u32 s8, $0xFFFFF086  }
0x1c: {  	p1 =	slt.u32 s9, $0xF7A;
	s5 =	simm.s32 @!p2 $0x0  }
0x1d: {  	s5 =	simm.s32 @p1 $0x1;
	p0 =	seq.s32 s7, s2  }
0x1e: {  	s7 =	smul.u32 @!p0 $0xF7A, s2;
	p2 =	seq.s32 @!p0 s5, $0x0  }
0x1f: {  	s9 =	smul.u32 $0xF7A, s1;
	s8 =	simm.s32 @!p0 $0x1BF5;
	p2 =	por !p2, p0  }
0x20: {  	[sflag:s8] =	ssyncset.s32 @!p0 $0xFFFFF086;
	s6 =	sadd.s32 @!p0 s3, s7;
	s7 =	simm.s32 @!p0 $0x108  }
0x21: {  	s3 =	sadd.s32 s3, s9;
	s6 =	sadd.s32 @!p0 $0x88, s6;
	s7 =	simm.s32 @p2 $0x1082  }
0x22: {  	[simem:s7], [sflag:s8] =	dma.local @!p0 [hbm:s6], $0xF7A  }
0x23: {  	s9 =	sor.u32 $0xD0000000, s2;
	s6 =	simm.s32 $0x108;
	_ =	swait.ge @!p0 [sflag:s8], $0x0  }
0x24: {  	s3 =	sadd.s32 $0x88, s3;
	s6 =	simm.s32 @!p1 $0x1082;
	[sflag:s4] =	ssyncset.s32 $0xFFFFF086  }
0x25: {  	[simem:s6], [sflag:s4] =	dma.local [hbm:s3], $0xF7A  }
0x26: {  	[smem:$0x3F9E] =	sst s1;
	(tag) =	ssettag s2;
	_ =	strace s9  }
0x27: {  	s1 =	sld [smem:$0x3FAE]  }
0x28: {  	s2 =	sld [smem:$0x3FAF]  }
0x29: {  	s4 =	sld [smem:$0x3FB1]  }
0x2a: {  	p0 =	seq.s32 s5, $0x0;
	s5 =	sld [smem:$0x3FB2]  }
0x2b: {  	s6 =	sld [smem:$0x3FB3]  }
0x2c: {  	s7 =	sld [smem:$0x3FB4]  }
0x2d: {  	s3 =	simm.s32 $0x108;
	s8 =	sld [smem:$0x3FB5]  }
0x2e: {  	s3 =	simm.s32 @!p0 $0x1082;
	s9 =	sld [smem:$0x3FB6]  }
0x2f: {  	lr =	sadd.s32 s0, s3;
	s0 =	sld [smem:$0x3FAD]  }
0x30: {  	s3 =	sld [smem:$0x3FB0]  }
0x31: {  	[smem:$0x3FB9] =	sst s10  }
0x32: {  	s10 =	sld [smem:$0x3FB7];
	_ =	sdelay $0x3  }
0x33: {  	p0 =	seq.s32 s10, $0x1;
	s10 =	sld [smem:$0x3FB9];
	_ =	sdelay $0x3  }
0x34: {  	[smem:$0x3FB9] =	sst s10  }
0x35: {  	s10 =	sld [smem:$0x3FB8];
	_ =	sdelay $0x3  }
0x36: {  	p1 =	seq.s32 s10, $0x1;
	s10 =	sld [smem:$0x3FB9];
	_ =	sdelay $0x3  }
0x37: {  	[smem:$0x3FB9] =	sst s10  }
0x38: {  	s10 =	sld [smem:$0x3FBA]  }
0x39: {  	_ = 	snop;
	(pc) =	sbr.ind lr, $3  }
0x3a: {  	_ = 	snop  }
0x3b: {  	_ = 	snop  }
0x3c: {  	p2 =	seq.s32 s10, $0x1;
	s10 =	sld [smem:$0x3FB9]  }
0x3d: {  	_ =	shalt  }
0x3e: {  	_ =	shalt  }
0x3f: {  	_ =	shalt  }
0x40: {  	_ =	shalt  }
0x41: {  	_ =	shalt  }
0x42: {  	_ =	shalt  }
0x43: {  	_ =	shalt  }
0x44: {  	_ =	shalt  }
0x45: {  	_ =	shalt  }
0x46: {  	_ =	shalt  }
0x47: {  	_ =	shalt  }
0x48: {  	_ =	shalt  }
0x49: {  	_ =	shalt  }
0x4a: {  	_ =	shalt  }
0x4b: {  	_ =	shalt  }
0x4c: {  	_ =	shalt  }
0x4d: {  	_ =	shalt  }
0x4e: {  	_ =	shalt  }
0x4f: {  	_ =	shalt  }
0x50: {  	_ =	shalt  }
0x51: {  	_ =	shalt  }
0x52: {  	_ =	shalt  }
0x53: {  	_ =	shalt  }
0x54: {  	_ =	shalt  }
0x55: {  	_ =	shalt  }
0x56: {  	_ =	shalt  }
0x57: {  	_ =	shalt  }
0x58: {  	_ =	shalt  }
0x59: {  	_ =	shalt  }
0x5a: {  	_ =	shalt  }
0x5b: {  	_ =	shalt  }
0x5c: {  	_ =	shalt  }
0x5d: {  	_ =	shalt  }
0x5e: {  	_ =	shalt  }
0x5f: {  	_ =	shalt  }
0x60: {  	_ =	shalt  }
0x61: {  	_ =	shalt  }
0x62: {  	_ =	shalt  }
0x63: {  	_ =	shalt  }
0x64: {  	_ =	shalt  }
0x65: {  	_ =	shalt  }
0x66: {  	_ =	shalt  }
0x67: {  	_ =	shalt  }
0x68: {  	_ =	shalt  }
0x69: {  	_ =	shalt  }
0x6a: {  	_ =	shalt  }
0x6b: {  	_ =	shalt  }
0x6c: {  	_ =	shalt  }
0x6d: {  	_ =	shalt  }
0x6e: {  	_ =	shalt  }
0x6f: {  	_ =	shalt  }
0x70: {  	_ =	shalt  }
0x71: {  	_ =	shalt  }
0x72: {  	_ =	shalt  }
0x73: {  	_ =	shalt  }
0x74: {  	_ =	shalt  }
0x75: {  	_ =	shalt  }
0x76: {  	_ =	shalt  }
0x77: {  	_ =	shalt  }
0x78: {  	_ =	shalt  }
0x79: {  	_ =	shalt  }
0x7a: {  	_ =	shalt  }
0x7b: {  	_ =	shalt  }
0x7c: {  	_ =	shalt  }
0x7d: {  	_ =	shalt  }
0x7e: {  	_ =	shalt  }
0x7f: {  	_ =	shalt  }
0x80: {  	_ =	shalt  }
0x81: {  	_ =	shalt  }
0x82: {  	_ =	shalt  }
0x83: {  	_ =	shalt  }
0x84: {  	_ =	shalt  }
0x85: {  	_ =	shalt  }
0x86: {  	_ =	shalt  }
0x87: {  	_ =	shalt  }
.Lfunc_end0:
.L_simem_size_0:
called_computation.7_lowered:
.L_overlay_start_0:
0x88: {  	s2 =	sld [smem:$0x3FD9]  }
0x89: {  	s3 =	sld [smem:$0x3FFE];
	_ =	sdelay $0x1  }
0x8a: {  	s1 =	srdreg.scid  }
0x8b: {  	s0 =	sand.u32 $0x1, s1  }
0x8c: {  	s17 =	sshll.u32 s0, $0xA;
	s2 =	sadd.s32 s3, s2  }
0x8d: {  	s2 =	sadd.s32 s2, s17  }
0x8e: {  	[smem:$0x3FC5] =	sst s2  }
0x8f: {  	_ = 	snop  }
0x90: {  	s2 =	sld [smem:$0x3FD0];
	(tm) =	ssettm $0x1  }
0x91: {  	s18 =	sld [smem:$0x3FFB];
	_ =	sdelay $0x3  }
0x92: {  	_ =	strace s18  }
0x93: {  	s3 =	sld [smem:$0x3FFC];
	_ =	sdelay $0x3  }
0x94: {  	_ =	strace s3  }
0x95: {  	s3 =	sld [smem:$0x3FFD];
	_ =	sdelay $0x3  }
0x96: {  	_ =	strace s3  }
0x97: {  	_ =	strace $0x8FFFFFFF  }
0x98: {  	s19 =	sld [smem:$0x3FDB];
	_ =	sdelay $0x1  }
0x99: {  	s4 =	simm.s32 $_scs_section_size  }
0x9a: {  	s5 =	simm.s32 $_size__tile_overlayer_lowered;
	s6 =	simm.s32 $_tile_overlayer_lowered  }
0x9b: {  	s22 =	simm.s32 $0x1BFF;
	s21 =	sshll.u32 s6, $0x1;
	s3 =	sadd.s32 s4, s19  }
0x9c: {  	s7 =	simm.s32 $0x0;
	s20 =	sshll.u32 s5, $0x1;
	s5 =	sadd.s32 s21, s3  }
0x9d: {  	[timem:s7], [sflag:s22] =	dma.local [hbm:s5], s20  }
0x9e: {  	_ =	swait.ge [sflag:s22], s20  }
0x9f: {  	s4 =	ssub.s32 $0x0, s20;
	[sflag:s22] =	ssyncset.done $0x0  }
0xa0: {  	[sflag:s22] =	ssyncadd.s32 s4;
	_ =	sdelay $0x1  }
0xa1: {  	s23 =	simm.s32 $0x1B8B  }
0xa2: {  	_ =	swait.ge [sflag:s23], $0x1  }
0xa3: {  	[sflag:s23] =	ssyncset.done $0x0  }
0xa4: {  	s25 =	simm.s32 $0x1B8E;
	s24 =	sld [smem:$0x3FFE];
	[sflag:s23] =	ssyncadd.s32 $0xFFFFFFFF  }
0xa5: {  	s26 =	simm.s32 $execute0_lowered;
	[smem:$0x3FD2] =	sst s25  }
0xa6: {  	s5 =	sshll.u32 s26, $0x1;
	_ =	strace $0x8000005B;
	[dreg:$0x1] =	wrdreg $0xFFFFFFFF  }
0xa7: {  	s28 =	simm.s32 $_size_execute0_lowered;
	s3 =	sadd.s32 s3, s5;
	[dreg:$0x0] =	wrdreg $0x0  }
0xa8: {  	s5 =	sshll.u32 s28, $0x1;
	[dreg:$0x2] =	wrdreg s3  }
0xa9: {  	[dreg:$0x3] =	wrdreg s5  }
0xaa: {  	[dreg:$0x4] =	wrdreg $0xC0  }
0xab: {  	_ =	task [dreg:s7], $0x5FFFF  }
0xac: {  	[dreg:$0x1] =	wrdreg $0xFFFFFFFF  }
0xad: {  	[dreg:$0x0] =	wrdreg $0x60  }
0xae: {  	[dreg:$0x2] =	wrdreg s24  }
0xaf: {  	[dreg:$0x3] =	wrdreg s2  }
0xb0: {  	[dreg:$0x4] =	wrdreg $0x0  }
0xb1: {  	[dreg:$0x5] =	wrdreg $0x9  }
0xb2: {  	_ =	task.clear_ibuf [dreg:s7], $0x6FFFF;
	_ =	strace $0x9000005B  }
0xb3: {  	s29 =	simm.s32 $0x9;
	_ =	strace $0x8000005D  }
0xb4: {  	_ =	swait.ge [sflag:s29], $0x1  }
0xb5: {  	[sflag:s29] =	ssyncadd.s32 $0xFFFFFFFF  }
0xb6: {  	_ =	strace $0x9000005D  }
0xb7: {  	_ =	sfence  }
0xb8: {  	s30 =	sld [smem:$0x0];
	_ =	sdelay $0x2  }
0xb9: {  	s31 =	sshll.u32 s1, $0xD;
	s1 =	sshrl.u32 s1, $0x2  }
0xba: {  	s3 =	sand.u32 $0x4000, s31;
	s1 =	sadd.s32 s1, s30  }
0xbb: {  	s0 =	sor.u32 s3, s0;
	s1 =	sshll.u32 s1, $0x11  }
0xbc: {  	s0 =	sor.u32 s1, s0  }
0xbd: {  	s0 =	sadd.s32 $0x8F2B, s0  }
0xbe: {  	[sflag:s0] =	ssyncadd.remote.s32 $0x1  }
0xbf: {  	_ =	sfence.sel $0xFFFF  }
0xc0: {  	[dreg:$0x0] =	wrdreg $0xFFFFFFFF;
	(pc) =	sbr.abs _section_cstart, $3  }
0xc1: {  	[dreg:$0x1] =	wrdreg $0xFFFFFFFF  }
0xc2: {  	_ =	task.clear_ibuf [dreg:s7], $0x2FFFF;
	_ =	strace $0x9FFFFFFF  }
0xc3: {  	(tm) =	ssettm $0x7FFFFFFF  }
tec
execute0_lowered:
.L_overlay_start_1:
0x0: {  	(tag) =	ssettag $0x1  }
0x1: {  	s5 =	rddreg [dreg:$0x0]  }
0x2: {  	s0 =	srdreg.scid;
	s2 =	rddreg [dreg:$0x1]  }
0x3: {  	s22 =	stileid.u32;
	s3 =	rddreg [dreg:$0x2]  }
0x4: {  	s4 =	simm.s32 $0x0;
	s28 =	simm.s32 $0x1;
	s29 =	simm.s32 $0x0  }
0x5: {  	s6 =	sand.u32 $0x1, s0;
	[smem:$0x7FF] =	sst s4;
	s15 =	smul.u32 $0x14000, s22  }
0x6: {  	s9 =	smul.u32 $0x50000, s22;
	s17 =	sadd.s32 $0x69400, s5;
	s1 =	sshll.u32 s6, $0x4  }
0x7: {  	s16 =	smul.u32 $0x140000, s6;
	_ =	strace $0x8000005C;
	s6 =	ssub.s32 $0x2, s6  }
0x8: {  	s7 =	sor.u32 s22, s1;
	s8 =	sshrl.u32 s6, $0x1;
	s24 =	sshrl.u32 s9, $0x2  }
0x9: {  	s18 =	sadd.s32 $0x4000, s15;
	s19 =	sadd.s32 $0x8000, s15;
	s20 =	sadd.s32 $0xC000, s15  }
0xa: {  	s21 =	sadd.s32 $0x10000, s15;
	s7 =	smul.u32 $0x500, s7;
	s10 =	ssub.s32 s6, s8  }
0xb: {  	s23 =	sadd.s32 s16, s15;
	s14 =	sadd.s32 s16, s18;
	s22 =	sadd.s32 s18, s3  }
0xc: {  	s26 =	sadd.s32 s16, s19;
	s30 =	sadd.s32 s16, s20;
	s16 =	sadd.s32 s16, s21  }
0xd: {  	s25 =	sshrl.u32 s23, $0x3;
	s9 =	smax.u32 s10, $0x1;
	s14 =	sshrl.u32 s14, $0x3  }
0xe: {  	s18 =	sshrl.u32 s26, $0x3;
	s23 =	sadd.s32 s19, s3;
	s31 =	sshrl.u32 s16, $0x3  }
0xf: {  	s19 =	simm.s32 $0x2;
	s22 =	sshrl.u32 s22, $0x3;
	s26 =	simm.s32 $0x80  }
0x10: {  	s7 =	sadd.s32 s7, s5;
	s8 =	sadd.s32 s17, s25;
	s14 =	sadd.s32 s17, s14  }
0x11: {  	s15 =	sadd.s32 s17, s18;
	s18 =	sshrl.u32 s30, $0x3;
	s25 =	sadd.s32 s21, s3  }
0x12: {  	s21 =	simm.s32 $0x18F00;
	s23 =	sshrl.u32 s23, $0x3;
	s5 =	sadd.s32 $0xF400, s7  }
0x13: {  	s6 =	sadd.s32 $0x5400, s7;
	s7 =	sadd.s32 s24, s3;
	s16 =	sadd.s32 s17, s18  }
0x14: {  	s24 =	sadd.s32 s20, s3;
	s17 =	sadd.s32 s17, s31;
	s20 =	simm.s32 $0x16780  }
0x15: {  	s25 =	sshrl.u32 s25, $0x3;
	s10 =	sadd.s32 $0x4000, s7;
	s11 =	sadd.s32 $0x8000, s7  }
0x16: {  	v0 =	vimm.f32 $0.0e+00;
	s12 =	sadd.s32 $0xC000, s7;
	s13 =	sadd.s32 $0x10000, s7;
	s24 =	sshrl.u32 s24, $0x3  }
.LBB2_1:
0x17: {  	s0 =	simm.s32 $0x14000  }
0x18: {  	[tilespmem:s0], [sflag:$0x2] =	stream.linear.gather [hbm4b:s5+s4], $0x2780, $0x38;
	[tilespmem:$0x1CF00] =	vst v63  }
0x19: {  	_ =	swait.ge [sflag:s19], $0x2780  }
0x1a: {  	[sflag:s19] =	ssyncset.done $0x0  }
0x1b: {  	[sflag:s19] =	ssyncadd.s32 $0xFFFFD880  }
0x1c: {  	[tilespmem:s20], [sflag:$0x2] =	stream.linear.gather [hbm4b:s6+s4], $0x2780, $0x38;
	[tilespmem:$0x1CF00] =	vst v63  }
0x1d: {  	_ =	swait.ge [sflag:s19], $0x2780  }
0x1e: {  	[sflag:s19] =	ssyncset.done $0x0  }
0x1f: {  	s30 =	simm.s32 $0x0;
	s31 =	simm.s32 $0x200;
	[sflag:s19] =	ssyncadd.s32 $0xFFFFD880  }
.LBB2_2:
0x20: {  	p0 =	sne.s32 s31, $0xFE00;
	[tilespmem:s30+$0x18F70] =	vst v0  }
0x21: {  	[tilespmem:s30+$0x18F00] =	vst v0  }
0x22: {  	[tilespmem:s30+$0x18F10] =	vst v0  }
.Ltmp0:
0x23: {  	[tilespmem:s30+$0x18F20] =	vst v0;
	(pc) =	sbr.rel @p0 .LBB2_2-.Ltmp0, $4  }
0x24: {  	[tilespmem:s30+$0x18F30] =	vst v0  }
0x25: {  	[tilespmem:s30+$0x18F40] =	vst v0  }
0x26: {  	[tilespmem:s30+$0x18F50] =	vst v0  }
0x27: {  	[tilespmem:s30+$0x18F60] =	vst v0;
	s30 =	sshra.s32 s31, $0x2;
	s31 =	sadd.s32 $0x200, s31  }
0x28: {  	[tilespmem:s30+$0x18F70] =	vst v0  }
0x29: {  	[tilespmem:s30+$0x18F00] =	vst v0  }
0x2a: {  	[tilespmem:s30+$0x18F10] =	vst v0  }
0x2b: {  	[tilespmem:s30+$0x18F20] =	vst v0  }
0x2c: {  	[tilespmem:s30+$0x18F30] =	vst v0  }
0x2d: {  	[tilespmem:s30+$0x18F40] =	vst v0  }
0x2e: {  	[tilespmem:s30+$0x18F50] =	vst v0  }
0x2f: {  	[tilespmem:s30+$0x18F60] =	vst v0  }
0x30: {  	[spmem:s7] =	stream.linear.scatter [tilespmem:s21], [sflag:$0x2], $0x4000, $0x38;
	[tilespmem:$0x1CF00] =	vst v63  }
0x31: {  	_ =	swait.ge [sflag:s19], $0x4000  }
0x32: {  	[sflag:s19] =	ssyncset.done $0x0  }
0x33: {  	[sflag:s19] =	ssyncadd.s32 $0xFFFFC000  }
0x34: {  	[spmem:s10] =	stream.linear.scatter [tilespmem:s21], [sflag:$0x2], $0x4000, $0x38;
	[tilespmem:$0x1CF00] =	vst v63  }
0x35: {  	_ =	swait.ge [sflag:s19], $0x4000  }
0x36: {  	[sflag:s19] =	ssyncset.done $0x0  }
0x37: {  	[sflag:s19] =	ssyncadd.s32 $0xFFFFC000  }
0x38: {  	[spmem:s11] =	stream.linear.scatter [tilespmem:s21], [sflag:$0x2], $0x4000, $0x38;
	[tilespmem:$0x1CF00] =	vst v63  }
0x39: {  	_ =	swait.ge [sflag:s19], $0x4000  }
0x3a: {  	[sflag:s19] =	ssyncset.done $0x0  }
0x3b: {  	[sflag:s19] =	ssyncadd.s32 $0xFFFFC000  }
0x3c: {  	[spmem:s12] =	stream.linear.scatter [tilespmem:s21], [sflag:$0x2], $0x4000, $0x38;
	[tilespmem:$0x1CF00] =	vst v63  }
0x3d: {  	_ =	swait.ge [sflag:s19], $0x4000  }
0x3e: {  	[sflag:s19] =	ssyncset.done $0x0  }
0x3f: {  	[sflag:s19] =	ssyncadd.s32 $0xFFFFC000  }
0x40: {  	[spmem:s13] =	stream.linear.scatter [tilespmem:s21], [sflag:$0x2], $0x4000, $0x38;
	[tilespmem:$0x1CF00] =	vst v63  }
0x41: {  	_ =	swait.ge [sflag:s19], $0x4000  }
0x42: {  	[sflag:s19] =	ssyncset.done $0x0  }
0x43: {  	[sflag:s19] =	ssyncadd.s32 $0xFFFFC000  }
0x44: {  	s30 =	simm.s32 $0x14000;
	[bflag:$0x0] =	sbarrier.arrive $0xFFFF  }
0x45: {  	[tilespmem:s21], [sflag:$0x1] =	stream.indirect.gather [hbm4b:s2+s26], $0x80, s30, s26, $0xb8;
	[tilespmem:$0x1CF00] =	vst v63  }
0x46: {  	_ =	swait.ge [sflag:s28], $0x4000  }
0x47: {  	[sflag:s28] =	ssyncset.done $0x0  }
0x48: {  	s30 =	simm.s32 $0x16780;
	[sflag:s28] =	ssyncadd.s32 $0xFFFFC000  }
0x49: {  	[spmem:s3] =	stream.indirect.scatter.add.f32 [tilespmem:s21], [sflag:$0x2], $0x80, s30, s26, $0xb8;
	[tilespmem:$0x1CF00] =	vst v63  }
0x4a: {  	_ =	swait.ge [sflag:s19], $0x4000  }
0x4b: {  	s31 =	simm.s32 $0x400;
	s30 =	simm.s32 $0x80;
	[sflag:s19] =	ssyncset.done $0x0  }
.LBB2_4:
0x4c: {  	s1 =	sadd.s32 $0x14000, s30  }
0x4d: {  	[sflag:s19] =	ssyncadd.s32 $0xFFFFC000;
	s0 =	smov.u32 s31;
	s18 =	sadd.s32 $0x200, s31  }
0x4e: {  	[tilespmem:s21], [sflag:$0x1] =	stream.indirect.gather [hbm4b:s2+s26], $0x80, s1, s26, $0xb8;
	[tilespmem:$0x1CF00] =	vst v63  }
0x4f: {  	p0 =	sne.s32 s31, $0x9C00;
	_ =	swait.ge [sflag:s28], $0x4000  }
.Ltmp1:
0x50: {  	[sflag:s28] =	ssyncset.done $0x0;
	(pc) =	sbr.rel @p0 .LBB2_4-.Ltmp1, $4  }
0x51: {  	s1 =	sadd.s32 $0x16780, s30;
	[sflag:s28] =	ssyncadd.s32 $0xFFFFC000  }
0x52: {  	[spmem:s3] =	stream.indirect.scatter.add.f32 [tilespmem:s21], [sflag:$0x2], $0x80, s1, s26, $0xb8;
	[tilespmem:$0x1CF00] =	vst v63  }
0x53: {  	_ =	swait.ge [sflag:s19], $0x4000  }
0x54: {  	s30 =	sshra.s32 s0, $0x2;
	s31 =	smov.u32 s18;
	[sflag:s19] =	ssyncset.done $0x0  }
0x55: {  	s0 =	sadd.s32 $0x14000, s30;
	[sflag:s19] =	ssyncadd.s32 $0xFFFFC000  }
0x56: {  	[tilespmem:s21], [sflag:$0x1] =	stream.indirect.gather [hbm4b:s2+s26], $0x80, s0, s26, $0xb8;
	[tilespmem:$0x1CF00] =	vst v63  }
0x57: {  	_ =	swait.ge [sflag:s28], $0x4000  }
0x58: {  	[sflag:s28] =	ssyncset.done $0x0  }
0x59: {  	s30 =	sadd.s32 $0x16780, s30;
	[sflag:s28] =	ssyncadd.s32 $0xFFFFC000  }
0x5a: {  	[spmem:s3] =	stream.indirect.scatter.add.f32 [tilespmem:s21], [sflag:$0x2], $0x80, s30, s26, $0xb8;
	[tilespmem:$0x1CF00] =	vst v63  }
0x5b: {  	_ =	swait.ge [sflag:s19], $0x4000  }
0x5c: {  	s31 =	stileid.u32;
	[sflag:s19] =	ssyncset.done $0x0  }
0x5d: {  	s0 =	sshll.u32 s31, $0x6;
	[sflag:s19] =	ssyncadd.s32 $0xFFFFC000  }
0x5e: {  	s1 =	sshrl.u32 s7, $0x3;
	s0 =	sor.u32 $0x1C02, s0;
	[bflag:$0x0] =	sbarrier.arrive $0xFFFF  }
0x5f: {  	[hbm:s8], [sflag:s0] =	dma.local [spmem:s1], $0x800  }
0x60: {  	_ =	swait.ge [sflag:s19], $0x800  }
0x61: {  	[sflag:s19] =	ssyncset.done $0x0  }
0x62: {  	[sflag:s19] =	ssyncadd.s32 $0xFFFFF800  }
0x63: {  	[hbm:s14], [sflag:s0] =	dma.local [spmem:s22], $0x800  }
0x64: {  	_ =	swait.ge [sflag:s19], $0x800  }
0x65: {  	[sflag:s19] =	ssyncset.done $0x0  }
0x66: {  	[sflag:s19] =	ssyncadd.s32 $0xFFFFF800  }
0x67: {  	[hbm:s15], [sflag:s0] =	dma.local [spmem:s23], $0x800  }
0x68: {  	_ =	swait.ge [sflag:s19], $0x800  }
0x69: {  	[sflag:s19] =	ssyncset.done $0x0  }
0x6a: {  	[sflag:s19] =	ssyncadd.s32 $0xFFFFF800  }
0x6b: {  	[hbm:s16], [sflag:s0] =	dma.local [spmem:s24], $0x800  }
0x6c: {  	s29 =	sadd.s32 $0x1, s29;
	_ =	swait.ge [sflag:s19], $0x800  }
0x6d: {  	p0 =	sne.s32 s29, s9;
	[sflag:s19] =	ssyncset.done $0x0  }
.Ltmp2:
0x6e: {  	[sflag:s19] =	ssyncadd.s32 $0xFFFFF800;
	(pc) =	sbr.rel @p0 .LBB2_1-.Ltmp2, $4  }
0x6f: {  	[hbm:s17], [sflag:s0] =	dma.local [spmem:s25], $0x800  }
0x70: {  	_ =	swait.ge [sflag:s19], $0x800  }
0x71: {  	[sflag:s19] =	ssyncset.done $0x0  }
0x72: {  	[sflag:s19] =	ssyncadd.s32 $0xFFFFF800  }
0x73: {  	_ =	sfence.sel $0x180000  }
0x74: {  	[bflag:$0x0] =	sbarrier.arrive $0xFFFF  }
0x75: {  	_ =	strace $0x9000005C  }
0x76: {  	s0 =	stileid.u32;
	[bflag:$0x2] =	sbarrier.arrive $0xFFFF  }
0x77: {  	p0 =	sne.s32 s0, $0x0;
	s0 =	rddreg [dreg:$0x3]  }
0x78: {  	s0 =	sadd.s32 @!p0 $0x100000, s0  }
0x79: {  	[sflag:s0] =	ssyncadd.tile.s32 @!p0 $0x1;
	_ =	shalt  }
.Lfunc_end2:
_tile_overlayer_lowered:
.L_overlay_start_2:
0x7a: {  	(tag) =	ssettag $0x2  }
0x7b: {  	s0 =	rddreg [dreg:$0x0];
	s2 =	stileid.u32  }
0x7c: {  	s1 =	rddreg [dreg:$0x1];
	p0 =	sne.s32 s2, $0x0  }
0x7d: {  	s3 =	rddreg [dreg:$0x2];
	[bflag:$0x3] =	sbarrier.arrive $0xFFFF;
	s2 =	simm.s32 @!p0 $0x1C02  }
0x7e: {  	[timem:s3], [sflag:s2] =	dma.local @!p0 [hbm:s0], s1  }
0x7f: {  	s0 =	simm.s32 @!p0 $0x2  }
0x80: {  	_ =	swait.ge @!p0 [sflag:s0], s1  }
0x81: {  	s1 =	ssub.s32 @!p0 $0x0, s1;
	[sflag:s0] =	ssyncset.done @!p0 $0x0  }
0x82: {  	[sflag:s0] =	ssyncadd.s32 @!p0 s1  }
0x83: {  	[bflag:$0x3] =	sbarrier.arrive $0xFFFF  }
0x84: {  	_ =	shalt  }

// kernel: kernel.47.cloned.1.call-start
scs
__scs_entry_jumppad:
0x0: {  	(pc) =	sbr.rel $0x88, $3  }
0x1: {  	(tag) =	ssettag $0x0;
	lr =	simm.s32 $0x1  }
0x2: {  	[smem:$0x3F9E] =	sst lr;
	_ =	strace $0xD0000000  }
0x3: {  	_ = 	snop  }
0x4: {  	_ = 	snop  }
0x5: {  	_ = 	snop  }
0x6: {  	_ = 	snop  }
0x7: {  	_ = 	snop  }
__scs_overlays_trampoline_lowered:
0x8: {  	[smem:$0x3FAD] =	sst s0  }
0x9: {  	[smem:$0x3FAE] =	sst s1  }
0xa: {  	[smem:$0x3FAF] =	sst s2  }
0xb: {  	[smem:$0x3FB0] =	sst s3  }
0xc: {  	[smem:$0x3FB1] =	sst s4  }
0xd: {  	[smem:$0x3FB2] =	sst s5  }
0xe: {  	[smem:$0x3FB3] =	sst s6  }
0xf: {  	[smem:$0x3FB4] =	sst s7  }
0x10: {  	[smem:$0x3FB5] =	sst s8  }
0x11: {  	[smem:$0x3FB6] =	sst s9;
	s0 =	simm.s32 @!p0 $0x0  }
0x12: {  	s1 =	sld [smem:$0x3F9C];
	s0 =	simm.s32 @p0 $0x1  }
0x13: {  	[smem:$0x3FB7] =	sst s0;
	s0 =	simm.s32 @!p1 $0x0  }
0x14: {  	s2 =	sld [smem:$0x3F9B];
	s0 =	simm.s32 @p1 $0x1  }
0x15: {  	[smem:$0x3FB8] =	sst s0;
	s0 =	simm.s32 @!p2 $0x0  }
0x16: {  	s3 =	sld [smem:$0x3FDB];
	s0 =	simm.s32 @p2 $0x1  }
0x17: {  	s4 =	simm.s32 $0x1BF5;
	[smem:$0x3FBA] =	sst s0  }
0x18: {  	s0 =	sld [smem:$0x3F9D];
	_ =	swait.ge [sflag:s4], $0x0  }
0x19: {  	s7 =	sld [smem:$0x3F9E]  }
0x1a: {  	s8 =	sadd.s32 $0xFFFFE003, lr  }
0x1b: {  	s9 =	sadd.s32 $0xFFFFFEF7, lr;
	s5 =	simm.s32 $0xFFFFFFFF;
	p2 =	slt.u32 s8, $0xFFFFF086  }
0x1c: {  	p1 =	slt.u32 s9, $0xF7A;
	s5 =	simm.s32 @!p2 $0x0  }
0x1d: {  	s5 =	simm.s32 @p1 $0x1;
	p0 =	seq.s32 s7, s2  }
0x1e: {  	s7 =	smul.u32 @!p0 $0xF7A, s2;
	p2 =	seq.s32 @!p0 s5, $0x0  }
0x1f: {  	s9 =	smul.u32 $0xF7A, s1;
	s8 =	simm.s32 @!p0 $0x1BF5;
	p2 =	por !p2, p0  }
0x20: {  	[sflag:s8] =	ssyncset.s32 @!p0 $0xFFFFF086;
	s6 =	sadd.s32 @!p0 s3, s7;
	s7 =	simm.s32 @!p0 $0x108  }
0x21: {  	s3 =	sadd.s32 s3, s9;
	s6 =	sadd.s32 @!p0 $0x88, s6;
	s7 =	simm.s32 @p2 $0x1082  }
0x22: {  	[simem:s7], [sflag:s8] =	dma.local @!p0 [hbm:s6], $0xF7A  }
0x23: {  	s9 =	sor.u32 $0xD0000000, s2;
	s6 =	simm.s32 $0x108;
	_ =	swait.ge @!p0 [sflag:s8], $0x0  }
0x24: {  	s3 =	sadd.s32 $0x88, s3;
	s6 =	simm.s32 @!p1 $0x1082;
	[sflag:s4] =	ssyncset.s32 $0xFFFFF086  }
0x25: {  	[simem:s6], [sflag:s4] =	dma.local [hbm:s3], $0xF7A  }
0x26: {  	[smem:$0x3F9E] =	sst s1;
	(tag) =	ssettag s2;
	_ =	strace s9  }
0x27: {  	s1 =	sld [smem:$0x3FAE]  }
0x28: {  	s2 =	sld [smem:$0x3FAF]  }
0x29: {  	s4 =	sld [smem:$0x3FB1]  }
0x2a: {  	p0 =	seq.s32 s5, $0x0;
	s5 =	sld [smem:$0x3FB2]  }
0x2b: {  	s6 =	sld [smem:$0x3FB3]  }
0x2c: {  	s7 =	sld [smem:$0x3FB4]  }
0x2d: {  	s3 =	simm.s32 $0x108;
	s8 =	sld [smem:$0x3FB5]  }
0x2e: {  	s3 =	simm.s32 @!p0 $0x1082;
	s9 =	sld [smem:$0x3FB6]  }
0x2f: {  	lr =	sadd.s32 s0, s3;
	s0 =	sld [smem:$0x3FAD]  }
0x30: {  	s3 =	sld [smem:$0x3FB0]  }
0x31: {  	[smem:$0x3FB9] =	sst s10  }
0x32: {  	s10 =	sld [smem:$0x3FB7];
	_ =	sdelay $0x3  }
0x33: {  	p0 =	seq.s32 s10, $0x1;
	s10 =	sld [smem:$0x3FB9];
	_ =	sdelay $0x3  }
0x34: {  	[smem:$0x3FB9] =	sst s10  }
0x35: {  	s10 =	sld [smem:$0x3FB8];
	_ =	sdelay $0x3  }
0x36: {  	p1 =	seq.s32 s10, $0x1;
	s10 =	sld [smem:$0x3FB9];
	_ =	sdelay $0x3  }
0x37: {  	[smem:$0x3FB9] =	sst s10  }
0x38: {  	s10 =	sld [smem:$0x3FBA]  }
0x39: {  	_ = 	snop;
	(pc) =	sbr.ind lr, $3  }
0x3a: {  	_ = 	snop  }
0x3b: {  	_ = 	snop  }
0x3c: {  	p2 =	seq.s32 s10, $0x1;
	s10 =	sld [smem:$0x3FB9]  }
0x3d: {  	_ =	shalt  }
0x3e: {  	_ =	shalt  }
0x3f: {  	_ =	shalt  }
0x40: {  	_ =	shalt  }
0x41: {  	_ =	shalt  }
0x42: {  	_ =	shalt  }
0x43: {  	_ =	shalt  }
0x44: {  	_ =	shalt  }
0x45: {  	_ =	shalt  }
0x46: {  	_ =	shalt  }
0x47: {  	_ =	shalt  }
0x48: {  	_ =	shalt  }
0x49: {  	_ =	shalt  }
0x4a: {  	_ =	shalt  }
0x4b: {  	_ =	shalt  }
0x4c: {  	_ =	shalt  }
0x4d: {  	_ =	shalt  }
0x4e: {  	_ =	shalt  }
0x4f: {  	_ =	shalt  }
0x50: {  	_ =	shalt  }
0x51: {  	_ =	shalt  }
0x52: {  	_ =	shalt  }
0x53: {  	_ =	shalt  }
0x54: {  	_ =	shalt  }
0x55: {  	_ =	shalt  }
0x56: {  	_ =	shalt  }
0x57: {  	_ =	shalt  }
0x58: {  	_ =	shalt  }
0x59: {  	_ =	shalt  }
0x5a: {  	_ =	shalt  }
0x5b: {  	_ =	shalt  }
0x5c: {  	_ =	shalt  }
0x5d: {  	_ =	shalt  }
0x5e: {  	_ =	shalt  }
0x5f: {  	_ =	shalt  }
0x60: {  	_ =	shalt  }
0x61: {  	_ =	shalt  }
0x62: {  	_ =	shalt  }
0x63: {  	_ =	shalt  }
0x64: {  	_ =	shalt  }
0x65: {  	_ =	shalt  }
0x66: {  	_ =	shalt  }
0x67: {  	_ =	shalt  }
0x68: {  	_ =	shalt  }
0x69: {  	_ =	shalt  }
0x6a: {  	_ =	shalt  }
0x6b: {  	_ =	shalt  }
0x6c: {  	_ =	shalt  }
0x6d: {  	_ =	shalt  }
0x6e: {  	_ =	shalt  }
0x6f: {  	_ =	shalt  }
0x70: {  	_ =	shalt  }
0x71: {  	_ =	shalt  }
0x72: {  	_ =	shalt  }
0x73: {  	_ =	shalt  }
0x74: {  	_ =	shalt  }
0x75: {  	_ =	shalt  }
0x76: {  	_ =	shalt  }
0x77: {  	_ =	shalt  }
0x78: {  	_ =	shalt  }
0x79: {  	_ =	shalt  }
0x7a: {  	_ =	shalt  }
0x7b: {  	_ =	shalt  }
0x7c: {  	_ =	shalt  }
0x7d: {  	_ =	shalt  }
0x7e: {  	_ =	shalt  }
0x7f: {  	_ =	shalt  }
0x80: {  	_ =	shalt  }
0x81: {  	_ =	shalt  }
0x82: {  	_ =	shalt  }
0x83: {  	_ =	shalt  }
0x84: {  	_ =	shalt  }
0x85: {  	_ =	shalt  }
0x86: {  	_ =	shalt  }
0x87: {  	_ =	shalt  }
.Lfunc_end0:
.L_simem_size_0:
called_computation.8_lowered:
.L_overlay_start_0:
0x88: {  	s2 =	sld [smem:$0x3FD9]  }
0x89: {  	s3 =	sld [smem:$0x3FFE];
	_ =	sdelay $0x1  }
0x8a: {  	s1 =	srdreg.scid  }
0x8b: {  	s0 =	sand.u32 $0x1, s1  }
0x8c: {  	s17 =	sshll.u32 s0, $0xA;
	s2 =	sadd.s32 s3, s2  }
0x8d: {  	s2 =	sadd.s32 s2, s17  }
0x8e: {  	[smem:$0x3FC5] =	sst s2  }
0x8f: {  	_ = 	snop  }
0x90: {  	s2 =	sld [smem:$0x3FD0];
	(tm) =	ssettm $0x1  }
0x91: {  	s18 =	sld [smem:$0x3FFB];
	_ =	sdelay $0x3  }
0x92: {  	_ =	strace s18  }
0x93: {  	s3 =	sld [smem:$0x3FFC];
	_ =	sdelay $0x3  }
0x94: {  	_ =	strace s3  }
0x95: {  	s3 =	sld [smem:$0x3FFD];
	_ =	sdelay $0x3  }
0x96: {  	_ =	strace s3  }
0x97: {  	_ =	strace $0x8FFFFFFF  }
0x98: {  	s19 =	sld [smem:$0x3FDB];
	_ =	sdelay $0x1  }
0x99: {  	s4 =	simm.s32 $_scs_section_size  }
0x9a: {  	s5 =	simm.s32 $_size__tile_overlayer_lowered;
	s6 =	simm.s32 $_tile_overlayer_lowered  }
0x9b: {  	s22 =	simm.s32 $0x1BFF;
	s21 =	sshll.u32 s6, $0x1;
	s3 =	sadd.s32 s4, s19  }
0x9c: {  	s7 =	simm.s32 $0x0;
	s20 =	sshll.u32 s5, $0x1;
	s5 =	sadd.s32 s21, s3  }
0x9d: {  	[timem:s7], [sflag:s22] =	dma.local [hbm:s5], s20  }
0x9e: {  	_ =	swait.ge [sflag:s22], s20  }
0x9f: {  	s4 =	ssub.s32 $0x0, s20;
	[sflag:s22] =	ssyncset.done $0x0  }
0xa0: {  	[sflag:s22] =	ssyncadd.s32 s4;
	_ =	sdelay $0x1  }
0xa1: {  	s23 =	simm.s32 $0x1B8B  }
0xa2: {  	_ =	swait.ge [sflag:s23], $0x1  }
0xa3: {  	[sflag:s23] =	ssyncset.done $0x0  }
0xa4: {  	s25 =	simm.s32 $0x1B8E;
	s24 =	sld [smem:$0x3FFE];
	[sflag:s23] =	ssyncadd.s32 $0xFFFFFFFF  }
0xa5: {  	s26 =	simm.s32 $execute0_lowered;
	[smem:$0x3FD2] =	sst s25  }
0xa6: {  	s5 =	sshll.u32 s26, $0x1;
	_ =	strace $0x8000005E;
	[dreg:$0x1] =	wrdreg $0xFFFFFFFF  }
0xa7: {  	s28 =	simm.s32 $_size_execute0_lowered;
	s3 =	sadd.s32 s3, s5;
	[dreg:$0x0] =	wrdreg $0x0  }
0xa8: {  	s5 =	sshll.u32 s28, $0x1;
	[dreg:$0x2] =	wrdreg s3  }
0xa9: {  	[dreg:$0x3] =	wrdreg s5  }
0xaa: {  	[dreg:$0x4] =	wrdreg $0xC0  }
0xab: {  	_ =	task [dreg:s7], $0x5FFFF  }
0xac: {  	[dreg:$0x1] =	wrdreg $0xFFFFFFFF  }
0xad: {  	[dreg:$0x0] =	wrdreg $0x60  }
0xae: {  	[dreg:$0x2] =	wrdreg s24  }
0xaf: {  	[dreg:$0x3] =	wrdreg s2  }
0xb0: {  	[dreg:$0x4] =	wrdreg $0x0  }
0xb1: {  	[dreg:$0x5] =	wrdreg $0x9  }
0xb2: {  	_ =	task.clear_ibuf [dreg:s7], $0x6FFFF;
	_ =	strace $0x9000005E  }
0xb3: {  	s29 =	simm.s32 $0x9;
	_ =	strace $0x80000060  }
0xb4: {  	_ =	swait.ge [sflag:s29], $0x1  }
0xb5: {  	[sflag:s29] =	ssyncadd.s32 $0xFFFFFFFF  }
0xb6: {  	_ =	strace $0x90000060  }
0xb7: {  	_ =	sfence  }
0xb8: {  	s30 =	sld [smem:$0x0];
	_ =	sdelay $0x2  }
0xb9: {  	s31 =	sshll.u32 s1, $0xD;
	s1 =	sshrl.u32 s1, $0x2  }
0xba: {  	s3 =	sand.u32 $0x4000, s31;
	s1 =	sadd.s32 s1, s30  }
0xbb: {  	s0 =	sor.u32 s3, s0;
	s1 =	sshll.u32 s1, $0x11  }
0xbc: {  	s0 =	sor.u32 s1, s0  }
0xbd: {  	s0 =	sadd.s32 $0x8F2B, s0  }
0xbe: {  	[sflag:s0] =	ssyncadd.remote.s32 $0x1  }
0xbf: {  	_ =	sfence.sel $0xFFFF  }
0xc0: {  	[dreg:$0x0] =	wrdreg $0xFFFFFFFF;
	(pc) =	sbr.abs _section_cstart, $3  }
0xc1: {  	[dreg:$0x1] =	wrdreg $0xFFFFFFFF  }
0xc2: {  	_ =	task.clear_ibuf [dreg:s7], $0x2FFFF;
	_ =	strace $0x9FFFFFFF  }
0xc3: {  	(tm) =	ssettm $0x7FFFFFFF  }
tec
execute0_lowered:
.L_overlay_start_1:
0x0: {  	(tag) =	ssettag $0x1  }
0x1: {  	s5 =	rddreg [dreg:$0x0]  }
0x2: {  	s0 =	srdreg.scid;
	s2 =	rddreg [dreg:$0x1]  }
0x3: {  	s22 =	stileid.u32;
	s3 =	rddreg [dreg:$0x2]  }
0x4: {  	s4 =	simm.s32 $0x0;
	s28 =	simm.s32 $0x1;
	s29 =	simm.s32 $0x0  }
0x5: {  	s6 =	sand.u32 $0x1, s0;
	[smem:$0x7FF] =	sst s4;
	s15 =	smul.u32 $0x14000, s22  }
0x6: {  	s9 =	smul.u32 $0x50000, s22;
	s17 =	sadd.s32 $0x69400, s5;
	s1 =	sshll.u32 s6, $0x4  }
0x7: {  	s16 =	smul.u32 $0x140000, s6;
	_ =	strace $0x8000005F;
	s6 =	ssub.s32 $0x2, s6  }
0x8: {  	s7 =	sor.u32 s22, s1;
	s8 =	sshrl.u32 s6, $0x1;
	s24 =	sshrl.u32 s9, $0x2  }
0x9: {  	s18 =	sadd.s32 $0x4000, s15;
	s19 =	sadd.s32 $0x8000, s15;
	s20 =	sadd.s32 $0xC000, s15  }
0xa: {  	s21 =	sadd.s32 $0x10000, s15;
	s7 =	smul.u32 $0x500, s7;
	s10 =	ssub.s32 s6, s8  }
0xb: {  	s23 =	sadd.s32 s16, s15;
	s14 =	sadd.s32 s16, s18;
	s22 =	sadd.s32 s18, s3  }
0xc: {  	s26 =	sadd.s32 s16, s19;
	s30 =	sadd.s32 s16, s20;
	s16 =	sadd.s32 s16, s21  }
0xd: {  	s25 =	sshrl.u32 s23, $0x3;
	s9 =	smax.u32 s10, $0x1;
	s14 =	sshrl.u32 s14, $0x3  }
0xe: {  	s18 =	sshrl.u32 s26, $0x3;
	s23 =	sadd.s32 s19, s3;
	s31 =	sshrl.u32 s16, $0x3  }
0xf: {  	s19 =	simm.s32 $0x2;
	s22 =	sshrl.u32 s22, $0x3;
	s26 =	simm.s32 $0x80  }
0x10: {  	s7 =	sadd.s32 s7, s5;
	s8 =	sadd.s32 s17, s25;
	s14 =	sadd.s32 s17, s14  }
0x11: {  	s15 =	sadd.s32 s17, s18;
	s18 =	sshrl.u32 s30, $0x3;
	s25 =	sadd.s32 s21, s3  }
0x12: {  	s21 =	simm.s32 $0x18F00;
	s23 =	sshrl.u32 s23, $0x3;
	s5 =	sadd.s32 $0xF400, s7  }
0x13: {  	s6 =	sadd.s32 $0x5400, s7;
	s7 =	sadd.s32 s24, s3;
	s16 =	sadd.s32 s17, s18  }
0x14: {  	s24 =	sadd.s32 s20, s3;
	s17 =	sadd.s32 s17, s31;
	s20 =	simm.s32 $0x16780  }
0x15: {  	s25 =	sshrl.u32 s25, $0x3;
	s10 =	sadd.s32 $0x4000, s7;
	s11 =	sadd.s32 $0x8000, s7  }
0x16: {  	v0 =	vimm.f32 $0.0e+00;
	s12 =	sadd.s32 $0xC000, s7;
	s13 =	sadd.s32 $0x10000, s7;
	s24 =	sshrl.u32 s24, $0x3  }
.LBB2_1:
0x17: {  	s0 =	simm.s32 $0x14000  }
0x18: {  	[tilespmem:s0], [sflag:$0x2] =	stream.linear.gather [hbm4b:s5+s4], $0x2780, $0x38;
	[tilespmem:$0x1CF00] =	vst v63  }
0x19: {  	_ =	swait.ge [sflag:s19], $0x2780  }
0x1a: {  	[sflag:s19] =	ssyncset.done $0x0  }
0x1b: {  	[sflag:s19] =	ssyncadd.s32 $0xFFFFD880  }
0x1c: {  	[tilespmem:s20], [sflag:$0x2] =	stream.linear.gather [hbm4b:s6+s4], $0x2780, $0x38;
	[tilespmem:$0x1CF00] =	vst v63  }
0x1d: {  	_ =	swait.ge [sflag:s19], $0x2780  }
0x1e: {  	[sflag:s19] =	ssyncset.done $0x0  }
0x1f: {  	s30 =	simm.s32 $0x0;
	s31 =	simm.s32 $0x200;
	[sflag:s19] =	ssyncadd.s32 $0xFFFFD880  }
.LBB2_2:
0x20: {  	p0 =	sne.s32 s31, $0xFE00;
	[tilespmem:s30+$0x18F70] =	vst v0  }
0x21: {  	[tilespmem:s30+$0x18F00] =	vst v0  }
0x22: {  	[tilespmem:s30+$0x18F10] =	vst v0  }
.Ltmp0:
0x23: {  	[tilespmem:s30+$0x18F20] =	vst v0;
	(pc) =	sbr.rel @p0 .LBB2_2-.Ltmp0, $4  }
0x24: {  	[tilespmem:s30+$0x18F30] =	vst v0  }
0x25: {  	[tilespmem:s30+$0x18F40] =	vst v0  }
0x26: {  	[tilespmem:s30+$0x18F50] =	vst v0  }
0x27: {  	[tilespmem:s30+$0x18F60] =	vst v0;
	s30 =	sshra.s32 s31, $0x2;
	s31 =	sadd.s32 $0x200, s31  }
0x28: {  	[tilespmem:s30+$0x18F70] =	vst v0  }
0x29: {  	[tilespmem:s30+$0x18F00] =	vst v0  }
0x2a: {  	[tilespmem:s30+$0x18F10] =	vst v0  }
0x2b: {  	[tilespmem:s30+$0x18F20] =	vst v0  }
0x2c: {  	[tilespmem:s30+$0x18F30] =	vst v0  }
0x2d: {  	[tilespmem:s30+$0x18F40] =	vst v0  }
0x2e: {  	[tilespmem:s30+$0x18F50] =	vst v0  }
0x2f: {  	[tilespmem:s30+$0x18F60] =	vst v0  }
0x30: {  	[spmem:s7] =	stream.linear.scatter [tilespmem:s21], [sflag:$0x2], $0x4000, $0x38;
	[tilespmem:$0x1CF00] =	vst v63  }
0x31: {  	_ =	swait.ge [sflag:s19], $0x4000  }
0x32: {  	[sflag:s19] =	ssyncset.done $0x0  }
0x33: {  	[sflag:s19] =	ssyncadd.s32 $0xFFFFC000  }
0x34: {  	[spmem:s10] =	stream.linear.scatter [tilespmem:s21], [sflag:$0x2], $0x4000, $0x38;
	[tilespmem:$0x1CF00] =	vst v63  }
0x35: {  	_ =	swait.ge [sflag:s19], $0x4000  }
0x36: {  	[sflag:s19] =	ssyncset.done $0x0  }
0x37: {  	[sflag:s19] =	ssyncadd.s32 $0xFFFFC000  }
0x38: {  	[spmem:s11] =	stream.linear.scatter [tilespmem:s21], [sflag:$0x2], $0x4000, $0x38;
	[tilespmem:$0x1CF00] =	vst v63  }
0x39: {  	_ =	swait.ge [sflag:s19], $0x4000  }
0x3a: {  	[sflag:s19] =	ssyncset.done $0x0  }
0x3b: {  	[sflag:s19] =	ssyncadd.s32 $0xFFFFC000  }
0x3c: {  	[spmem:s12] =	stream.linear.scatter [tilespmem:s21], [sflag:$0x2], $0x4000, $0x38;
	[tilespmem:$0x1CF00] =	vst v63  }
0x3d: {  	_ =	swait.ge [sflag:s19], $0x4000  }
0x3e: {  	[sflag:s19] =	ssyncset.done $0x0  }
0x3f: {  	[sflag:s19] =	ssyncadd.s32 $0xFFFFC000  }
0x40: {  	[spmem:s13] =	stream.linear.scatter [tilespmem:s21], [sflag:$0x2], $0x4000, $0x38;
	[tilespmem:$0x1CF00] =	vst v63  }
0x41: {  	_ =	swait.ge [sflag:s19], $0x4000  }
0x42: {  	[sflag:s19] =	ssyncset.done $0x0  }
0x43: {  	[sflag:s19] =	ssyncadd.s32 $0xFFFFC000  }
0x44: {  	s30 =	simm.s32 $0x14000;
	[bflag:$0x0] =	sbarrier.arrive $0xFFFF  }
0x45: {  	[tilespmem:s21], [sflag:$0x1] =	stream.indirect.gather [hbm4b:s2+s26], $0x80, s30, s26, $0xb8;
	[tilespmem:$0x1CF00] =	vst v63  }
0x46: {  	_ =	swait.ge [sflag:s28], $0x4000  }
0x47: {  	[sflag:s28] =	ssyncset.done $0x0  }
0x48: {  	s30 =	simm.s32 $0x16780;
	[sflag:s28] =	ssyncadd.s32 $0xFFFFC000  }
0x49: {  	[spmem:s3] =	stream.indirect.scatter.add.f32 [tilespmem:s21], [sflag:$0x2], $0x80, s30, s26, $0xb8;
	[tilespmem:$0x1CF00] =	vst v63  }
0x4a: {  	_ =	swait.ge [sflag:s19], $0x4000  }
0x4b: {  	s31 =	simm.s32 $0x400;
	s30 =	simm.s32 $0x80;
	[sflag:s19] =	ssyncset.done $0x0  }
.LBB2_4:
0x4c: {  	s1 =	sadd.s32 $0x14000, s30  }
0x4d: {  	[sflag:s19] =	ssyncadd.s32 $0xFFFFC000;
	s0 =	smov.u32 s31;
	s18 =	sadd.s32 $0x200, s31  }
0x4e: {  	[tilespmem:s21], [sflag:$0x1] =	stream.indirect.gather [hbm4b:s2+s26], $0x80, s1, s26, $0xb8;
	[tilespmem:$0x1CF00] =	vst v63  }
0x4f: {  	p0 =	sne.s32 s31, $0x9C00;
	_ =	swait.ge [sflag:s28], $0x4000  }
.Ltmp1:
0x50: {  	[sflag:s28] =	ssyncset.done $0x0;
	(pc) =	sbr.rel @p0 .LBB2_4-.Ltmp1, $4  }
0x51: {  	s1 =	sadd.s32 $0x16780, s30;
	[sflag:s28] =	ssyncadd.s32 $0xFFFFC000  }
0x52: {  	[spmem:s3] =	stream.indirect.scatter.add.f32 [tilespmem:s21], [sflag:$0x2], $0x80, s1, s26, $0xb8;
	[tilespmem:$0x1CF00] =	vst v63  }
0x53: {  	_ =	swait.ge [sflag:s19], $0x4000  }
0x54: {  	s30 =	sshra.s32 s0, $0x2;
	s31 =	smov.u32 s18;
	[sflag:s19] =	ssyncset.done $0x0  }
0x55: {  	s0 =	sadd.s32 $0x14000, s30;
	[sflag:s19] =	ssyncadd.s32 $0xFFFFC000  }
0x56: {  	[tilespmem:s21], [sflag:$0x1] =	stream.indirect.gather [hbm4b:s2+s26], $0x80, s0, s26, $0xb8;
	[tilespmem:$0x1CF00] =	vst v63  }
0x57: {  	_ =	swait.ge [sflag:s28], $0x4000  }
0x58: {  	[sflag:s28] =	ssyncset.done $0x0  }
0x59: {  	s30 =	sadd.s32 $0x16780, s30;
	[sflag:s28] =	ssyncadd.s32 $0xFFFFC000  }
0x5a: {  	[spmem:s3] =	stream.indirect.scatter.add.f32 [tilespmem:s21], [sflag:$0x2], $0x80, s30, s26, $0xb8;
	[tilespmem:$0x1CF00] =	vst v63  }
0x5b: {  	_ =	swait.ge [sflag:s19], $0x4000  }
0x5c: {  	s31 =	stileid.u32;
	[sflag:s19] =	ssyncset.done $0x0  }
0x5d: {  	s0 =	sshll.u32 s31, $0x6;
	[sflag:s19] =	ssyncadd.s32 $0xFFFFC000  }
0x5e: {  	s1 =	sshrl.u32 s7, $0x3;
	s0 =	sor.u32 $0x1C02, s0;
	[bflag:$0x0] =	sbarrier.arrive $0xFFFF  }
0x5f: {  	[hbm:s8], [sflag:s0] =	dma.local [spmem:s1], $0x800  }
0x60: {  	_ =	swait.ge [sflag:s19], $0x800  }
0x61: {  	[sflag:s19] =	ssyncset.done $0x0  }
0x62: {  	[sflag:s19] =	ssyncadd.s32 $0xFFFFF800  }
0x63: {  	[hbm:s14], [sflag:s0] =	dma.local [spmem:s22], $0x800  }
0x64: {  	_ =	swait.ge [sflag:s19], $0x800  }
0x65: {  	[sflag:s19] =	ssyncset.done $0x0  }
0x66: {  	[sflag:s19] =	ssyncadd.s32 $0xFFFFF800  }
0x67: {  	[hbm:s15], [sflag:s0] =	dma.local [spmem:s23], $0x800  }
0x68: {  	_ =	swait.ge [sflag:s19], $0x800  }
0x69: {  	[sflag:s19] =	ssyncset.done $0x0  }
0x6a: {  	[sflag:s19] =	ssyncadd.s32 $0xFFFFF800  }
0x6b: {  	[hbm:s16], [sflag:s0] =	dma.local [spmem:s24], $0x800  }
0x6c: {  	s29 =	sadd.s32 $0x1, s29;
	_ =	swait.ge [sflag:s19], $0x800  }
0x6d: {  	p0 =	sne.s32 s29, s9;
	[sflag:s19] =	ssyncset.done $0x0  }
.Ltmp2:
0x6e: {  	[sflag:s19] =	ssyncadd.s32 $0xFFFFF800;
	(pc) =	sbr.rel @p0 .LBB2_1-.Ltmp2, $4  }
0x6f: {  	[hbm:s17], [sflag:s0] =	dma.local [spmem:s25], $0x800  }
0x70: {  	_ =	swait.ge [sflag:s19], $0x800  }
0x71: {  	[sflag:s19] =	ssyncset.done $0x0  }
0x72: {  	[sflag:s19] =	ssyncadd.s32 $0xFFFFF800  }
0x73: {  	_ =	sfence.sel $0x180000  }
0x74: {  	[bflag:$0x0] =	sbarrier.arrive $0xFFFF  }
0x75: {  	_ =	strace $0x9000005F  }
0x76: {  	s0 =	stileid.u32;
	[bflag:$0x2] =	sbarrier.arrive $0xFFFF  }
0x77: {  	p0 =	sne.s32 s0, $0x0;
	s0 =	rddreg [dreg:$0x3]  }
0x78: {  	s0 =	sadd.s32 @!p0 $0x100000, s0  }
0x79: {  	[sflag:s0] =	ssyncadd.tile.s32 @!p0 $0x1;
	_ =	shalt  }
.Lfunc_end2:
_tile_overlayer_lowered:
.L_overlay_start_2:
0x7a: {  	(tag) =	ssettag $0x2  }
0x7b: {  	s0 =	rddreg [dreg:$0x0];
	s2 =	stileid.u32  }
0x7c: {  	s1 =	rddreg [dreg:$0x1];
	p0 =	sne.s32 s2, $0x0  }
0x7d: {  	s3 =	rddreg [dreg:$0x2];
	[bflag:$0x3] =	sbarrier.arrive $0xFFFF;
	s2 =	simm.s32 @!p0 $0x1C02  }
0x7e: {  	[timem:s3], [sflag:s2] =	dma.local @!p0 [hbm:s0], s1  }
0x7f: {  	s0 =	simm.s32 @!p0 $0x2  }
0x80: {  	_ =	swait.ge @!p0 [sflag:s0], s1  }
0x81: {  	s1 =	ssub.s32 @!p0 $0x0, s1;
	[sflag:s0] =	ssyncset.done @!p0 $0x0  }
0x82: {  	[sflag:s0] =	ssyncadd.s32 @!p0 s1  }
0x83: {  	[bflag:$0x3] =	sbarrier.arrive $0xFFFF  }
0x84: {  	_ =	shalt  }

// kernel: kernel.50.cloned.1.call-start
scs
__scs_entry_jumppad:
0x0: {  	(pc) =	sbr.rel $0x88, $3  }
0x1: {  	(tag) =	ssettag $0x0;
	lr =	simm.s32 $0x1  }
0x2: {  	[smem:$0x3F9E] =	sst lr;
	_ =	strace $0xD0000000  }
0x3: {  	_ = 	snop  }
0x4: {  	_ = 	snop  }
0x5: {  	_ = 	snop  }
0x6: {  	_ = 	snop  }
0x7: {  	_ = 	snop  }
__scs_overlays_trampoline_lowered:
0x8: {  	[smem:$0x3FAD] =	sst s0  }
0x9: {  	[smem:$0x3FAE] =	sst s1  }
0xa: {  	[smem:$0x3FAF] =	sst s2  }
0xb: {  	[smem:$0x3FB0] =	sst s3  }
0xc: {  	[smem:$0x3FB1] =	sst s4  }
0xd: {  	[smem:$0x3FB2] =	sst s5  }
0xe: {  	[smem:$0x3FB3] =	sst s6  }
0xf: {  	[smem:$0x3FB4] =	sst s7  }
0x10: {  	[smem:$0x3FB5] =	sst s8  }
0x11: {  	[smem:$0x3FB6] =	sst s9;
	s0 =	simm.s32 @!p0 $0x0  }
0x12: {  	s1 =	sld [smem:$0x3F9C];
	s0 =	simm.s32 @p0 $0x1  }
0x13: {  	[smem:$0x3FB7] =	sst s0;
	s0 =	simm.s32 @!p1 $0x0  }
0x14: {  	s2 =	sld [smem:$0x3F9B];
	s0 =	simm.s32 @p1 $0x1  }
0x15: {  	[smem:$0x3FB8] =	sst s0;
	s0 =	simm.s32 @!p2 $0x0  }
0x16: {  	s3 =	sld [smem:$0x3FDB];
	s0 =	simm.s32 @p2 $0x1  }
0x17: {  	s4 =	simm.s32 $0x1BF5;
	[smem:$0x3FBA] =	sst s0  }
0x18: {  	s0 =	sld [smem:$0x3F9D];
	_ =	swait.ge [sflag:s4], $0x0  }
0x19: {  	s7 =	sld [smem:$0x3F9E]  }
0x1a: {  	s8 =	sadd.s32 $0xFFFFE003, lr  }
0x1b: {  	s9 =	sadd.s32 $0xFFFFFEF7, lr;
	s5 =	simm.s32 $0xFFFFFFFF;
	p2 =	slt.u32 s8, $0xFFFFF086  }
0x1c: {  	p1 =	slt.u32 s9, $0xF7A;
	s5 =	simm.s32 @!p2 $0x0  }
0x1d: {  	s5 =	simm.s32 @p1 $0x1;
	p0 =	seq.s32 s7, s2  }
0x1e: {  	s7 =	smul.u32 @!p0 $0xF7A, s2;
	p2 =	seq.s32 @!p0 s5, $0x0  }
0x1f: {  	s9 =	smul.u32 $0xF7A, s1;
	s8 =	simm.s32 @!p0 $0x1BF5;
	p2 =	por !p2, p0  }
0x20: {  	[sflag:s8] =	ssyncset.s32 @!p0 $0xFFFFF086;
	s6 =	sadd.s32 @!p0 s3, s7;
	s7 =	simm.s32 @!p0 $0x108  }
0x21: {  	s3 =	sadd.s32 s3, s9;
	s6 =	sadd.s32 @!p0 $0x88, s6;
	s7 =	simm.s32 @p2 $0x1082  }
0x22: {  	[simem:s7], [sflag:s8] =	dma.local @!p0 [hbm:s6], $0xF7A  }
0x23: {  	s9 =	sor.u32 $0xD0000000, s2;
	s6 =	simm.s32 $0x108;
	_ =	swait.ge @!p0 [sflag:s8], $0x0  }
0x24: {  	s3 =	sadd.s32 $0x88, s3;
	s6 =	simm.s32 @!p1 $0x1082;
	[sflag:s4] =	ssyncset.s32 $0xFFFFF086  }
0x25: {  	[simem:s6], [sflag:s4] =	dma.local [hbm:s3], $0xF7A  }
0x26: {  	[smem:$0x3F9E] =	sst s1;
	(tag) =	ssettag s2;
	_ =	strace s9  }
0x27: {  	s1 =	sld [smem:$0x3FAE]  }
0x28: {  	s2 =	sld [smem:$0x3FAF]  }
0x29: {  	s4 =	sld [smem:$0x3FB1]  }
0x2a: {  	p0 =	seq.s32 s5, $0x0;
	s5 =	sld [smem:$0x3FB2]  }
0x2b: {  	s6 =	sld [smem:$0x3FB3]  }
0x2c: {  	s7 =	sld [smem:$0x3FB4]  }
0x2d: {  	s3 =	simm.s32 $0x108;
	s8 =	sld [smem:$0x3FB5]  }
0x2e: {  	s3 =	simm.s32 @!p0 $0x1082;
	s9 =	sld [smem:$0x3FB6]  }
0x2f: {  	lr =	sadd.s32 s0, s3;
	s0 =	sld [smem:$0x3FAD]  }
0x30: {  	s3 =	sld [smem:$0x3FB0]  }
0x31: {  	[smem:$0x3FB9] =	sst s10  }
0x32: {  	s10 =	sld [smem:$0x3FB7];
	_ =	sdelay $0x3  }
0x33: {  	p0 =	seq.s32 s10, $0x1;
	s10 =	sld [smem:$0x3FB9];
	_ =	sdelay $0x3  }
0x34: {  	[smem:$0x3FB9] =	sst s10  }
0x35: {  	s10 =	sld [smem:$0x3FB8];
	_ =	sdelay $0x3  }
0x36: {  	p1 =	seq.s32 s10, $0x1;
	s10 =	sld [smem:$0x3FB9];
	_ =	sdelay $0x3  }
0x37: {  	[smem:$0x3FB9] =	sst s10  }
0x38: {  	s10 =	sld [smem:$0x3FBA]  }
0x39: {  	_ = 	snop;
	(pc) =	sbr.ind lr, $3  }
0x3a: {  	_ = 	snop  }
0x3b: {  	_ = 	snop  }
0x3c: {  	p2 =	seq.s32 s10, $0x1;
	s10 =	sld [smem:$0x3FB9]  }
0x3d: {  	_ =	shalt  }
0x3e: {  	_ =	shalt  }
0x3f: {  	_ =	shalt  }
0x40: {  	_ =	shalt  }
0x41: {  	_ =	shalt  }
0x42: {  	_ =	shalt  }
0x43: {  	_ =	shalt  }
0x44: {  	_ =	shalt  }
0x45: {  	_ =	shalt  }
0x46: {  	_ =	shalt  }
0x47: {  	_ =	shalt  }
0x48: {  	_ =	shalt  }
0x49: {  	_ =	shalt  }
0x4a: {  	_ =	shalt  }
0x4b: {  	_ =	shalt  }
0x4c: {  	_ =	shalt  }
0x4d: {  	_ =	shalt  }
0x4e: {  	_ =	shalt  }
0x4f: {  	_ =	shalt  }
0x50: {  	_ =	shalt  }
0x51: {  	_ =	shalt  }
0x52: {  	_ =	shalt  }
0x53: {  	_ =	shalt  }
0x54: {  	_ =	shalt  }
0x55: {  	_ =	shalt  }
0x56: {  	_ =	shalt  }
0x57: {  	_ =	shalt  }
0x58: {  	_ =	shalt  }
0x59: {  	_ =	shalt  }
0x5a: {  	_ =	shalt  }
0x5b: {  	_ =	shalt  }
0x5c: {  	_ =	shalt  }
0x5d: {  	_ =	shalt  }
0x5e: {  	_ =	shalt  }
0x5f: {  	_ =	shalt  }
0x60: {  	_ =	shalt  }
0x61: {  	_ =	shalt  }
0x62: {  	_ =	shalt  }
0x63: {  	_ =	shalt  }
0x64: {  	_ =	shalt  }
0x65: {  	_ =	shalt  }
0x66: {  	_ =	shalt  }
0x67: {  	_ =	shalt  }
0x68: {  	_ =	shalt  }
0x69: {  	_ =	shalt  }
0x6a: {  	_ =	shalt  }
0x6b: {  	_ =	shalt  }
0x6c: {  	_ =	shalt  }
0x6d: {  	_ =	shalt  }
0x6e: {  	_ =	shalt  }
0x6f: {  	_ =	shalt  }
0x70: {  	_ =	shalt  }
0x71: {  	_ =	shalt  }
0x72: {  	_ =	shalt  }
0x73: {  	_ =	shalt  }
0x74: {  	_ =	shalt  }
0x75: {  	_ =	shalt  }
0x76: {  	_ =	shalt  }
0x77: {  	_ =	shalt  }
0x78: {  	_ =	shalt  }
0x79: {  	_ =	shalt  }
0x7a: {  	_ =	shalt  }
0x7b: {  	_ =	shalt  }
0x7c: {  	_ =	shalt  }
0x7d: {  	_ =	shalt  }
0x7e: {  	_ =	shalt  }
0x7f: {  	_ =	shalt  }
0x80: {  	_ =	shalt  }
0x81: {  	_ =	shalt  }
0x82: {  	_ =	shalt  }
0x83: {  	_ =	shalt  }
0x84: {  	_ =	shalt  }
0x85: {  	_ =	shalt  }
0x86: {  	_ =	shalt  }
0x87: {  	_ =	shalt  }
.Lfunc_end0:
.L_simem_size_0:
called_computation.9_lowered:
.L_overlay_start_0:
0x88: {  	s2 =	sld [smem:$0x3FD9]  }
0x89: {  	s3 =	sld [smem:$0x3FFE];
	_ =	sdelay $0x1  }
0x8a: {  	s1 =	srdreg.scid  }
0x8b: {  	s0 =	sand.u32 $0x1, s1  }
0x8c: {  	s17 =	sshll.u32 s0, $0xA;
	s2 =	sadd.s32 s3, s2  }
0x8d: {  	s2 =	sadd.s32 s2, s17  }
0x8e: {  	[smem:$0x3FC5] =	sst s2  }
0x8f: {  	_ = 	snop  }
0x90: {  	s2 =	sld [smem:$0x3FD0];
	(tm) =	ssettm $0x1  }
0x91: {  	s18 =	sld [smem:$0x3FFB];
	_ =	sdelay $0x3  }
0x92: {  	_ =	strace s18  }
0x93: {  	s3 =	sld [smem:$0x3FFC];
	_ =	sdelay $0x3  }
0x94: {  	_ =	strace s3  }
0x95: {  	s3 =	sld [smem:$0x3FFD];
	_ =	sdelay $0x3  }
0x96: {  	_ =	strace s3  }
0x97: {  	_ =	strace $0x8FFFFFFF  }
0x98: {  	s19 =	sld [smem:$0x3FDB];
	_ =	sdelay $0x1  }
0x99: {  	s4 =	simm.s32 $_scs_section_size  }
0x9a: {  	s5 =	simm.s32 $_size__tile_overlayer_lowered;
	s6 =	simm.s32 $_tile_overlayer_lowered  }
0x9b: {  	s22 =	simm.s32 $0x1BFF;
	s21 =	sshll.u32 s6, $0x1;
	s3 =	sadd.s32 s4, s19  }
0x9c: {  	s7 =	simm.s32 $0x0;
	s20 =	sshll.u32 s5, $0x1;
	s5 =	sadd.s32 s21, s3  }
0x9d: {  	[timem:s7], [sflag:s22] =	dma.local [hbm:s5], s20  }
0x9e: {  	_ =	swait.ge [sflag:s22], s20  }
0x9f: {  	s4 =	ssub.s32 $0x0, s20;
	[sflag:s22] =	ssyncset.done $0x0  }
0xa0: {  	[sflag:s22] =	ssyncadd.s32 s4;
	_ =	sdelay $0x1  }
0xa1: {  	s23 =	simm.s32 $0x1B8B  }
0xa2: {  	_ =	swait.ge [sflag:s23], $0x1  }
0xa3: {  	[sflag:s23] =	ssyncset.done $0x0  }
0xa4: {  	s25 =	simm.s32 $0x1B8E;
	s24 =	sld [smem:$0x3FFE];
	[sflag:s23] =	ssyncadd.s32 $0xFFFFFFFF  }
0xa5: {  	s26 =	simm.s32 $execute0_lowered;
	[smem:$0x3FD2] =	sst s25  }
0xa6: {  	s5 =	sshll.u32 s26, $0x1;
	_ =	strace $0x80000061;
	[dreg:$0x1] =	wrdreg $0xFFFFFFFF  }
0xa7: {  	s28 =	simm.s32 $_size_execute0_lowered;
	s3 =	sadd.s32 s3, s5;
	[dreg:$0x0] =	wrdreg $0x0  }
0xa8: {  	s5 =	sshll.u32 s28, $0x1;
	[dreg:$0x2] =	wrdreg s3  }
0xa9: {  	[dreg:$0x3] =	wrdreg s5  }
0xaa: {  	[dreg:$0x4] =	wrdreg $0xC0  }
0xab: {  	_ =	task [dreg:s7], $0x5FFFF  }
0xac: {  	[dreg:$0x1] =	wrdreg $0xFFFFFFFF  }
0xad: {  	[dreg:$0x0] =	wrdreg $0x60  }
0xae: {  	[dreg:$0x2] =	wrdreg s24  }
0xaf: {  	[dreg:$0x3] =	wrdreg s2  }
0xb0: {  	[dreg:$0x4] =	wrdreg $0x0  }
0xb1: {  	[dreg:$0x5] =	wrdreg $0x9  }
0xb2: {  	_ =	task.clear_ibuf [dreg:s7], $0x6FFFF;
	_ =	strace $0x90000061  }
0xb3: {  	s29 =	simm.s32 $0x9;
	_ =	strace $0x80000063  }
0xb4: {  	_ =	swait.ge [sflag:s29], $0x1  }
0xb5: {  	[sflag:s29] =	ssyncadd.s32 $0xFFFFFFFF  }
0xb6: {  	_ =	strace $0x90000063  }
0xb7: {  	_ =	sfence  }
0xb8: {  	s30 =	sld [smem:$0x0];
	_ =	sdelay $0x2  }
0xb9: {  	s31 =	sshll.u32 s1, $0xD;
	s1 =	sshrl.u32 s1, $0x2  }
0xba: {  	s3 =	sand.u32 $0x4000, s31;
	s1 =	sadd.s32 s1, s30  }
0xbb: {  	s0 =	sor.u32 s3, s0;
	s1 =	sshll.u32 s1, $0x11  }
0xbc: {  	s0 =	sor.u32 s1, s0  }
0xbd: {  	s0 =	sadd.s32 $0x8F2B, s0  }
0xbe: {  	[sflag:s0] =	ssyncadd.remote.s32 $0x1  }
0xbf: {  	_ =	sfence.sel $0xFFFF  }
0xc0: {  	[dreg:$0x0] =	wrdreg $0xFFFFFFFF;
	(pc) =	sbr.abs _section_cstart, $3  }
0xc1: {  	[dreg:$0x1] =	wrdreg $0xFFFFFFFF  }
0xc2: {  	_ =	task.clear_ibuf [dreg:s7], $0x2FFFF;
	_ =	strace $0x9FFFFFFF  }
0xc3: {  	(tm) =	ssettm $0x7FFFFFFF  }
tec
execute0_lowered:
.L_overlay_start_1:
0x0: {  	(tag) =	ssettag $0x1  }
0x1: {  	s5 =	rddreg [dreg:$0x0]  }
0x2: {  	s0 =	srdreg.scid;
	s2 =	rddreg [dreg:$0x1]  }
0x3: {  	s22 =	stileid.u32;
	s3 =	rddreg [dreg:$0x2]  }
0x4: {  	s4 =	simm.s32 $0x0;
	s28 =	simm.s32 $0x1;
	s29 =	simm.s32 $0x0  }
0x5: {  	s6 =	sand.u32 $0x1, s0;
	[smem:$0x7FF] =	sst s4;
	s15 =	smul.u32 $0x14000, s22  }
0x6: {  	s9 =	smul.u32 $0x50000, s22;
	s17 =	sadd.s32 $0x69400, s5;
	s1 =	sshll.u32 s6, $0x4  }
0x7: {  	s16 =	smul.u32 $0x140000, s6;
	_ =	strace $0x80000062;
	s6 =	ssub.s32 $0x2, s6  }
0x8: {  	s7 =	sor.u32 s22, s1;
	s8 =	sshrl.u32 s6, $0x1;
	s24 =	sshrl.u32 s9, $0x2  }
0x9: {  	s18 =	sadd.s32 $0x4000, s15;
	s19 =	sadd.s32 $0x8000, s15;
	s20 =	sadd.s32 $0xC000, s15  }
0xa: {  	s21 =	sadd.s32 $0x10000, s15;
	s7 =	smul.u32 $0x500, s7;
	s10 =	ssub.s32 s6, s8  }
0xb: {  	s23 =	sadd.s32 s16, s15;
	s14 =	sadd.s32 s16, s18;
	s22 =	sadd.s32 s18, s3  }
0xc: {  	s26 =	sadd.s32 s16, s19;
	s30 =	sadd.s32 s16, s20;
	s16 =	sadd.s32 s16, s21  }
0xd: {  	s25 =	sshrl.u32 s23, $0x3;
	s9 =	smax.u32 s10, $0x1;
	s14 =	sshrl.u32 s14, $0x3  }
0xe: {  	s18 =	sshrl.u32 s26, $0x3;
	s23 =	sadd.s32 s19, s3;
	s31 =	sshrl.u32 s16, $0x3  }
0xf: {  	s19 =	simm.s32 $0x2;
	s22 =	sshrl.u32 s22, $0x3;
	s26 =	simm.s32 $0x80  }
0x10: {  	s7 =	sadd.s32 s7, s5;
	s8 =	sadd.s32 s17, s25;
	s14 =	sadd.s32 s17, s14  }
0x11: {  	s15 =	sadd.s32 s17, s18;
	s18 =	sshrl.u32 s30, $0x3;
	s25 =	sadd.s32 s21, s3  }
0x12: {  	s21 =	simm.s32 $0x18F00;
	s23 =	sshrl.u32 s23, $0x3;
	s5 =	sadd.s32 $0xF400, s7  }
0x13: {  	s6 =	sadd.s32 $0x5400, s7;
	s7 =	sadd.s32 s24, s3;
	s16 =	sadd.s32 s17, s18  }
0x14: {  	s24 =	sadd.s32 s20, s3;
	s17 =	sadd.s32 s17, s31;
	s20 =	simm.s32 $0x16780  }
0x15: {  	s25 =	sshrl.u32 s25, $0x3;
	s10 =	sadd.s32 $0x4000, s7;
	s11 =	sadd.s32 $0x8000, s7  }
0x16: {  	v0 =	vimm.f32 $0.0e+00;
	s12 =	sadd.s32 $0xC000, s7;
	s13 =	sadd.s32 $0x10000, s7;
	s24 =	sshrl.u32 s24, $0x3  }
.LBB2_1:
0x17: {  	s0 =	simm.s32 $0x14000  }
0x18: {  	[tilespmem:s0], [sflag:$0x2] =	stream.linear.gather [hbm4b:s5+s4], $0x2780, $0x38;
	[tilespmem:$0x1CF00] =	vst v63  }
0x19: {  	_ =	swait.ge [sflag:s19], $0x2780  }
0x1a: {  	[sflag:s19] =	ssyncset.done $0x0  }
0x1b: {  	[sflag:s19] =	ssyncadd.s32 $0xFFFFD880  }
0x1c: {  	[tilespmem:s20], [sflag:$0x2] =	stream.linear.gather [hbm4b:s6+s4], $0x2780, $0x38;
	[tilespmem:$0x1CF00] =	vst v63  }
0x1d: {  	_ =	swait.ge [sflag:s19], $0x2780  }
0x1e: {  	[sflag:s19] =	ssyncset.done $0x0  }
0x1f: {  	s30 =	simm.s32 $0x0;
	s31 =	simm.s32 $0x200;
	[sflag:s19] =	ssyncadd.s32 $0xFFFFD880  }
.LBB2_2:
0x20: {  	p0 =	sne.s32 s31, $0xFE00;
	[tilespmem:s30+$0x18F70] =	vst v0  }
0x21: {  	[tilespmem:s30+$0x18F00] =	vst v0  }
0x22: {  	[tilespmem:s30+$0x18F10] =	vst v0  }
.Ltmp0:
0x23: {  	[tilespmem:s30+$0x18F20] =	vst v0;
	(pc) =	sbr.rel @p0 .LBB2_2-.Ltmp0, $4  }
0x24: {  	[tilespmem:s30+$0x18F30] =	vst v0  }
0x25: {  	[tilespmem:s30+$0x18F40] =	vst v0  }
0x26: {  	[tilespmem:s30+$0x18F50] =	vst v0  }
0x27: {  	[tilespmem:s30+$0x18F60] =	vst v0;
	s30 =	sshra.s32 s31, $0x2;
	s31 =	sadd.s32 $0x200, s31  }
0x28: {  	[tilespmem:s30+$0x18F70] =	vst v0  }
0x29: {  	[tilespmem:s30+$0x18F00] =	vst v0  }
0x2a: {  	[tilespmem:s30+$0x18F10] =	vst v0  }
0x2b: {  	[tilespmem:s30+$0x18F20] =	vst v0  }
0x2c: {  	[tilespmem:s30+$0x18F30] =	vst v0  }
0x2d: {  	[tilespmem:s30+$0x18F40] =	vst v0  }
0x2e: {  	[tilespmem:s30+$0x18F50] =	vst v0  }
0x2f: {  	[tilespmem:s30+$0x18F60] =	vst v0  }
0x30: {  	[spmem:s7] =	stream.linear.scatter [tilespmem:s21], [sflag:$0x2], $0x4000, $0x38;
	[tilespmem:$0x1CF00] =	vst v63  }
0x31: {  	_ =	swait.ge [sflag:s19], $0x4000  }
0x32: {  	[sflag:s19] =	ssyncset.done $0x0  }
0x33: {  	[sflag:s19] =	ssyncadd.s32 $0xFFFFC000  }
0x34: {  	[spmem:s10] =	stream.linear.scatter [tilespmem:s21], [sflag:$0x2], $0x4000, $0x38;
	[tilespmem:$0x1CF00] =	vst v63  }
0x35: {  	_ =	swait.ge [sflag:s19], $0x4000  }
0x36: {  	[sflag:s19] =	ssyncset.done $0x0  }
0x37: {  	[sflag:s19] =	ssyncadd.s32 $0xFFFFC000  }
0x38: {  	[spmem:s11] =	stream.linear.scatter [tilespmem:s21], [sflag:$0x2], $0x4000, $0x38;
	[tilespmem:$0x1CF00] =	vst v63  }
0x39: {  	_ =	swait.ge [sflag:s19], $0x4000  }
0x3a: {  	[sflag:s19] =	ssyncset.done $0x0  }
0x3b: {  	[sflag:s19] =	ssyncadd.s32 $0xFFFFC000  }
0x3c: {  	[spmem:s12] =	stream.linear.scatter [tilespmem:s21], [sflag:$0x2], $0x4000, $0x38;
	[tilespmem:$0x1CF00] =	vst v63  }
0x3d: {  	_ =	swait.ge [sflag:s19], $0x4000  }
0x3e: {  	[sflag:s19] =	ssyncset.done $0x0  }
0x3f: {  	[sflag:s19] =	ssyncadd.s32 $0xFFFFC000  }
0x40: {  	[spmem:s13] =	stream.linear.scatter [tilespmem:s21], [sflag:$0x2], $0x4000, $0x38;
	[tilespmem:$0x1CF00] =	vst v63  }
0x41: {  	_ =	swait.ge [sflag:s19], $0x4000  }
0x42: {  	[sflag:s19] =	ssyncset.done $0x0  }
0x43: {  	[sflag:s19] =	ssyncadd.s32 $0xFFFFC000  }
0x44: {  	s30 =	simm.s32 $0x14000;
	[bflag:$0x0] =	sbarrier.arrive $0xFFFF  }
0x45: {  	[tilespmem:s21], [sflag:$0x1] =	stream.indirect.gather [hbm4b:s2+s26], $0x80, s30, s26, $0xb8;
	[tilespmem:$0x1CF00] =	vst v63  }
0x46: {  	_ =	swait.ge [sflag:s28], $0x4000  }
0x47: {  	[sflag:s28] =	ssyncset.done $0x0  }
0x48: {  	s30 =	simm.s32 $0x16780;
	[sflag:s28] =	ssyncadd.s32 $0xFFFFC000  }
0x49: {  	[spmem:s3] =	stream.indirect.scatter.add.f32 [tilespmem:s21], [sflag:$0x2], $0x80, s30, s26, $0xb8;
	[tilespmem:$0x1CF00] =	vst v63  }
0x4a: {  	_ =	swait.ge [sflag:s19], $0x4000  }
0x4b: {  	s31 =	simm.s32 $0x400;
	s30 =	simm.s32 $0x80;
	[sflag:s19] =	ssyncset.done $0x0  }
.LBB2_4:
0x4c: {  	s1 =	sadd.s32 $0x14000, s30  }
0x4d: {  	[sflag:s19] =	ssyncadd.s32 $0xFFFFC000;
	s0 =	smov.u32 s31;
	s18 =	sadd.s32 $0x200, s31  }
0x4e: {  	[tilespmem:s21], [sflag:$0x1] =	stream.indirect.gather [hbm4b:s2+s26], $0x80, s1, s26, $0xb8;
	[tilespmem:$0x1CF00] =	vst v63  }
0x4f: {  	p0 =	sne.s32 s31, $0x9C00;
	_ =	swait.ge [sflag:s28], $0x4000  }
.Ltmp1:
0x50: {  	[sflag:s28] =	ssyncset.done $0x0;
	(pc) =	sbr.rel @p0 .LBB2_4-.Ltmp1, $4  }
0x51: {  	s1 =	sadd.s32 $0x16780, s30;
	[sflag:s28] =	ssyncadd.s32 $0xFFFFC000  }
0x52: {  	[spmem:s3] =	stream.indirect.scatter.add.f32 [tilespmem:s21], [sflag:$0x2], $0x80, s1, s26, $0xb8;
	[tilespmem:$0x1CF00] =	vst v63  }
0x53: {  	_ =	swait.ge [sflag:s19], $0x4000  }
0x54: {  	s30 =	sshra.s32 s0, $0x2;
	s31 =	smov.u32 s18;
	[sflag:s19] =	ssyncset.done $0x0  }
0x55: {  	s0 =	sadd.s32 $0x14000, s30;
	[sflag:s19] =	ssyncadd.s32 $0xFFFFC000  }
0x56: {  	[tilespmem:s21], [sflag:$0x1] =	stream.indirect.gather [hbm4b:s2+s26], $0x80, s0, s26, $0xb8;
	[tilespmem:$0x1CF00] =	vst v63  }
0x57: {  	_ =	swait.ge [sflag:s28], $0x4000  }
0x58: {  	[sflag:s28] =	ssyncset.done $0x0  }
0x59: {  	s30 =	sadd.s32 $0x16780, s30;
	[sflag:s28] =	ssyncadd.s32 $0xFFFFC000  }
0x5a: {  	[spmem:s3] =	stream.indirect.scatter.add.f32 [tilespmem:s21], [sflag:$0x2], $0x80, s30, s26, $0xb8;
	[tilespmem:$0x1CF00] =	vst v63  }
0x5b: {  	_ =	swait.ge [sflag:s19], $0x4000  }
0x5c: {  	s31 =	stileid.u32;
	[sflag:s19] =	ssyncset.done $0x0  }
0x5d: {  	s0 =	sshll.u32 s31, $0x6;
	[sflag:s19] =	ssyncadd.s32 $0xFFFFC000  }
0x5e: {  	s1 =	sshrl.u32 s7, $0x3;
	s0 =	sor.u32 $0x1C02, s0;
	[bflag:$0x0] =	sbarrier.arrive $0xFFFF  }
0x5f: {  	[hbm:s8], [sflag:s0] =	dma.local [spmem:s1], $0x800  }
0x60: {  	_ =	swait.ge [sflag:s19], $0x800  }
0x61: {  	[sflag:s19] =	ssyncset.done $0x0  }
0x62: {  	[sflag:s19] =	ssyncadd.s32 $0xFFFFF800  }
0x63: {  	[hbm:s14], [sflag:s0] =	dma.local [spmem:s22], $0x800  }
0x64: {  	_ =	swait.ge [sflag:s19], $0x800  }
0x65: {  	[sflag:s19] =	ssyncset.done $0x0  }
0x66: {  	[sflag:s19] =	ssyncadd.s32 $0xFFFFF800  }
0x67: {  	[hbm:s15], [sflag:s0] =	dma.local [spmem:s23], $0x800  }
0x68: {  	_ =	swait.ge [sflag:s19], $0x800  }
0x69: {  	[sflag:s19] =	ssyncset.done $0x0  }
0x6a: {  	[sflag:s19] =	ssyncadd.s32 $0xFFFFF800  }
0x6b: {  	[hbm:s16], [sflag:s0] =	dma.local [spmem:s24], $0x800  }
0x6c: {  	s29 =	sadd.s32 $0x1, s29;
	_ =	swait.ge [sflag:s19], $0x800  }
0x6d: {  	p0 =	sne.s32 s29, s9;
	[sflag:s19] =	ssyncset.done $0x0  }
.Ltmp2:
0x6e: {  	[sflag:s19] =	ssyncadd.s32 $0xFFFFF800;
	(pc) =	sbr.rel @p0 .LBB2_1-.Ltmp2, $4  }
0x6f: {  	[hbm:s17], [sflag:s0] =	dma.local [spmem:s25], $0x800  }
0x70: {  	_ =	swait.ge [sflag:s19], $0x800  }
0x71: {  	[sflag:s19] =	ssyncset.done $0x0  }
0x72: {  	[sflag:s19] =	ssyncadd.s32 $0xFFFFF800  }
0x73: {  	_ =	sfence.sel $0x180000  }
0x74: {  	[bflag:$0x0] =	sbarrier.arrive $0xFFFF  }
0x75: {  	_ =	strace $0x90000062  }
0x76: {  	s0 =	stileid.u32;
	[bflag:$0x2] =	sbarrier.arrive $0xFFFF  }
0x77: {  	p0 =	sne.s32 s0, $0x0;
	s0 =	rddreg [dreg:$0x3]  }
0x78: {  	s0 =	sadd.s32 @!p0 $0x100000, s0  }
0x79: {  	[sflag:s0] =	ssyncadd.tile.s32 @!p0 $0x1;
	_ =	shalt  }
.Lfunc_end2:
_tile_overlayer_lowered:
.L_overlay_start_2:
0x7a: {  	(tag) =	ssettag $0x2  }
0x7b: {  	s0 =	rddreg [dreg:$0x0];
	s2 =	stileid.u32  }
0x7c: {  	s1 =	rddreg [dreg:$0x1];
	p0 =	sne.s32 s2, $0x0  }
0x7d: {  	s3 =	rddreg [dreg:$0x2];
	[bflag:$0x3] =	sbarrier.arrive $0xFFFF;
	s2 =	simm.s32 @!p0 $0x1C02  }
0x7e: {  	[timem:s3], [sflag:s2] =	dma.local @!p0 [hbm:s0], s1  }
0x7f: {  	s0 =	simm.s32 @!p0 $0x2  }
0x80: {  	_ =	swait.ge @!p0 [sflag:s0], s1  }
0x81: {  	s1 =	ssub.s32 @!p0 $0x0, s1;
	[sflag:s0] =	ssyncset.done @!p0 $0x0  }
0x82: {  	[sflag:s0] =	ssyncadd.s32 @!p0 s1  }
0x83: {  	[bflag:$0x3] =	sbarrier.arrive $0xFFFF  }
0x84: {  	_ =	shalt  }

// kernel: kernel.53.cloned.1.call-start
scs
__scs_entry_jumppad:
0x0: {  	(pc) =	sbr.rel $0x88, $3  }
0x1: {  	(tag) =	ssettag $0x0;
	lr =	simm.s32 $0x1  }
0x2: {  	[smem:$0x3F9E] =	sst lr;
	_ =	strace $0xD0000000  }
0x3: {  	_ = 	snop  }
0x4: {  	_ = 	snop  }
0x5: {  	_ = 	snop  }
0x6: {  	_ = 	snop  }
0x7: {  	_ = 	snop  }
__scs_overlays_trampoline_lowered:
0x8: {  	[smem:$0x3FAD] =	sst s0  }
0x9: {  	[smem:$0x3FAE] =	sst s1  }
0xa: {  	[smem:$0x3FAF] =	sst s2  }
0xb: {  	[smem:$0x3FB0] =	sst s3  }
0xc: {  	[smem:$0x3FB1] =	sst s4  }
0xd: {  	[smem:$0x3FB2] =	sst s5  }
0xe: {  	[smem:$0x3FB3] =	sst s6  }
0xf: {  	[smem:$0x3FB4] =	sst s7  }
0x10: {  	[smem:$0x3FB5] =	sst s8  }
0x11: {  	[smem:$0x3FB6] =	sst s9;
	s0 =	simm.s32 @!p0 $0x0  }
0x12: {  	s1 =	sld [smem:$0x3F9C];
	s0 =	simm.s32 @p0 $0x1  }
0x13: {  	[smem:$0x3FB7] =	sst s0;
	s0 =	simm.s32 @!p1 $0x0  }
0x14: {  	s2 =	sld [smem:$0x3F9B];
	s0 =	simm.s32 @p1 $0x1  }
0x15: {  	[smem:$0x3FB8] =	sst s0;
	s0 =	simm.s32 @!p2 $0x0  }
0x16: {  	s3 =	sld [smem:$0x3FDB];
	s0 =	simm.s32 @p2 $0x1  }
0x17: {  	s4 =	simm.s32 $0x1BF5;
	[smem:$0x3FBA] =	sst s0  }
0x18: {  	s0 =	sld [smem:$0x3F9D];
	_ =	swait.ge [sflag:s4], $0x0  }
0x19: {  	s7 =	sld [smem:$0x3F9E]  }
0x1a: {  	s8 =	sadd.s32 $0xFFFFE003, lr  }
0x1b: {  	s9 =	sadd.s32 $0xFFFFFEF7, lr;
	s5 =	simm.s32 $0xFFFFFFFF;
	p2 =	slt.u32 s8, $0xFFFFF086  }
0x1c: {  	p1 =	slt.u32 s9, $0xF7A;
	s5 =	simm.s32 @!p2 $0x0  }
0x1d: {  	s5 =	simm.s32 @p1 $0x1;
	p0 =	seq.s32 s7, s2  }
0x1e: {  	s7 =	smul.u32 @!p0 $0xF7A, s2;
	p2 =	seq.s32 @!p0 s5, $0x0  }
0x1f: {  	s9 =	smul.u32 $0xF7A, s1;
	s8 =	simm.s32 @!p0 $0x1BF5;
	p2 =	por !p2, p0  }
0x20: {  	[sflag:s8] =	ssyncset.s32 @!p0 $0xFFFFF086;
	s6 =	sadd.s32 @!p0 s3, s7;
	s7 =	simm.s32 @!p0 $0x108  }
0x21: {  	s3 =	sadd.s32 s3, s9;
	s6 =	sadd.s32 @!p0 $0x88, s6;
	s7 =	simm.s32 @p2 $0x1082  }
0x22: {  	[simem:s7], [sflag:s8] =	dma.local @!p0 [hbm:s6], $0xF7A  }
0x23: {  	s9 =	sor.u32 $0xD0000000, s2;
	s6 =	simm.s32 $0x108;
	_ =	swait.ge @!p0 [sflag:s8], $0x0  }
0x24: {  	s3 =	sadd.s32 $0x88, s3;
	s6 =	simm.s32 @!p1 $0x1082;
	[sflag:s4] =	ssyncset.s32 $0xFFFFF086  }
0x25: {  	[simem:s6], [sflag:s4] =	dma.local [hbm:s3], $0xF7A  }
0x26: {  	[smem:$0x3F9E] =	sst s1;
	(tag) =	ssettag s2;
	_ =	strace s9  }
0x27: {  	s1 =	sld [smem:$0x3FAE]  }
0x28: {  	s2 =	sld [smem:$0x3FAF]  }
0x29: {  	s4 =	sld [smem:$0x3FB1]  }
0x2a: {  	p0 =	seq.s32 s5, $0x0;
	s5 =	sld [smem:$0x3FB2]  }
0x2b: {  	s6 =	sld [smem:$0x3FB3]  }
0x2c: {  	s7 =	sld [smem:$0x3FB4]  }
0x2d: {  	s3 =	simm.s32 $0x108;
	s8 =	sld [smem:$0x3FB5]  }
0x2e: {  	s3 =	simm.s32 @!p0 $0x1082;
	s9 =	sld [smem:$0x3FB6]  }
0x2f: {  	lr =	sadd.s32 s0, s3;
	s0 =	sld [smem:$0x3FAD]  }
0x30: {  	s3 =	sld [smem:$0x3FB0]  }
0x31: {  	[smem:$0x3FB9] =	sst s10  }
0x32: {  	s10 =	sld [smem:$0x3FB7];
	_ =	sdelay $0x3  }
0x33: {  	p0 =	seq.s32 s10, $0x1;
	s10 =	sld [smem:$0x3FB9];
	_ =	sdelay $0x3  }
0x34: {  	[smem:$0x3FB9] =	sst s10  }
0x35: {  	s10 =	sld [smem:$0x3FB8];
	_ =	sdelay $0x3  }
0x36: {  	p1 =	seq.s32 s10, $0x1;
	s10 =	sld [smem:$0x3FB9];
	_ =	sdelay $0x3  }
0x37: {  	[smem:$0x3FB9] =	sst s10  }
0x38: {  	s10 =	sld [smem:$0x3FBA]  }
0x39: {  	_ = 	snop;
	(pc) =	sbr.ind lr, $3  }
0x3a: {  	_ = 	snop  }
0x3b: {  	_ = 	snop  }
0x3c: {  	p2 =	seq.s32 s10, $0x1;
	s10 =	sld [smem:$0x3FB9]  }
0x3d: {  	_ =	shalt  }
0x3e: {  	_ =	shalt  }
0x3f: {  	_ =	shalt  }
0x40: {  	_ =	shalt  }
0x41: {  	_ =	shalt  }
0x42: {  	_ =	shalt  }
0x43: {  	_ =	shalt  }
0x44: {  	_ =	shalt  }
0x45: {  	_ =	shalt  }
0x46: {  	_ =	shalt  }
0x47: {  	_ =	shalt  }
0x48: {  	_ =	shalt  }
0x49: {  	_ =	shalt  }
0x4a: {  	_ =	shalt  }
0x4b: {  	_ =	shalt  }
0x4c: {  	_ =	shalt  }
0x4d: {  	_ =	shalt  }
0x4e: {  	_ =	shalt  }
0x4f: {  	_ =	shalt  }
0x50: {  	_ =	shalt  }
0x51: {  	_ =	shalt  }
0x52: {  	_ =	shalt  }
0x53: {  	_ =	shalt  }
0x54: {  	_ =	shalt  }
0x55: {  	_ =	shalt  }
0x56: {  	_ =	shalt  }
0x57: {  	_ =	shalt  }
0x58: {  	_ =	shalt  }
0x59: {  	_ =	shalt  }
0x5a: {  	_ =	shalt  }
0x5b: {  	_ =	shalt  }
0x5c: {  	_ =	shalt  }
0x5d: {  	_ =	shalt  }
0x5e: {  	_ =	shalt  }
0x5f: {  	_ =	shalt  }
0x60: {  	_ =	shalt  }
0x61: {  	_ =	shalt  }
0x62: {  	_ =	shalt  }
0x63: {  	_ =	shalt  }
0x64: {  	_ =	shalt  }
0x65: {  	_ =	shalt  }
0x66: {  	_ =	shalt  }
0x67: {  	_ =	shalt  }
0x68: {  	_ =	shalt  }
0x69: {  	_ =	shalt  }
0x6a: {  	_ =	shalt  }
0x6b: {  	_ =	shalt  }
0x6c: {  	_ =	shalt  }
0x6d: {  	_ =	shalt  }
0x6e: {  	_ =	shalt  }
0x6f: {  	_ =	shalt  }
0x70: {  	_ =	shalt  }
0x71: {  	_ =	shalt  }
0x72: {  	_ =	shalt  }
0x73: {  	_ =	shalt  }
0x74: {  	_ =	shalt  }
0x75: {  	_ =	shalt  }
0x76: {  	_ =	shalt  }
0x77: {  	_ =	shalt  }
0x78: {  	_ =	shalt  }
0x79: {  	_ =	shalt  }
0x7a: {  	_ =	shalt  }
0x7b: {  	_ =	shalt  }
0x7c: {  	_ =	shalt  }
0x7d: {  	_ =	shalt  }
0x7e: {  	_ =	shalt  }
0x7f: {  	_ =	shalt  }
0x80: {  	_ =	shalt  }
0x81: {  	_ =	shalt  }
0x82: {  	_ =	shalt  }
0x83: {  	_ =	shalt  }
0x84: {  	_ =	shalt  }
0x85: {  	_ =	shalt  }
0x86: {  	_ =	shalt  }
0x87: {  	_ =	shalt  }
.Lfunc_end0:
.L_simem_size_0:
called_computation.10_lowered:
.L_overlay_start_0:
0x88: {  	s2 =	sld [smem:$0x3FD9]  }
0x89: {  	s3 =	sld [smem:$0x3FFE];
	_ =	sdelay $0x1  }
0x8a: {  	s1 =	srdreg.scid  }
0x8b: {  	s0 =	sand.u32 $0x1, s1  }
0x8c: {  	s17 =	sshll.u32 s0, $0xA;
	s2 =	sadd.s32 s3, s2  }
0x8d: {  	s2 =	sadd.s32 s2, s17  }
0x8e: {  	[smem:$0x3FC5] =	sst s2  }
0x8f: {  	_ = 	snop  }
0x90: {  	s2 =	sld [smem:$0x3FD0];
	(tm) =	ssettm $0x1  }
0x91: {  	s18 =	sld [smem:$0x3FFB];
	_ =	sdelay $0x3  }
0x92: {  	_ =	strace s18  }
0x93: {  	s3 =	sld [smem:$0x3FFC];
	_ =	sdelay $0x3  }
0x94: {  	_ =	strace s3  }
0x95: {  	s3 =	sld [smem:$0x3FFD];
	_ =	sdelay $0x3  }
0x96: {  	_ =	strace s3  }
0x97: {  	_ =	strace $0x8FFFFFFF  }
0x98: {  	s19 =	sld [smem:$0x3FDB];
	_ =	sdelay $0x1  }
0x99: {  	s4 =	simm.s32 $_scs_section_size  }
0x9a: {  	s5 =	simm.s32 $_size__tile_overlayer_lowered;
	s6 =	simm.s32 $_tile_overlayer_lowered  }
0x9b: {  	s22 =	simm.s32 $0x1BFF;
	s21 =	sshll.u32 s6, $0x1;
	s3 =	sadd.s32 s4, s19  }
0x9c: {  	s7 =	simm.s32 $0x0;
	s20 =	sshll.u32 s5, $0x1;
	s5 =	sadd.s32 s21, s3  }
0x9d: {  	[timem:s7], [sflag:s22] =	dma.local [hbm:s5], s20  }
0x9e: {  	_ =	swait.ge [sflag:s22], s20  }
0x9f: {  	s4 =	ssub.s32 $0x0, s20;
	[sflag:s22] =	ssyncset.done $0x0  }
0xa0: {  	[sflag:s22] =	ssyncadd.s32 s4;
	_ =	sdelay $0x1  }
0xa1: {  	s23 =	simm.s32 $0x1B8B  }
0xa2: {  	_ =	swait.ge [sflag:s23], $0x1  }
0xa3: {  	[sflag:s23] =	ssyncset.done $0x0  }
0xa4: {  	s25 =	simm.s32 $0x1B8E;
	s24 =	sld [smem:$0x3FFE];
	[sflag:s23] =	ssyncadd.s32 $0xFFFFFFFF  }
0xa5: {  	s26 =	simm.s32 $execute0_lowered;
	[smem:$0x3FD2] =	sst s25  }
0xa6: {  	s5 =	sshll.u32 s26, $0x1;
	_ =	strace $0x80000064;
	[dreg:$0x1] =	wrdreg $0xFFFFFFFF  }
0xa7: {  	s28 =	simm.s32 $_size_execute0_lowered;
	s3 =	sadd.s32 s3, s5;
	[dreg:$0x0] =	wrdreg $0x0  }
0xa8: {  	s5 =	sshll.u32 s28, $0x1;
	[dreg:$0x2] =	wrdreg s3  }
0xa9: {  	[dreg:$0x3] =	wrdreg s5  }
0xaa: {  	[dreg:$0x4] =	wrdreg $0xC0  }
0xab: {  	_ =	task [dreg:s7], $0x5FFFF  }
0xac: {  	[dreg:$0x1] =	wrdreg $0xFFFFFFFF  }
0xad: {  	[dreg:$0x0] =	wrdreg $0x60  }
0xae: {  	[dreg:$0x2] =	wrdreg s24  }
0xaf: {  	[dreg:$0x3] =	wrdreg s2  }
0xb0: {  	[dreg:$0x4] =	wrdreg $0x0  }
0xb1: {  	[dreg:$0x5] =	wrdreg $0x9  }
0xb2: {  	_ =	task.clear_ibuf [dreg:s7], $0x6FFFF;
	_ =	strace $0x90000064  }
0xb3: {  	s29 =	simm.s32 $0x9;
	_ =	strace $0x80000066  }
0xb4: {  	_ =	swait.ge [sflag:s29], $0x1  }
0xb5: {  	[sflag:s29] =	ssyncadd.s32 $0xFFFFFFFF  }
0xb6: {  	_ =	strace $0x90000066  }
0xb7: {  	_ =	sfence  }
0xb8: {  	s30 =	sld [smem:$0x0];
	_ =	sdelay $0x2  }
0xb9: {  	s31 =	sshll.u32 s1, $0xD;
	s1 =	sshrl.u32 s1, $0x2  }
0xba: {  	s3 =	sand.u32 $0x4000, s31;
	s1 =	sadd.s32 s1, s30  }
0xbb: {  	s0 =	sor.u32 s3, s0;
	s1 =	sshll.u32 s1, $0x11  }
0xbc: {  	s0 =	sor.u32 s1, s0  }
0xbd: {  	s0 =	sadd.s32 $0x8F2B, s0  }
0xbe: {  	[sflag:s0] =	ssyncadd.remote.s32 $0x1  }
0xbf: {  	_ =	sfence.sel $0xFFFF  }
0xc0: {  	[dreg:$0x0] =	wrdreg $0xFFFFFFFF;
	(pc) =	sbr.abs _section_cstart, $3  }
0xc1: {  	[dreg:$0x1] =	wrdreg $0xFFFFFFFF  }
0xc2: {  	_ =	task.clear_ibuf [dreg:s7], $0x2FFFF;
	_ =	strace $0x9FFFFFFF  }
0xc3: {  	(tm) =	ssettm $0x7FFFFFFF  }
tec
execute0_lowered:
.L_overlay_start_1:
0x0: {  	(tag) =	ssettag $0x1  }
0x1: {  	s5 =	rddreg [dreg:$0x0]  }
0x2: {  	s0 =	srdreg.scid;
	s2 =	rddreg [dreg:$0x1]  }
0x3: {  	s22 =	stileid.u32;
	s3 =	rddreg [dreg:$0x2]  }
0x4: {  	s4 =	simm.s32 $0x0;
	s28 =	simm.s32 $0x1;
	s29 =	simm.s32 $0x0  }
0x5: {  	s6 =	sand.u32 $0x1, s0;
	[smem:$0x7FF] =	sst s4;
	s15 =	smul.u32 $0x14000, s22  }
0x6: {  	s9 =	smul.u32 $0x50000, s22;
	s17 =	sadd.s32 $0x69400, s5;
	s1 =	sshll.u32 s6, $0x4  }
0x7: {  	s16 =	smul.u32 $0x140000, s6;
	_ =	strace $0x80000065;
	s6 =	ssub.s32 $0x2, s6  }
0x8: {  	s7 =	sor.u32 s22, s1;
	s8 =	sshrl.u32 s6, $0x1;
	s24 =	sshrl.u32 s9, $0x2  }
0x9: {  	s18 =	sadd.s32 $0x4000, s15;
	s19 =	sadd.s32 $0x8000, s15;
	s20 =	sadd.s32 $0xC000, s15  }
0xa: {  	s21 =	sadd.s32 $0x10000, s15;
	s7 =	smul.u32 $0x500, s7;
	s10 =	ssub.s32 s6, s8  }
0xb: {  	s23 =	sadd.s32 s16, s15;
	s14 =	sadd.s32 s16, s18;
	s22 =	sadd.s32 s18, s3  }
0xc: {  	s26 =	sadd.s32 s16, s19;
	s30 =	sadd.s32 s16, s20;
	s16 =	sadd.s32 s16, s21  }
0xd: {  	s25 =	sshrl.u32 s23, $0x3;
	s9 =	smax.u32 s10, $0x1;
	s14 =	sshrl.u32 s14, $0x3  }
0xe: {  	s18 =	sshrl.u32 s26, $0x3;
	s23 =	sadd.s32 s19, s3;
	s31 =	sshrl.u32 s16, $0x3  }
0xf: {  	s19 =	simm.s32 $0x2;
	s22 =	sshrl.u32 s22, $0x3;
	s26 =	simm.s32 $0x80  }
0x10: {  	s7 =	sadd.s32 s7, s5;
	s8 =	sadd.s32 s17, s25;
	s14 =	sadd.s32 s17, s14  }
0x11: {  	s15 =	sadd.s32 s17, s18;
	s18 =	sshrl.u32 s30, $0x3;
	s25 =	sadd.s32 s21, s3  }
0x12: {  	s21 =	simm.s32 $0x18F00;
	s23 =	sshrl.u32 s23, $0x3;
	s5 =	sadd.s32 $0xF400, s7  }
0x13: {  	s6 =	sadd.s32 $0x5400, s7;
	s7 =	sadd.s32 s24, s3;
	s16 =	sadd.s32 s17, s18  }
0x14: {  	s24 =	sadd.s32 s20, s3;
	s17 =	sadd.s32 s17, s31;
	s20 =	simm.s32 $0x16780  }
0x15: {  	s25 =	sshrl.u32 s25, $0x3;
	s10 =	sadd.s32 $0x4000, s7;
	s11 =	sadd.s32 $0x8000, s7  }
0x16: {  	v0 =	vimm.f32 $0.0e+00;
	s12 =	sadd.s32 $0xC000, s7;
	s13 =	sadd.s32 $0x10000, s7;
	s24 =	sshrl.u32 s24, $0x3  }
.LBB2_1:
0x17: {  	s0 =	simm.s32 $0x14000  }
0x18: {  	[tilespmem:s0], [sflag:$0x2] =	stream.linear.gather [hbm4b:s5+s4], $0x2780, $0x38;
	[tilespmem:$0x1CF00] =	vst v63  }
0x19: {  	_ =	swait.ge [sflag:s19], $0x2780  }
0x1a: {  	[sflag:s19] =	ssyncset.done $0x0  }
0x1b: {  	[sflag:s19] =	ssyncadd.s32 $0xFFFFD880  }
0x1c: {  	[tilespmem:s20], [sflag:$0x2] =	stream.linear.gather [hbm4b:s6+s4], $0x2780, $0x38;
	[tilespmem:$0x1CF00] =	vst v63  }
0x1d: {  	_ =	swait.ge [sflag:s19], $0x2780  }
0x1e: {  	[sflag:s19] =	ssyncset.done $0x0  }
0x1f: {  	s30 =	simm.s32 $0x0;
	s31 =	simm.s32 $0x200;
	[sflag:s19] =	ssyncadd.s32 $0xFFFFD880  }
.LBB2_2:
0x20: {  	p0 =	sne.s32 s31, $0xFE00;
	[tilespmem:s30+$0x18F70] =	vst v0  }
0x21: {  	[tilespmem:s30+$0x18F00] =	vst v0  }
0x22: {  	[tilespmem:s30+$0x18F10] =	vst v0  }
.Ltmp0:
0x23: {  	[tilespmem:s30+$0x18F20] =	vst v0;
	(pc) =	sbr.rel @p0 .LBB2_2-.Ltmp0, $4  }
0x24: {  	[tilespmem:s30+$0x18F30] =	vst v0  }
0x25: {  	[tilespmem:s30+$0x18F40] =	vst v0  }
0x26: {  	[tilespmem:s30+$0x18F50] =	vst v0  }
0x27: {  	[tilespmem:s30+$0x18F60] =	vst v0;
	s30 =	sshra.s32 s31, $0x2;
	s31 =	sadd.s32 $0x200, s31  }
0x28: {  	[tilespmem:s30+$0x18F70] =	vst v0  }
0x29: {  	[tilespmem:s30+$0x18F00] =	vst v0  }
0x2a: {  	[tilespmem:s30+$0x18F10] =	vst v0  }
0x2b: {  	[tilespmem:s30+$0x18F20] =	vst v0  }
0x2c: {  	[tilespmem:s30+$0x18F30] =	vst v0  }
0x2d: {  	[tilespmem:s30+$0x18F40] =	vst v0  }
0x2e: {  	[tilespmem:s30+$0x18F50] =	vst v0  }
0x2f: {  	[tilespmem:s30+$0x18F60] =	vst v0  }
0x30: {  	[spmem:s7] =	stream.linear.scatter [tilespmem:s21], [sflag:$0x2], $0x4000, $0x38;
	[tilespmem:$0x1CF00] =	vst v63  }
0x31: {  	_ =	swait.ge [sflag:s19], $0x4000  }
0x32: {  	[sflag:s19] =	ssyncset.done $0x0  }
0x33: {  	[sflag:s19] =	ssyncadd.s32 $0xFFFFC000  }
0x34: {  	[spmem:s10] =	stream.linear.scatter [tilespmem:s21], [sflag:$0x2], $0x4000, $0x38;
	[tilespmem:$0x1CF00] =	vst v63  }
0x35: {  	_ =	swait.ge [sflag:s19], $0x4000  }
0x36: {  	[sflag:s19] =	ssyncset.done $0x0  }
0x37: {  	[sflag:s19] =	ssyncadd.s32 $0xFFFFC000  }
0x38: {  	[spmem:s11] =	stream.linear.scatter [tilespmem:s21], [sflag:$0x2], $0x4000, $0x38;
	[tilespmem:$0x1CF00] =	vst v63  }
0x39: {  	_ =	swait.ge [sflag:s19], $0x4000  }
0x3a: {  	[sflag:s19] =	ssyncset.done $0x0  }
0x3b: {  	[sflag:s19] =	ssyncadd.s32 $0xFFFFC000  }
0x3c: {  	[spmem:s12] =	stream.linear.scatter [tilespmem:s21], [sflag:$0x2], $0x4000, $0x38;
	[tilespmem:$0x1CF00] =	vst v63  }
0x3d: {  	_ =	swait.ge [sflag:s19], $0x4000  }
0x3e: {  	[sflag:s19] =	ssyncset.done $0x0  }
0x3f: {  	[sflag:s19] =	ssyncadd.s32 $0xFFFFC000  }
0x40: {  	[spmem:s13] =	stream.linear.scatter [tilespmem:s21], [sflag:$0x2], $0x4000, $0x38;
	[tilespmem:$0x1CF00] =	vst v63  }
0x41: {  	_ =	swait.ge [sflag:s19], $0x4000  }
0x42: {  	[sflag:s19] =	ssyncset.done $0x0  }
0x43: {  	[sflag:s19] =	ssyncadd.s32 $0xFFFFC000  }
0x44: {  	s30 =	simm.s32 $0x14000;
	[bflag:$0x0] =	sbarrier.arrive $0xFFFF  }
0x45: {  	[tilespmem:s21], [sflag:$0x1] =	stream.indirect.gather [hbm4b:s2+s26], $0x80, s30, s26, $0xb8;
	[tilespmem:$0x1CF00] =	vst v63  }
0x46: {  	_ =	swait.ge [sflag:s28], $0x4000  }
0x47: {  	[sflag:s28] =	ssyncset.done $0x0  }
0x48: {  	s30 =	simm.s32 $0x16780;
	[sflag:s28] =	ssyncadd.s32 $0xFFFFC000  }
0x49: {  	[spmem:s3] =	stream.indirect.scatter.add.f32 [tilespmem:s21], [sflag:$0x2], $0x80, s30, s26, $0xb8;
	[tilespmem:$0x1CF00] =	vst v63  }
0x4a: {  	_ =	swait.ge [sflag:s19], $0x4000  }
0x4b: {  	s31 =	simm.s32 $0x400;
	s30 =	simm.s32 $0x80;
	[sflag:s19] =	ssyncset.done $0x0  }
.LBB2_4:
0x4c: {  	s1 =	sadd.s32 $0x14000, s30  }
0x4d: {  	[sflag:s19] =	ssyncadd.s32 $0xFFFFC000;
	s0 =	smov.u32 s31;
	s18 =	sadd.s32 $0x200, s31  }
0x4e: {  	[tilespmem:s21], [sflag:$0x1] =	stream.indirect.gather [hbm4b:s2+s26], $0x80, s1, s26, $0xb8;
	[tilespmem:$0x1CF00] =	vst v63  }
0x4f: {  	p0 =	sne.s32 s31, $0x9C00;
	_ =	swait.ge [sflag:s28], $0x4000  }
.Ltmp1:
0x50: {  	[sflag:s28] =	ssyncset.done $0x0;
	(pc) =	sbr.rel @p0 .LBB2_4-.Ltmp1, $4  }
0x51: {  	s1 =	sadd.s32 $0x16780, s30;
	[sflag:s28] =	ssyncadd.s32 $0xFFFFC000  }
0x52: {  	[spmem:s3] =	stream.indirect.scatter.add.f32 [tilespmem:s21], [sflag:$0x2], $0x80, s1, s26, $0xb8;
	[tilespmem:$0x1CF00] =	vst v63  }
0x53: {  	_ =	swait.ge [sflag:s19], $0x4000  }
0x54: {  	s30 =	sshra.s32 s0, $0x2;
	s31 =	smov.u32 s18;
	[sflag:s19] =	ssyncset.done $0x0  }
0x55: {  	s0 =	sadd.s32 $0x14000, s30;
	[sflag:s19] =	ssyncadd.s32 $0xFFFFC000  }
0x56: {  	[tilespmem:s21], [sflag:$0x1] =	stream.indirect.gather [hbm4b:s2+s26], $0x80, s0, s26, $0xb8;
	[tilespmem:$0x1CF00] =	vst v63  }
0x57: {  	_ =	swait.ge [sflag:s28], $0x4000  }
0x58: {  	[sflag:s28] =	ssyncset.done $0x0  }
0x59: {  	s30 =	sadd.s32 $0x16780, s30;
	[sflag:s28] =	ssyncadd.s32 $0xFFFFC000  }
0x5a: {  	[spmem:s3] =	stream.indirect.scatter.add.f32 [tilespmem:s21], [sflag:$0x2], $0x80, s30, s26, $0xb8;
	[tilespmem:$0x1CF00] =	vst v63  }
0x5b: {  	_ =	swait.ge [sflag:s19], $0x4000  }
0x5c: {  	s31 =	stileid.u32;
	[sflag:s19] =	ssyncset.done $0x0  }
0x5d: {  	s0 =	sshll.u32 s31, $0x6;
	[sflag:s19] =	ssyncadd.s32 $0xFFFFC000  }
0x5e: {  	s1 =	sshrl.u32 s7, $0x3;
	s0 =	sor.u32 $0x1C02, s0;
	[bflag:$0x0] =	sbarrier.arrive $0xFFFF  }
0x5f: {  	[hbm:s8], [sflag:s0] =	dma.local [spmem:s1], $0x800  }
0x60: {  	_ =	swait.ge [sflag:s19], $0x800  }
0x61: {  	[sflag:s19] =	ssyncset.done $0x0  }
0x62: {  	[sflag:s19] =	ssyncadd.s32 $0xFFFFF800  }
0x63: {  	[hbm:s14], [sflag:s0] =	dma.local [spmem:s22], $0x800  }
0x64: {  	_ =	swait.ge [sflag:s19], $0x800  }
0x65: {  	[sflag:s19] =	ssyncset.done $0x0  }
0x66: {  	[sflag:s19] =	ssyncadd.s32 $0xFFFFF800  }
0x67: {  	[hbm:s15], [sflag:s0] =	dma.local [spmem:s23], $0x800  }
0x68: {  	_ =	swait.ge [sflag:s19], $0x800  }
0x69: {  	[sflag:s19] =	ssyncset.done $0x0  }
0x6a: {  	[sflag:s19] =	ssyncadd.s32 $0xFFFFF800  }
0x6b: {  	[hbm:s16], [sflag:s0] =	dma.local [spmem:s24], $0x800  }
0x6c: {  	s29 =	sadd.s32 $0x1, s29;
	_ =	swait.ge [sflag:s19], $0x800  }
0x6d: {  	p0 =	sne.s32 s29, s9;
	[sflag:s19] =	ssyncset.done $0x0  }
.Ltmp2:
0x6e: {  	[sflag:s19] =	ssyncadd.s32 $0xFFFFF800;
	(pc) =	sbr.rel @p0 .LBB2_1-.Ltmp2, $4  }
0x6f: {  	[hbm:s17], [sflag:s0] =	dma.local [spmem:s25], $0x800  }
0x70: {  	_ =	swait.ge [sflag:s19], $0x800  }
0x71: {  	[sflag:s19] =	ssyncset.done $0x0  }
0x72: {  	[sflag:s19] =	ssyncadd.s32 $0xFFFFF800  }
0x73: {  	_ =	sfence.sel $0x180000  }
0x74: {  	[bflag:$0x0] =	sbarrier.arrive $0xFFFF  }
0x75: {  	_ =	strace $0x90000065  }
0x76: {  	s0 =	stileid.u32;
	[bflag:$0x2] =	sbarrier.arrive $0xFFFF  }
0x77: {  	p0 =	sne.s32 s0, $0x0;
	s0 =	rddreg [dreg:$0x3]  }
0x78: {  	s0 =	sadd.s32 @!p0 $0x100000, s0  }
0x79: {  	[sflag:s0] =	ssyncadd.tile.s32 @!p0 $0x1;
	_ =	shalt  }
.Lfunc_end2:
_tile_overlayer_lowered:
.L_overlay_start_2:
0x7a: {  	(tag) =	ssettag $0x2  }
0x7b: {  	s0 =	rddreg [dreg:$0x0];
	s2 =	stileid.u32  }
0x7c: {  	s1 =	rddreg [dreg:$0x1];
	p0 =	sne.s32 s2, $0x0  }
0x7d: {  	s3 =	rddreg [dreg:$0x2];
	[bflag:$0x3] =	sbarrier.arrive $0xFFFF;
	s2 =	simm.s32 @!p0 $0x1C02  }
0x7e: {  	[timem:s3], [sflag:s2] =	dma.local @!p0 [hbm:s0], s1  }
0x7f: {  	s0 =	simm.s32 @!p0 $0x2  }
0x80: {  	_ =	swait.ge @!p0 [sflag:s0], s1  }
0x81: {  	s1 =	ssub.s32 @!p0 $0x0, s1;
	[sflag:s0] =	ssyncset.done @!p0 $0x0  }
0x82: {  	[sflag:s0] =	ssyncadd.s32 @!p0 s1  }
0x83: {  	[bflag:$0x3] =	sbarrier.arrive $0xFFFF  }
0x84: {  	_ =	shalt  }

</sc_bundles>
